<compile_context>
chip_gen: v7x
topology: tpu7x:2x2x1
jax: 0.10.2.dev20260603
libtpu: 0.0.44.dev20260713+nightly
codegen_flags: <defaults>
</compile_context>

<pallas_src>
import functools

import jax
import jax.numpy as jnp
from jax import lax
from jax.experimental import pallas as pl
from jax.experimental.pallas import tpu as pltpu
from jax.experimental.pallas import tpu_sc as plsc

NC = 2
NS = 16



def _make_deg(n_pad, cpt):
    rows_per_tile = n_pad // NS
    mesh = plsc.VectorSubcoreMesh(core_axis_name="c", subcore_axis_name="s")

    @functools.partial(
        pl.kernel,
        out_type=jax.ShapeDtypeStruct((n_pad, 16), jnp.float32),
        mesh=mesh,
        scratch_types=[
            pltpu.VMEM((cpt, 128), jnp.int32),
            pltpu.VMEM((128, 16), jnp.float32),
            pltpu.VMEM_SHARED((n_pad, 16), jnp.float32),
            pltpu.SemaphoreType.DMA,
        ],
        compiler_params=pltpu.CompilerParams(use_tc_tiling_on_sc=False),
    )
    def deg_kernel(dst_hbm, ones_hbm, zeros_hbm, out_hbm, dst_v, ones_v, acc,
                   ssem):
        c = lax.axis_index("c")
        s = lax.axis_index("s")

        @pl.when(c == 0)
        def _():
            r0 = s * rows_per_tile
            pltpu.sync_copy(zeros_hbm.at[pl.ds(r0, rows_per_tile)],
                            acc.at[pl.ds(r0, rows_per_tile)])
            pltpu.sync_copy(dst_hbm.at[pl.ds(s * cpt, cpt)], dst_v)
            pltpu.sync_copy(ones_hbm, ones_v)
            plsc.subcore_barrier()

            def body(j, carry):
                pltpu.async_copy(ones_v, acc.at[dst_v.at[j]], ssem, add=True)
                return carry

            lax.fori_loop(0, cpt, body, 0)

            def drain(j, carry):
                pltpu.make_async_copy(ones_v, acc.at[dst_v.at[j]], ssem).wait()
                return carry

            lax.fori_loop(0, cpt, drain, 0)
            plsc.subcore_barrier()
            pltpu.sync_copy(acc.at[pl.ds(r0, rows_per_tile)],
                            out_hbm.at[pl.ds(r0, rows_per_tile)])

    return deg_kernel


def _make_agg(n_pad, width, ch, cpt0, cpt1):
    rows_per_tile = n_pad // NS
    mesh = plsc.VectorSubcoreMesh(core_axis_name="c", subcore_axis_name="s")

    nbuf = 8
    assert cpt0 % nbuf == 0 and cpt1 % nbuf == 0

    @functools.partial(
        pl.kernel,
        out_type=jax.ShapeDtypeStruct((NC, n_pad, width), jnp.float32),
        mesh=mesh,
        scratch_types=[
            pltpu.VMEM((cpt0, ch), jnp.int32),
            pltpu.VMEM((cpt0, ch), jnp.int32),
            pltpu.VMEM((nbuf, ch, width), jnp.float32),
            pltpu.VMEM_SHARED((n_pad, width), jnp.float32),
            pltpu.SemaphoreType.DMA((nbuf,)),
            pltpu.SemaphoreType.DMA((nbuf,)),
        ],
        compiler_params=pltpu.CompilerParams(use_tc_tiling_on_sc=False),
    )
    def agg_kernel(table_hbm, src_hbm, dst_hbm, zeros_hbm, out_hbm,
                   src_v, dst_v, rows_v, acc, gsem, ssem):
        c = lax.axis_index("c")
        s = lax.axis_index("s")
        rounds = jnp.where(c == 0, cpt0 // nbuf, cpt1 // nbuf)
        start = jnp.where(c == 0, s * cpt0, NS * cpt0 + s * cpt1)
        if True:
            r0 = s * rows_per_tile

            @pl.when(c == 0)
            def _():
                pltpu.sync_copy(src_hbm.at[pl.ds(start, cpt0)], src_v)
                pltpu.sync_copy(dst_hbm.at[pl.ds(start, cpt0)], dst_v)

            @pl.when(c != 0)
            def _():
                pltpu.sync_copy(src_hbm.at[pl.ds(start, cpt1)],
                                src_v.at[pl.ds(0, cpt1)])
                pltpu.sync_copy(dst_hbm.at[pl.ds(start, cpt1)],
                                dst_v.at[pl.ds(0, cpt1)])
            for b in range(nbuf):
                pltpu.async_copy(table_hbm.at[src_v.at[b]], rows_v.at[b],
                                 gsem.at[b])
            pltpu.sync_copy(zeros_hbm.at[pl.ds(r0, rows_per_tile)],
                            acc.at[pl.ds(r0, rows_per_tile)])
            plsc.subcore_barrier()

            def body(g, carry):
                base = g * nbuf
                for b in range(nbuf):
                    pltpu.make_async_copy(table_hbm.at[src_v.at[base + b]],
                                          rows_v.at[b], gsem.at[b]).wait()
                    pltpu.async_copy(rows_v.at[b], acc.at[dst_v.at[base + b]],
                                     ssem.at[b], add=True)
                for b in range(nbuf):
                    pltpu.make_async_copy(rows_v.at[b],
                                          acc.at[dst_v.at[base + b]],
                                          ssem.at[b]).wait()
                    pltpu.async_copy(table_hbm.at[src_v.at[base + nbuf + b]],
                                     rows_v.at[b], gsem.at[b])
                return carry

            lax.fori_loop(0, rounds - 1, body, 0)

            base = (rounds - 1) * nbuf
            for b in range(nbuf):
                pltpu.make_async_copy(table_hbm.at[src_v.at[base + b]],
                                      rows_v.at[b], gsem.at[b]).wait()
                pltpu.async_copy(rows_v.at[b], acc.at[dst_v.at[base + b]],
                                 ssem.at[b], add=True)
            for b in range(nbuf):
                pltpu.make_async_copy(rows_v.at[b], acc.at[dst_v.at[base + b]],
                                      ssem.at[b]).wait()
            plsc.subcore_barrier()
            pltpu.sync_copy(acc.at[pl.ds(r0, rows_per_tile)],
                            out_hbm.at[c, pl.ds(r0, rows_per_tile)])

    return agg_kernel



def _mm0_body(x_ref, w_ref, deg_ref, y_ref, dinv_ref):
    deg = deg_ref[:, 0:1] + 1.0
    dinv = lax.rsqrt(deg)
    y = jnp.dot(x_ref[:], w_ref[:], preferred_element_type=jnp.float32)
    y_ref[:] = y * dinv
    dinv_ref[:] = dinv


def _mid_body(p0_ref, p1_ref, y0_ref, dinv_ref, b_ref, w_ref, out_ref):
    dinv = dinv_ref[:]
    pre = (p0_ref[0] + p1_ref[0] + y0_ref[:]) * dinv + b_ref[:]
    h = jnp.where(pre >= 0, pre, 0.01 * pre)
    out_ref[:] = jnp.dot(h, w_ref[:], preferred_element_type=jnp.float32) * dinv


def _make_final_body(num_graphs, n, bn):
    def final_body(p0_ref, p1_ref, y1_ref, dinv_ref, b_ref, bat_ref, out_ref):
        i = pl.program_id(0)

        @pl.when(i == 0)
        def _():
            out_ref[:] = jnp.full(out_ref.shape, -jnp.inf, jnp.float32)

        pre = (p0_ref[0] + p1_ref[0] + y1_ref[:]) * dinv_ref[:] + b_ref[:]
        h = jnp.where(pre >= 0, pre, 0.01 * pre)
        rid = jax.lax.broadcasted_iota(jnp.int32, (bn, 1), 0) + i * bn
        h = jnp.where(rid < n, h, -jnp.inf)
        bat = jnp.where(rid < n, bat_ref[:], num_graphs - 1)
        g_lo = jnp.clip(bat[0, 0], 0, num_graphs - 1)
        g_hi = jnp.clip(bat[bn - 1, 0], g_lo, num_graphs - 1)

        def body(g, carry):
            m = jnp.max(jnp.where(bat == g, h, -jnp.inf), axis=0,
                        keepdims=True)
            out_ref[pl.ds(g, 1), :] = jnp.maximum(out_ref[pl.ds(g, 1), :], m)
            return carry

        lax.fori_loop(g_lo, g_hi + 1, body, 0)

    return final_body


def _row_spec(bn, width):
    return pl.BlockSpec((bn, width), lambda i: (i, 0))


def _full_spec(shape):
    return pl.BlockSpec(shape, lambda i: tuple(0 for _ in shape))



def kernel(x, edge_index, batch, W0, b0, W1, b1):
    n, in_ch = x.shape
    hid = W0.shape[1]
    out_ch = W1.shape[1]
    e = edge_index.shape[1]
    num_graphs = 64

    bn = 1024
    n_pad = ((n + 1 + NS * 16 - 1) // (NS * 16)) * (NS * 16)
    n_pad = ((n_pad + bn - 1) // bn) * bn
    e_pad = ((e + NS * 8 * 128 - 1) // (NS * 8 * 128)) * (NS * 8 * 128)
    cpt_128 = e_pad // (128 * NS)
    tot_64 = e_pad // (64 * NS)
    cpt0_64 = min(int(round(tot_64 * 0.95 / 8)) * 8, tot_64 - 8)
    cpt1_64 = tot_64 - cpt0_64

    pad = jnp.full((e_pad - e,), n, jnp.int32)
    src_flat = jnp.concatenate([edge_index[0], pad])
    dst_flat = jnp.concatenate([edge_index[1], pad])
    src64 = src_flat.reshape(e_pad // 64, 64)
    dst64 = dst_flat.reshape(e_pad // 64, 64)
    dst128 = dst_flat.reshape(e_pad // 128, 128)

    ones_row = jnp.ones((128, 16), jnp.float32)
    z16 = jnp.zeros((n_pad, 16), jnp.float32)
    zh = jnp.zeros((n_pad, hid), jnp.float32)
    zo = jnp.zeros((n_pad, out_ch), jnp.float32)

    deg16 = _make_deg(n_pad, cpt_128)(dst128, ones_row, z16)

    grid = (n_pad // bn,)

    y0, dinv = pl.pallas_call(
        _mm0_body,
        grid=grid,
        in_specs=[
            _row_spec(bn, in_ch),
            _full_spec((in_ch, hid)),
            _row_spec(bn, 16),
        ],
        out_specs=[_row_spec(bn, hid), _row_spec(bn, 1)],
        out_shape=[
            jax.ShapeDtypeStruct((n_pad, hid), jnp.float32),
            jax.ShapeDtypeStruct((n_pad, 1), jnp.float32),
        ],
    )(x, W0, deg16)

    p = _make_agg(n_pad, hid, 64, cpt0_64, cpt1_64)(y0, src64, dst64, zh)

    y1 = pl.pallas_call(
        _mid_body,
        grid=grid,
        in_specs=[
            pl.BlockSpec((1, bn, hid), lambda i: (0, i, 0)),
            pl.BlockSpec((1, bn, hid), lambda i: (1, i, 0)),
            _row_spec(bn, hid),
            _row_spec(bn, 1),
            _full_spec((1, hid)),
            _full_spec((hid, out_ch)),
        ],
        out_specs=_row_spec(bn, out_ch),
        out_shape=jax.ShapeDtypeStruct((n_pad, out_ch), jnp.float32),
    )(p, p, y0, dinv, b0[None, :], W1)

    p2 = _make_agg(n_pad, out_ch, 64, cpt0_64, cpt1_64)(y1, src64, dst64, zo)

    out = pl.pallas_call(
        _make_final_body(num_graphs, n, bn),
        grid=grid,
        in_specs=[
            pl.BlockSpec((1, bn, out_ch), lambda i: (0, i, 0)),
            pl.BlockSpec((1, bn, out_ch), lambda i: (1, i, 0)),
            _row_spec(bn, out_ch),
            _row_spec(bn, 1),
            _full_spec((1, out_ch)),
            _row_spec(bn, 1),
        ],
        out_specs=_full_spec((num_graphs, out_ch)),
        out_shape=jax.ShapeDtypeStruct((num_graphs, out_ch), jnp.float32),
    )(p2, p2, y1, dinv, b1[None, :], batch[:, None])

    return out

# --- scband reference (transcript-rebuilt; emitter-appended) ---
"""Pipeline reference for scband-my-in-gcn-687194767723 (READ-ONLY COPY).

The authoritative reference and input builder live on the scoring server;
editing this copy changes nothing except your own understanding.
"""

import jax, jax.numpy as jnp
import numpy as np

N = 10000
E = 320000
NUM_GRAPHS = 64
IN_CH = 128
HID_CH = 64
OUT_CH = 32


def gcn_conv(x, edge_index, W, b, num_nodes):
    # x' = D^{-1/2} (A + I) D^{-1/2} (x W) + b   (PyG GCNConv default: add_self_loops=True, normalize=True)
    x = x @ W
    loop = jnp.arange(num_nodes, dtype=edge_index.dtype)
    src = jnp.concatenate([edge_index[0], loop])
    dst = jnp.concatenate([edge_index[1], loop])
    deg = jax.ops.segment_sum(jnp.ones_like(dst, dtype=x.dtype), dst, num_segments=num_nodes)
    dinv = jnp.where(deg > 0, jax.lax.rsqrt(deg), 0.0)
    norm = dinv[src] * dinv[dst]
    out = jax.ops.segment_sum(x[src] * norm[:, None], dst, num_segments=num_nodes)
    return out + b


def setup_inputs(seed: int = 0) -> dict:
    key = jax.random.key(seed)
    ks = jax.random.split(key, 8)
    x = jax.random.normal(ks[0], (N, IN_CH), dtype=jnp.float32)
    edge_index = jax.random.randint(ks[1], (2, E), 0, N, dtype=jnp.int32)
    batch = jnp.sort(jax.random.randint(ks[2], (N,), 0, NUM_GRAPHS, dtype=jnp.int32))
    # Glorot-style init for GCN weights, zeros for bias (PyG defaults)
    W0 = jax.random.uniform(ks[3], (IN_CH, HID_CH), dtype=jnp.float32, minval=-1.0, maxval=1.0) * np.sqrt(6.0 / (IN_CH + HID_CH))
    b0 = jnp.zeros((HID_CH,), dtype=jnp.float32)
    W1 = jax.random.uniform(ks[4], (HID_CH, OUT_CH), dtype=jnp.float32, minval=-1.0, maxval=1.0) * np.sqrt(6.0 / (HID_CH + OUT_CH))
    b1 = jnp.zeros((OUT_CH,), dtype=jnp.float32)
    return {"x": x, "edge_index": edge_index, "batch": batch, "W0": W0, "b0": b0, "W1": W1, "b1": b1}


def reference(x, edge_index, batch, W0, b0, W1, b1):
    h = jax.nn.leaky_relu(gcn_conv(x, edge_index, W0, b0, N), negative_slope=0.01)
    h = jax.nn.leaky_relu(gcn_conv(h, edge_index, W1, b1, N), negative_slope=0.01)
    out = jax.ops.segment_max(h, batch, num_segments=NUM_GRAPHS)
    return out

if __name__ == "__main__":
    import jax
    _d = setup_inputs()
    print(jax.jit(kernel)(*tuple(_d.values())))

</pallas_src>

<mosaic_0001>
#map = affine_map<(d0, d1) -> (0, 0)>
#map1 = affine_map<(d0, d1) -> (0, 0, 0)>
module attributes {stable_mosaic.version = 14 : i64} {
  func.func @agg_kernel(%arg0: i32, %arg1: i32, %arg2: memref<10240x32xf32, #tpu.memory_space<hbm>>, %arg3: memref<5120x64xi32, #tpu.memory_space<hbm>>, %arg4: memref<5120x64xi32, #tpu.memory_space<hbm>>, %arg5: memref<10240x32xf32, #tpu.memory_space<hbm>>, %arg6: memref<2x10240x32xf32, #tpu.memory_space<hbm>>, %arg7: memref<304x64xi32, #tpu.memory_space<vmem>>, %arg8: memref<304x64xi32, #tpu.memory_space<vmem>>, %arg9: memref<8x64x32xf32, #tpu.memory_space<vmem>>, %arg10: memref<10240x32xf32, #tpu.memory_space<vmem_shared>>, %arg11: memref<8x!tpu.dma_semaphore, #tpu.memory_space<semaphore_mem>>, %arg12: memref<8x!tpu.dma_semaphore, #tpu.memory_space<semaphore_mem>>) attributes {dimension_semantics = [#tpu.dimension_semantics<core_parallel>, #tpu.dimension_semantics<subcore_parallel>], iteration_bounds = array<i64: 2, 16>, scalar_prefetch = 0 : i64, scratch_operands = 6 : i64, tpu.core_type = #tpu.core_type<sc_vector_subcore>, window_params = [{transform_indices = #map}, {transform_indices = #map}, {transform_indices = #map}, {transform_indices = #map}, {transform_indices = #map1}]} {
    %eq3A = arith.constant 0 : i32
    %eq3A_0 = arith.cmpi eq, %arg0, %eq3A : i32
    %jit3A = arith.constant 38 : i32
    %jit3A_1 = arith.constant 2 : i32
    %select_n3A = arith.select %eq3A_0, %jit3A, %jit3A_1 : i32
    %eq3A_2 = arith.constant 0 : i32
    %eq3A_3 = arith.cmpi eq, %arg0, %eq3A_2 : i32
    %mul3A = arith.constant 304 : i32
    %mul3A_4 = arith.muli %arg1, %mul3A : i32
    %mul3A_5 = arith.constant 16 : i32
    %mul3A_6 = arith.muli %arg1, %mul3A_5 : i32
    %add3A = arith.constant 4864 : i32
    %add3A_7 = arith.addi %add3A, %mul3A_6 : i32
    %select_n3A_8 = arith.select %eq3A_3, %mul3A_4, %add3A_7 : i32
    %mul3A_9 = arith.constant 640 : i32
    %mul3A_10 = arith.muli %arg1, %mul3A_9 : i32
    %eq3A_11 = arith.constant 0 : i32
    %eq3A_12 = arith.cmpi eq, %arg0, %eq3A_11 : i32
    %convert_element_type3A = arith.extui %eq3A_12 : i1 to i32
    %cond3A = arith.constant 0 : i32
    %cond3A_13 = arith.cmpi ne, %convert_element_type3A, %cond3A : i32
    scf.if %cond3A_13 {
      "tpu.region"() ({
        %run_scoped3A = tpu.sem_alloc : memref<!tpu.dma_semaphore, #tpu.memory_space<semaphore_mem>>
        %dma_start3A_535 = arith.constant 0 : i32
        %dma_start3A_536 = tpu.memref_slice %arg3[%select_n3A_8, %dma_start3A_535] : memref<5120x64xi32, #tpu.memory_space<hbm>> -> memref<304x64xi32, #tpu.memory_space<hbm>>
        %dma_start3A_537 = arith.constant 0 : i32
        %dma_start3A_538 = tpu.memref_slice %arg3[%select_n3A_8, %dma_start3A_537] : memref<5120x64xi32, #tpu.memory_space<hbm>> -> memref<304x64xi32, #tpu.memory_space<hbm>>
        tpu.enqueue_dma source(%dma_start3A_538 : memref<304x64xi32, #tpu.memory_space<hbm>>) target(%arg7 : memref<304x64xi32, #tpu.memory_space<vmem>>) target_semaphore(%run_scoped3A : memref<!tpu.dma_semaphore, #tpu.memory_space<semaphore_mem>>)
        %dma_wait3A_539 = arith.constant 0 : i32
        %dma_wait3A_540 = tpu.memref_slice %arg3[%select_n3A_8, %dma_wait3A_539] : memref<5120x64xi32, #tpu.memory_space<hbm>> -> memref<304x64xi32, #tpu.memory_space<hbm>>
        %dma_wait3A_541 = arith.constant 0 : i32
        %dma_wait3A_542 = tpu.memref_slice %arg3[%select_n3A_8, %dma_wait3A_541] : memref<5120x64xi32, #tpu.memory_space<hbm>> -> memref<304x64xi32, #tpu.memory_space<hbm>>
        tpu.wait_dma2 semaphore(%run_scoped3A : memref<!tpu.dma_semaphore, #tpu.memory_space<semaphore_mem>>) src(%dma_wait3A_542 : memref<304x64xi32, #tpu.memory_space<hbm>>) dst(%arg7 : memref<304x64xi32, #tpu.memory_space<vmem>>)
        tpu.yield
      }) : () -> ()
      "tpu.region"() ({
        %run_scoped3A = tpu.sem_alloc : memref<!tpu.dma_semaphore, #tpu.memory_space<semaphore_mem>>
        %dma_start3A_535 = arith.constant 0 : i32
        %dma_start3A_536 = tpu.memref_slice %arg4[%select_n3A_8, %dma_start3A_535] : memref<5120x64xi32, #tpu.memory_space<hbm>> -> memref<304x64xi32, #tpu.memory_space<hbm>>
        %dma_start3A_537 = arith.constant 0 : i32
        %dma_start3A_538 = tpu.memref_slice %arg4[%select_n3A_8, %dma_start3A_537] : memref<5120x64xi32, #tpu.memory_space<hbm>> -> memref<304x64xi32, #tpu.memory_space<hbm>>
        tpu.enqueue_dma source(%dma_start3A_538 : memref<304x64xi32, #tpu.memory_space<hbm>>) target(%arg8 : memref<304x64xi32, #tpu.memory_space<vmem>>) target_semaphore(%run_scoped3A : memref<!tpu.dma_semaphore, #tpu.memory_space<semaphore_mem>>)
        %dma_wait3A_539 = arith.constant 0 : i32
        %dma_wait3A_540 = tpu.memref_slice %arg4[%select_n3A_8, %dma_wait3A_539] : memref<5120x64xi32, #tpu.memory_space<hbm>> -> memref<304x64xi32, #tpu.memory_space<hbm>>
        %dma_wait3A_541 = arith.constant 0 : i32
        %dma_wait3A_542 = tpu.memref_slice %arg4[%select_n3A_8, %dma_wait3A_541] : memref<5120x64xi32, #tpu.memory_space<hbm>> -> memref<304x64xi32, #tpu.memory_space<hbm>>
        tpu.wait_dma2 semaphore(%run_scoped3A : memref<!tpu.dma_semaphore, #tpu.memory_space<semaphore_mem>>) src(%dma_wait3A_542 : memref<304x64xi32, #tpu.memory_space<hbm>>) dst(%arg8 : memref<304x64xi32, #tpu.memory_space<vmem>>)
        tpu.yield
      }) : () -> ()
    } else {
    }
    %ne3A = arith.constant 0 : i32
    %ne3A_14 = arith.cmpi ne, %arg0, %ne3A : i32
    %convert_element_type3A_15 = arith.extui %ne3A_14 : i1 to i32
    %cond3A_16 = arith.constant 0 : i32
    %cond3A_17 = arith.cmpi ne, %convert_element_type3A_15, %cond3A_16 : i32
    scf.if %cond3A_17 {
      "tpu.region"() ({
        %run_scoped3A = tpu.sem_alloc : memref<!tpu.dma_semaphore, #tpu.memory_space<semaphore_mem>>
        %dma_start3A_535 = arith.constant 0 : i32
        %dma_start3A_536 = arith.constant 0 : i32
        %dma_start3A_537 = tpu.memref_slice %arg7[%dma_start3A_535, %dma_start3A_536] : memref<304x64xi32, #tpu.memory_space<vmem>> -> memref<16x64xi32, #tpu.memory_space<vmem>>
        %dma_start3A_538 = arith.constant 0 : i32
        %dma_start3A_539 = tpu.memref_slice %arg3[%select_n3A_8, %dma_start3A_538] : memref<5120x64xi32, #tpu.memory_space<hbm>> -> memref<16x64xi32, #tpu.memory_space<hbm>>
        %dma_start3A_540 = arith.constant 0 : i32
        %dma_start3A_541 = arith.constant 0 : i32
        %dma_start3A_542 = tpu.memref_slice %arg7[%dma_start3A_540, %dma_start3A_541] : memref<304x64xi32, #tpu.memory_space<vmem>> -> memref<16x64xi32, #tpu.memory_space<vmem>>
        %dma_start3A_543 = arith.constant 0 : i32
        %dma_start3A_544 = tpu.memref_slice %arg3[%select_n3A_8, %dma_start3A_543] : memref<5120x64xi32, #tpu.memory_space<hbm>> -> memref<16x64xi32, #tpu.memory_space<hbm>>
        tpu.enqueue_dma source(%dma_start3A_544 : memref<16x64xi32, #tpu.memory_space<hbm>>) target(%dma_start3A_542 : memref<16x64xi32, #tpu.memory_space<vmem>>) target_semaphore(%run_scoped3A : memref<!tpu.dma_semaphore, #tpu.memory_space<semaphore_mem>>)
        %dma_wait3A_545 = arith.constant 0 : i32
        %dma_wait3A_546 = arith.constant 0 : i32
        %dma_wait3A_547 = tpu.memref_slice %arg7[%dma_wait3A_545, %dma_wait3A_546] : memref<304x64xi32, #tpu.memory_space<vmem>> -> memref<16x64xi32, #tpu.memory_space<vmem>>
        %dma_wait3A_548 = arith.constant 0 : i32
        %dma_wait3A_549 = tpu.memref_slice %arg3[%select_n3A_8, %dma_wait3A_548] : memref<5120x64xi32, #tpu.memory_space<hbm>> -> memref<16x64xi32, #tpu.memory_space<hbm>>
        %dma_wait3A_550 = arith.constant 0 : i32
        %dma_wait3A_551 = arith.constant 0 : i32
        %dma_wait3A_552 = tpu.memref_slice %arg7[%dma_wait3A_550, %dma_wait3A_551] : memref<304x64xi32, #tpu.memory_space<vmem>> -> memref<16x64xi32, #tpu.memory_space<vmem>>
        %dma_wait3A_553 = arith.constant 0 : i32
        %dma_wait3A_554 = tpu.memref_slice %arg3[%select_n3A_8, %dma_wait3A_553] : memref<5120x64xi32, #tpu.memory_space<hbm>> -> memref<16x64xi32, #tpu.memory_space<hbm>>
        tpu.wait_dma2 semaphore(%run_scoped3A : memref<!tpu.dma_semaphore, #tpu.memory_space<semaphore_mem>>) src(%dma_wait3A_554 : memref<16x64xi32, #tpu.memory_space<hbm>>) dst(%dma_wait3A_552 : memref<16x64xi32, #tpu.memory_space<vmem>>)
        tpu.yield
      }) : () -> ()
      "tpu.region"() ({
        %run_scoped3A = tpu.sem_alloc : memref<!tpu.dma_semaphore, #tpu.memory_space<semaphore_mem>>
        %dma_start3A_535 = arith.constant 0 : i32
        %dma_start3A_536 = arith.constant 0 : i32
        %dma_start3A_537 = tpu.memref_slice %arg8[%dma_start3A_535, %dma_start3A_536] : memref<304x64xi32, #tpu.memory_space<vmem>> -> memref<16x64xi32, #tpu.memory_space<vmem>>
        %dma_start3A_538 = arith.constant 0 : i32
        %dma_start3A_539 = tpu.memref_slice %arg4[%select_n3A_8, %dma_start3A_538] : memref<5120x64xi32, #tpu.memory_space<hbm>> -> memref<16x64xi32, #tpu.memory_space<hbm>>
        %dma_start3A_540 = arith.constant 0 : i32
        %dma_start3A_541 = arith.constant 0 : i32
        %dma_start3A_542 = tpu.memref_slice %arg8[%dma_start3A_540, %dma_start3A_541] : memref<304x64xi32, #tpu.memory_space<vmem>> -> memref<16x64xi32, #tpu.memory_space<vmem>>
        %dma_start3A_543 = arith.constant 0 : i32
        %dma_start3A_544 = tpu.memref_slice %arg4[%select_n3A_8, %dma_start3A_543] : memref<5120x64xi32, #tpu.memory_space<hbm>> -> memref<16x64xi32, #tpu.memory_space<hbm>>
        tpu.enqueue_dma source(%dma_start3A_544 : memref<16x64xi32, #tpu.memory_space<hbm>>) target(%dma_start3A_542 : memref<16x64xi32, #tpu.memory_space<vmem>>) target_semaphore(%run_scoped3A : memref<!tpu.dma_semaphore, #tpu.memory_space<semaphore_mem>>)
        %dma_wait3A_545 = arith.constant 0 : i32
        %dma_wait3A_546 = arith.constant 0 : i32
        %dma_wait3A_547 = tpu.memref_slice %arg8[%dma_wait3A_545, %dma_wait3A_546] : memref<304x64xi32, #tpu.memory_space<vmem>> -> memref<16x64xi32, #tpu.memory_space<vmem>>
        %dma_wait3A_548 = arith.constant 0 : i32
        %dma_wait3A_549 = tpu.memref_slice %arg4[%select_n3A_8, %dma_wait3A_548] : memref<5120x64xi32, #tpu.memory_space<hbm>> -> memref<16x64xi32, #tpu.memory_space<hbm>>
        %dma_wait3A_550 = arith.constant 0 : i32
        %dma_wait3A_551 = arith.constant 0 : i32
        %dma_wait3A_552 = tpu.memref_slice %arg8[%dma_wait3A_550, %dma_wait3A_551] : memref<304x64xi32, #tpu.memory_space<vmem>> -> memref<16x64xi32, #tpu.memory_space<vmem>>
        %dma_wait3A_553 = arith.constant 0 : i32
        %dma_wait3A_554 = tpu.memref_slice %arg4[%select_n3A_8, %dma_wait3A_553] : memref<5120x64xi32, #tpu.memory_space<hbm>> -> memref<16x64xi32, #tpu.memory_space<hbm>>
        tpu.wait_dma2 semaphore(%run_scoped3A : memref<!tpu.dma_semaphore, #tpu.memory_space<semaphore_mem>>) src(%dma_wait3A_554 : memref<16x64xi32, #tpu.memory_space<hbm>>) dst(%dma_wait3A_552 : memref<16x64xi32, #tpu.memory_space<vmem>>)
        tpu.yield
      }) : () -> ()
    } else {
    }
    %dma_start3A = arith.constant 0 : i32
    %dma_start3A_18 = arith.constant 0 : i32
    %dma_start3A_19 = arith.constant 0 : i32
    %dma_start3A_20 = arith.constant 0 : i32
    %dma_start3A_21 = arith.constant 0 : i32
    %dma_start3A_22 = tpu.memref_slice %arg9[%dma_start3A_18, %dma_start3A_20, %dma_start3A_21] : memref<8x64x32xf32, #tpu.memory_space<vmem>> -> memref<1x64x32xf32, #tpu.memory_space<vmem>>
    %dma_start3A_23 = tpu.memref_squeeze %dma_start3A_22 : memref<1x64x32xf32, #tpu.memory_space<vmem>> -> memref<64x32xf32, #tpu.memory_space<vmem>>
    %dma_start3A_24 = arith.constant 0 : i32
    %dma_start3A_25 = tpu.memref_slice %arg7[%dma_start3A, %dma_start3A_24] : memref<304x64xi32, #tpu.memory_space<vmem>> -> memref<1x64xi32, #tpu.memory_space<vmem>>
    %dma_start3A_26 = tpu.memref_squeeze %dma_start3A_25 : memref<1x64xi32, #tpu.memory_space<vmem>> -> memref<64xi32, #tpu.memory_space<vmem>>
    %dma_start3A_27 = arith.constant 0 : i32
    %dma_start3A_28 = arith.constant 0 : i32
    %dma_start3A_29 = tpu.memref_slice %arg2[%dma_start3A_27, %dma_start3A_28] : memref<10240x32xf32, #tpu.memory_space<hbm>> -> memref<10240x32xf32, #tpu.memory_space<hbm>>
    %dma_start3A_30 = tpu.memref_slice %arg11[%dma_start3A_19] : memref<8x!tpu.dma_semaphore, #tpu.memory_space<semaphore_mem>> -> memref<1x!tpu.dma_semaphore, #tpu.memory_space<semaphore_mem>>
    %dma_start3A_31 = tpu.memref_squeeze %dma_start3A_30 : memref<1x!tpu.dma_semaphore, #tpu.memory_space<semaphore_mem>> -> memref<!tpu.dma_semaphore, #tpu.memory_space<semaphore_mem>>
    tpu.enqueue_indirect_dma source(%dma_start3A_29 : memref<10240x32xf32, #tpu.memory_space<hbm>>) target(%dma_start3A_23 : memref<64x32xf32, #tpu.memory_space<vmem>>) offsets(%dma_start3A_26 : memref<64xi32, #tpu.memory_space<vmem>>) semaphore(%dma_start3A_31 : memref<!tpu.dma_semaphore, #tpu.memory_space<semaphore_mem>>)
    %dma_start3A_32 = arith.constant 1 : i32
    %dma_start3A_33 = arith.constant 1 : i32
    %dma_start3A_34 = arith.constant 1 : i32
    %dma_start3A_35 = arith.constant 0 : i32
    %dma_start3A_36 = arith.constant 0 : i32
    %dma_start3A_37 = tpu.memref_slice %arg9[%dma_start3A_33, %dma_start3A_35, %dma_start3A_36] : memref<8x64x32xf32, #tpu.memory_space<vmem>> -> memref<1x64x32xf32, #tpu.memory_space<vmem>>
    %dma_start3A_38 = tpu.memref_squeeze %dma_start3A_37 : memref<1x64x32xf32, #tpu.memory_space<vmem>> -> memref<64x32xf32, #tpu.memory_space<vmem>>
    %dma_start3A_39 = arith.constant 0 : i32
    %dma_start3A_40 = tpu.memref_slice %arg7[%dma_start3A_32, %dma_start3A_39] : memref<304x64xi32, #tpu.memory_space<vmem>> -> memref<1x64xi32, #tpu.memory_space<vmem>>
    %dma_start3A_41 = tpu.memref_squeeze %dma_start3A_40 : memref<1x64xi32, #tpu.memory_space<vmem>> -> memref<64xi32, #tpu.memory_space<vmem>>
    %dma_start3A_42 = arith.constant 0 : i32
    %dma_start3A_43 = arith.constant 0 : i32
    %dma_start3A_44 = tpu.memref_slice %arg2[%dma_start3A_42, %dma_start3A_43] : memref<10240x32xf32, #tpu.memory_space<hbm>> -> memref<10240x32xf32, #tpu.memory_space<hbm>>
    %dma_start3A_45 = tpu.memref_slice %arg11[%dma_start3A_34] : memref<8x!tpu.dma_semaphore, #tpu.memory_space<semaphore_mem>> -> memref<1x!tpu.dma_semaphore, #tpu.memory_space<semaphore_mem>>
    %dma_start3A_46 = tpu.memref_squeeze %dma_start3A_45 : memref<1x!tpu.dma_semaphore, #tpu.memory_space<semaphore_mem>> -> memref<!tpu.dma_semaphore, #tpu.memory_space<semaphore_mem>>
    tpu.enqueue_indirect_dma source(%dma_start3A_44 : memref<10240x32xf32, #tpu.memory_space<hbm>>) target(%dma_start3A_38 : memref<64x32xf32, #tpu.memory_space<vmem>>) offsets(%dma_start3A_41 : memref<64xi32, #tpu.memory_space<vmem>>) semaphore(%dma_start3A_46 : memref<!tpu.dma_semaphore, #tpu.memory_space<semaphore_mem>>)
    %dma_start3A_47 = arith.constant 2 : i32
    %dma_start3A_48 = arith.constant 2 : i32
    %dma_start3A_49 = arith.constant 2 : i32
    %dma_start3A_50 = arith.constant 0 : i32
    %dma_start3A_51 = arith.constant 0 : i32
    %dma_start3A_52 = tpu.memref_slice %arg9[%dma_start3A_48, %dma_start3A_50, %dma_start3A_51] : memref<8x64x32xf32, #tpu.memory_space<vmem>> -> memref<1x64x32xf32, #tpu.memory_space<vmem>>
    %dma_start3A_53 = tpu.memref_squeeze %dma_start3A_52 : memref<1x64x32xf32, #tpu.memory_space<vmem>> -> memref<64x32xf32, #tpu.memory_space<vmem>>
    %dma_start3A_54 = arith.constant 0 : i32
    %dma_start3A_55 = tpu.memref_slice %arg7[%dma_start3A_47, %dma_start3A_54] : memref<304x64xi32, #tpu.memory_space<vmem>> -> memref<1x64xi32, #tpu.memory_space<vmem>>
    %dma_start3A_56 = tpu.memref_squeeze %dma_start3A_55 : memref<1x64xi32, #tpu.memory_space<vmem>> -> memref<64xi32, #tpu.memory_space<vmem>>
    %dma_start3A_57 = arith.constant 0 : i32
    %dma_start3A_58 = arith.constant 0 : i32
    %dma_start3A_59 = tpu.memref_slice %arg2[%dma_start3A_57, %dma_start3A_58] : memref<10240x32xf32, #tpu.memory_space<hbm>> -> memref<10240x32xf32, #tpu.memory_space<hbm>>
    %dma_start3A_60 = tpu.memref_slice %arg11[%dma_start3A_49] : memref<8x!tpu.dma_semaphore, #tpu.memory_space<semaphore_mem>> -> memref<1x!tpu.dma_semaphore, #tpu.memory_space<semaphore_mem>>
    %dma_start3A_61 = tpu.memref_squeeze %dma_start3A_60 : memref<1x!tpu.dma_semaphore, #tpu.memory_space<semaphore_mem>> -> memref<!tpu.dma_semaphore, #tpu.memory_space<semaphore_mem>>
    tpu.enqueue_indirect_dma source(%dma_start3A_59 : memref<10240x32xf32, #tpu.memory_space<hbm>>) target(%dma_start3A_53 : memref<64x32xf32, #tpu.memory_space<vmem>>) offsets(%dma_start3A_56 : memref<64xi32, #tpu.memory_space<vmem>>) semaphore(%dma_start3A_61 : memref<!tpu.dma_semaphore, #tpu.memory_space<semaphore_mem>>)
    %dma_start3A_62 = arith.constant 3 : i32
    %dma_start3A_63 = arith.constant 3 : i32
    %dma_start3A_64 = arith.constant 3 : i32
    %dma_start3A_65 = arith.constant 0 : i32
    %dma_start3A_66 = arith.constant 0 : i32
    %dma_start3A_67 = tpu.memref_slice %arg9[%dma_start3A_63, %dma_start3A_65, %dma_start3A_66] : memref<8x64x32xf32, #tpu.memory_space<vmem>> -> memref<1x64x32xf32, #tpu.memory_space<vmem>>
    %dma_start3A_68 = tpu.memref_squeeze %dma_start3A_67 : memref<1x64x32xf32, #tpu.memory_space<vmem>> -> memref<64x32xf32, #tpu.memory_space<vmem>>
    %dma_start3A_69 = arith.constant 0 : i32
    %dma_start3A_70 = tpu.memref_slice %arg7[%dma_start3A_62, %dma_start3A_69] : memref<304x64xi32, #tpu.memory_space<vmem>> -> memref<1x64xi32, #tpu.memory_space<vmem>>
    %dma_start3A_71 = tpu.memref_squeeze %dma_start3A_70 : memref<1x64xi32, #tpu.memory_space<vmem>> -> memref<64xi32, #tpu.memory_space<vmem>>
    %dma_start3A_72 = arith.constant 0 : i32
    %dma_start3A_73 = arith.constant 0 : i32
    %dma_start3A_74 = tpu.memref_slice %arg2[%dma_start3A_72, %dma_start3A_73] : memref<10240x32xf32, #tpu.memory_space<hbm>> -> memref<10240x32xf32, #tpu.memory_space<hbm>>
    %dma_start3A_75 = tpu.memref_slice %arg11[%dma_start3A_64] : memref<8x!tpu.dma_semaphore, #tpu.memory_space<semaphore_mem>> -> memref<1x!tpu.dma_semaphore, #tpu.memory_space<semaphore_mem>>
    %dma_start3A_76 = tpu.memref_squeeze %dma_start3A_75 : memref<1x!tpu.dma_semaphore, #tpu.memory_space<semaphore_mem>> -> memref<!tpu.dma_semaphore, #tpu.memory_space<semaphore_mem>>
    tpu.enqueue_indirect_dma source(%dma_start3A_74 : memref<10240x32xf32, #tpu.memory_space<hbm>>) target(%dma_start3A_68 : memref<64x32xf32, #tpu.memory_space<vmem>>) offsets(%dma_start3A_71 : memref<64xi32, #tpu.memory_space<vmem>>) semaphore(%dma_start3A_76 : memref<!tpu.dma_semaphore, #tpu.memory_space<semaphore_mem>>)
    %dma_start3A_77 = arith.constant 4 : i32
    %dma_start3A_78 = arith.constant 4 : i32
    %dma_start3A_79 = arith.constant 4 : i32
    %dma_start3A_80 = arith.constant 0 : i32
    %dma_start3A_81 = arith.constant 0 : i32
    %dma_start3A_82 = tpu.memref_slice %arg9[%dma_start3A_78, %dma_start3A_80, %dma_start3A_81] : memref<8x64x32xf32, #tpu.memory_space<vmem>> -> memref<1x64x32xf32, #tpu.memory_space<vmem>>
    %dma_start3A_83 = tpu.memref_squeeze %dma_start3A_82 : memref<1x64x32xf32, #tpu.memory_space<vmem>> -> memref<64x32xf32, #tpu.memory_space<vmem>>
    %dma_start3A_84 = arith.constant 0 : i32
    %dma_start3A_85 = tpu.memref_slice %arg7[%dma_start3A_77, %dma_start3A_84] : memref<304x64xi32, #tpu.memory_space<vmem>> -> memref<1x64xi32, #tpu.memory_space<vmem>>
    %dma_start3A_86 = tpu.memref_squeeze %dma_start3A_85 : memref<1x64xi32, #tpu.memory_space<vmem>> -> memref<64xi32, #tpu.memory_space<vmem>>
    %dma_start3A_87 = arith.constant 0 : i32
    %dma_start3A_88 = arith.constant 0 : i32
    %dma_start3A_89 = tpu.memref_slice %arg2[%dma_start3A_87, %dma_start3A_88] : memref<10240x32xf32, #tpu.memory_space<hbm>> -> memref<10240x32xf32, #tpu.memory_space<hbm>>
    %dma_start3A_90 = tpu.memref_slice %arg11[%dma_start3A_79] : memref<8x!tpu.dma_semaphore, #tpu.memory_space<semaphore_mem>> -> memref<1x!tpu.dma_semaphore, #tpu.memory_space<semaphore_mem>>
    %dma_start3A_91 = tpu.memref_squeeze %dma_start3A_90 : memref<1x!tpu.dma_semaphore, #tpu.memory_space<semaphore_mem>> -> memref<!tpu.dma_semaphore, #tpu.memory_space<semaphore_mem>>
    tpu.enqueue_indirect_dma source(%dma_start3A_89 : memref<10240x32xf32, #tpu.memory_space<hbm>>) target(%dma_start3A_83 : memref<64x32xf32, #tpu.memory_space<vmem>>) offsets(%dma_start3A_86 : memref<64xi32, #tpu.memory_space<vmem>>) semaphore(%dma_start3A_91 : memref<!tpu.dma_semaphore, #tpu.memory_space<semaphore_mem>>)
    %dma_start3A_92 = arith.constant 5 : i32
    %dma_start3A_93 = arith.constant 5 : i32
    %dma_start3A_94 = arith.constant 5 : i32
    %dma_start3A_95 = arith.constant 0 : i32
    %dma_start3A_96 = arith.constant 0 : i32
    %dma_start3A_97 = tpu.memref_slice %arg9[%dma_start3A_93, %dma_start3A_95, %dma_start3A_96] : memref<8x64x32xf32, #tpu.memory_space<vmem>> -> memref<1x64x32xf32, #tpu.memory_space<vmem>>
    %dma_start3A_98 = tpu.memref_squeeze %dma_start3A_97 : memref<1x64x32xf32, #tpu.memory_space<vmem>> -> memref<64x32xf32, #tpu.memory_space<vmem>>
    %dma_start3A_99 = arith.constant 0 : i32
    %dma_start3A_100 = tpu.memref_slice %arg7[%dma_start3A_92, %dma_start3A_99] : memref<304x64xi32, #tpu.memory_space<vmem>> -> memref<1x64xi32, #tpu.memory_space<vmem>>
    %dma_start3A_101 = tpu.memref_squeeze %dma_start3A_100 : memref<1x64xi32, #tpu.memory_space<vmem>> -> memref<64xi32, #tpu.memory_space<vmem>>
    %dma_start3A_102 = arith.constant 0 : i32
    %dma_start3A_103 = arith.constant 0 : i32
    %dma_start3A_104 = tpu.memref_slice %arg2[%dma_start3A_102, %dma_start3A_103] : memref<10240x32xf32, #tpu.memory_space<hbm>> -> memref<10240x32xf32, #tpu.memory_space<hbm>>
    %dma_start3A_105 = tpu.memref_slice %arg11[%dma_start3A_94] : memref<8x!tpu.dma_semaphore, #tpu.memory_space<semaphore_mem>> -> memref<1x!tpu.dma_semaphore, #tpu.memory_space<semaphore_mem>>
    %dma_start3A_106 = tpu.memref_squeeze %dma_start3A_105 : memref<1x!tpu.dma_semaphore, #tpu.memory_space<semaphore_mem>> -> memref<!tpu.dma_semaphore, #tpu.memory_space<semaphore_mem>>
    tpu.enqueue_indirect_dma source(%dma_start3A_104 : memref<10240x32xf32, #tpu.memory_space<hbm>>) target(%dma_start3A_98 : memref<64x32xf32, #tpu.memory_space<vmem>>) offsets(%dma_start3A_101 : memref<64xi32, #tpu.memory_space<vmem>>) semaphore(%dma_start3A_106 : memref<!tpu.dma_semaphore, #tpu.memory_space<semaphore_mem>>)
    %dma_start3A_107 = arith.constant 6 : i32
    %dma_start3A_108 = arith.constant 6 : i32
    %dma_start3A_109 = arith.constant 6 : i32
    %dma_start3A_110 = arith.constant 0 : i32
    %dma_start3A_111 = arith.constant 0 : i32
    %dma_start3A_112 = tpu.memref_slice %arg9[%dma_start3A_108, %dma_start3A_110, %dma_start3A_111] : memref<8x64x32xf32, #tpu.memory_space<vmem>> -> memref<1x64x32xf32, #tpu.memory_space<vmem>>
    %dma_start3A_113 = tpu.memref_squeeze %dma_start3A_112 : memref<1x64x32xf32, #tpu.memory_space<vmem>> -> memref<64x32xf32, #tpu.memory_space<vmem>>
    %dma_start3A_114 = arith.constant 0 : i32
    %dma_start3A_115 = tpu.memref_slice %arg7[%dma_start3A_107, %dma_start3A_114] : memref<304x64xi32, #tpu.memory_space<vmem>> -> memref<1x64xi32, #tpu.memory_space<vmem>>
    %dma_start3A_116 = tpu.memref_squeeze %dma_start3A_115 : memref<1x64xi32, #tpu.memory_space<vmem>> -> memref<64xi32, #tpu.memory_space<vmem>>
    %dma_start3A_117 = arith.constant 0 : i32
    %dma_start3A_118 = arith.constant 0 : i32
    %dma_start3A_119 = tpu.memref_slice %arg2[%dma_start3A_117, %dma_start3A_118] : memref<10240x32xf32, #tpu.memory_space<hbm>> -> memref<10240x32xf32, #tpu.memory_space<hbm>>
    %dma_start3A_120 = tpu.memref_slice %arg11[%dma_start3A_109] : memref<8x!tpu.dma_semaphore, #tpu.memory_space<semaphore_mem>> -> memref<1x!tpu.dma_semaphore, #tpu.memory_space<semaphore_mem>>
    %dma_start3A_121 = tpu.memref_squeeze %dma_start3A_120 : memref<1x!tpu.dma_semaphore, #tpu.memory_space<semaphore_mem>> -> memref<!tpu.dma_semaphore, #tpu.memory_space<semaphore_mem>>
    tpu.enqueue_indirect_dma source(%dma_start3A_119 : memref<10240x32xf32, #tpu.memory_space<hbm>>) target(%dma_start3A_113 : memref<64x32xf32, #tpu.memory_space<vmem>>) offsets(%dma_start3A_116 : memref<64xi32, #tpu.memory_space<vmem>>) semaphore(%dma_start3A_121 : memref<!tpu.dma_semaphore, #tpu.memory_space<semaphore_mem>>)
    %dma_start3A_122 = arith.constant 7 : i32
    %dma_start3A_123 = arith.constant 7 : i32
    %dma_start3A_124 = arith.constant 7 : i32
    %dma_start3A_125 = arith.constant 0 : i32
    %dma_start3A_126 = arith.constant 0 : i32
    %dma_start3A_127 = tpu.memref_slice %arg9[%dma_start3A_123, %dma_start3A_125, %dma_start3A_126] : memref<8x64x32xf32, #tpu.memory_space<vmem>> -> memref<1x64x32xf32, #tpu.memory_space<vmem>>
    %dma_start3A_128 = tpu.memref_squeeze %dma_start3A_127 : memref<1x64x32xf32, #tpu.memory_space<vmem>> -> memref<64x32xf32, #tpu.memory_space<vmem>>
    %dma_start3A_129 = arith.constant 0 : i32
    %dma_start3A_130 = tpu.memref_slice %arg7[%dma_start3A_122, %dma_start3A_129] : memref<304x64xi32, #tpu.memory_space<vmem>> -> memref<1x64xi32, #tpu.memory_space<vmem>>
    %dma_start3A_131 = tpu.memref_squeeze %dma_start3A_130 : memref<1x64xi32, #tpu.memory_space<vmem>> -> memref<64xi32, #tpu.memory_space<vmem>>
    %dma_start3A_132 = arith.constant 0 : i32
    %dma_start3A_133 = arith.constant 0 : i32
    %dma_start3A_134 = tpu.memref_slice %arg2[%dma_start3A_132, %dma_start3A_133] : memref<10240x32xf32, #tpu.memory_space<hbm>> -> memref<10240x32xf32, #tpu.memory_space<hbm>>
    %dma_start3A_135 = tpu.memref_slice %arg11[%dma_start3A_124] : memref<8x!tpu.dma_semaphore, #tpu.memory_space<semaphore_mem>> -> memref<1x!tpu.dma_semaphore, #tpu.memory_space<semaphore_mem>>
    %dma_start3A_136 = tpu.memref_squeeze %dma_start3A_135 : memref<1x!tpu.dma_semaphore, #tpu.memory_space<semaphore_mem>> -> memref<!tpu.dma_semaphore, #tpu.memory_space<semaphore_mem>>
    tpu.enqueue_indirect_dma source(%dma_start3A_134 : memref<10240x32xf32, #tpu.memory_space<hbm>>) target(%dma_start3A_128 : memref<64x32xf32, #tpu.memory_space<vmem>>) offsets(%dma_start3A_131 : memref<64xi32, #tpu.memory_space<vmem>>) semaphore(%dma_start3A_136 : memref<!tpu.dma_semaphore, #tpu.memory_space<semaphore_mem>>)
    "tpu.region"() ({
      %run_scoped3A = tpu.sem_alloc : memref<!tpu.dma_semaphore, #tpu.memory_space<semaphore_mem>>
      %dma_start3A_535 = arith.constant 0 : i32
      %dma_start3A_536 = tpu.memref_slice %arg10[%mul3A_10, %dma_start3A_535] : memref<10240x32xf32, #tpu.memory_space<vmem_shared>> -> memref<640x32xf32, #tpu.memory_space<vmem_shared>>
      %dma_start3A_537 = arith.constant 0 : i32
      %dma_start3A_538 = tpu.memref_slice %arg5[%mul3A_10, %dma_start3A_537] : memref<10240x32xf32, #tpu.memory_space<hbm>> -> memref<640x32xf32, #tpu.memory_space<hbm>>
      tpu.enqueue_dma source(%dma_start3A_538 : memref<640x32xf32, #tpu.memory_space<hbm>>) target(%dma_start3A_536 : memref<640x32xf32, #tpu.memory_space<vmem_shared>>) target_semaphore(%run_scoped3A : memref<!tpu.dma_semaphore, #tpu.memory_space<semaphore_mem>>)
      %dma_wait3A_539 = arith.constant 0 : i32
      %dma_wait3A_540 = tpu.memref_slice %arg10[%mul3A_10, %dma_wait3A_539] : memref<10240x32xf32, #tpu.memory_space<vmem_shared>> -> memref<640x32xf32, #tpu.memory_space<vmem_shared>>
      %dma_wait3A_541 = arith.constant 0 : i32
      %dma_wait3A_542 = tpu.memref_slice %arg5[%mul3A_10, %dma_wait3A_541] : memref<10240x32xf32, #tpu.memory_space<hbm>> -> memref<640x32xf32, #tpu.memory_space<hbm>>
      tpu.wait_dma2 semaphore(%run_scoped3A : memref<!tpu.dma_semaphore, #tpu.memory_space<semaphore_mem>>) src(%dma_wait3A_542 : memref<640x32xf32, #tpu.memory_space<hbm>>) dst(%dma_wait3A_540 : memref<640x32xf32, #tpu.memory_space<vmem_shared>>)
      tpu.yield
    }) : () -> ()
    %barrier3A = arith.constant 0 : index
    tpu.barrier barrier_id(%barrier3A)
    %sub3A = arith.constant 1 : i32
    %sub3A_137 = arith.subi %select_n3A, %sub3A : i32
    %while3A = arith.constant 0 : i32
    %while3A_138 = arith.constant 0 : i32
    %while3A_139 = arith.subi %sub3A_137, %while3A_138 : i32
    %while3A_140 = arith.addi %while3A_138, %while3A_139 : i32
    %while3A_141 = arith.constant 1 : i32
    %while3A_142 = arith.divsi %while3A_139, %while3A_141 : i32
    %while3A_143 = arith.muli %while3A_142, %while3A_141 : i32
    %while3A_144 = arith.addi %while3A_138, %while3A_143 : i32
    %while3A_145 = arith.constant 1 : i32
    scf.for %while3A_535 = %while3A_138 to %while3A_144 step %while3A_145  : i32 {
      %mul3A_536 = arith.constant 8 : i32
      %mul3A_537 = arith.muli %while3A_535, %mul3A_536 : i32
      %add3A_538 = arith.constant 0 : i32
      %add3A_539 = arith.addi %mul3A_537, %add3A_538 : i32
      %dma_wait3A_540 = arith.constant 0 : i32
      %dma_wait3A_541 = arith.constant 0 : i32
      %dma_wait3A_542 = arith.constant 0 : i32
      %dma_wait3A_543 = arith.constant 0 : i32
      %dma_wait3A_544 = tpu.memref_slice %arg9[%dma_wait3A_540, %dma_wait3A_542, %dma_wait3A_543] : memref<8x64x32xf32, #tpu.memory_space<vmem>> -> memref<1x64x32xf32, #tpu.memory_space<vmem>>
      %dma_wait3A_545 = tpu.memref_squeeze %dma_wait3A_544 : memref<1x64x32xf32, #tpu.memory_space<vmem>> -> memref<64x32xf32, #tpu.memory_space<vmem>>
      %dma_wait3A_546 = arith.constant 0 : i32
      %dma_wait3A_547 = tpu.memref_slice %arg7[%add3A_539, %dma_wait3A_546] : memref<304x64xi32, #tpu.memory_space<vmem>> -> memref<1x64xi32, #tpu.memory_space<vmem>>
      %dma_wait3A_548 = tpu.memref_squeeze %dma_wait3A_547 : memref<1x64xi32, #tpu.memory_space<vmem>> -> memref<64xi32, #tpu.memory_space<vmem>>
      %dma_wait3A_549 = arith.constant 0 : i32
      %dma_wait3A_550 = arith.constant 0 : i32
      %dma_wait3A_551 = tpu.memref_slice %arg2[%dma_wait3A_549, %dma_wait3A_550] : memref<10240x32xf32, #tpu.memory_space<hbm>> -> memref<10240x32xf32, #tpu.memory_space<hbm>>
      %dma_wait3A_552 = tpu.memref_slice %arg11[%dma_wait3A_541] : memref<8x!tpu.dma_semaphore, #tpu.memory_space<semaphore_mem>> -> memref<1x!tpu.dma_semaphore, #tpu.memory_space<semaphore_mem>>
      %dma_wait3A_553 = tpu.memref_squeeze %dma_wait3A_552 : memref<1x!tpu.dma_semaphore, #tpu.memory_space<semaphore_mem>> -> memref<!tpu.dma_semaphore, #tpu.memory_space<semaphore_mem>>
      tpu.wait_indirect_dma semaphore(%dma_wait3A_553 : memref<!tpu.dma_semaphore, #tpu.memory_space<semaphore_mem>>) src(%dma_wait3A_551 : memref<10240x32xf32, #tpu.memory_space<hbm>>) dst(%dma_wait3A_545 : memref<64x32xf32, #tpu.memory_space<vmem>>)
      %add3A_554 = arith.constant 0 : i32
      %add3A_555 = arith.addi %mul3A_537, %add3A_554 : i32
      %dma_start3A_556 = arith.constant 0 : i32
      %dma_start3A_557 = arith.constant 0 : i32
      %dma_start3A_558 = arith.constant 0 : i32
      %dma_start3A_559 = arith.constant 0 : i32
      %dma_start3A_560 = tpu.memref_slice %arg9[%dma_start3A_556, %dma_start3A_558, %dma_start3A_559] : memref<8x64x32xf32, #tpu.memory_space<vmem>> -> memref<1x64x32xf32, #tpu.memory_space<vmem>>
      %dma_start3A_561 = tpu.memref_squeeze %dma_start3A_560 : memref<1x64x32xf32, #tpu.memory_space<vmem>> -> memref<64x32xf32, #tpu.memory_space<vmem>>
      %dma_start3A_562 = arith.constant 0 : i32
      %dma_start3A_563 = tpu.memref_slice %arg8[%add3A_555, %dma_start3A_562] : memref<304x64xi32, #tpu.memory_space<vmem>> -> memref<1x64xi32, #tpu.memory_space<vmem>>
      %dma_start3A_564 = tpu.memref_squeeze %dma_start3A_563 : memref<1x64xi32, #tpu.memory_space<vmem>> -> memref<64xi32, #tpu.memory_space<vmem>>
      %dma_start3A_565 = arith.constant 0 : i32
      %dma_start3A_566 = arith.constant 0 : i32
      %dma_start3A_567 = tpu.memref_slice %arg10[%dma_start3A_565, %dma_start3A_566] : memref<10240x32xf32, #tpu.memory_space<vmem_shared>> -> memref<10240x32xf32, #tpu.memory_space<vmem_shared>>
      %dma_start3A_568 = tpu.memref_slice %arg12[%dma_start3A_557] : memref<8x!tpu.dma_semaphore, #tpu.memory_space<semaphore_mem>> -> memref<1x!tpu.dma_semaphore, #tpu.memory_space<semaphore_mem>>
      %dma_start3A_569 = tpu.memref_squeeze %dma_start3A_568 : memref<1x!tpu.dma_semaphore, #tpu.memory_space<semaphore_mem>> -> memref<!tpu.dma_semaphore, #tpu.memory_space<semaphore_mem>>
      tpu.enqueue_indirect_dma source(%dma_start3A_561 : memref<64x32xf32, #tpu.memory_space<vmem>>) target(%dma_start3A_567 : memref<10240x32xf32, #tpu.memory_space<vmem_shared>>) offsets(%dma_start3A_564 : memref<64xi32, #tpu.memory_space<vmem>>) semaphore(%dma_start3A_569 : memref<!tpu.dma_semaphore, #tpu.memory_space<semaphore_mem>>) {add = true}
      %add3A_570 = arith.constant 1 : i32
      %add3A_571 = arith.addi %mul3A_537, %add3A_570 : i32
      %dma_wait3A_572 = arith.constant 1 : i32
      %dma_wait3A_573 = arith.constant 1 : i32
      %dma_wait3A_574 = arith.constant 0 : i32
      %dma_wait3A_575 = arith.constant 0 : i32
      %dma_wait3A_576 = tpu.memref_slice %arg9[%dma_wait3A_572, %dma_wait3A_574, %dma_wait3A_575] : memref<8x64x32xf32, #tpu.memory_space<vmem>> -> memref<1x64x32xf32, #tpu.memory_space<vmem>>
      %dma_wait3A_577 = tpu.memref_squeeze %dma_wait3A_576 : memref<1x64x32xf32, #tpu.memory_space<vmem>> -> memref<64x32xf32, #tpu.memory_space<vmem>>
      %dma_wait3A_578 = arith.constant 0 : i32
      %dma_wait3A_579 = tpu.memref_slice %arg7[%add3A_571, %dma_wait3A_578] : memref<304x64xi32, #tpu.memory_space<vmem>> -> memref<1x64xi32, #tpu.memory_space<vmem>>
      %dma_wait3A_580 = tpu.memref_squeeze %dma_wait3A_579 : memref<1x64xi32, #tpu.memory_space<vmem>> -> memref<64xi32, #tpu.memory_space<vmem>>
      %dma_wait3A_581 = arith.constant 0 : i32
      %dma_wait3A_582 = arith.constant 0 : i32
      %dma_wait3A_583 = tpu.memref_slice %arg2[%dma_wait3A_581, %dma_wait3A_582] : memref<10240x32xf32, #tpu.memory_space<hbm>> -> memref<10240x32xf32, #tpu.memory_space<hbm>>
      %dma_wait3A_584 = tpu.memref_slice %arg11[%dma_wait3A_573] : memref<8x!tpu.dma_semaphore, #tpu.memory_space<semaphore_mem>> -> memref<1x!tpu.dma_semaphore, #tpu.memory_space<semaphore_mem>>
      %dma_wait3A_585 = tpu.memref_squeeze %dma_wait3A_584 : memref<1x!tpu.dma_semaphore, #tpu.memory_space<semaphore_mem>> -> memref<!tpu.dma_semaphore, #tpu.memory_space<semaphore_mem>>
      tpu.wait_indirect_dma semaphore(%dma_wait3A_585 : memref<!tpu.dma_semaphore, #tpu.memory_space<semaphore_mem>>) src(%dma_wait3A_583 : memref<10240x32xf32, #tpu.memory_space<hbm>>) dst(%dma_wait3A_577 : memref<64x32xf32, #tpu.memory_space<vmem>>)
      %add3A_586 = arith.constant 1 : i32
      %add3A_587 = arith.addi %mul3A_537, %add3A_586 : i32
      %dma_start3A_588 = arith.constant 1 : i32
      %dma_start3A_589 = arith.constant 1 : i32
      %dma_start3A_590 = arith.constant 0 : i32
      %dma_start3A_591 = arith.constant 0 : i32
      %dma_start3A_592 = tpu.memref_slice %arg9[%dma_start3A_588, %dma_start3A_590, %dma_start3A_591] : memref<8x64x32xf32, #tpu.memory_space<vmem>> -> memref<1x64x32xf32, #tpu.memory_space<vmem>>
      %dma_start3A_593 = tpu.memref_squeeze %dma_start3A_592 : memref<1x64x32xf32, #tpu.memory_space<vmem>> -> memref<64x32xf32, #tpu.memory_space<vmem>>
      %dma_start3A_594 = arith.constant 0 : i32
      %dma_start3A_595 = tpu.memref_slice %arg8[%add3A_587, %dma_start3A_594] : memref<304x64xi32, #tpu.memory_space<vmem>> -> memref<1x64xi32, #tpu.memory_space<vmem>>
      %dma_start3A_596 = tpu.memref_squeeze %dma_start3A_595 : memref<1x64xi32, #tpu.memory_space<vmem>> -> memref<64xi32, #tpu.memory_space<vmem>>
      %dma_start3A_597 = arith.constant 0 : i32
      %dma_start3A_598 = arith.constant 0 : i32
      %dma_start3A_599 = tpu.memref_slice %arg10[%dma_start3A_597, %dma_start3A_598] : memref<10240x32xf32, #tpu.memory_space<vmem_shared>> -> memref<10240x32xf32, #tpu.memory_space<vmem_shared>>
      %dma_start3A_600 = tpu.memref_slice %arg12[%dma_start3A_589] : memref<8x!tpu.dma_semaphore, #tpu.memory_space<semaphore_mem>> -> memref<1x!tpu.dma_semaphore, #tpu.memory_space<semaphore_mem>>
      %dma_start3A_601 = tpu.memref_squeeze %dma_start3A_600 : memref<1x!tpu.dma_semaphore, #tpu.memory_space<semaphore_mem>> -> memref<!tpu.dma_semaphore, #tpu.memory_space<semaphore_mem>>
      tpu.enqueue_indirect_dma source(%dma_start3A_593 : memref<64x32xf32, #tpu.memory_space<vmem>>) target(%dma_start3A_599 : memref<10240x32xf32, #tpu.memory_space<vmem_shared>>) offsets(%dma_start3A_596 : memref<64xi32, #tpu.memory_space<vmem>>) semaphore(%dma_start3A_601 : memref<!tpu.dma_semaphore, #tpu.memory_space<semaphore_mem>>) {add = true}
      %add3A_602 = arith.constant 2 : i32
      %add3A_603 = arith.addi %mul3A_537, %add3A_602 : i32
      %dma_wait3A_604 = arith.constant 2 : i32
      %dma_wait3A_605 = arith.constant 2 : i32
      %dma_wait3A_606 = arith.constant 0 : i32
      %dma_wait3A_607 = arith.constant 0 : i32
      %dma_wait3A_608 = tpu.memref_slice %arg9[%dma_wait3A_604, %dma_wait3A_606, %dma_wait3A_607] : memref<8x64x32xf32, #tpu.memory_space<vmem>> -> memref<1x64x32xf32, #tpu.memory_space<vmem>>
      %dma_wait3A_609 = tpu.memref_squeeze %dma_wait3A_608 : memref<1x64x32xf32, #tpu.memory_space<vmem>> -> memref<64x32xf32, #tpu.memory_space<vmem>>
      %dma_wait3A_610 = arith.constant 0 : i32
      %dma_wait3A_611 = tpu.memref_slice %arg7[%add3A_603, %dma_wait3A_610] : memref<304x64xi32, #tpu.memory_space<vmem>> -> memref<1x64xi32, #tpu.memory_space<vmem>>
      %dma_wait3A_612 = tpu.memref_squeeze %dma_wait3A_611 : memref<1x64xi32, #tpu.memory_space<vmem>> -> memref<64xi32, #tpu.memory_space<vmem>>
      %dma_wait3A_613 = arith.constant 0 : i32
      %dma_wait3A_614 = arith.constant 0 : i32
      %dma_wait3A_615 = tpu.memref_slice %arg2[%dma_wait3A_613, %dma_wait3A_614] : memref<10240x32xf32, #tpu.memory_space<hbm>> -> memref<10240x32xf32, #tpu.memory_space<hbm>>
      %dma_wait3A_616 = tpu.memref_slice %arg11[%dma_wait3A_605] : memref<8x!tpu.dma_semaphore, #tpu.memory_space<semaphore_mem>> -> memref<1x!tpu.dma_semaphore, #tpu.memory_space<semaphore_mem>>
      %dma_wait3A_617 = tpu.memref_squeeze %dma_wait3A_616 : memref<1x!tpu.dma_semaphore, #tpu.memory_space<semaphore_mem>> -> memref<!tpu.dma_semaphore, #tpu.memory_space<semaphore_mem>>
      tpu.wait_indirect_dma semaphore(%dma_wait3A_617 : memref<!tpu.dma_semaphore, #tpu.memory_space<semaphore_mem>>) src(%dma_wait3A_615 : memref<10240x32xf32, #tpu.memory_space<hbm>>) dst(%dma_wait3A_609 : memref<64x32xf32, #tpu.memory_space<vmem>>)
      %add3A_618 = arith.constant 2 : i32
      %add3A_619 = arith.addi %mul3A_537, %add3A_618 : i32
      %dma_start3A_620 = arith.constant 2 : i32
      %dma_start3A_621 = arith.constant 2 : i32
      %dma_start3A_622 = arith.constant 0 : i32
      %dma_start3A_623 = arith.constant 0 : i32
      %dma_start3A_624 = tpu.memref_slice %arg9[%dma_start3A_620, %dma_start3A_622, %dma_start3A_623] : memref<8x64x32xf32, #tpu.memory_space<vmem>> -> memref<1x64x32xf32, #tpu.memory_space<vmem>>
      %dma_start3A_625 = tpu.memref_squeeze %dma_start3A_624 : memref<1x64x32xf32, #tpu.memory_space<vmem>> -> memref<64x32xf32, #tpu.memory_space<vmem>>
      %dma_start3A_626 = arith.constant 0 : i32
      %dma_start3A_627 = tpu.memref_slice %arg8[%add3A_619, %dma_start3A_626] : memref<304x64xi32, #tpu.memory_space<vmem>> -> memref<1x64xi32, #tpu.memory_space<vmem>>
      %dma_start3A_628 = tpu.memref_squeeze %dma_start3A_627 : memref<1x64xi32, #tpu.memory_space<vmem>> -> memref<64xi32, #tpu.memory_space<vmem>>
      %dma_start3A_629 = arith.constant 0 : i32
      %dma_start3A_630 = arith.constant 0 : i32
      %dma_start3A_631 = tpu.memref_slice %arg10[%dma_start3A_629, %dma_start3A_630] : memref<10240x32xf32, #tpu.memory_space<vmem_shared>> -> memref<10240x32xf32, #tpu.memory_space<vmem_shared>>
      %dma_start3A_632 = tpu.memref_slice %arg12[%dma_start3A_621] : memref<8x!tpu.dma_semaphore, #tpu.memory_space<semaphore_mem>> -> memref<1x!tpu.dma_semaphore, #tpu.memory_space<semaphore_mem>>
      %dma_start3A_633 = tpu.memref_squeeze %dma_start3A_632 : memref<1x!tpu.dma_semaphore, #tpu.memory_space<semaphore_mem>> -> memref<!tpu.dma_semaphore, #tpu.memory_space<semaphore_mem>>
      tpu.enqueue_indirect_dma source(%dma_start3A_625 : memref<64x32xf32, #tpu.memory_space<vmem>>) target(%dma_start3A_631 : memref<10240x32xf32, #tpu.memory_space<vmem_shared>>) offsets(%dma_start3A_628 : memref<64xi32, #tpu.memory_space<vmem>>) semaphore(%dma_start3A_633 : memref<!tpu.dma_semaphore, #tpu.memory_space<semaphore_mem>>) {add = true}
      %add3A_634 = arith.constant 3 : i32
      %add3A_635 = arith.addi %mul3A_537, %add3A_634 : i32
      %dma_wait3A_636 = arith.constant 3 : i32
      %dma_wait3A_637 = arith.constant 3 : i32
      %dma_wait3A_638 = arith.constant 0 : i32
      %dma_wait3A_639 = arith.constant 0 : i32
      %dma_wait3A_640 = tpu.memref_slice %arg9[%dma_wait3A_636, %dma_wait3A_638, %dma_wait3A_639] : memref<8x64x32xf32, #tpu.memory_space<vmem>> -> memref<1x64x32xf32, #tpu.memory_space<vmem>>
      %dma_wait3A_641 = tpu.memref_squeeze %dma_wait3A_640 : memref<1x64x32xf32, #tpu.memory_space<vmem>> -> memref<64x32xf32, #tpu.memory_space<vmem>>
      %dma_wait3A_642 = arith.constant 0 : i32
      %dma_wait3A_643 = tpu.memref_slice %arg7[%add3A_635, %dma_wait3A_642] : memref<304x64xi32, #tpu.memory_space<vmem>> -> memref<1x64xi32, #tpu.memory_space<vmem>>
      %dma_wait3A_644 = tpu.memref_squeeze %dma_wait3A_643 : memref<1x64xi32, #tpu.memory_space<vmem>> -> memref<64xi32, #tpu.memory_space<vmem>>
      %dma_wait3A_645 = arith.constant 0 : i32
      %dma_wait3A_646 = arith.constant 0 : i32
      %dma_wait3A_647 = tpu.memref_slice %arg2[%dma_wait3A_645, %dma_wait3A_646] : memref<10240x32xf32, #tpu.memory_space<hbm>> -> memref<10240x32xf32, #tpu.memory_space<hbm>>
      %dma_wait3A_648 = tpu.memref_slice %arg11[%dma_wait3A_637] : memref<8x!tpu.dma_semaphore, #tpu.memory_space<semaphore_mem>> -> memref<1x!tpu.dma_semaphore, #tpu.memory_space<semaphore_mem>>
      %dma_wait3A_649 = tpu.memref_squeeze %dma_wait3A_648 : memref<1x!tpu.dma_semaphore, #tpu.memory_space<semaphore_mem>> -> memref<!tpu.dma_semaphore, #tpu.memory_space<semaphore_mem>>
      tpu.wait_indirect_dma semaphore(%dma_wait3A_649 : memref<!tpu.dma_semaphore, #tpu.memory_space<semaphore_mem>>) src(%dma_wait3A_647 : memref<10240x32xf32, #tpu.memory_space<hbm>>) dst(%dma_wait3A_641 : memref<64x32xf32, #tpu.memory_space<vmem>>)
      %add3A_650 = arith.constant 3 : i32
      %add3A_651 = arith.addi %mul3A_537, %add3A_650 : i32
      %dma_start3A_652 = arith.constant 3 : i32
      %dma_start3A_653 = arith.constant 3 : i32
      %dma_start3A_654 = arith.constant 0 : i32
      %dma_start3A_655 = arith.constant 0 : i32
      %dma_start3A_656 = tpu.memref_slice %arg9[%dma_start3A_652, %dma_start3A_654, %dma_start3A_655] : memref<8x64x32xf32, #tpu.memory_space<vmem>> -> memref<1x64x32xf32, #tpu.memory_space<vmem>>
      %dma_start3A_657 = tpu.memref_squeeze %dma_start3A_656 : memref<1x64x32xf32, #tpu.memory_space<vmem>> -> memref<64x32xf32, #tpu.memory_space<vmem>>
      %dma_start3A_658 = arith.constant 0 : i32
      %dma_start3A_659 = tpu.memref_slice %arg8[%add3A_651, %dma_start3A_658] : memref<304x64xi32, #tpu.memory_space<vmem>> -> memref<1x64xi32, #tpu.memory_space<vmem>>
      %dma_start3A_660 = tpu.memref_squeeze %dma_start3A_659 : memref<1x64xi32, #tpu.memory_space<vmem>> -> memref<64xi32, #tpu.memory_space<vmem>>
      %dma_start3A_661 = arith.constant 0 : i32
      %dma_start3A_662 = arith.constant 0 : i32
      %dma_start3A_663 = tpu.memref_slice %arg10[%dma_start3A_661, %dma_start3A_662] : memref<10240x32xf32, #tpu.memory_space<vmem_shared>> -> memref<10240x32xf32, #tpu.memory_space<vmem_shared>>
      %dma_start3A_664 = tpu.memref_slice %arg12[%dma_start3A_653] : memref<8x!tpu.dma_semaphore, #tpu.memory_space<semaphore_mem>> -> memref<1x!tpu.dma_semaphore, #tpu.memory_space<semaphore_mem>>
      %dma_start3A_665 = tpu.memref_squeeze %dma_start3A_664 : memref<1x!tpu.dma_semaphore, #tpu.memory_space<semaphore_mem>> -> memref<!tpu.dma_semaphore, #tpu.memory_space<semaphore_mem>>
      tpu.enqueue_indirect_dma source(%dma_start3A_657 : memref<64x32xf32, #tpu.memory_space<vmem>>) target(%dma_start3A_663 : memref<10240x32xf32, #tpu.memory_space<vmem_shared>>) offsets(%dma_start3A_660 : memref<64xi32, #tpu.memory_space<vmem>>) semaphore(%dma_start3A_665 : memref<!tpu.dma_semaphore, #tpu.memory_space<semaphore_mem>>) {add = true}
      %add3A_666 = arith.constant 4 : i32
      %add3A_667 = arith.addi %mul3A_537, %add3A_666 : i32
      %dma_wait3A_668 = arith.constant 4 : i32
      %dma_wait3A_669 = arith.constant 4 : i32
      %dma_wait3A_670 = arith.constant 0 : i32
      %dma_wait3A_671 = arith.constant 0 : i32
      %dma_wait3A_672 = tpu.memref_slice %arg9[%dma_wait3A_668, %dma_wait3A_670, %dma_wait3A_671] : memref<8x64x32xf32, #tpu.memory_space<vmem>> -> memref<1x64x32xf32, #tpu.memory_space<vmem>>
      %dma_wait3A_673 = tpu.memref_squeeze %dma_wait3A_672 : memref<1x64x32xf32, #tpu.memory_space<vmem>> -> memref<64x32xf32, #tpu.memory_space<vmem>>
      %dma_wait3A_674 = arith.constant 0 : i32
      %dma_wait3A_675 = tpu.memref_slice %arg7[%add3A_667, %dma_wait3A_674] : memref<304x64xi32, #tpu.memory_space<vmem>> -> memref<1x64xi32, #tpu.memory_space<vmem>>
      %dma_wait3A_676 = tpu.memref_squeeze %dma_wait3A_675 : memref<1x64xi32, #tpu.memory_space<vmem>> -> memref<64xi32, #tpu.memory_space<vmem>>
      %dma_wait3A_677 = arith.constant 0 : i32
      %dma_wait3A_678 = arith.constant 0 : i32
      %dma_wait3A_679 = tpu.memref_slice %arg2[%dma_wait3A_677, %dma_wait3A_678] : memref<10240x32xf32, #tpu.memory_space<hbm>> -> memref<10240x32xf32, #tpu.memory_space<hbm>>
      %dma_wait3A_680 = tpu.memref_slice %arg11[%dma_wait3A_669] : memref<8x!tpu.dma_semaphore, #tpu.memory_space<semaphore_mem>> -> memref<1x!tpu.dma_semaphore, #tpu.memory_space<semaphore_mem>>
      %dma_wait3A_681 = tpu.memref_squeeze %dma_wait3A_680 : memref<1x!tpu.dma_semaphore, #tpu.memory_space<semaphore_mem>> -> memref<!tpu.dma_semaphore, #tpu.memory_space<semaphore_mem>>
      tpu.wait_indirect_dma semaphore(%dma_wait3A_681 : memref<!tpu.dma_semaphore, #tpu.memory_space<semaphore_mem>>) src(%dma_wait3A_679 : memref<10240x32xf32, #tpu.memory_space<hbm>>) dst(%dma_wait3A_673 : memref<64x32xf32, #tpu.memory_space<vmem>>)
      %add3A_682 = arith.constant 4 : i32
      %add3A_683 = arith.addi %mul3A_537, %add3A_682 : i32
      %dma_start3A_684 = arith.constant 4 : i32
      %dma_start3A_685 = arith.constant 4 : i32
      %dma_start3A_686 = arith.constant 0 : i32
      %dma_start3A_687 = arith.constant 0 : i32
      %dma_start3A_688 = tpu.memref_slice %arg9[%dma_start3A_684, %dma_start3A_686, %dma_start3A_687] : memref<8x64x32xf32, #tpu.memory_space<vmem>> -> memref<1x64x32xf32, #tpu.memory_space<vmem>>
      %dma_start3A_689 = tpu.memref_squeeze %dma_start3A_688 : memref<1x64x32xf32, #tpu.memory_space<vmem>> -> memref<64x32xf32, #tpu.memory_space<vmem>>
      %dma_start3A_690 = arith.constant 0 : i32
      %dma_start3A_691 = tpu.memref_slice %arg8[%add3A_683, %dma_start3A_690] : memref<304x64xi32, #tpu.memory_space<vmem>> -> memref<1x64xi32, #tpu.memory_space<vmem>>
      %dma_start3A_692 = tpu.memref_squeeze %dma_start3A_691 : memref<1x64xi32, #tpu.memory_space<vmem>> -> memref<64xi32, #tpu.memory_space<vmem>>
      %dma_start3A_693 = arith.constant 0 : i32
      %dma_start3A_694 = arith.constant 0 : i32
      %dma_start3A_695 = tpu.memref_slice %arg10[%dma_start3A_693, %dma_start3A_694] : memref<10240x32xf32, #tpu.memory_space<vmem_shared>> -> memref<10240x32xf32, #tpu.memory_space<vmem_shared>>
      %dma_start3A_696 = tpu.memref_slice %arg12[%dma_start3A_685] : memref<8x!tpu.dma_semaphore, #tpu.memory_space<semaphore_mem>> -> memref<1x!tpu.dma_semaphore, #tpu.memory_space<semaphore_mem>>
      %dma_start3A_697 = tpu.memref_squeeze %dma_start3A_696 : memref<1x!tpu.dma_semaphore, #tpu.memory_space<semaphore_mem>> -> memref<!tpu.dma_semaphore, #tpu.memory_space<semaphore_mem>>
      tpu.enqueue_indirect_dma source(%dma_start3A_689 : memref<64x32xf32, #tpu.memory_space<vmem>>) target(%dma_start3A_695 : memref<10240x32xf32, #tpu.memory_space<vmem_shared>>) offsets(%dma_start3A_692 : memref<64xi32, #tpu.memory_space<vmem>>) semaphore(%dma_start3A_697 : memref<!tpu.dma_semaphore, #tpu.memory_space<semaphore_mem>>) {add = true}
      %add3A_698 = arith.constant 5 : i32
      %add3A_699 = arith.addi %mul3A_537, %add3A_698 : i32
      %dma_wait3A_700 = arith.constant 5 : i32
      %dma_wait3A_701 = arith.constant 5 : i32
      %dma_wait3A_702 = arith.constant 0 : i32
      %dma_wait3A_703 = arith.constant 0 : i32
      %dma_wait3A_704 = tpu.memref_slice %arg9[%dma_wait3A_700, %dma_wait3A_702, %dma_wait3A_703] : memref<8x64x32xf32, #tpu.memory_space<vmem>> -> memref<1x64x32xf32, #tpu.memory_space<vmem>>
      %dma_wait3A_705 = tpu.memref_squeeze %dma_wait3A_704 : memref<1x64x32xf32, #tpu.memory_space<vmem>> -> memref<64x32xf32, #tpu.memory_space<vmem>>
      %dma_wait3A_706 = arith.constant 0 : i32
      %dma_wait3A_707 = tpu.memref_slice %arg7[%add3A_699, %dma_wait3A_706] : memref<304x64xi32, #tpu.memory_space<vmem>> -> memref<1x64xi32, #tpu.memory_space<vmem>>
      %dma_wait3A_708 = tpu.memref_squeeze %dma_wait3A_707 : memref<1x64xi32, #tpu.memory_space<vmem>> -> memref<64xi32, #tpu.memory_space<vmem>>
      %dma_wait3A_709 = arith.constant 0 : i32
      %dma_wait3A_710 = arith.constant 0 : i32
      %dma_wait3A_711 = tpu.memref_slice %arg2[%dma_wait3A_709, %dma_wait3A_710] : memref<10240x32xf32, #tpu.memory_space<hbm>> -> memref<10240x32xf32, #tpu.memory_space<hbm>>
      %dma_wait3A_712 = tpu.memref_slice %arg11[%dma_wait3A_701] : memref<8x!tpu.dma_semaphore, #tpu.memory_space<semaphore_mem>> -> memref<1x!tpu.dma_semaphore, #tpu.memory_space<semaphore_mem>>
      %dma_wait3A_713 = tpu.memref_squeeze %dma_wait3A_712 : memref<1x!tpu.dma_semaphore, #tpu.memory_space<semaphore_mem>> -> memref<!tpu.dma_semaphore, #tpu.memory_space<semaphore_mem>>
      tpu.wait_indirect_dma semaphore(%dma_wait3A_713 : memref<!tpu.dma_semaphore, #tpu.memory_space<semaphore_mem>>) src(%dma_wait3A_711 : memref<10240x32xf32, #tpu.memory_space<hbm>>) dst(%dma_wait3A_705 : memref<64x32xf32, #tpu.memory_space<vmem>>)
      %add3A_714 = arith.constant 5 : i32
      %add3A_715 = arith.addi %mul3A_537, %add3A_714 : i32
      %dma_start3A_716 = arith.constant 5 : i32
      %dma_start3A_717 = arith.constant 5 : i32
      %dma_start3A_718 = arith.constant 0 : i32
      %dma_start3A_719 = arith.constant 0 : i32
      %dma_start3A_720 = tpu.memref_slice %arg9[%dma_start3A_716, %dma_start3A_718, %dma_start3A_719] : memref<8x64x32xf32, #tpu.memory_space<vmem>> -> memref<1x64x32xf32, #tpu.memory_space<vmem>>
      %dma_start3A_721 = tpu.memref_squeeze %dma_start3A_720 : memref<1x64x32xf32, #tpu.memory_space<vmem>> -> memref<64x32xf32, #tpu.memory_space<vmem>>
      %dma_start3A_722 = arith.constant 0 : i32
      %dma_start3A_723 = tpu.memref_slice %arg8[%add3A_715, %dma_start3A_722] : memref<304x64xi32, #tpu.memory_space<vmem>> -> memref<1x64xi32, #tpu.memory_space<vmem>>
      %dma_start3A_724 = tpu.memref_squeeze %dma_start3A_723 : memref<1x64xi32, #tpu.memory_space<vmem>> -> memref<64xi32, #tpu.memory_space<vmem>>
      %dma_start3A_725 = arith.constant 0 : i32
      %dma_start3A_726 = arith.constant 0 : i32
      %dma_start3A_727 = tpu.memref_slice %arg10[%dma_start3A_725, %dma_start3A_726] : memref<10240x32xf32, #tpu.memory_space<vmem_shared>> -> memref<10240x32xf32, #tpu.memory_space<vmem_shared>>
      %dma_start3A_728 = tpu.memref_slice %arg12[%dma_start3A_717] : memref<8x!tpu.dma_semaphore, #tpu.memory_space<semaphore_mem>> -> memref<1x!tpu.dma_semaphore, #tpu.memory_space<semaphore_mem>>
      %dma_start3A_729 = tpu.memref_squeeze %dma_start3A_728 : memref<1x!tpu.dma_semaphore, #tpu.memory_space<semaphore_mem>> -> memref<!tpu.dma_semaphore, #tpu.memory_space<semaphore_mem>>
      tpu.enqueue_indirect_dma source(%dma_start3A_721 : memref<64x32xf32, #tpu.memory_space<vmem>>) target(%dma_start3A_727 : memref<10240x32xf32, #tpu.memory_space<vmem_shared>>) offsets(%dma_start3A_724 : memref<64xi32, #tpu.memory_space<vmem>>) semaphore(%dma_start3A_729 : memref<!tpu.dma_semaphore, #tpu.memory_space<semaphore_mem>>) {add = true}
      %add3A_730 = arith.constant 6 : i32
      %add3A_731 = arith.addi %mul3A_537, %add3A_730 : i32
      %dma_wait3A_732 = arith.constant 6 : i32
      %dma_wait3A_733 = arith.constant 6 : i32
      %dma_wait3A_734 = arith.constant 0 : i32
      %dma_wait3A_735 = arith.constant 0 : i32
      %dma_wait3A_736 = tpu.memref_slice %arg9[%dma_wait3A_732, %dma_wait3A_734, %dma_wait3A_735] : memref<8x64x32xf32, #tpu.memory_space<vmem>> -> memref<1x64x32xf32, #tpu.memory_space<vmem>>
      %dma_wait3A_737 = tpu.memref_squeeze %dma_wait3A_736 : memref<1x64x32xf32, #tpu.memory_space<vmem>> -> memref<64x32xf32, #tpu.memory_space<vmem>>
      %dma_wait3A_738 = arith.constant 0 : i32
      %dma_wait3A_739 = tpu.memref_slice %arg7[%add3A_731, %dma_wait3A_738] : memref<304x64xi32, #tpu.memory_space<vmem>> -> memref<1x64xi32, #tpu.memory_space<vmem>>
      %dma_wait3A_740 = tpu.memref_squeeze %dma_wait3A_739 : memref<1x64xi32, #tpu.memory_space<vmem>> -> memref<64xi32, #tpu.memory_space<vmem>>
      %dma_wait3A_741 = arith.constant 0 : i32
      %dma_wait3A_742 = arith.constant 0 : i32
      %dma_wait3A_743 = tpu.memref_slice %arg2[%dma_wait3A_741, %dma_wait3A_742] : memref<10240x32xf32, #tpu.memory_space<hbm>> -> memref<10240x32xf32, #tpu.memory_space<hbm>>
      %dma_wait3A_744 = tpu.memref_slice %arg11[%dma_wait3A_733] : memref<8x!tpu.dma_semaphore, #tpu.memory_space<semaphore_mem>> -> memref<1x!tpu.dma_semaphore, #tpu.memory_space<semaphore_mem>>
      %dma_wait3A_745 = tpu.memref_squeeze %dma_wait3A_744 : memref<1x!tpu.dma_semaphore, #tpu.memory_space<semaphore_mem>> -> memref<!tpu.dma_semaphore, #tpu.memory_space<semaphore_mem>>
      tpu.wait_indirect_dma semaphore(%dma_wait3A_745 : memref<!tpu.dma_semaphore, #tpu.memory_space<semaphore_mem>>) src(%dma_wait3A_743 : memref<10240x32xf32, #tpu.memory_space<hbm>>) dst(%dma_wait3A_737 : memref<64x32xf32, #tpu.memory_space<vmem>>)
      %add3A_746 = arith.constant 6 : i32
      %add3A_747 = arith.addi %mul3A_537, %add3A_746 : i32
      %dma_start3A_748 = arith.constant 6 : i32
      %dma_start3A_749 = arith.constant 6 : i32
      %dma_start3A_750 = arith.constant 0 : i32
      %dma_start3A_751 = arith.constant 0 : i32
      %dma_start3A_752 = tpu.memref_slice %arg9[%dma_start3A_748, %dma_start3A_750, %dma_start3A_751] : memref<8x64x32xf32, #tpu.memory_space<vmem>> -> memref<1x64x32xf32, #tpu.memory_space<vmem>>
      %dma_start3A_753 = tpu.memref_squeeze %dma_start3A_752 : memref<1x64x32xf32, #tpu.memory_space<vmem>> -> memref<64x32xf32, #tpu.memory_space<vmem>>
      %dma_start3A_754 = arith.constant 0 : i32
      %dma_start3A_755 = tpu.memref_slice %arg8[%add3A_747, %dma_start3A_754] : memref<304x64xi32, #tpu.memory_space<vmem>> -> memref<1x64xi32, #tpu.memory_space<vmem>>
      %dma_start3A_756 = tpu.memref_squeeze %dma_start3A_755 : memref<1x64xi32, #tpu.memory_space<vmem>> -> memref<64xi32, #tpu.memory_space<vmem>>
      %dma_start3A_757 = arith.constant 0 : i32
      %dma_start3A_758 = arith.constant 0 : i32
      %dma_start3A_759 = tpu.memref_slice %arg10[%dma_start3A_757, %dma_start3A_758] : memref<10240x32xf32, #tpu.memory_space<vmem_shared>> -> memref<10240x32xf32, #tpu.memory_space<vmem_shared>>
      %dma_start3A_760 = tpu.memref_slice %arg12[%dma_start3A_749] : memref<8x!tpu.dma_semaphore, #tpu.memory_space<semaphore_mem>> -> memref<1x!tpu.dma_semaphore, #tpu.memory_space<semaphore_mem>>
      %dma_start3A_761 = tpu.memref_squeeze %dma_start3A_760 : memref<1x!tpu.dma_semaphore, #tpu.memory_space<semaphore_mem>> -> memref<!tpu.dma_semaphore, #tpu.memory_space<semaphore_mem>>
      tpu.enqueue_indirect_dma source(%dma_start3A_753 : memref<64x32xf32, #tpu.memory_space<vmem>>) target(%dma_start3A_759 : memref<10240x32xf32, #tpu.memory_space<vmem_shared>>) offsets(%dma_start3A_756 : memref<64xi32, #tpu.memory_space<vmem>>) semaphore(%dma_start3A_761 : memref<!tpu.dma_semaphore, #tpu.memory_space<semaphore_mem>>) {add = true}
      %add3A_762 = arith.constant 7 : i32
      %add3A_763 = arith.addi %mul3A_537, %add3A_762 : i32
      %dma_wait3A_764 = arith.constant 7 : i32
      %dma_wait3A_765 = arith.constant 7 : i32
      %dma_wait3A_766 = arith.constant 0 : i32
      %dma_wait3A_767 = arith.constant 0 : i32
      %dma_wait3A_768 = tpu.memref_slice %arg9[%dma_wait3A_764, %dma_wait3A_766, %dma_wait3A_767] : memref<8x64x32xf32, #tpu.memory_space<vmem>> -> memref<1x64x32xf32, #tpu.memory_space<vmem>>
      %dma_wait3A_769 = tpu.memref_squeeze %dma_wait3A_768 : memref<1x64x32xf32, #tpu.memory_space<vmem>> -> memref<64x32xf32, #tpu.memory_space<vmem>>
      %dma_wait3A_770 = arith.constant 0 : i32
      %dma_wait3A_771 = tpu.memref_slice %arg7[%add3A_763, %dma_wait3A_770] : memref<304x64xi32, #tpu.memory_space<vmem>> -> memref<1x64xi32, #tpu.memory_space<vmem>>
      %dma_wait3A_772 = tpu.memref_squeeze %dma_wait3A_771 : memref<1x64xi32, #tpu.memory_space<vmem>> -> memref<64xi32, #tpu.memory_space<vmem>>
      %dma_wait3A_773 = arith.constant 0 : i32
      %dma_wait3A_774 = arith.constant 0 : i32
      %dma_wait3A_775 = tpu.memref_slice %arg2[%dma_wait3A_773, %dma_wait3A_774] : memref<10240x32xf32, #tpu.memory_space<hbm>> -> memref<10240x32xf32, #tpu.memory_space<hbm>>
      %dma_wait3A_776 = tpu.memref_slice %arg11[%dma_wait3A_765] : memref<8x!tpu.dma_semaphore, #tpu.memory_space<semaphore_mem>> -> memref<1x!tpu.dma_semaphore, #tpu.memory_space<semaphore_mem>>
      %dma_wait3A_777 = tpu.memref_squeeze %dma_wait3A_776 : memref<1x!tpu.dma_semaphore, #tpu.memory_space<semaphore_mem>> -> memref<!tpu.dma_semaphore, #tpu.memory_space<semaphore_mem>>
      tpu.wait_indirect_dma semaphore(%dma_wait3A_777 : memref<!tpu.dma_semaphore, #tpu.memory_space<semaphore_mem>>) src(%dma_wait3A_775 : memref<10240x32xf32, #tpu.memory_space<hbm>>) dst(%dma_wait3A_769 : memref<64x32xf32, #tpu.memory_space<vmem>>)
      %add3A_778 = arith.constant 7 : i32
      %add3A_779 = arith.addi %mul3A_537, %add3A_778 : i32
      %dma_start3A_780 = arith.constant 7 : i32
      %dma_start3A_781 = arith.constant 7 : i32
      %dma_start3A_782 = arith.constant 0 : i32
      %dma_start3A_783 = arith.constant 0 : i32
      %dma_start3A_784 = tpu.memref_slice %arg9[%dma_start3A_780, %dma_start3A_782, %dma_start3A_783] : memref<8x64x32xf32, #tpu.memory_space<vmem>> -> memref<1x64x32xf32, #tpu.memory_space<vmem>>
      %dma_start3A_785 = tpu.memref_squeeze %dma_start3A_784 : memref<1x64x32xf32, #tpu.memory_space<vmem>> -> memref<64x32xf32, #tpu.memory_space<vmem>>
      %dma_start3A_786 = arith.constant 0 : i32
      %dma_start3A_787 = tpu.memref_slice %arg8[%add3A_779, %dma_start3A_786] : memref<304x64xi32, #tpu.memory_space<vmem>> -> memref<1x64xi32, #tpu.memory_space<vmem>>
      %dma_start3A_788 = tpu.memref_squeeze %dma_start3A_787 : memref<1x64xi32, #tpu.memory_space<vmem>> -> memref<64xi32, #tpu.memory_space<vmem>>
      %dma_start3A_789 = arith.constant 0 : i32
      %dma_start3A_790 = arith.constant 0 : i32
      %dma_start3A_791 = tpu.memref_slice %arg10[%dma_start3A_789, %dma_start3A_790] : memref<10240x32xf32, #tpu.memory_space<vmem_shared>> -> memref<10240x32xf32, #tpu.memory_space<vmem_shared>>
      %dma_start3A_792 = tpu.memref_slice %arg12[%dma_start3A_781] : memref<8x!tpu.dma_semaphore, #tpu.memory_space<semaphore_mem>> -> memref<1x!tpu.dma_semaphore, #tpu.memory_space<semaphore_mem>>
      %dma_start3A_793 = tpu.memref_squeeze %dma_start3A_792 : memref<1x!tpu.dma_semaphore, #tpu.memory_space<semaphore_mem>> -> memref<!tpu.dma_semaphore, #tpu.memory_space<semaphore_mem>>
      tpu.enqueue_indirect_dma source(%dma_start3A_785 : memref<64x32xf32, #tpu.memory_space<vmem>>) target(%dma_start3A_791 : memref<10240x32xf32, #tpu.memory_space<vmem_shared>>) offsets(%dma_start3A_788 : memref<64xi32, #tpu.memory_space<vmem>>) semaphore(%dma_start3A_793 : memref<!tpu.dma_semaphore, #tpu.memory_space<semaphore_mem>>) {add = true}
      %add3A_794 = arith.constant 0 : i32
      %add3A_795 = arith.addi %mul3A_537, %add3A_794 : i32
      %dma_wait3A_796 = arith.constant 0 : i32
      %dma_wait3A_797 = arith.constant 0 : i32
      %dma_wait3A_798 = arith.constant 0 : i32
      %dma_wait3A_799 = arith.constant 0 : i32
      %dma_wait3A_800 = tpu.memref_slice %arg9[%dma_wait3A_796, %dma_wait3A_798, %dma_wait3A_799] : memref<8x64x32xf32, #tpu.memory_space<vmem>> -> memref<1x64x32xf32, #tpu.memory_space<vmem>>
      %dma_wait3A_801 = tpu.memref_squeeze %dma_wait3A_800 : memref<1x64x32xf32, #tpu.memory_space<vmem>> -> memref<64x32xf32, #tpu.memory_space<vmem>>
      %dma_wait3A_802 = arith.constant 0 : i32
      %dma_wait3A_803 = tpu.memref_slice %arg8[%add3A_795, %dma_wait3A_802] : memref<304x64xi32, #tpu.memory_space<vmem>> -> memref<1x64xi32, #tpu.memory_space<vmem>>
      %dma_wait3A_804 = tpu.memref_squeeze %dma_wait3A_803 : memref<1x64xi32, #tpu.memory_space<vmem>> -> memref<64xi32, #tpu.memory_space<vmem>>
      %dma_wait3A_805 = arith.constant 0 : i32
      %dma_wait3A_806 = arith.constant 0 : i32
      %dma_wait3A_807 = tpu.memref_slice %arg10[%dma_wait3A_805, %dma_wait3A_806] : memref<10240x32xf32, #tpu.memory_space<vmem_shared>> -> memref<10240x32xf32, #tpu.memory_space<vmem_shared>>
      %dma_wait3A_808 = tpu.memref_slice %arg12[%dma_wait3A_797] : memref<8x!tpu.dma_semaphore, #tpu.memory_space<semaphore_mem>> -> memref<1x!tpu.dma_semaphore, #tpu.memory_space<semaphore_mem>>
      %dma_wait3A_809 = tpu.memref_squeeze %dma_wait3A_808 : memref<1x!tpu.dma_semaphore, #tpu.memory_space<semaphore_mem>> -> memref<!tpu.dma_semaphore, #tpu.memory_space<semaphore_mem>>
      tpu.wait_indirect_dma semaphore(%dma_wait3A_809 : memref<!tpu.dma_semaphore, #tpu.memory_space<semaphore_mem>>) src(%dma_wait3A_801 : memref<64x32xf32, #tpu.memory_space<vmem>>) dst(%dma_wait3A_807 : memref<10240x32xf32, #tpu.memory_space<vmem_shared>>)
      %add3A_810 = arith.constant 8 : i32
      %add3A_811 = arith.addi %mul3A_537, %add3A_810 : i32
      %add3A_812 = arith.constant 0 : i32
      %add3A_813 = arith.addi %add3A_811, %add3A_812 : i32
      %dma_start3A_814 = arith.constant 0 : i32
      %dma_start3A_815 = arith.constant 0 : i32
      %dma_start3A_816 = arith.constant 0 : i32
      %dma_start3A_817 = arith.constant 0 : i32
      %dma_start3A_818 = tpu.memref_slice %arg9[%dma_start3A_814, %dma_start3A_816, %dma_start3A_817] : memref<8x64x32xf32, #tpu.memory_space<vmem>> -> memref<1x64x32xf32, #tpu.memory_space<vmem>>
      %dma_start3A_819 = tpu.memref_squeeze %dma_start3A_818 : memref<1x64x32xf32, #tpu.memory_space<vmem>> -> memref<64x32xf32, #tpu.memory_space<vmem>>
      %dma_start3A_820 = arith.constant 0 : i32
      %dma_start3A_821 = tpu.memref_slice %arg7[%add3A_813, %dma_start3A_820] : memref<304x64xi32, #tpu.memory_space<vmem>> -> memref<1x64xi32, #tpu.memory_space<vmem>>
      %dma_start3A_822 = tpu.memref_squeeze %dma_start3A_821 : memref<1x64xi32, #tpu.memory_space<vmem>> -> memref<64xi32, #tpu.memory_space<vmem>>
      %dma_start3A_823 = arith.constant 0 : i32
      %dma_start3A_824 = arith.constant 0 : i32
      %dma_start3A_825 = tpu.memref_slice %arg2[%dma_start3A_823, %dma_start3A_824] : memref<10240x32xf32, #tpu.memory_space<hbm>> -> memref<10240x32xf32, #tpu.memory_space<hbm>>
      %dma_start3A_826 = tpu.memref_slice %arg11[%dma_start3A_815] : memref<8x!tpu.dma_semaphore, #tpu.memory_space<semaphore_mem>> -> memref<1x!tpu.dma_semaphore, #tpu.memory_space<semaphore_mem>>
      %dma_start3A_827 = tpu.memref_squeeze %dma_start3A_826 : memref<1x!tpu.dma_semaphore, #tpu.memory_space<semaphore_mem>> -> memref<!tpu.dma_semaphore, #tpu.memory_space<semaphore_mem>>
      tpu.enqueue_indirect_dma source(%dma_start3A_825 : memref<10240x32xf32, #tpu.memory_space<hbm>>) target(%dma_start3A_819 : memref<64x32xf32, #tpu.memory_space<vmem>>) offsets(%dma_start3A_822 : memref<64xi32, #tpu.memory_space<vmem>>) semaphore(%dma_start3A_827 : memref<!tpu.dma_semaphore, #tpu.memory_space<semaphore_mem>>)
      %add3A_828 = arith.constant 1 : i32
      %add3A_829 = arith.addi %mul3A_537, %add3A_828 : i32
      %dma_wait3A_830 = arith.constant 1 : i32
      %dma_wait3A_831 = arith.constant 1 : i32
      %dma_wait3A_832 = arith.constant 0 : i32
      %dma_wait3A_833 = arith.constant 0 : i32
      %dma_wait3A_834 = tpu.memref_slice %arg9[%dma_wait3A_830, %dma_wait3A_832, %dma_wait3A_833] : memref<8x64x32xf32, #tpu.memory_space<vmem>> -> memref<1x64x32xf32, #tpu.memory_space<vmem>>
      %dma_wait3A_835 = tpu.memref_squeeze %dma_wait3A_834 : memref<1x64x32xf32, #tpu.memory_space<vmem>> -> memref<64x32xf32, #tpu.memory_space<vmem>>
      %dma_wait3A_836 = arith.constant 0 : i32
      %dma_wait3A_837 = tpu.memref_slice %arg8[%add3A_829, %dma_wait3A_836] : memref<304x64xi32, #tpu.memory_space<vmem>> -> memref<1x64xi32, #tpu.memory_space<vmem>>
      %dma_wait3A_838 = tpu.memref_squeeze %dma_wait3A_837 : memref<1x64xi32, #tpu.memory_space<vmem>> -> memref<64xi32, #tpu.memory_space<vmem>>
      %dma_wait3A_839 = arith.constant 0 : i32
      %dma_wait3A_840 = arith.constant 0 : i32
      %dma_wait3A_841 = tpu.memref_slice %arg10[%dma_wait3A_839, %dma_wait3A_840] : memref<10240x32xf32, #tpu.memory_space<vmem_shared>> -> memref<10240x32xf32, #tpu.memory_space<vmem_shared>>
      %dma_wait3A_842 = tpu.memref_slice %arg12[%dma_wait3A_831] : memref<8x!tpu.dma_semaphore, #tpu.memory_space<semaphore_mem>> -> memref<1x!tpu.dma_semaphore, #tpu.memory_space<semaphore_mem>>
      %dma_wait3A_843 = tpu.memref_squeeze %dma_wait3A_842 : memref<1x!tpu.dma_semaphore, #tpu.memory_space<semaphore_mem>> -> memref<!tpu.dma_semaphore, #tpu.memory_space<semaphore_mem>>
      tpu.wait_indirect_dma semaphore(%dma_wait3A_843 : memref<!tpu.dma_semaphore, #tpu.memory_space<semaphore_mem>>) src(%dma_wait3A_835 : memref<64x32xf32, #tpu.memory_space<vmem>>) dst(%dma_wait3A_841 : memref<10240x32xf32, #tpu.memory_space<vmem_shared>>)
      %add3A_844 = arith.constant 8 : i32
      %add3A_845 = arith.addi %mul3A_537, %add3A_844 : i32
      %add3A_846 = arith.constant 1 : i32
      %add3A_847 = arith.addi %add3A_845, %add3A_846 : i32
      %dma_start3A_848 = arith.constant 1 : i32
      %dma_start3A_849 = arith.constant 1 : i32
      %dma_start3A_850 = arith.constant 0 : i32
      %dma_start3A_851 = arith.constant 0 : i32
      %dma_start3A_852 = tpu.memref_slice %arg9[%dma_start3A_848, %dma_start3A_850, %dma_start3A_851] : memref<8x64x32xf32, #tpu.memory_space<vmem>> -> memref<1x64x32xf32, #tpu.memory_space<vmem>>
      %dma_start3A_853 = tpu.memref_squeeze %dma_start3A_852 : memref<1x64x32xf32, #tpu.memory_space<vmem>> -> memref<64x32xf32, #tpu.memory_space<vmem>>
      %dma_start3A_854 = arith.constant 0 : i32
      %dma_start3A_855 = tpu.memref_slice %arg7[%add3A_847, %dma_start3A_854] : memref<304x64xi32, #tpu.memory_space<vmem>> -> memref<1x64xi32, #tpu.memory_space<vmem>>
      %dma_start3A_856 = tpu.memref_squeeze %dma_start3A_855 : memref<1x64xi32, #tpu.memory_space<vmem>> -> memref<64xi32, #tpu.memory_space<vmem>>
      %dma_start3A_857 = arith.constant 0 : i32
      %dma_start3A_858 = arith.constant 0 : i32
      %dma_start3A_859 = tpu.memref_slice %arg2[%dma_start3A_857, %dma_start3A_858] : memref<10240x32xf32, #tpu.memory_space<hbm>> -> memref<10240x32xf32, #tpu.memory_space<hbm>>
      %dma_start3A_860 = tpu.memref_slice %arg11[%dma_start3A_849] : memref<8x!tpu.dma_semaphore, #tpu.memory_space<semaphore_mem>> -> memref<1x!tpu.dma_semaphore, #tpu.memory_space<semaphore_mem>>
      %dma_start3A_861 = tpu.memref_squeeze %dma_start3A_860 : memref<1x!tpu.dma_semaphore, #tpu.memory_space<semaphore_mem>> -> memref<!tpu.dma_semaphore, #tpu.memory_space<semaphore_mem>>
      tpu.enqueue_indirect_dma source(%dma_start3A_859 : memref<10240x32xf32, #tpu.memory_space<hbm>>) target(%dma_start3A_853 : memref<64x32xf32, #tpu.memory_space<vmem>>) offsets(%dma_start3A_856 : memref<64xi32, #tpu.memory_space<vmem>>) semaphore(%dma_start3A_861 : memref<!tpu.dma_semaphore, #tpu.memory_space<semaphore_mem>>)
      %add3A_862 = arith.constant 2 : i32
      %add3A_863 = arith.addi %mul3A_537, %add3A_862 : i32
      %dma_wait3A_864 = arith.constant 2 : i32
      %dma_wait3A_865 = arith.constant 2 : i32
      %dma_wait3A_866 = arith.constant 0 : i32
      %dma_wait3A_867 = arith.constant 0 : i32
      %dma_wait3A_868 = tpu.memref_slice %arg9[%dma_wait3A_864, %dma_wait3A_866, %dma_wait3A_867] : memref<8x64x32xf32, #tpu.memory_space<vmem>> -> memref<1x64x32xf32, #tpu.memory_space<vmem>>
      %dma_wait3A_869 = tpu.memref_squeeze %dma_wait3A_868 : memref<1x64x32xf32, #tpu.memory_space<vmem>> -> memref<64x32xf32, #tpu.memory_space<vmem>>
      %dma_wait3A_870 = arith.constant 0 : i32
      %dma_wait3A_871 = tpu.memref_slice %arg8[%add3A_863, %dma_wait3A_870] : memref<304x64xi32, #tpu.memory_space<vmem>> -> memref<1x64xi32, #tpu.memory_space<vmem>>
      %dma_wait3A_872 = tpu.memref_squeeze %dma_wait3A_871 : memref<1x64xi32, #tpu.memory_space<vmem>> -> memref<64xi32, #tpu.memory_space<vmem>>
      %dma_wait3A_873 = arith.constant 0 : i32
      %dma_wait3A_874 = arith.constant 0 : i32
      %dma_wait3A_875 = tpu.memref_slice %arg10[%dma_wait3A_873, %dma_wait3A_874] : memref<10240x32xf32, #tpu.memory_space<vmem_shared>> -> memref<10240x32xf32, #tpu.memory_space<vmem_shared>>
      %dma_wait3A_876 = tpu.memref_slice %arg12[%dma_wait3A_865] : memref<8x!tpu.dma_semaphore, #tpu.memory_space<semaphore_mem>> -> memref<1x!tpu.dma_semaphore, #tpu.memory_space<semaphore_mem>>
      %dma_wait3A_877 = tpu.memref_squeeze %dma_wait3A_876 : memref<1x!tpu.dma_semaphore, #tpu.memory_space<semaphore_mem>> -> memref<!tpu.dma_semaphore, #tpu.memory_space<semaphore_mem>>
      tpu.wait_indirect_dma semaphore(%dma_wait3A_877 : memref<!tpu.dma_semaphore, #tpu.memory_space<semaphore_mem>>) src(%dma_wait3A_869 : memref<64x32xf32, #tpu.memory_space<vmem>>) dst(%dma_wait3A_875 : memref<10240x32xf32, #tpu.memory_space<vmem_shared>>)
      %add3A_878 = arith.constant 8 : i32
      %add3A_879 = arith.addi %mul3A_537, %add3A_878 : i32
      %add3A_880 = arith.constant 2 : i32
      %add3A_881 = arith.addi %add3A_879, %add3A_880 : i32
      %dma_start3A_882 = arith.constant 2 : i32
      %dma_start3A_883 = arith.constant 2 : i32
      %dma_start3A_884 = arith.constant 0 : i32
      %dma_start3A_885 = arith.constant 0 : i32
      %dma_start3A_886 = tpu.memref_slice %arg9[%dma_start3A_882, %dma_start3A_884, %dma_start3A_885] : memref<8x64x32xf32, #tpu.memory_space<vmem>> -> memref<1x64x32xf32, #tpu.memory_space<vmem>>
      %dma_start3A_887 = tpu.memref_squeeze %dma_start3A_886 : memref<1x64x32xf32, #tpu.memory_space<vmem>> -> memref<64x32xf32, #tpu.memory_space<vmem>>
      %dma_start3A_888 = arith.constant 0 : i32
      %dma_start3A_889 = tpu.memref_slice %arg7[%add3A_881, %dma_start3A_888] : memref<304x64xi32, #tpu.memory_space<vmem>> -> memref<1x64xi32, #tpu.memory_space<vmem>>
      %dma_start3A_890 = tpu.memref_squeeze %dma_start3A_889 : memref<1x64xi32, #tpu.memory_space<vmem>> -> memref<64xi32, #tpu.memory_space<vmem>>
      %dma_start3A_891 = arith.constant 0 : i32
      %dma_start3A_892 = arith.constant 0 : i32
      %dma_start3A_893 = tpu.memref_slice %arg2[%dma_start3A_891, %dma_start3A_892] : memref<10240x32xf32, #tpu.memory_space<hbm>> -> memref<10240x32xf32, #tpu.memory_space<hbm>>
      %dma_start3A_894 = tpu.memref_slice %arg11[%dma_start3A_883] : memref<8x!tpu.dma_semaphore, #tpu.memory_space<semaphore_mem>> -> memref<1x!tpu.dma_semaphore, #tpu.memory_space<semaphore_mem>>
      %dma_start3A_895 = tpu.memref_squeeze %dma_start3A_894 : memref<1x!tpu.dma_semaphore, #tpu.memory_space<semaphore_mem>> -> memref<!tpu.dma_semaphore, #tpu.memory_space<semaphore_mem>>
      tpu.enqueue_indirect_dma source(%dma_start3A_893 : memref<10240x32xf32, #tpu.memory_space<hbm>>) target(%dma_start3A_887 : memref<64x32xf32, #tpu.memory_space<vmem>>) offsets(%dma_start3A_890 : memref<64xi32, #tpu.memory_space<vmem>>) semaphore(%dma_start3A_895 : memref<!tpu.dma_semaphore, #tpu.memory_space<semaphore_mem>>)
      %add3A_896 = arith.constant 3 : i32
      %add3A_897 = arith.addi %mul3A_537, %add3A_896 : i32
      %dma_wait3A_898 = arith.constant 3 : i32
      %dma_wait3A_899 = arith.constant 3 : i32
      %dma_wait3A_900 = arith.constant 0 : i32
      %dma_wait3A_901 = arith.constant 0 : i32
      %dma_wait3A_902 = tpu.memref_slice %arg9[%dma_wait3A_898, %dma_wait3A_900, %dma_wait3A_901] : memref<8x64x32xf32, #tpu.memory_space<vmem>> -> memref<1x64x32xf32, #tpu.memory_space<vmem>>
      %dma_wait3A_903 = tpu.memref_squeeze %dma_wait3A_902 : memref<1x64x32xf32, #tpu.memory_space<vmem>> -> memref<64x32xf32, #tpu.memory_space<vmem>>
      %dma_wait3A_904 = arith.constant 0 : i32
      %dma_wait3A_905 = tpu.memref_slice %arg8[%add3A_897, %dma_wait3A_904] : memref<304x64xi32, #tpu.memory_space<vmem>> -> memref<1x64xi32, #tpu.memory_space<vmem>>
      %dma_wait3A_906 = tpu.memref_squeeze %dma_wait3A_905 : memref<1x64xi32, #tpu.memory_space<vmem>> -> memref<64xi32, #tpu.memory_space<vmem>>
      %dma_wait3A_907 = arith.constant 0 : i32
      %dma_wait3A_908 = arith.constant 0 : i32
      %dma_wait3A_909 = tpu.memref_slice %arg10[%dma_wait3A_907, %dma_wait3A_908] : memref<10240x32xf32, #tpu.memory_space<vmem_shared>> -> memref<10240x32xf32, #tpu.memory_space<vmem_shared>>
      %dma_wait3A_910 = tpu.memref_slice %arg12[%dma_wait3A_899] : memref<8x!tpu.dma_semaphore, #tpu.memory_space<semaphore_mem>> -> memref<1x!tpu.dma_semaphore, #tpu.memory_space<semaphore_mem>>
      %dma_wait3A_911 = tpu.memref_squeeze %dma_wait3A_910 : memref<1x!tpu.dma_semaphore, #tpu.memory_space<semaphore_mem>> -> memref<!tpu.dma_semaphore, #tpu.memory_space<semaphore_mem>>
      tpu.wait_indirect_dma semaphore(%dma_wait3A_911 : memref<!tpu.dma_semaphore, #tpu.memory_space<semaphore_mem>>) src(%dma_wait3A_903 : memref<64x32xf32, #tpu.memory_space<vmem>>) dst(%dma_wait3A_909 : memref<10240x32xf32, #tpu.memory_space<vmem_shared>>)
      %add3A_912 = arith.constant 8 : i32
      %add3A_913 = arith.addi %mul3A_537, %add3A_912 : i32
      %add3A_914 = arith.constant 3 : i32
      %add3A_915 = arith.addi %add3A_913, %add3A_914 : i32
      %dma_start3A_916 = arith.constant 3 : i32
      %dma_start3A_917 = arith.constant 3 : i32
      %dma_start3A_918 = arith.constant 0 : i32
      %dma_start3A_919 = arith.constant 0 : i32
      %dma_start3A_920 = tpu.memref_slice %arg9[%dma_start3A_916, %dma_start3A_918, %dma_start3A_919] : memref<8x64x32xf32, #tpu.memory_space<vmem>> -> memref<1x64x32xf32, #tpu.memory_space<vmem>>
      %dma_start3A_921 = tpu.memref_squeeze %dma_start3A_920 : memref<1x64x32xf32, #tpu.memory_space<vmem>> -> memref<64x32xf32, #tpu.memory_space<vmem>>
      %dma_start3A_922 = arith.constant 0 : i32
      %dma_start3A_923 = tpu.memref_slice %arg7[%add3A_915, %dma_start3A_922] : memref<304x64xi32, #tpu.memory_space<vmem>> -> memref<1x64xi32, #tpu.memory_space<vmem>>
      %dma_start3A_924 = tpu.memref_squeeze %dma_start3A_923 : memref<1x64xi32, #tpu.memory_space<vmem>> -> memref<64xi32, #tpu.memory_space<vmem>>
      %dma_start3A_925 = arith.constant 0 : i32
      %dma_start3A_926 = arith.constant 0 : i32
      %dma_start3A_927 = tpu.memref_slice %arg2[%dma_start3A_925, %dma_start3A_926] : memref<10240x32xf32, #tpu.memory_space<hbm>> -> memref<10240x32xf32, #tpu.memory_space<hbm>>
      %dma_start3A_928 = tpu.memref_slice %arg11[%dma_start3A_917] : memref<8x!tpu.dma_semaphore, #tpu.memory_space<semaphore_mem>> -> memref<1x!tpu.dma_semaphore, #tpu.memory_space<semaphore_mem>>
      %dma_start3A_929 = tpu.memref_squeeze %dma_start3A_928 : memref<1x!tpu.dma_semaphore, #tpu.memory_space<semaphore_mem>> -> memref<!tpu.dma_semaphore, #tpu.memory_space<semaphore_mem>>
      tpu.enqueue_indirect_dma source(%dma_start3A_927 : memref<10240x32xf32, #tpu.memory_space<hbm>>) target(%dma_start3A_921 : memref<64x32xf32, #tpu.memory_space<vmem>>) offsets(%dma_start3A_924 : memref<64xi32, #tpu.memory_space<vmem>>) semaphore(%dma_start3A_929 : memref<!tpu.dma_semaphore, #tpu.memory_space<semaphore_mem>>)
      %add3A_930 = arith.constant 4 : i32
      %add3A_931 = arith.addi %mul3A_537, %add3A_930 : i32
      %dma_wait3A_932 = arith.constant 4 : i32
      %dma_wait3A_933 = arith.constant 4 : i32
      %dma_wait3A_934 = arith.constant 0 : i32
      %dma_wait3A_935 = arith.constant 0 : i32
      %dma_wait3A_936 = tpu.memref_slice %arg9[%dma_wait3A_932, %dma_wait3A_934, %dma_wait3A_935] : memref<8x64x32xf32, #tpu.memory_space<vmem>> -> memref<1x64x32xf32, #tpu.memory_space<vmem>>
      %dma_wait3A_937 = tpu.memref_squeeze %dma_wait3A_936 : memref<1x64x32xf32, #tpu.memory_space<vmem>> -> memref<64x32xf32, #tpu.memory_space<vmem>>
      %dma_wait3A_938 = arith.constant 0 : i32
      %dma_wait3A_939 = tpu.memref_slice %arg8[%add3A_931, %dma_wait3A_938] : memref<304x64xi32, #tpu.memory_space<vmem>> -> memref<1x64xi32, #tpu.memory_space<vmem>>
      %dma_wait3A_940 = tpu.memref_squeeze %dma_wait3A_939 : memref<1x64xi32, #tpu.memory_space<vmem>> -> memref<64xi32, #tpu.memory_space<vmem>>
      %dma_wait3A_941 = arith.constant 0 : i32
      %dma_wait3A_942 = arith.constant 0 : i32
      %dma_wait3A_943 = tpu.memref_slice %arg10[%dma_wait3A_941, %dma_wait3A_942] : memref<10240x32xf32, #tpu.memory_space<vmem_shared>> -> memref<10240x32xf32, #tpu.memory_space<vmem_shared>>
      %dma_wait3A_944 = tpu.memref_slice %arg12[%dma_wait3A_933] : memref<8x!tpu.dma_semaphore, #tpu.memory_space<semaphore_mem>> -> memref<1x!tpu.dma_semaphore, #tpu.memory_space<semaphore_mem>>
      %dma_wait3A_945 = tpu.memref_squeeze %dma_wait3A_944 : memref<1x!tpu.dma_semaphore, #tpu.memory_space<semaphore_mem>> -> memref<!tpu.dma_semaphore, #tpu.memory_space<semaphore_mem>>
      tpu.wait_indirect_dma semaphore(%dma_wait3A_945 : memref<!tpu.dma_semaphore, #tpu.memory_space<semaphore_mem>>) src(%dma_wait3A_937 : memref<64x32xf32, #tpu.memory_space<vmem>>) dst(%dma_wait3A_943 : memref<10240x32xf32, #tpu.memory_space<vmem_shared>>)
      %add3A_946 = arith.constant 8 : i32
      %add3A_947 = arith.addi %mul3A_537, %add3A_946 : i32
      %add3A_948 = arith.constant 4 : i32
      %add3A_949 = arith.addi %add3A_947, %add3A_948 : i32
      %dma_start3A_950 = arith.constant 4 : i32
      %dma_start3A_951 = arith.constant 4 : i32
      %dma_start3A_952 = arith.constant 0 : i32
      %dma_start3A_953 = arith.constant 0 : i32
      %dma_start3A_954 = tpu.memref_slice %arg9[%dma_start3A_950, %dma_start3A_952, %dma_start3A_953] : memref<8x64x32xf32, #tpu.memory_space<vmem>> -> memref<1x64x32xf32, #tpu.memory_space<vmem>>
      %dma_start3A_955 = tpu.memref_squeeze %dma_start3A_954 : memref<1x64x32xf32, #tpu.memory_space<vmem>> -> memref<64x32xf32, #tpu.memory_space<vmem>>
      %dma_start3A_956 = arith.constant 0 : i32
      %dma_start3A_957 = tpu.memref_slice %arg7[%add3A_949, %dma_start3A_956] : memref<304x64xi32, #tpu.memory_space<vmem>> -> memref<1x64xi32, #tpu.memory_space<vmem>>
      %dma_start3A_958 = tpu.memref_squeeze %dma_start3A_957 : memref<1x64xi32, #tpu.memory_space<vmem>> -> memref<64xi32, #tpu.memory_space<vmem>>
      %dma_start3A_959 = arith.constant 0 : i32
      %dma_start3A_960 = arith.constant 0 : i32
      %dma_start3A_961 = tpu.memref_slice %arg2[%dma_start3A_959, %dma_start3A_960] : memref<10240x32xf32, #tpu.memory_space<hbm>> -> memref<10240x32xf32, #tpu.memory_space<hbm>>
      %dma_start3A_962 = tpu.memref_slice %arg11[%dma_start3A_951] : memref<8x!tpu.dma_semaphore, #tpu.memory_space<semaphore_mem>> -> memref<1x!tpu.dma_semaphore, #tpu.memory_space<semaphore_mem>>
      %dma_start3A_963 = tpu.memref_squeeze %dma_start3A_962 : memref<1x!tpu.dma_semaphore, #tpu.memory_space<semaphore_mem>> -> memref<!tpu.dma_semaphore, #tpu.memory_space<semaphore_mem>>
      tpu.enqueue_indirect_dma source(%dma_start3A_961 : memref<10240x32xf32, #tpu.memory_space<hbm>>) target(%dma_start3A_955 : memref<64x32xf32, #tpu.memory_space<vmem>>) offsets(%dma_start3A_958 : memref<64xi32, #tpu.memory_space<vmem>>) semaphore(%dma_start3A_963 : memref<!tpu.dma_semaphore, #tpu.memory_space<semaphore_mem>>)
      %add3A_964 = arith.constant 5 : i32
      %add3A_965 = arith.addi %mul3A_537, %add3A_964 : i32
      %dma_wait3A_966 = arith.constant 5 : i32
      %dma_wait3A_967 = arith.constant 5 : i32
      %dma_wait3A_968 = arith.constant 0 : i32
      %dma_wait3A_969 = arith.constant 0 : i32
      %dma_wait3A_970 = tpu.memref_slice %arg9[%dma_wait3A_966, %dma_wait3A_968, %dma_wait3A_969] : memref<8x64x32xf32, #tpu.memory_space<vmem>> -> memref<1x64x32xf32, #tpu.memory_space<vmem>>
      %dma_wait3A_971 = tpu.memref_squeeze %dma_wait3A_970 : memref<1x64x32xf32, #tpu.memory_space<vmem>> -> memref<64x32xf32, #tpu.memory_space<vmem>>
      %dma_wait3A_972 = arith.constant 0 : i32
      %dma_wait3A_973 = tpu.memref_slice %arg8[%add3A_965, %dma_wait3A_972] : memref<304x64xi32, #tpu.memory_space<vmem>> -> memref<1x64xi32, #tpu.memory_space<vmem>>
      %dma_wait3A_974 = tpu.memref_squeeze %dma_wait3A_973 : memref<1x64xi32, #tpu.memory_space<vmem>> -> memref<64xi32, #tpu.memory_space<vmem>>
      %dma_wait3A_975 = arith.constant 0 : i32
      %dma_wait3A_976 = arith.constant 0 : i32
      %dma_wait3A_977 = tpu.memref_slice %arg10[%dma_wait3A_975, %dma_wait3A_976] : memref<10240x32xf32, #tpu.memory_space<vmem_shared>> -> memref<10240x32xf32, #tpu.memory_space<vmem_shared>>
      %dma_wait3A_978 = tpu.memref_slice %arg12[%dma_wait3A_967] : memref<8x!tpu.dma_semaphore, #tpu.memory_space<semaphore_mem>> -> memref<1x!tpu.dma_semaphore, #tpu.memory_space<semaphore_mem>>
      %dma_wait3A_979 = tpu.memref_squeeze %dma_wait3A_978 : memref<1x!tpu.dma_semaphore, #tpu.memory_space<semaphore_mem>> -> memref<!tpu.dma_semaphore, #tpu.memory_space<semaphore_mem>>
      tpu.wait_indirect_dma semaphore(%dma_wait3A_979 : memref<!tpu.dma_semaphore, #tpu.memory_space<semaphore_mem>>) src(%dma_wait3A_971 : memref<64x32xf32, #tpu.memory_space<vmem>>) dst(%dma_wait3A_977 : memref<10240x32xf32, #tpu.memory_space<vmem_shared>>)
      %add3A_980 = arith.constant 8 : i32
      %add3A_981 = arith.addi %mul3A_537, %add3A_980 : i32
      %add3A_982 = arith.constant 5 : i32
      %add3A_983 = arith.addi %add3A_981, %add3A_982 : i32
      %dma_start3A_984 = arith.constant 5 : i32
      %dma_start3A_985 = arith.constant 5 : i32
      %dma_start3A_986 = arith.constant 0 : i32
      %dma_start3A_987 = arith.constant 0 : i32
      %dma_start3A_988 = tpu.memref_slice %arg9[%dma_start3A_984, %dma_start3A_986, %dma_start3A_987] : memref<8x64x32xf32, #tpu.memory_space<vmem>> -> memref<1x64x32xf32, #tpu.memory_space<vmem>>
      %dma_start3A_989 = tpu.memref_squeeze %dma_start3A_988 : memref<1x64x32xf32, #tpu.memory_space<vmem>> -> memref<64x32xf32, #tpu.memory_space<vmem>>
      %dma_start3A_990 = arith.constant 0 : i32
      %dma_start3A_991 = tpu.memref_slice %arg7[%add3A_983, %dma_start3A_990] : memref<304x64xi32, #tpu.memory_space<vmem>> -> memref<1x64xi32, #tpu.memory_space<vmem>>
      %dma_start3A_992 = tpu.memref_squeeze %dma_start3A_991 : memref<1x64xi32, #tpu.memory_space<vmem>> -> memref<64xi32, #tpu.memory_space<vmem>>
      %dma_start3A_993 = arith.constant 0 : i32
      %dma_start3A_994 = arith.constant 0 : i32
      %dma_start3A_995 = tpu.memref_slice %arg2[%dma_start3A_993, %dma_start3A_994] : memref<10240x32xf32, #tpu.memory_space<hbm>> -> memref<10240x32xf32, #tpu.memory_space<hbm>>
      %dma_start3A_996 = tpu.memref_slice %arg11[%dma_start3A_985] : memref<8x!tpu.dma_semaphore, #tpu.memory_space<semaphore_mem>> -> memref<1x!tpu.dma_semaphore, #tpu.memory_space<semaphore_mem>>
      %dma_start3A_997 = tpu.memref_squeeze %dma_start3A_996 : memref<1x!tpu.dma_semaphore, #tpu.memory_space<semaphore_mem>> -> memref<!tpu.dma_semaphore, #tpu.memory_space<semaphore_mem>>
      tpu.enqueue_indirect_dma source(%dma_start3A_995 : memref<10240x32xf32, #tpu.memory_space<hbm>>) target(%dma_start3A_989 : memref<64x32xf32, #tpu.memory_space<vmem>>) offsets(%dma_start3A_992 : memref<64xi32, #tpu.memory_space<vmem>>) semaphore(%dma_start3A_997 : memref<!tpu.dma_semaphore, #tpu.memory_space<semaphore_mem>>)
      %add3A_998 = arith.constant 6 : i32
      %add3A_999 = arith.addi %mul3A_537, %add3A_998 : i32
      %dma_wait3A_1000 = arith.constant 6 : i32
      %dma_wait3A_1001 = arith.constant 6 : i32
      %dma_wait3A_1002 = arith.constant 0 : i32
      %dma_wait3A_1003 = arith.constant 0 : i32
      %dma_wait3A_1004 = tpu.memref_slice %arg9[%dma_wait3A_1000, %dma_wait3A_1002, %dma_wait3A_1003] : memref<8x64x32xf32, #tpu.memory_space<vmem>> -> memref<1x64x32xf32, #tpu.memory_space<vmem>>
      %dma_wait3A_1005 = tpu.memref_squeeze %dma_wait3A_1004 : memref<1x64x32xf32, #tpu.memory_space<vmem>> -> memref<64x32xf32, #tpu.memory_space<vmem>>
      %dma_wait3A_1006 = arith.constant 0 : i32
      %dma_wait3A_1007 = tpu.memref_slice %arg8[%add3A_999, %dma_wait3A_1006] : memref<304x64xi32, #tpu.memory_space<vmem>> -> memref<1x64xi32, #tpu.memory_space<vmem>>
      %dma_wait3A_1008 = tpu.memref_squeeze %dma_wait3A_1007 : memref<1x64xi32, #tpu.memory_space<vmem>> -> memref<64xi32, #tpu.memory_space<vmem>>
      %dma_wait3A_1009 = arith.constant 0 : i32
      %dma_wait3A_1010 = arith.constant 0 : i32
      %dma_wait3A_1011 = tpu.memref_slice %arg10[%dma_wait3A_1009, %dma_wait3A_1010] : memref<10240x32xf32, #tpu.memory_space<vmem_shared>> -> memref<10240x32xf32, #tpu.memory_space<vmem_shared>>
      %dma_wait3A_1012 = tpu.memref_slice %arg12[%dma_wait3A_1001] : memref<8x!tpu.dma_semaphore, #tpu.memory_space<semaphore_mem>> -> memref<1x!tpu.dma_semaphore, #tpu.memory_space<semaphore_mem>>
      %dma_wait3A_1013 = tpu.memref_squeeze %dma_wait3A_1012 : memref<1x!tpu.dma_semaphore, #tpu.memory_space<semaphore_mem>> -> memref<!tpu.dma_semaphore, #tpu.memory_space<semaphore_mem>>
      tpu.wait_indirect_dma semaphore(%dma_wait3A_1013 : memref<!tpu.dma_semaphore, #tpu.memory_space<semaphore_mem>>) src(%dma_wait3A_1005 : memref<64x32xf32, #tpu.memory_space<vmem>>) dst(%dma_wait3A_1011 : memref<10240x32xf32, #tpu.memory_space<vmem_shared>>)
      %add3A_1014 = arith.constant 8 : i32
      %add3A_1015 = arith.addi %mul3A_537, %add3A_1014 : i32
      %add3A_1016 = arith.constant 6 : i32
      %add3A_1017 = arith.addi %add3A_1015, %add3A_1016 : i32
      %dma_start3A_1018 = arith.constant 6 : i32
      %dma_start3A_1019 = arith.constant 6 : i32
      %dma_start3A_1020 = arith.constant 0 : i32
      %dma_start3A_1021 = arith.constant 0 : i32
      %dma_start3A_1022 = tpu.memref_slice %arg9[%dma_start3A_1018, %dma_start3A_1020, %dma_start3A_1021] : memref<8x64x32xf32, #tpu.memory_space<vmem>> -> memref<1x64x32xf32, #tpu.memory_space<vmem>>
      %dma_start3A_1023 = tpu.memref_squeeze %dma_start3A_1022 : memref<1x64x32xf32, #tpu.memory_space<vmem>> -> memref<64x32xf32, #tpu.memory_space<vmem>>
      %dma_start3A_1024 = arith.constant 0 : i32
      %dma_start3A_1025 = tpu.memref_slice %arg7[%add3A_1017, %dma_start3A_1024] : memref<304x64xi32, #tpu.memory_space<vmem>> -> memref<1x64xi32, #tpu.memory_space<vmem>>
      %dma_start3A_1026 = tpu.memref_squeeze %dma_start3A_1025 : memref<1x64xi32, #tpu.memory_space<vmem>> -> memref<64xi32, #tpu.memory_space<vmem>>
      %dma_start3A_1027 = arith.constant 0 : i32
      %dma_start3A_1028 = arith.constant 0 : i32
      %dma_start3A_1029 = tpu.memref_slice %arg2[%dma_start3A_1027, %dma_start3A_1028] : memref<10240x32xf32, #tpu.memory_space<hbm>> -> memref<10240x32xf32, #tpu.memory_space<hbm>>
      %dma_start3A_1030 = tpu.memref_slice %arg11[%dma_start3A_1019] : memref<8x!tpu.dma_semaphore, #tpu.memory_space<semaphore_mem>> -> memref<1x!tpu.dma_semaphore, #tpu.memory_space<semaphore_mem>>
      %dma_start3A_1031 = tpu.memref_squeeze %dma_start3A_1030 : memref<1x!tpu.dma_semaphore, #tpu.memory_space<semaphore_mem>> -> memref<!tpu.dma_semaphore, #tpu.memory_space<semaphore_mem>>
      tpu.enqueue_indirect_dma source(%dma_start3A_1029 : memref<10240x32xf32, #tpu.memory_space<hbm>>) target(%dma_start3A_1023 : memref<64x32xf32, #tpu.memory_space<vmem>>) offsets(%dma_start3A_1026 : memref<64xi32, #tpu.memory_space<vmem>>) semaphore(%dma_start3A_1031 : memref<!tpu.dma_semaphore, #tpu.memory_space<semaphore_mem>>)
      %add3A_1032 = arith.constant 7 : i32
      %add3A_1033 = arith.addi %mul3A_537, %add3A_1032 : i32
      %dma_wait3A_1034 = arith.constant 7 : i32
      %dma_wait3A_1035 = arith.constant 7 : i32
      %dma_wait3A_1036 = arith.constant 0 : i32
      %dma_wait3A_1037 = arith.constant 0 : i32
      %dma_wait3A_1038 = tpu.memref_slice %arg9[%dma_wait3A_1034, %dma_wait3A_1036, %dma_wait3A_1037] : memref<8x64x32xf32, #tpu.memory_space<vmem>> -> memref<1x64x32xf32, #tpu.memory_space<vmem>>
      %dma_wait3A_1039 = tpu.memref_squeeze %dma_wait3A_1038 : memref<1x64x32xf32, #tpu.memory_space<vmem>> -> memref<64x32xf32, #tpu.memory_space<vmem>>
      %dma_wait3A_1040 = arith.constant 0 : i32
      %dma_wait3A_1041 = tpu.memref_slice %arg8[%add3A_1033, %dma_wait3A_1040] : memref<304x64xi32, #tpu.memory_space<vmem>> -> memref<1x64xi32, #tpu.memory_space<vmem>>
      %dma_wait3A_1042 = tpu.memref_squeeze %dma_wait3A_1041 : memref<1x64xi32, #tpu.memory_space<vmem>> -> memref<64xi32, #tpu.memory_space<vmem>>
      %dma_wait3A_1043 = arith.constant 0 : i32
      %dma_wait3A_1044 = arith.constant 0 : i32
      %dma_wait3A_1045 = tpu.memref_slice %arg10[%dma_wait3A_1043, %dma_wait3A_1044] : memref<10240x32xf32, #tpu.memory_space<vmem_shared>> -> memref<10240x32xf32, #tpu.memory_space<vmem_shared>>
      %dma_wait3A_1046 = tpu.memref_slice %arg12[%dma_wait3A_1035] : memref<8x!tpu.dma_semaphore, #tpu.memory_space<semaphore_mem>> -> memref<1x!tpu.dma_semaphore, #tpu.memory_space<semaphore_mem>>
      %dma_wait3A_1047 = tpu.memref_squeeze %dma_wait3A_1046 : memref<1x!tpu.dma_semaphore, #tpu.memory_space<semaphore_mem>> -> memref<!tpu.dma_semaphore, #tpu.memory_space<semaphore_mem>>
      tpu.wait_indirect_dma semaphore(%dma_wait3A_1047 : memref<!tpu.dma_semaphore, #tpu.memory_space<semaphore_mem>>) src(%dma_wait3A_1039 : memref<64x32xf32, #tpu.memory_space<vmem>>) dst(%dma_wait3A_1045 : memref<10240x32xf32, #tpu.memory_space<vmem_shared>>)
      %add3A_1048 = arith.constant 8 : i32
      %add3A_1049 = arith.addi %mul3A_537, %add3A_1048 : i32
      %add3A_1050 = arith.constant 7 : i32
      %add3A_1051 = arith.addi %add3A_1049, %add3A_1050 : i32
      %dma_start3A_1052 = arith.constant 7 : i32
      %dma_start3A_1053 = arith.constant 7 : i32
      %dma_start3A_1054 = arith.constant 0 : i32
      %dma_start3A_1055 = arith.constant 0 : i32
      %dma_start3A_1056 = tpu.memref_slice %arg9[%dma_start3A_1052, %dma_start3A_1054, %dma_start3A_1055] : memref<8x64x32xf32, #tpu.memory_space<vmem>> -> memref<1x64x32xf32, #tpu.memory_space<vmem>>
      %dma_start3A_1057 = tpu.memref_squeeze %dma_start3A_1056 : memref<1x64x32xf32, #tpu.memory_space<vmem>> -> memref<64x32xf32, #tpu.memory_space<vmem>>
      %dma_start3A_1058 = arith.constant 0 : i32
      %dma_start3A_1059 = tpu.memref_slice %arg7[%add3A_1051, %dma_start3A_1058] : memref<304x64xi32, #tpu.memory_space<vmem>> -> memref<1x64xi32, #tpu.memory_space<vmem>>
      %dma_start3A_1060 = tpu.memref_squeeze %dma_start3A_1059 : memref<1x64xi32, #tpu.memory_space<vmem>> -> memref<64xi32, #tpu.memory_space<vmem>>
      %dma_start3A_1061 = arith.constant 0 : i32
      %dma_start3A_1062 = arith.constant 0 : i32
      %dma_start3A_1063 = tpu.memref_slice %arg2[%dma_start3A_1061, %dma_start3A_1062] : memref<10240x32xf32, #tpu.memory_space<hbm>> -> memref<10240x32xf32, #tpu.memory_space<hbm>>
      %dma_start3A_1064 = tpu.memref_slice %arg11[%dma_start3A_1053] : memref<8x!tpu.dma_semaphore, #tpu.memory_space<semaphore_mem>> -> memref<1x!tpu.dma_semaphore, #tpu.memory_space<semaphore_mem>>
      %dma_start3A_1065 = tpu.memref_squeeze %dma_start3A_1064 : memref<1x!tpu.dma_semaphore, #tpu.memory_space<semaphore_mem>> -> memref<!tpu.dma_semaphore, #tpu.memory_space<semaphore_mem>>
      tpu.enqueue_indirect_dma source(%dma_start3A_1063 : memref<10240x32xf32, #tpu.memory_space<hbm>>) target(%dma_start3A_1057 : memref<64x32xf32, #tpu.memory_space<vmem>>) offsets(%dma_start3A_1060 : memref<64xi32, #tpu.memory_space<vmem>>) semaphore(%dma_start3A_1065 : memref<!tpu.dma_semaphore, #tpu.memory_space<semaphore_mem>>)
    }
    %while3A_146 = arith.constant 1 : i32
    scf.for %while3A_535 = %while3A_144 to %while3A_140 step %while3A_146  : i32 {
      %mul3A_536 = arith.constant 8 : i32
      %mul3A_537 = arith.muli %while3A_535, %mul3A_536 : i32
      %add3A_538 = arith.constant 0 : i32
      %add3A_539 = arith.addi %mul3A_537, %add3A_538 : i32
      %dma_wait3A_540 = arith.constant 0 : i32
      %dma_wait3A_541 = arith.constant 0 : i32
      %dma_wait3A_542 = arith.constant 0 : i32
      %dma_wait3A_543 = arith.constant 0 : i32
      %dma_wait3A_544 = tpu.memref_slice %arg9[%dma_wait3A_540, %dma_wait3A_542, %dma_wait3A_543] : memref<8x64x32xf32, #tpu.memory_space<vmem>> -> memref<1x64x32xf32, #tpu.memory_space<vmem>>
      %dma_wait3A_545 = tpu.memref_squeeze %dma_wait3A_544 : memref<1x64x32xf32, #tpu.memory_space<vmem>> -> memref<64x32xf32, #tpu.memory_space<vmem>>
      %dma_wait3A_546 = arith.constant 0 : i32
      %dma_wait3A_547 = tpu.memref_slice %arg7[%add3A_539, %dma_wait3A_546] : memref<304x64xi32, #tpu.memory_space<vmem>> -> memref<1x64xi32, #tpu.memory_space<vmem>>
      %dma_wait3A_548 = tpu.memref_squeeze %dma_wait3A_547 : memref<1x64xi32, #tpu.memory_space<vmem>> -> memref<64xi32, #tpu.memory_space<vmem>>
      %dma_wait3A_549 = arith.constant 0 : i32
      %dma_wait3A_550 = arith.constant 0 : i32
      %dma_wait3A_551 = tpu.memref_slice %arg2[%dma_wait3A_549, %dma_wait3A_550] : memref<10240x32xf32, #tpu.memory_space<hbm>> -> memref<10240x32xf32, #tpu.memory_space<hbm>>
      %dma_wait3A_552 = tpu.memref_slice %arg11[%dma_wait3A_541] : memref<8x!tpu.dma_semaphore, #tpu.memory_space<semaphore_mem>> -> memref<1x!tpu.dma_semaphore, #tpu.memory_space<semaphore_mem>>
      %dma_wait3A_553 = tpu.memref_squeeze %dma_wait3A_552 : memref<1x!tpu.dma_semaphore, #tpu.memory_space<semaphore_mem>> -> memref<!tpu.dma_semaphore, #tpu.memory_space<semaphore_mem>>
      tpu.wait_indirect_dma semaphore(%dma_wait3A_553 : memref<!tpu.dma_semaphore, #tpu.memory_space<semaphore_mem>>) src(%dma_wait3A_551 : memref<10240x32xf32, #tpu.memory_space<hbm>>) dst(%dma_wait3A_545 : memref<64x32xf32, #tpu.memory_space<vmem>>)
      %add3A_554 = arith.constant 0 : i32
      %add3A_555 = arith.addi %mul3A_537, %add3A_554 : i32
      %dma_start3A_556 = arith.constant 0 : i32
      %dma_start3A_557 = arith.constant 0 : i32
      %dma_start3A_558 = arith.constant 0 : i32
      %dma_start3A_559 = arith.constant 0 : i32
      %dma_start3A_560 = tpu.memref_slice %arg9[%dma_start3A_556, %dma_start3A_558, %dma_start3A_559] : memref<8x64x32xf32, #tpu.memory_space<vmem>> -> memref<1x64x32xf32, #tpu.memory_space<vmem>>
      %dma_start3A_561 = tpu.memref_squeeze %dma_start3A_560 : memref<1x64x32xf32, #tpu.memory_space<vmem>> -> memref<64x32xf32, #tpu.memory_space<vmem>>
      %dma_start3A_562 = arith.constant 0 : i32
      %dma_start3A_563 = tpu.memref_slice %arg8[%add3A_555, %dma_start3A_562] : memref<304x64xi32, #tpu.memory_space<vmem>> -> memref<1x64xi32, #tpu.memory_space<vmem>>
      %dma_start3A_564 = tpu.memref_squeeze %dma_start3A_563 : memref<1x64xi32, #tpu.memory_space<vmem>> -> memref<64xi32, #tpu.memory_space<vmem>>
      %dma_start3A_565 = arith.constant 0 : i32
      %dma_start3A_566 = arith.constant 0 : i32
      %dma_start3A_567 = tpu.memref_slice %arg10[%dma_start3A_565, %dma_start3A_566] : memref<10240x32xf32, #tpu.memory_space<vmem_shared>> -> memref<10240x32xf32, #tpu.memory_space<vmem_shared>>
      %dma_start3A_568 = tpu.memref_slice %arg12[%dma_start3A_557] : memref<8x!tpu.dma_semaphore, #tpu.memory_space<semaphore_mem>> -> memref<1x!tpu.dma_semaphore, #tpu.memory_space<semaphore_mem>>
      %dma_start3A_569 = tpu.memref_squeeze %dma_start3A_568 : memref<1x!tpu.dma_semaphore, #tpu.memory_space<semaphore_mem>> -> memref<!tpu.dma_semaphore, #tpu.memory_space<semaphore_mem>>
      tpu.enqueue_indirect_dma source(%dma_start3A_561 : memref<64x32xf32, #tpu.memory_space<vmem>>) target(%dma_start3A_567 : memref<10240x32xf32, #tpu.memory_space<vmem_shared>>) offsets(%dma_start3A_564 : memref<64xi32, #tpu.memory_space<vmem>>) semaphore(%dma_start3A_569 : memref<!tpu.dma_semaphore, #tpu.memory_space<semaphore_mem>>) {add = true}
      %add3A_570 = arith.constant 1 : i32
      %add3A_571 = arith.addi %mul3A_537, %add3A_570 : i32
      %dma_wait3A_572 = arith.constant 1 : i32
      %dma_wait3A_573 = arith.constant 1 : i32
      %dma_wait3A_574 = arith.constant 0 : i32
      %dma_wait3A_575 = arith.constant 0 : i32
      %dma_wait3A_576 = tpu.memref_slice %arg9[%dma_wait3A_572, %dma_wait3A_574, %dma_wait3A_575] : memref<8x64x32xf32, #tpu.memory_space<vmem>> -> memref<1x64x32xf32, #tpu.memory_space<vmem>>
      %dma_wait3A_577 = tpu.memref_squeeze %dma_wait3A_576 : memref<1x64x32xf32, #tpu.memory_space<vmem>> -> memref<64x32xf32, #tpu.memory_space<vmem>>
      %dma_wait3A_578 = arith.constant 0 : i32
      %dma_wait3A_579 = tpu.memref_slice %arg7[%add3A_571, %dma_wait3A_578] : memref<304x64xi32, #tpu.memory_space<vmem>> -> memref<1x64xi32, #tpu.memory_space<vmem>>
      %dma_wait3A_580 = tpu.memref_squeeze %dma_wait3A_579 : memref<1x64xi32, #tpu.memory_space<vmem>> -> memref<64xi32, #tpu.memory_space<vmem>>
      %dma_wait3A_581 = arith.constant 0 : i32
      %dma_wait3A_582 = arith.constant 0 : i32
      %dma_wait3A_583 = tpu.memref_slice %arg2[%dma_wait3A_581, %dma_wait3A_582] : memref<10240x32xf32, #tpu.memory_space<hbm>> -> memref<10240x32xf32, #tpu.memory_space<hbm>>
      %dma_wait3A_584 = tpu.memref_slice %arg11[%dma_wait3A_573] : memref<8x!tpu.dma_semaphore, #tpu.memory_space<semaphore_mem>> -> memref<1x!tpu.dma_semaphore, #tpu.memory_space<semaphore_mem>>
      %dma_wait3A_585 = tpu.memref_squeeze %dma_wait3A_584 : memref<1x!tpu.dma_semaphore, #tpu.memory_space<semaphore_mem>> -> memref<!tpu.dma_semaphore, #tpu.memory_space<semaphore_mem>>
      tpu.wait_indirect_dma semaphore(%dma_wait3A_585 : memref<!tpu.dma_semaphore, #tpu.memory_space<semaphore_mem>>) src(%dma_wait3A_583 : memref<10240x32xf32, #tpu.memory_space<hbm>>) dst(%dma_wait3A_577 : memref<64x32xf32, #tpu.memory_space<vmem>>)
      %add3A_586 = arith.constant 1 : i32
      %add3A_587 = arith.addi %mul3A_537, %add3A_586 : i32
      %dma_start3A_588 = arith.constant 1 : i32
      %dma_start3A_589 = arith.constant 1 : i32
      %dma_start3A_590 = arith.constant 0 : i32
      %dma_start3A_591 = arith.constant 0 : i32
      %dma_start3A_592 = tpu.memref_slice %arg9[%dma_start3A_588, %dma_start3A_590, %dma_start3A_591] : memref<8x64x32xf32, #tpu.memory_space<vmem>> -> memref<1x64x32xf32, #tpu.memory_space<vmem>>
      %dma_start3A_593 = tpu.memref_squeeze %dma_start3A_592 : memref<1x64x32xf32, #tpu.memory_space<vmem>> -> memref<64x32xf32, #tpu.memory_space<vmem>>
      %dma_start3A_594 = arith.constant 0 : i32
      %dma_start3A_595 = tpu.memref_slice %arg8[%add3A_587, %dma_start3A_594] : memref<304x64xi32, #tpu.memory_space<vmem>> -> memref<1x64xi32, #tpu.memory_space<vmem>>
      %dma_start3A_596 = tpu.memref_squeeze %dma_start3A_595 : memref<1x64xi32, #tpu.memory_space<vmem>> -> memref<64xi32, #tpu.memory_space<vmem>>
      %dma_start3A_597 = arith.constant 0 : i32
      %dma_start3A_598 = arith.constant 0 : i32
      %dma_start3A_599 = tpu.memref_slice %arg10[%dma_start3A_597, %dma_start3A_598] : memref<10240x32xf32, #tpu.memory_space<vmem_shared>> -> memref<10240x32xf32, #tpu.memory_space<vmem_shared>>
      %dma_start3A_600 = tpu.memref_slice %arg12[%dma_start3A_589] : memref<8x!tpu.dma_semaphore, #tpu.memory_space<semaphore_mem>> -> memref<1x!tpu.dma_semaphore, #tpu.memory_space<semaphore_mem>>
      %dma_start3A_601 = tpu.memref_squeeze %dma_start3A_600 : memref<1x!tpu.dma_semaphore, #tpu.memory_space<semaphore_mem>> -> memref<!tpu.dma_semaphore, #tpu.memory_space<semaphore_mem>>
      tpu.enqueue_indirect_dma source(%dma_start3A_593 : memref<64x32xf32, #tpu.memory_space<vmem>>) target(%dma_start3A_599 : memref<10240x32xf32, #tpu.memory_space<vmem_shared>>) offsets(%dma_start3A_596 : memref<64xi32, #tpu.memory_space<vmem>>) semaphore(%dma_start3A_601 : memref<!tpu.dma_semaphore, #tpu.memory_space<semaphore_mem>>) {add = true}
      %add3A_602 = arith.constant 2 : i32
      %add3A_603 = arith.addi %mul3A_537, %add3A_602 : i32
      %dma_wait3A_604 = arith.constant 2 : i32
      %dma_wait3A_605 = arith.constant 2 : i32
      %dma_wait3A_606 = arith.constant 0 : i32
      %dma_wait3A_607 = arith.constant 0 : i32
      %dma_wait3A_608 = tpu.memref_slice %arg9[%dma_wait3A_604, %dma_wait3A_606, %dma_wait3A_607] : memref<8x64x32xf32, #tpu.memory_space<vmem>> -> memref<1x64x32xf32, #tpu.memory_space<vmem>>
      %dma_wait3A_609 = tpu.memref_squeeze %dma_wait3A_608 : memref<1x64x32xf32, #tpu.memory_space<vmem>> -> memref<64x32xf32, #tpu.memory_space<vmem>>
      %dma_wait3A_610 = arith.constant 0 : i32
      %dma_wait3A_611 = tpu.memref_slice %arg7[%add3A_603, %dma_wait3A_610] : memref<304x64xi32, #tpu.memory_space<vmem>> -> memref<1x64xi32, #tpu.memory_space<vmem>>
      %dma_wait3A_612 = tpu.memref_squeeze %dma_wait3A_611 : memref<1x64xi32, #tpu.memory_space<vmem>> -> memref<64xi32, #tpu.memory_space<vmem>>
      %dma_wait3A_613 = arith.constant 0 : i32
      %dma_wait3A_614 = arith.constant 0 : i32
      %dma_wait3A_615 = tpu.memref_slice %arg2[%dma_wait3A_613, %dma_wait3A_614] : memref<10240x32xf32, #tpu.memory_space<hbm>> -> memref<10240x32xf32, #tpu.memory_space<hbm>>
      %dma_wait3A_616 = tpu.memref_slice %arg11[%dma_wait3A_605] : memref<8x!tpu.dma_semaphore, #tpu.memory_space<semaphore_mem>> -> memref<1x!tpu.dma_semaphore, #tpu.memory_space<semaphore_mem>>
      %dma_wait3A_617 = tpu.memref_squeeze %dma_wait3A_616 : memref<1x!tpu.dma_semaphore, #tpu.memory_space<semaphore_mem>> -> memref<!tpu.dma_semaphore, #tpu.memory_space<semaphore_mem>>
      tpu.wait_indirect_dma semaphore(%dma_wait3A_617 : memref<!tpu.dma_semaphore, #tpu.memory_space<semaphore_mem>>) src(%dma_wait3A_615 : memref<10240x32xf32, #tpu.memory_space<hbm>>) dst(%dma_wait3A_609 : memref<64x32xf32, #tpu.memory_space<vmem>>)
      %add3A_618 = arith.constant 2 : i32
      %add3A_619 = arith.addi %mul3A_537, %add3A_618 : i32
      %dma_start3A_620 = arith.constant 2 : i32
      %dma_start3A_621 = arith.constant 2 : i32
      %dma_start3A_622 = arith.constant 0 : i32
      %dma_start3A_623 = arith.constant 0 : i32
      %dma_start3A_624 = tpu.memref_slice %arg9[%dma_start3A_620, %dma_start3A_622, %dma_start3A_623] : memref<8x64x32xf32, #tpu.memory_space<vmem>> -> memref<1x64x32xf32, #tpu.memory_space<vmem>>
      %dma_start3A_625 = tpu.memref_squeeze %dma_start3A_624 : memref<1x64x32xf32, #tpu.memory_space<vmem>> -> memref<64x32xf32, #tpu.memory_space<vmem>>
      %dma_start3A_626 = arith.constant 0 : i32
      %dma_start3A_627 = tpu.memref_slice %arg8[%add3A_619, %dma_start3A_626] : memref<304x64xi32, #tpu.memory_space<vmem>> -> memref<1x64xi32, #tpu.memory_space<vmem>>
      %dma_start3A_628 = tpu.memref_squeeze %dma_start3A_627 : memref<1x64xi32, #tpu.memory_space<vmem>> -> memref<64xi32, #tpu.memory_space<vmem>>
      %dma_start3A_629 = arith.constant 0 : i32
      %dma_start3A_630 = arith.constant 0 : i32
      %dma_start3A_631 = tpu.memref_slice %arg10[%dma_start3A_629, %dma_start3A_630] : memref<10240x32xf32, #tpu.memory_space<vmem_shared>> -> memref<10240x32xf32, #tpu.memory_space<vmem_shared>>
      %dma_start3A_632 = tpu.memref_slice %arg12[%dma_start3A_621] : memref<8x!tpu.dma_semaphore, #tpu.memory_space<semaphore_mem>> -> memref<1x!tpu.dma_semaphore, #tpu.memory_space<semaphore_mem>>
      %dma_start3A_633 = tpu.memref_squeeze %dma_start3A_632 : memref<1x!tpu.dma_semaphore, #tpu.memory_space<semaphore_mem>> -> memref<!tpu.dma_semaphore, #tpu.memory_space<semaphore_mem>>
      tpu.enqueue_indirect_dma source(%dma_start3A_625 : memref<64x32xf32, #tpu.memory_space<vmem>>) target(%dma_start3A_631 : memref<10240x32xf32, #tpu.memory_space<vmem_shared>>) offsets(%dma_start3A_628 : memref<64xi32, #tpu.memory_space<vmem>>) semaphore(%dma_start3A_633 : memref<!tpu.dma_semaphore, #tpu.memory_space<semaphore_mem>>) {add = true}
      %add3A_634 = arith.constant 3 : i32
      %add3A_635 = arith.addi %mul3A_537, %add3A_634 : i32
      %dma_wait3A_636 = arith.constant 3 : i32
      %dma_wait3A_637 = arith.constant 3 : i32
      %dma_wait3A_638 = arith.constant 0 : i32
      %dma_wait3A_639 = arith.constant 0 : i32
      %dma_wait3A_640 = tpu.memref_slice %arg9[%dma_wait3A_636, %dma_wait3A_638, %dma_wait3A_639] : memref<8x64x32xf32, #tpu.memory_space<vmem>> -> memref<1x64x32xf32, #tpu.memory_space<vmem>>
      %dma_wait3A_641 = tpu.memref_squeeze %dma_wait3A_640 : memref<1x64x32xf32, #tpu.memory_space<vmem>> -> memref<64x32xf32, #tpu.memory_space<vmem>>
      %dma_wait3A_642 = arith.constant 0 : i32
      %dma_wait3A_643 = tpu.memref_slice %arg7[%add3A_635, %dma_wait3A_642] : memref<304x64xi32, #tpu.memory_space<vmem>> -> memref<1x64xi32, #tpu.memory_space<vmem>>
      %dma_wait3A_644 = tpu.memref_squeeze %dma_wait3A_643 : memref<1x64xi32, #tpu.memory_space<vmem>> -> memref<64xi32, #tpu.memory_space<vmem>>
      %dma_wait3A_645 = arith.constant 0 : i32
      %dma_wait3A_646 = arith.constant 0 : i32
      %dma_wait3A_647 = tpu.memref_slice %arg2[%dma_wait3A_645, %dma_wait3A_646] : memref<10240x32xf32, #tpu.memory_space<hbm>> -> memref<10240x32xf32, #tpu.memory_space<hbm>>
      %dma_wait3A_648 = tpu.memref_slice %arg11[%dma_wait3A_637] : memref<8x!tpu.dma_semaphore, #tpu.memory_space<semaphore_mem>> -> memref<1x!tpu.dma_semaphore, #tpu.memory_space<semaphore_mem>>
      %dma_wait3A_649 = tpu.memref_squeeze %dma_wait3A_648 : memref<1x!tpu.dma_semaphore, #tpu.memory_space<semaphore_mem>> -> memref<!tpu.dma_semaphore, #tpu.memory_space<semaphore_mem>>
      tpu.wait_indirect_dma semaphore(%dma_wait3A_649 : memref<!tpu.dma_semaphore, #tpu.memory_space<semaphore_mem>>) src(%dma_wait3A_647 : memref<10240x32xf32, #tpu.memory_space<hbm>>) dst(%dma_wait3A_641 : memref<64x32xf32, #tpu.memory_space<vmem>>)
      %add3A_650 = arith.constant 3 : i32
      %add3A_651 = arith.addi %mul3A_537, %add3A_650 : i32
      %dma_start3A_652 = arith.constant 3 : i32
      %dma_start3A_653 = arith.constant 3 : i32
      %dma_start3A_654 = arith.constant 0 : i32
      %dma_start3A_655 = arith.constant 0 : i32
      %dma_start3A_656 = tpu.memref_slice %arg9[%dma_start3A_652, %dma_start3A_654, %dma_start3A_655] : memref<8x64x32xf32, #tpu.memory_space<vmem>> -> memref<1x64x32xf32, #tpu.memory_space<vmem>>
      %dma_start3A_657 = tpu.memref_squeeze %dma_start3A_656 : memref<1x64x32xf32, #tpu.memory_space<vmem>> -> memref<64x32xf32, #tpu.memory_space<vmem>>
      %dma_start3A_658 = arith.constant 0 : i32
      %dma_start3A_659 = tpu.memref_slice %arg8[%add3A_651, %dma_start3A_658] : memref<304x64xi32, #tpu.memory_space<vmem>> -> memref<1x64xi32, #tpu.memory_space<vmem>>
      %dma_start3A_660 = tpu.memref_squeeze %dma_start3A_659 : memref<1x64xi32, #tpu.memory_space<vmem>> -> memref<64xi32, #tpu.memory_space<vmem>>
      %dma_start3A_661 = arith.constant 0 : i32
      %dma_start3A_662 = arith.constant 0 : i32
      %dma_start3A_663 = tpu.memref_slice %arg10[%dma_start3A_661, %dma_start3A_662] : memref<10240x32xf32, #tpu.memory_space<vmem_shared>> -> memref<10240x32xf32, #tpu.memory_space<vmem_shared>>
      %dma_start3A_664 = tpu.memref_slice %arg12[%dma_start3A_653] : memref<8x!tpu.dma_semaphore, #tpu.memory_space<semaphore_mem>> -> memref<1x!tpu.dma_semaphore, #tpu.memory_space<semaphore_mem>>
      %dma_start3A_665 = tpu.memref_squeeze %dma_start3A_664 : memref<1x!tpu.dma_semaphore, #tpu.memory_space<semaphore_mem>> -> memref<!tpu.dma_semaphore, #tpu.memory_space<semaphore_mem>>
      tpu.enqueue_indirect_dma source(%dma_start3A_657 : memref<64x32xf32, #tpu.memory_space<vmem>>) target(%dma_start3A_663 : memref<10240x32xf32, #tpu.memory_space<vmem_shared>>) offsets(%dma_start3A_660 : memref<64xi32, #tpu.memory_space<vmem>>) semaphore(%dma_start3A_665 : memref<!tpu.dma_semaphore, #tpu.memory_space<semaphore_mem>>) {add = true}
      %add3A_666 = arith.constant 4 : i32
      %add3A_667 = arith.addi %mul3A_537, %add3A_666 : i32
      %dma_wait3A_668 = arith.constant 4 : i32
      %dma_wait3A_669 = arith.constant 4 : i32
      %dma_wait3A_670 = arith.constant 0 : i32
      %dma_wait3A_671 = arith.constant 0 : i32
      %dma_wait3A_672 = tpu.memref_slice %arg9[%dma_wait3A_668, %dma_wait3A_670, %dma_wait3A_671] : memref<8x64x32xf32, #tpu.memory_space<vmem>> -> memref<1x64x32xf32, #tpu.memory_space<vmem>>
      %dma_wait3A_673 = tpu.memref_squeeze %dma_wait3A_672 : memref<1x64x32xf32, #tpu.memory_space<vmem>> -> memref<64x32xf32, #tpu.memory_space<vmem>>
      %dma_wait3A_674 = arith.constant 0 : i32
      %dma_wait3A_675 = tpu.memref_slice %arg7[%add3A_667, %dma_wait3A_674] : memref<304x64xi32, #tpu.memory_space<vmem>> -> memref<1x64xi32, #tpu.memory_space<vmem>>
      %dma_wait3A_676 = tpu.memref_squeeze %dma_wait3A_675 : memref<1x64xi32, #tpu.memory_space<vmem>> -> memref<64xi32, #tpu.memory_space<vmem>>
      %dma_wait3A_677 = arith.constant 0 : i32
      %dma_wait3A_678 = arith.constant 0 : i32
      %dma_wait3A_679 = tpu.memref_slice %arg2[%dma_wait3A_677, %dma_wait3A_678] : memref<10240x32xf32, #tpu.memory_space<hbm>> -> memref<10240x32xf32, #tpu.memory_space<hbm>>
      %dma_wait3A_680 = tpu.memref_slice %arg11[%dma_wait3A_669] : memref<8x!tpu.dma_semaphore, #tpu.memory_space<semaphore_mem>> -> memref<1x!tpu.dma_semaphore, #tpu.memory_space<semaphore_mem>>
      %dma_wait3A_681 = tpu.memref_squeeze %dma_wait3A_680 : memref<1x!tpu.dma_semaphore, #tpu.memory_space<semaphore_mem>> -> memref<!tpu.dma_semaphore, #tpu.memory_space<semaphore_mem>>
      tpu.wait_indirect_dma semaphore(%dma_wait3A_681 : memref<!tpu.dma_semaphore, #tpu.memory_space<semaphore_mem>>) src(%dma_wait3A_679 : memref<10240x32xf32, #tpu.memory_space<hbm>>) dst(%dma_wait3A_673 : memref<64x32xf32, #tpu.memory_space<vmem>>)
      %add3A_682 = arith.constant 4 : i32
      %add3A_683 = arith.addi %mul3A_537, %add3A_682 : i32
      %dma_start3A_684 = arith.constant 4 : i32
      %dma_start3A_685 = arith.constant 4 : i32
      %dma_start3A_686 = arith.constant 0 : i32
      %dma_start3A_687 = arith.constant 0 : i32
      %dma_start3A_688 = tpu.memref_slice %arg9[%dma_start3A_684, %dma_start3A_686, %dma_start3A_687] : memref<8x64x32xf32, #tpu.memory_space<vmem>> -> memref<1x64x32xf32, #tpu.memory_space<vmem>>
      %dma_start3A_689 = tpu.memref_squeeze %dma_start3A_688 : memref<1x64x32xf32, #tpu.memory_space<vmem>> -> memref<64x32xf32, #tpu.memory_space<vmem>>
      %dma_start3A_690 = arith.constant 0 : i32
      %dma_start3A_691 = tpu.memref_slice %arg8[%add3A_683, %dma_start3A_690] : memref<304x64xi32, #tpu.memory_space<vmem>> -> memref<1x64xi32, #tpu.memory_space<vmem>>
      %dma_start3A_692 = tpu.memref_squeeze %dma_start3A_691 : memref<1x64xi32, #tpu.memory_space<vmem>> -> memref<64xi32, #tpu.memory_space<vmem>>
      %dma_start3A_693 = arith.constant 0 : i32
      %dma_start3A_694 = arith.constant 0 : i32
      %dma_start3A_695 = tpu.memref_slice %arg10[%dma_start3A_693, %dma_start3A_694] : memref<10240x32xf32, #tpu.memory_space<vmem_shared>> -> memref<10240x32xf32, #tpu.memory_space<vmem_shared>>
      %dma_start3A_696 = tpu.memref_slice %arg12[%dma_start3A_685] : memref<8x!tpu.dma_semaphore, #tpu.memory_space<semaphore_mem>> -> memref<1x!tpu.dma_semaphore, #tpu.memory_space<semaphore_mem>>
      %dma_start3A_697 = tpu.memref_squeeze %dma_start3A_696 : memref<1x!tpu.dma_semaphore, #tpu.memory_space<semaphore_mem>> -> memref<!tpu.dma_semaphore, #tpu.memory_space<semaphore_mem>>
      tpu.enqueue_indirect_dma source(%dma_start3A_689 : memref<64x32xf32, #tpu.memory_space<vmem>>) target(%dma_start3A_695 : memref<10240x32xf32, #tpu.memory_space<vmem_shared>>) offsets(%dma_start3A_692 : memref<64xi32, #tpu.memory_space<vmem>>) semaphore(%dma_start3A_697 : memref<!tpu.dma_semaphore, #tpu.memory_space<semaphore_mem>>) {add = true}
      %add3A_698 = arith.constant 5 : i32
      %add3A_699 = arith.addi %mul3A_537, %add3A_698 : i32
      %dma_wait3A_700 = arith.constant 5 : i32
      %dma_wait3A_701 = arith.constant 5 : i32
      %dma_wait3A_702 = arith.constant 0 : i32
      %dma_wait3A_703 = arith.constant 0 : i32
      %dma_wait3A_704 = tpu.memref_slice %arg9[%dma_wait3A_700, %dma_wait3A_702, %dma_wait3A_703] : memref<8x64x32xf32, #tpu.memory_space<vmem>> -> memref<1x64x32xf32, #tpu.memory_space<vmem>>
      %dma_wait3A_705 = tpu.memref_squeeze %dma_wait3A_704 : memref<1x64x32xf32, #tpu.memory_space<vmem>> -> memref<64x32xf32, #tpu.memory_space<vmem>>
      %dma_wait3A_706 = arith.constant 0 : i32
      %dma_wait3A_707 = tpu.memref_slice %arg7[%add3A_699, %dma_wait3A_706] : memref<304x64xi32, #tpu.memory_space<vmem>> -> memref<1x64xi32, #tpu.memory_space<vmem>>
      %dma_wait3A_708 = tpu.memref_squeeze %dma_wait3A_707 : memref<1x64xi32, #tpu.memory_space<vmem>> -> memref<64xi32, #tpu.memory_space<vmem>>
      %dma_wait3A_709 = arith.constant 0 : i32
      %dma_wait3A_710 = arith.constant 0 : i32
      %dma_wait3A_711 = tpu.memref_slice %arg2[%dma_wait3A_709, %dma_wait3A_710] : memref<10240x32xf32, #tpu.memory_space<hbm>> -> memref<10240x32xf32, #tpu.memory_space<hbm>>
      %dma_wait3A_712 = tpu.memref_slice %arg11[%dma_wait3A_701] : memref<8x!tpu.dma_semaphore, #tpu.memory_space<semaphore_mem>> -> memref<1x!tpu.dma_semaphore, #tpu.memory_space<semaphore_mem>>
      %dma_wait3A_713 = tpu.memref_squeeze %dma_wait3A_712 : memref<1x!tpu.dma_semaphore, #tpu.memory_space<semaphore_mem>> -> memref<!tpu.dma_semaphore, #tpu.memory_space<semaphore_mem>>
      tpu.wait_indirect_dma semaphore(%dma_wait3A_713 : memref<!tpu.dma_semaphore, #tpu.memory_space<semaphore_mem>>) src(%dma_wait3A_711 : memref<10240x32xf32, #tpu.memory_space<hbm>>) dst(%dma_wait3A_705 : memref<64x32xf32, #tpu.memory_space<vmem>>)
      %add3A_714 = arith.constant 5 : i32
      %add3A_715 = arith.addi %mul3A_537, %add3A_714 : i32
      %dma_start3A_716 = arith.constant 5 : i32
      %dma_start3A_717 = arith.constant 5 : i32
      %dma_start3A_718 = arith.constant 0 : i32
      %dma_start3A_719 = arith.constant 0 : i32
      %dma_start3A_720 = tpu.memref_slice %arg9[%dma_start3A_716, %dma_start3A_718, %dma_start3A_719] : memref<8x64x32xf32, #tpu.memory_space<vmem>> -> memref<1x64x32xf32, #tpu.memory_space<vmem>>
      %dma_start3A_721 = tpu.memref_squeeze %dma_start3A_720 : memref<1x64x32xf32, #tpu.memory_space<vmem>> -> memref<64x32xf32, #tpu.memory_space<vmem>>
      %dma_start3A_722 = arith.constant 0 : i32
      %dma_start3A_723 = tpu.memref_slice %arg8[%add3A_715, %dma_start3A_722] : memref<304x64xi32, #tpu.memory_space<vmem>> -> memref<1x64xi32, #tpu.memory_space<vmem>>
      %dma_start3A_724 = tpu.memref_squeeze %dma_start3A_723 : memref<1x64xi32, #tpu.memory_space<vmem>> -> memref<64xi32, #tpu.memory_space<vmem>>
      %dma_start3A_725 = arith.constant 0 : i32
      %dma_start3A_726 = arith.constant 0 : i32
      %dma_start3A_727 = tpu.memref_slice %arg10[%dma_start3A_725, %dma_start3A_726] : memref<10240x32xf32, #tpu.memory_space<vmem_shared>> -> memref<10240x32xf32, #tpu.memory_space<vmem_shared>>
      %dma_start3A_728 = tpu.memref_slice %arg12[%dma_start3A_717] : memref<8x!tpu.dma_semaphore, #tpu.memory_space<semaphore_mem>> -> memref<1x!tpu.dma_semaphore, #tpu.memory_space<semaphore_mem>>
      %dma_start3A_729 = tpu.memref_squeeze %dma_start3A_728 : memref<1x!tpu.dma_semaphore, #tpu.memory_space<semaphore_mem>> -> memref<!tpu.dma_semaphore, #tpu.memory_space<semaphore_mem>>
      tpu.enqueue_indirect_dma source(%dma_start3A_721 : memref<64x32xf32, #tpu.memory_space<vmem>>) target(%dma_start3A_727 : memref<10240x32xf32, #tpu.memory_space<vmem_shared>>) offsets(%dma_start3A_724 : memref<64xi32, #tpu.memory_space<vmem>>) semaphore(%dma_start3A_729 : memref<!tpu.dma_semaphore, #tpu.memory_space<semaphore_mem>>) {add = true}
      %add3A_730 = arith.constant 6 : i32
      %add3A_731 = arith.addi %mul3A_537, %add3A_730 : i32
      %dma_wait3A_732 = arith.constant 6 : i32
      %dma_wait3A_733 = arith.constant 6 : i32
      %dma_wait3A_734 = arith.constant 0 : i32
      %dma_wait3A_735 = arith.constant 0 : i32
      %dma_wait3A_736 = tpu.memref_slice %arg9[%dma_wait3A_732, %dma_wait3A_734, %dma_wait3A_735] : memref<8x64x32xf32, #tpu.memory_space<vmem>> -> memref<1x64x32xf32, #tpu.memory_space<vmem>>
      %dma_wait3A_737 = tpu.memref_squeeze %dma_wait3A_736 : memref<1x64x32xf32, #tpu.memory_space<vmem>> -> memref<64x32xf32, #tpu.memory_space<vmem>>
      %dma_wait3A_738 = arith.constant 0 : i32
      %dma_wait3A_739 = tpu.memref_slice %arg7[%add3A_731, %dma_wait3A_738] : memref<304x64xi32, #tpu.memory_space<vmem>> -> memref<1x64xi32, #tpu.memory_space<vmem>>
      %dma_wait3A_740 = tpu.memref_squeeze %dma_wait3A_739 : memref<1x64xi32, #tpu.memory_space<vmem>> -> memref<64xi32, #tpu.memory_space<vmem>>
      %dma_wait3A_741 = arith.constant 0 : i32
      %dma_wait3A_742 = arith.constant 0 : i32
      %dma_wait3A_743 = tpu.memref_slice %arg2[%dma_wait3A_741, %dma_wait3A_742] : memref<10240x32xf32, #tpu.memory_space<hbm>> -> memref<10240x32xf32, #tpu.memory_space<hbm>>
      %dma_wait3A_744 = tpu.memref_slice %arg11[%dma_wait3A_733] : memref<8x!tpu.dma_semaphore, #tpu.memory_space<semaphore_mem>> -> memref<1x!tpu.dma_semaphore, #tpu.memory_space<semaphore_mem>>
      %dma_wait3A_745 = tpu.memref_squeeze %dma_wait3A_744 : memref<1x!tpu.dma_semaphore, #tpu.memory_space<semaphore_mem>> -> memref<!tpu.dma_semaphore, #tpu.memory_space<semaphore_mem>>
      tpu.wait_indirect_dma semaphore(%dma_wait3A_745 : memref<!tpu.dma_semaphore, #tpu.memory_space<semaphore_mem>>) src(%dma_wait3A_743 : memref<10240x32xf32, #tpu.memory_space<hbm>>) dst(%dma_wait3A_737 : memref<64x32xf32, #tpu.memory_space<vmem>>)
      %add3A_746 = arith.constant 6 : i32
      %add3A_747 = arith.addi %mul3A_537, %add3A_746 : i32
      %dma_start3A_748 = arith.constant 6 : i32
      %dma_start3A_749 = arith.constant 6 : i32
      %dma_start3A_750 = arith.constant 0 : i32
      %dma_start3A_751 = arith.constant 0 : i32
      %dma_start3A_752 = tpu.memref_slice %arg9[%dma_start3A_748, %dma_start3A_750, %dma_start3A_751] : memref<8x64x32xf32, #tpu.memory_space<vmem>> -> memref<1x64x32xf32, #tpu.memory_space<vmem>>
      %dma_start3A_753 = tpu.memref_squeeze %dma_start3A_752 : memref<1x64x32xf32, #tpu.memory_space<vmem>> -> memref<64x32xf32, #tpu.memory_space<vmem>>
      %dma_start3A_754 = arith.constant 0 : i32
      %dma_start3A_755 = tpu.memref_slice %arg8[%add3A_747, %dma_start3A_754] : memref<304x64xi32, #tpu.memory_space<vmem>> -> memref<1x64xi32, #tpu.memory_space<vmem>>
      %dma_start3A_756 = tpu.memref_squeeze %dma_start3A_755 : memref<1x64xi32, #tpu.memory_space<vmem>> -> memref<64xi32, #tpu.memory_space<vmem>>
      %dma_start3A_757 = arith.constant 0 : i32
      %dma_start3A_758 = arith.constant 0 : i32
      %dma_start3A_759 = tpu.memref_slice %arg10[%dma_start3A_757, %dma_start3A_758] : memref<10240x32xf32, #tpu.memory_space<vmem_shared>> -> memref<10240x32xf32, #tpu.memory_space<vmem_shared>>
      %dma_start3A_760 = tpu.memref_slice %arg12[%dma_start3A_749] : memref<8x!tpu.dma_semaphore, #tpu.memory_space<semaphore_mem>> -> memref<1x!tpu.dma_semaphore, #tpu.memory_space<semaphore_mem>>
      %dma_start3A_761 = tpu.memref_squeeze %dma_start3A_760 : memref<1x!tpu.dma_semaphore, #tpu.memory_space<semaphore_mem>> -> memref<!tpu.dma_semaphore, #tpu.memory_space<semaphore_mem>>
      tpu.enqueue_indirect_dma source(%dma_start3A_753 : memref<64x32xf32, #tpu.memory_space<vmem>>) target(%dma_start3A_759 : memref<10240x32xf32, #tpu.memory_space<vmem_shared>>) offsets(%dma_start3A_756 : memref<64xi32, #tpu.memory_space<vmem>>) semaphore(%dma_start3A_761 : memref<!tpu.dma_semaphore, #tpu.memory_space<semaphore_mem>>) {add = true}
      %add3A_762 = arith.constant 7 : i32
      %add3A_763 = arith.addi %mul3A_537, %add3A_762 : i32
      %dma_wait3A_764 = arith.constant 7 : i32
      %dma_wait3A_765 = arith.constant 7 : i32
      %dma_wait3A_766 = arith.constant 0 : i32
      %dma_wait3A_767 = arith.constant 0 : i32
      %dma_wait3A_768 = tpu.memref_slice %arg9[%dma_wait3A_764, %dma_wait3A_766, %dma_wait3A_767] : memref<8x64x32xf32, #tpu.memory_space<vmem>> -> memref<1x64x32xf32, #tpu.memory_space<vmem>>
      %dma_wait3A_769 = tpu.memref_squeeze %dma_wait3A_768 : memref<1x64x32xf32, #tpu.memory_space<vmem>> -> memref<64x32xf32, #tpu.memory_space<vmem>>
      %dma_wait3A_770 = arith.constant 0 : i32
      %dma_wait3A_771 = tpu.memref_slice %arg7[%add3A_763, %dma_wait3A_770] : memref<304x64xi32, #tpu.memory_space<vmem>> -> memref<1x64xi32, #tpu.memory_space<vmem>>
      %dma_wait3A_772 = tpu.memref_squeeze %dma_wait3A_771 : memref<1x64xi32, #tpu.memory_space<vmem>> -> memref<64xi32, #tpu.memory_space<vmem>>
      %dma_wait3A_773 = arith.constant 0 : i32
      %dma_wait3A_774 = arith.constant 0 : i32
      %dma_wait3A_775 = tpu.memref_slice %arg2[%dma_wait3A_773, %dma_wait3A_774] : memref<10240x32xf32, #tpu.memory_space<hbm>> -> memref<10240x32xf32, #tpu.memory_space<hbm>>
      %dma_wait3A_776 = tpu.memref_slice %arg11[%dma_wait3A_765] : memref<8x!tpu.dma_semaphore, #tpu.memory_space<semaphore_mem>> -> memref<1x!tpu.dma_semaphore, #tpu.memory_space<semaphore_mem>>
      %dma_wait3A_777 = tpu.memref_squeeze %dma_wait3A_776 : memref<1x!tpu.dma_semaphore, #tpu.memory_space<semaphore_mem>> -> memref<!tpu.dma_semaphore, #tpu.memory_space<semaphore_mem>>
      tpu.wait_indirect_dma semaphore(%dma_wait3A_777 : memref<!tpu.dma_semaphore, #tpu.memory_space<semaphore_mem>>) src(%dma_wait3A_775 : memref<10240x32xf32, #tpu.memory_space<hbm>>) dst(%dma_wait3A_769 : memref<64x32xf32, #tpu.memory_space<vmem>>)
      %add3A_778 = arith.constant 7 : i32
      %add3A_779 = arith.addi %mul3A_537, %add3A_778 : i32
      %dma_start3A_780 = arith.constant 7 : i32
      %dma_start3A_781 = arith.constant 7 : i32
      %dma_start3A_782 = arith.constant 0 : i32
      %dma_start3A_783 = arith.constant 0 : i32
      %dma_start3A_784 = tpu.memref_slice %arg9[%dma_start3A_780, %dma_start3A_782, %dma_start3A_783] : memref<8x64x32xf32, #tpu.memory_space<vmem>> -> memref<1x64x32xf32, #tpu.memory_space<vmem>>
      %dma_start3A_785 = tpu.memref_squeeze %dma_start3A_784 : memref<1x64x32xf32, #tpu.memory_space<vmem>> -> memref<64x32xf32, #tpu.memory_space<vmem>>
      %dma_start3A_786 = arith.constant 0 : i32
      %dma_start3A_787 = tpu.memref_slice %arg8[%add3A_779, %dma_start3A_786] : memref<304x64xi32, #tpu.memory_space<vmem>> -> memref<1x64xi32, #tpu.memory_space<vmem>>
      %dma_start3A_788 = tpu.memref_squeeze %dma_start3A_787 : memref<1x64xi32, #tpu.memory_space<vmem>> -> memref<64xi32, #tpu.memory_space<vmem>>
      %dma_start3A_789 = arith.constant 0 : i32
      %dma_start3A_790 = arith.constant 0 : i32
      %dma_start3A_791 = tpu.memref_slice %arg10[%dma_start3A_789, %dma_start3A_790] : memref<10240x32xf32, #tpu.memory_space<vmem_shared>> -> memref<10240x32xf32, #tpu.memory_space<vmem_shared>>
      %dma_start3A_792 = tpu.memref_slice %arg12[%dma_start3A_781] : memref<8x!tpu.dma_semaphore, #tpu.memory_space<semaphore_mem>> -> memref<1x!tpu.dma_semaphore, #tpu.memory_space<semaphore_mem>>
      %dma_start3A_793 = tpu.memref_squeeze %dma_start3A_792 : memref<1x!tpu.dma_semaphore, #tpu.memory_space<semaphore_mem>> -> memref<!tpu.dma_semaphore, #tpu.memory_space<semaphore_mem>>
      tpu.enqueue_indirect_dma source(%dma_start3A_785 : memref<64x32xf32, #tpu.memory_space<vmem>>) target(%dma_start3A_791 : memref<10240x32xf32, #tpu.memory_space<vmem_shared>>) offsets(%dma_start3A_788 : memref<64xi32, #tpu.memory_space<vmem>>) semaphore(%dma_start3A_793 : memref<!tpu.dma_semaphore, #tpu.memory_space<semaphore_mem>>) {add = true}
      %add3A_794 = arith.constant 0 : i32
      %add3A_795 = arith.addi %mul3A_537, %add3A_794 : i32
      %dma_wait3A_796 = arith.constant 0 : i32
      %dma_wait3A_797 = arith.constant 0 : i32
      %dma_wait3A_798 = arith.constant 0 : i32
      %dma_wait3A_799 = arith.constant 0 : i32
      %dma_wait3A_800 = tpu.memref_slice %arg9[%dma_wait3A_796, %dma_wait3A_798, %dma_wait3A_799] : memref<8x64x32xf32, #tpu.memory_space<vmem>> -> memref<1x64x32xf32, #tpu.memory_space<vmem>>
      %dma_wait3A_801 = tpu.memref_squeeze %dma_wait3A_800 : memref<1x64x32xf32, #tpu.memory_space<vmem>> -> memref<64x32xf32, #tpu.memory_space<vmem>>
      %dma_wait3A_802 = arith.constant 0 : i32
      %dma_wait3A_803 = tpu.memref_slice %arg8[%add3A_795, %dma_wait3A_802] : memref<304x64xi32, #tpu.memory_space<vmem>> -> memref<1x64xi32, #tpu.memory_space<vmem>>
      %dma_wait3A_804 = tpu.memref_squeeze %dma_wait3A_803 : memref<1x64xi32, #tpu.memory_space<vmem>> -> memref<64xi32, #tpu.memory_space<vmem>>
      %dma_wait3A_805 = arith.constant 0 : i32
      %dma_wait3A_806 = arith.constant 0 : i32
      %dma_wait3A_807 = tpu.memref_slice %arg10[%dma_wait3A_805, %dma_wait3A_806] : memref<10240x32xf32, #tpu.memory_space<vmem_shared>> -> memref<10240x32xf32, #tpu.memory_space<vmem_shared>>
      %dma_wait3A_808 = tpu.memref_slice %arg12[%dma_wait3A_797] : memref<8x!tpu.dma_semaphore, #tpu.memory_space<semaphore_mem>> -> memref<1x!tpu.dma_semaphore, #tpu.memory_space<semaphore_mem>>
      %dma_wait3A_809 = tpu.memref_squeeze %dma_wait3A_808 : memref<1x!tpu.dma_semaphore, #tpu.memory_space<semaphore_mem>> -> memref<!tpu.dma_semaphore, #tpu.memory_space<semaphore_mem>>
      tpu.wait_indirect_dma semaphore(%dma_wait3A_809 : memref<!tpu.dma_semaphore, #tpu.memory_space<semaphore_mem>>) src(%dma_wait3A_801 : memref<64x32xf32, #tpu.memory_space<vmem>>) dst(%dma_wait3A_807 : memref<10240x32xf32, #tpu.memory_space<vmem_shared>>)
      %add3A_810 = arith.constant 8 : i32
      %add3A_811 = arith.addi %mul3A_537, %add3A_810 : i32
      %add3A_812 = arith.constant 0 : i32
      %add3A_813 = arith.addi %add3A_811, %add3A_812 : i32
      %dma_start3A_814 = arith.constant 0 : i32
      %dma_start3A_815 = arith.constant 0 : i32
      %dma_start3A_816 = arith.constant 0 : i32
      %dma_start3A_817 = arith.constant 0 : i32
      %dma_start3A_818 = tpu.memref_slice %arg9[%dma_start3A_814, %dma_start3A_816, %dma_start3A_817] : memref<8x64x32xf32, #tpu.memory_space<vmem>> -> memref<1x64x32xf32, #tpu.memory_space<vmem>>
      %dma_start3A_819 = tpu.memref_squeeze %dma_start3A_818 : memref<1x64x32xf32, #tpu.memory_space<vmem>> -> memref<64x32xf32, #tpu.memory_space<vmem>>
      %dma_start3A_820 = arith.constant 0 : i32
      %dma_start3A_821 = tpu.memref_slice %arg7[%add3A_813, %dma_start3A_820] : memref<304x64xi32, #tpu.memory_space<vmem>> -> memref<1x64xi32, #tpu.memory_space<vmem>>
      %dma_start3A_822 = tpu.memref_squeeze %dma_start3A_821 : memref<1x64xi32, #tpu.memory_space<vmem>> -> memref<64xi32, #tpu.memory_space<vmem>>
      %dma_start3A_823 = arith.constant 0 : i32
      %dma_start3A_824 = arith.constant 0 : i32
      %dma_start3A_825 = tpu.memref_slice %arg2[%dma_start3A_823, %dma_start3A_824] : memref<10240x32xf32, #tpu.memory_space<hbm>> -> memref<10240x32xf32, #tpu.memory_space<hbm>>
      %dma_start3A_826 = tpu.memref_slice %arg11[%dma_start3A_815] : memref<8x!tpu.dma_semaphore, #tpu.memory_space<semaphore_mem>> -> memref<1x!tpu.dma_semaphore, #tpu.memory_space<semaphore_mem>>
      %dma_start3A_827 = tpu.memref_squeeze %dma_start3A_826 : memref<1x!tpu.dma_semaphore, #tpu.memory_space<semaphore_mem>> -> memref<!tpu.dma_semaphore, #tpu.memory_space<semaphore_mem>>
      tpu.enqueue_indirect_dma source(%dma_start3A_825 : memref<10240x32xf32, #tpu.memory_space<hbm>>) target(%dma_start3A_819 : memref<64x32xf32, #tpu.memory_space<vmem>>) offsets(%dma_start3A_822 : memref<64xi32, #tpu.memory_space<vmem>>) semaphore(%dma_start3A_827 : memref<!tpu.dma_semaphore, #tpu.memory_space<semaphore_mem>>)
      %add3A_828 = arith.constant 1 : i32
      %add3A_829 = arith.addi %mul3A_537, %add3A_828 : i32
      %dma_wait3A_830 = arith.constant 1 : i32
      %dma_wait3A_831 = arith.constant 1 : i32
      %dma_wait3A_832 = arith.constant 0 : i32
      %dma_wait3A_833 = arith.constant 0 : i32
      %dma_wait3A_834 = tpu.memref_slice %arg9[%dma_wait3A_830, %dma_wait3A_832, %dma_wait3A_833] : memref<8x64x32xf32, #tpu.memory_space<vmem>> -> memref<1x64x32xf32, #tpu.memory_space<vmem>>
      %dma_wait3A_835 = tpu.memref_squeeze %dma_wait3A_834 : memref<1x64x32xf32, #tpu.memory_space<vmem>> -> memref<64x32xf32, #tpu.memory_space<vmem>>
      %dma_wait3A_836 = arith.constant 0 : i32
      %dma_wait3A_837 = tpu.memref_slice %arg8[%add3A_829, %dma_wait3A_836] : memref<304x64xi32, #tpu.memory_space<vmem>> -> memref<1x64xi32, #tpu.memory_space<vmem>>
      %dma_wait3A_838 = tpu.memref_squeeze %dma_wait3A_837 : memref<1x64xi32, #tpu.memory_space<vmem>> -> memref<64xi32, #tpu.memory_space<vmem>>
      %dma_wait3A_839 = arith.constant 0 : i32
      %dma_wait3A_840 = arith.constant 0 : i32
      %dma_wait3A_841 = tpu.memref_slice %arg10[%dma_wait3A_839, %dma_wait3A_840] : memref<10240x32xf32, #tpu.memory_space<vmem_shared>> -> memref<10240x32xf32, #tpu.memory_space<vmem_shared>>
      %dma_wait3A_842 = tpu.memref_slice %arg12[%dma_wait3A_831] : memref<8x!tpu.dma_semaphore, #tpu.memory_space<semaphore_mem>> -> memref<1x!tpu.dma_semaphore, #tpu.memory_space<semaphore_mem>>
      %dma_wait3A_843 = tpu.memref_squeeze %dma_wait3A_842 : memref<1x!tpu.dma_semaphore, #tpu.memory_space<semaphore_mem>> -> memref<!tpu.dma_semaphore, #tpu.memory_space<semaphore_mem>>
      tpu.wait_indirect_dma semaphore(%dma_wait3A_843 : memref<!tpu.dma_semaphore, #tpu.memory_space<semaphore_mem>>) src(%dma_wait3A_835 : memref<64x32xf32, #tpu.memory_space<vmem>>) dst(%dma_wait3A_841 : memref<10240x32xf32, #tpu.memory_space<vmem_shared>>)
      %add3A_844 = arith.constant 8 : i32
      %add3A_845 = arith.addi %mul3A_537, %add3A_844 : i32
      %add3A_846 = arith.constant 1 : i32
      %add3A_847 = arith.addi %add3A_845, %add3A_846 : i32
      %dma_start3A_848 = arith.constant 1 : i32
      %dma_start3A_849 = arith.constant 1 : i32
      %dma_start3A_850 = arith.constant 0 : i32
      %dma_start3A_851 = arith.constant 0 : i32
      %dma_start3A_852 = tpu.memref_slice %arg9[%dma_start3A_848, %dma_start3A_850, %dma_start3A_851] : memref<8x64x32xf32, #tpu.memory_space<vmem>> -> memref<1x64x32xf32, #tpu.memory_space<vmem>>
      %dma_start3A_853 = tpu.memref_squeeze %dma_start3A_852 : memref<1x64x32xf32, #tpu.memory_space<vmem>> -> memref<64x32xf32, #tpu.memory_space<vmem>>
      %dma_start3A_854 = arith.constant 0 : i32
      %dma_start3A_855 = tpu.memref_slice %arg7[%add3A_847, %dma_start3A_854] : memref<304x64xi32, #tpu.memory_space<vmem>> -> memref<1x64xi32, #tpu.memory_space<vmem>>
      %dma_start3A_856 = tpu.memref_squeeze %dma_start3A_855 : memref<1x64xi32, #tpu.memory_space<vmem>> -> memref<64xi32, #tpu.memory_space<vmem>>
      %dma_start3A_857 = arith.constant 0 : i32
      %dma_start3A_858 = arith.constant 0 : i32
      %dma_start3A_859 = tpu.memref_slice %arg2[%dma_start3A_857, %dma_start3A_858] : memref<10240x32xf32, #tpu.memory_space<hbm>> -> memref<10240x32xf32, #tpu.memory_space<hbm>>
      %dma_start3A_860 = tpu.memref_slice %arg11[%dma_start3A_849] : memref<8x!tpu.dma_semaphore, #tpu.memory_space<semaphore_mem>> -> memref<1x!tpu.dma_semaphore, #tpu.memory_space<semaphore_mem>>
      %dma_start3A_861 = tpu.memref_squeeze %dma_start3A_860 : memref<1x!tpu.dma_semaphore, #tpu.memory_space<semaphore_mem>> -> memref<!tpu.dma_semaphore, #tpu.memory_space<semaphore_mem>>
      tpu.enqueue_indirect_dma source(%dma_start3A_859 : memref<10240x32xf32, #tpu.memory_space<hbm>>) target(%dma_start3A_853 : memref<64x32xf32, #tpu.memory_space<vmem>>) offsets(%dma_start3A_856 : memref<64xi32, #tpu.memory_space<vmem>>) semaphore(%dma_start3A_861 : memref<!tpu.dma_semaphore, #tpu.memory_space<semaphore_mem>>)
      %add3A_862 = arith.constant 2 : i32
      %add3A_863 = arith.addi %mul3A_537, %add3A_862 : i32
      %dma_wait3A_864 = arith.constant 2 : i32
      %dma_wait3A_865 = arith.constant 2 : i32
      %dma_wait3A_866 = arith.constant 0 : i32
      %dma_wait3A_867 = arith.constant 0 : i32
      %dma_wait3A_868 = tpu.memref_slice %arg9[%dma_wait3A_864, %dma_wait3A_866, %dma_wait3A_867] : memref<8x64x32xf32, #tpu.memory_space<vmem>> -> memref<1x64x32xf32, #tpu.memory_space<vmem>>
      %dma_wait3A_869 = tpu.memref_squeeze %dma_wait3A_868 : memref<1x64x32xf32, #tpu.memory_space<vmem>> -> memref<64x32xf32, #tpu.memory_space<vmem>>
      %dma_wait3A_870 = arith.constant 0 : i32
      %dma_wait3A_871 = tpu.memref_slice %arg8[%add3A_863, %dma_wait3A_870] : memref<304x64xi32, #tpu.memory_space<vmem>> -> memref<1x64xi32, #tpu.memory_space<vmem>>
      %dma_wait3A_872 = tpu.memref_squeeze %dma_wait3A_871 : memref<1x64xi32, #tpu.memory_space<vmem>> -> memref<64xi32, #tpu.memory_space<vmem>>
      %dma_wait3A_873 = arith.constant 0 : i32
      %dma_wait3A_874 = arith.constant 0 : i32
      %dma_wait3A_875 = tpu.memref_slice %arg10[%dma_wait3A_873, %dma_wait3A_874] : memref<10240x32xf32, #tpu.memory_space<vmem_shared>> -> memref<10240x32xf32, #tpu.memory_space<vmem_shared>>
      %dma_wait3A_876 = tpu.memref_slice %arg12[%dma_wait3A_865] : memref<8x!tpu.dma_semaphore, #tpu.memory_space<semaphore_mem>> -> memref<1x!tpu.dma_semaphore, #tpu.memory_space<semaphore_mem>>
      %dma_wait3A_877 = tpu.memref_squeeze %dma_wait3A_876 : memref<1x!tpu.dma_semaphore, #tpu.memory_space<semaphore_mem>> -> memref<!tpu.dma_semaphore, #tpu.memory_space<semaphore_mem>>
      tpu.wait_indirect_dma semaphore(%dma_wait3A_877 : memref<!tpu.dma_semaphore, #tpu.memory_space<semaphore_mem>>) src(%dma_wait3A_869 : memref<64x32xf32, #tpu.memory_space<vmem>>) dst(%dma_wait3A_875 : memref<10240x32xf32, #tpu.memory_space<vmem_shared>>)
      %add3A_878 = arith.constant 8 : i32
      %add3A_879 = arith.addi %mul3A_537, %add3A_878 : i32
      %add3A_880 = arith.constant 2 : i32
      %add3A_881 = arith.addi %add3A_879, %add3A_880 : i32
      %dma_start3A_882 = arith.constant 2 : i32
      %dma_start3A_883 = arith.constant 2 : i32
      %dma_start3A_884 = arith.constant 0 : i32
      %dma_start3A_885 = arith.constant 0 : i32
      %dma_start3A_886 = tpu.memref_slice %arg9[%dma_start3A_882, %dma_start3A_884, %dma_start3A_885] : memref<8x64x32xf32, #tpu.memory_space<vmem>> -> memref<1x64x32xf32, #tpu.memory_space<vmem>>
      %dma_start3A_887 = tpu.memref_squeeze %dma_start3A_886 : memref<1x64x32xf32, #tpu.memory_space<vmem>> -> memref<64x32xf32, #tpu.memory_space<vmem>>
      %dma_start3A_888 = arith.constant 0 : i32
      %dma_start3A_889 = tpu.memref_slice %arg7[%add3A_881, %dma_start3A_888] : memref<304x64xi32, #tpu.memory_space<vmem>> -> memref<1x64xi32, #tpu.memory_space<vmem>>
      %dma_start3A_890 = tpu.memref_squeeze %dma_start3A_889 : memref<1x64xi32, #tpu.memory_space<vmem>> -> memref<64xi32, #tpu.memory_space<vmem>>
      %dma_start3A_891 = arith.constant 0 : i32
      %dma_start3A_892 = arith.constant 0 : i32
      %dma_start3A_893 = tpu.memref_slice %arg2[%dma_start3A_891, %dma_start3A_892] : memref<10240x32xf32, #tpu.memory_space<hbm>> -> memref<10240x32xf32, #tpu.memory_space<hbm>>
      %dma_start3A_894 = tpu.memref_slice %arg11[%dma_start3A_883] : memref<8x!tpu.dma_semaphore, #tpu.memory_space<semaphore_mem>> -> memref<1x!tpu.dma_semaphore, #tpu.memory_space<semaphore_mem>>
      %dma_start3A_895 = tpu.memref_squeeze %dma_start3A_894 : memref<1x!tpu.dma_semaphore, #tpu.memory_space<semaphore_mem>> -> memref<!tpu.dma_semaphore, #tpu.memory_space<semaphore_mem>>
      tpu.enqueue_indirect_dma source(%dma_start3A_893 : memref<10240x32xf32, #tpu.memory_space<hbm>>) target(%dma_start3A_887 : memref<64x32xf32, #tpu.memory_space<vmem>>) offsets(%dma_start3A_890 : memref<64xi32, #tpu.memory_space<vmem>>) semaphore(%dma_start3A_895 : memref<!tpu.dma_semaphore, #tpu.memory_space<semaphore_mem>>)
      %add3A_896 = arith.constant 3 : i32
      %add3A_897 = arith.addi %mul3A_537, %add3A_896 : i32
      %dma_wait3A_898 = arith.constant 3 : i32
      %dma_wait3A_899 = arith.constant 3 : i32
      %dma_wait3A_900 = arith.constant 0 : i32
      %dma_wait3A_901 = arith.constant 0 : i32
      %dma_wait3A_902 = tpu.memref_slice %arg9[%dma_wait3A_898, %dma_wait3A_900, %dma_wait3A_901] : memref<8x64x32xf32, #tpu.memory_space<vmem>> -> memref<1x64x32xf32, #tpu.memory_space<vmem>>
      %dma_wait3A_903 = tpu.memref_squeeze %dma_wait3A_902 : memref<1x64x32xf32, #tpu.memory_space<vmem>> -> memref<64x32xf32, #tpu.memory_space<vmem>>
      %dma_wait3A_904 = arith.constant 0 : i32
      %dma_wait3A_905 = tpu.memref_slice %arg8[%add3A_897, %dma_wait3A_904] : memref<304x64xi32, #tpu.memory_space<vmem>> -> memref<1x64xi32, #tpu.memory_space<vmem>>
      %dma_wait3A_906 = tpu.memref_squeeze %dma_wait3A_905 : memref<1x64xi32, #tpu.memory_space<vmem>> -> memref<64xi32, #tpu.memory_space<vmem>>
      %dma_wait3A_907 = arith.constant 0 : i32
      %dma_wait3A_908 = arith.constant 0 : i32
      %dma_wait3A_909 = tpu.memref_slice %arg10[%dma_wait3A_907, %dma_wait3A_908] : memref<10240x32xf32, #tpu.memory_space<vmem_shared>> -> memref<10240x32xf32, #tpu.memory_space<vmem_shared>>
      %dma_wait3A_910 = tpu.memref_slice %arg12[%dma_wait3A_899] : memref<8x!tpu.dma_semaphore, #tpu.memory_space<semaphore_mem>> -> memref<1x!tpu.dma_semaphore, #tpu.memory_space<semaphore_mem>>
      %dma_wait3A_911 = tpu.memref_squeeze %dma_wait3A_910 : memref<1x!tpu.dma_semaphore, #tpu.memory_space<semaphore_mem>> -> memref<!tpu.dma_semaphore, #tpu.memory_space<semaphore_mem>>
      tpu.wait_indirect_dma semaphore(%dma_wait3A_911 : memref<!tpu.dma_semaphore, #tpu.memory_space<semaphore_mem>>) src(%dma_wait3A_903 : memref<64x32xf32, #tpu.memory_space<vmem>>) dst(%dma_wait3A_909 : memref<10240x32xf32, #tpu.memory_space<vmem_shared>>)
      %add3A_912 = arith.constant 8 : i32
      %add3A_913 = arith.addi %mul3A_537, %add3A_912 : i32
      %add3A_914 = arith.constant 3 : i32
      %add3A_915 = arith.addi %add3A_913, %add3A_914 : i32
      %dma_start3A_916 = arith.constant 3 : i32
      %dma_start3A_917 = arith.constant 3 : i32
      %dma_start3A_918 = arith.constant 0 : i32
      %dma_start3A_919 = arith.constant 0 : i32
      %dma_start3A_920 = tpu.memref_slice %arg9[%dma_start3A_916, %dma_start3A_918, %dma_start3A_919] : memref<8x64x32xf32, #tpu.memory_space<vmem>> -> memref<1x64x32xf32, #tpu.memory_space<vmem>>
      %dma_start3A_921 = tpu.memref_squeeze %dma_start3A_920 : memref<1x64x32xf32, #tpu.memory_space<vmem>> -> memref<64x32xf32, #tpu.memory_space<vmem>>
      %dma_start3A_922 = arith.constant 0 : i32
      %dma_start3A_923 = tpu.memref_slice %arg7[%add3A_915, %dma_start3A_922] : memref<304x64xi32, #tpu.memory_space<vmem>> -> memref<1x64xi32, #tpu.memory_space<vmem>>
      %dma_start3A_924 = tpu.memref_squeeze %dma_start3A_923 : memref<1x64xi32, #tpu.memory_space<vmem>> -> memref<64xi32, #tpu.memory_space<vmem>>
      %dma_start3A_925 = arith.constant 0 : i32
      %dma_start3A_926 = arith.constant 0 : i32
      %dma_start3A_927 = tpu.memref_slice %arg2[%dma_start3A_925, %dma_start3A_926] : memref<10240x32xf32, #tpu.memory_space<hbm>> -> memref<10240x32xf32, #tpu.memory_space<hbm>>
      %dma_start3A_928 = tpu.memref_slice %arg11[%dma_start3A_917] : memref<8x!tpu.dma_semaphore, #tpu.memory_space<semaphore_mem>> -> memref<1x!tpu.dma_semaphore, #tpu.memory_space<semaphore_mem>>
      %dma_start3A_929 = tpu.memref_squeeze %dma_start3A_928 : memref<1x!tpu.dma_semaphore, #tpu.memory_space<semaphore_mem>> -> memref<!tpu.dma_semaphore, #tpu.memory_space<semaphore_mem>>
      tpu.enqueue_indirect_dma source(%dma_start3A_927 : memref<10240x32xf32, #tpu.memory_space<hbm>>) target(%dma_start3A_921 : memref<64x32xf32, #tpu.memory_space<vmem>>) offsets(%dma_start3A_924 : memref<64xi32, #tpu.memory_space<vmem>>) semaphore(%dma_start3A_929 : memref<!tpu.dma_semaphore, #tpu.memory_space<semaphore_mem>>)
      %add3A_930 = arith.constant 4 : i32
      %add3A_931 = arith.addi %mul3A_537, %add3A_930 : i32
      %dma_wait3A_932 = arith.constant 4 : i32
      %dma_wait3A_933 = arith.constant 4 : i32
      %dma_wait3A_934 = arith.constant 0 : i32
      %dma_wait3A_935 = arith.constant 0 : i32
      %dma_wait3A_936 = tpu.memref_slice %arg9[%dma_wait3A_932, %dma_wait3A_934, %dma_wait3A_935] : memref<8x64x32xf32, #tpu.memory_space<vmem>> -> memref<1x64x32xf32, #tpu.memory_space<vmem>>
      %dma_wait3A_937 = tpu.memref_squeeze %dma_wait3A_936 : memref<1x64x32xf32, #tpu.memory_space<vmem>> -> memref<64x32xf32, #tpu.memory_space<vmem>>
      %dma_wait3A_938 = arith.constant 0 : i32
      %dma_wait3A_939 = tpu.memref_slice %arg8[%add3A_931, %dma_wait3A_938] : memref<304x64xi32, #tpu.memory_space<vmem>> -> memref<1x64xi32, #tpu.memory_space<vmem>>
      %dma_wait3A_940 = tpu.memref_squeeze %dma_wait3A_939 : memref<1x64xi32, #tpu.memory_space<vmem>> -> memref<64xi32, #tpu.memory_space<vmem>>
      %dma_wait3A_941 = arith.constant 0 : i32
      %dma_wait3A_942 = arith.constant 0 : i32
      %dma_wait3A_943 = tpu.memref_slice %arg10[%dma_wait3A_941, %dma_wait3A_942] : memref<10240x32xf32, #tpu.memory_space<vmem_shared>> -> memref<10240x32xf32, #tpu.memory_space<vmem_shared>>
      %dma_wait3A_944 = tpu.memref_slice %arg12[%dma_wait3A_933] : memref<8x!tpu.dma_semaphore, #tpu.memory_space<semaphore_mem>> -> memref<1x!tpu.dma_semaphore, #tpu.memory_space<semaphore_mem>>
      %dma_wait3A_945 = tpu.memref_squeeze %dma_wait3A_944 : memref<1x!tpu.dma_semaphore, #tpu.memory_space<semaphore_mem>> -> memref<!tpu.dma_semaphore, #tpu.memory_space<semaphore_mem>>
      tpu.wait_indirect_dma semaphore(%dma_wait3A_945 : memref<!tpu.dma_semaphore, #tpu.memory_space<semaphore_mem>>) src(%dma_wait3A_937 : memref<64x32xf32, #tpu.memory_space<vmem>>) dst(%dma_wait3A_943 : memref<10240x32xf32, #tpu.memory_space<vmem_shared>>)
      %add3A_946 = arith.constant 8 : i32
      %add3A_947 = arith.addi %mul3A_537, %add3A_946 : i32
      %add3A_948 = arith.constant 4 : i32
      %add3A_949 = arith.addi %add3A_947, %add3A_948 : i32
      %dma_start3A_950 = arith.constant 4 : i32
      %dma_start3A_951 = arith.constant 4 : i32
      %dma_start3A_952 = arith.constant 0 : i32
      %dma_start3A_953 = arith.constant 0 : i32
      %dma_start3A_954 = tpu.memref_slice %arg9[%dma_start3A_950, %dma_start3A_952, %dma_start3A_953] : memref<8x64x32xf32, #tpu.memory_space<vmem>> -> memref<1x64x32xf32, #tpu.memory_space<vmem>>
      %dma_start3A_955 = tpu.memref_squeeze %dma_start3A_954 : memref<1x64x32xf32, #tpu.memory_space<vmem>> -> memref<64x32xf32, #tpu.memory_space<vmem>>
      %dma_start3A_956 = arith.constant 0 : i32
      %dma_start3A_957 = tpu.memref_slice %arg7[%add3A_949, %dma_start3A_956] : memref<304x64xi32, #tpu.memory_space<vmem>> -> memref<1x64xi32, #tpu.memory_space<vmem>>
      %dma_start3A_958 = tpu.memref_squeeze %dma_start3A_957 : memref<1x64xi32, #tpu.memory_space<vmem>> -> memref<64xi32, #tpu.memory_space<vmem>>
      %dma_start3A_959 = arith.constant 0 : i32
      %dma_start3A_960 = arith.constant 0 : i32
      %dma_start3A_961 = tpu.memref_slice %arg2[%dma_start3A_959, %dma_start3A_960] : memref<10240x32xf32, #tpu.memory_space<hbm>> -> memref<10240x32xf32, #tpu.memory_space<hbm>>
      %dma_start3A_962 = tpu.memref_slice %arg11[%dma_start3A_951] : memref<8x!tpu.dma_semaphore, #tpu.memory_space<semaphore_mem>> -> memref<1x!tpu.dma_semaphore, #tpu.memory_space<semaphore_mem>>
      %dma_start3A_963 = tpu.memref_squeeze %dma_start3A_962 : memref<1x!tpu.dma_semaphore, #tpu.memory_space<semaphore_mem>> -> memref<!tpu.dma_semaphore, #tpu.memory_space<semaphore_mem>>
      tpu.enqueue_indirect_dma source(%dma_start3A_961 : memref<10240x32xf32, #tpu.memory_space<hbm>>) target(%dma_start3A_955 : memref<64x32xf32, #tpu.memory_space<vmem>>) offsets(%dma_start3A_958 : memref<64xi32, #tpu.memory_space<vmem>>) semaphore(%dma_start3A_963 : memref<!tpu.dma_semaphore, #tpu.memory_space<semaphore_mem>>)
      %add3A_964 = arith.constant 5 : i32
      %add3A_965 = arith.addi %mul3A_537, %add3A_964 : i32
      %dma_wait3A_966 = arith.constant 5 : i32
      %dma_wait3A_967 = arith.constant 5 : i32
      %dma_wait3A_968 = arith.constant 0 : i32
      %dma_wait3A_969 = arith.constant 0 : i32
      %dma_wait3A_970 = tpu.memref_slice %arg9[%dma_wait3A_966, %dma_wait3A_968, %dma_wait3A_969] : memref<8x64x32xf32, #tpu.memory_space<vmem>> -> memref<1x64x32xf32, #tpu.memory_space<vmem>>
      %dma_wait3A_971 = tpu.memref_squeeze %dma_wait3A_970 : memref<1x64x32xf32, #tpu.memory_space<vmem>> -> memref<64x32xf32, #tpu.memory_space<vmem>>
      %dma_wait3A_972 = arith.constant 0 : i32
      %dma_wait3A_973 = tpu.memref_slice %arg8[%add3A_965, %dma_wait3A_972] : memref<304x64xi32, #tpu.memory_space<vmem>> -> memref<1x64xi32, #tpu.memory_space<vmem>>
      %dma_wait3A_974 = tpu.memref_squeeze %dma_wait3A_973 : memref<1x64xi32, #tpu.memory_space<vmem>> -> memref<64xi32, #tpu.memory_space<vmem>>
      %dma_wait3A_975 = arith.constant 0 : i32
      %dma_wait3A_976 = arith.constant 0 : i32
      %dma_wait3A_977 = tpu.memref_slice %arg10[%dma_wait3A_975, %dma_wait3A_976] : memref<10240x32xf32, #tpu.memory_space<vmem_shared>> -> memref<10240x32xf32, #tpu.memory_space<vmem_shared>>
      %dma_wait3A_978 = tpu.memref_slice %arg12[%dma_wait3A_967] : memref<8x!tpu.dma_semaphore, #tpu.memory_space<semaphore_mem>> -> memref<1x!tpu.dma_semaphore, #tpu.memory_space<semaphore_mem>>
      %dma_wait3A_979 = tpu.memref_squeeze %dma_wait3A_978 : memref<1x!tpu.dma_semaphore, #tpu.memory_space<semaphore_mem>> -> memref<!tpu.dma_semaphore, #tpu.memory_space<semaphore_mem>>
      tpu.wait_indirect_dma semaphore(%dma_wait3A_979 : memref<!tpu.dma_semaphore, #tpu.memory_space<semaphore_mem>>) src(%dma_wait3A_971 : memref<64x32xf32, #tpu.memory_space<vmem>>) dst(%dma_wait3A_977 : memref<10240x32xf32, #tpu.memory_space<vmem_shared>>)
      %add3A_980 = arith.constant 8 : i32
      %add3A_981 = arith.addi %mul3A_537, %add3A_980 : i32
      %add3A_982 = arith.constant 5 : i32
      %add3A_983 = arith.addi %add3A_981, %add3A_982 : i32
      %dma_start3A_984 = arith.constant 5 : i32
      %dma_start3A_985 = arith.constant 5 : i32
      %dma_start3A_986 = arith.constant 0 : i32
      %dma_start3A_987 = arith.constant 0 : i32
      %dma_start3A_988 = tpu.memref_slice %arg9[%dma_start3A_984, %dma_start3A_986, %dma_start3A_987] : memref<8x64x32xf32, #tpu.memory_space<vmem>> -> memref<1x64x32xf32, #tpu.memory_space<vmem>>
      %dma_start3A_989 = tpu.memref_squeeze %dma_start3A_988 : memref<1x64x32xf32, #tpu.memory_space<vmem>> -> memref<64x32xf32, #tpu.memory_space<vmem>>
      %dma_start3A_990 = arith.constant 0 : i32
      %dma_start3A_991 = tpu.memref_slice %arg7[%add3A_983, %dma_start3A_990] : memref<304x64xi32, #tpu.memory_space<vmem>> -> memref<1x64xi32, #tpu.memory_space<vmem>>
      %dma_start3A_992 = tpu.memref_squeeze %dma_start3A_991 : memref<1x64xi32, #tpu.memory_space<vmem>> -> memref<64xi32, #tpu.memory_space<vmem>>
      %dma_start3A_993 = arith.constant 0 : i32
      %dma_start3A_994 = arith.constant 0 : i32
      %dma_start3A_995 = tpu.memref_slice %arg2[%dma_start3A_993, %dma_start3A_994] : memref<10240x32xf32, #tpu.memory_space<hbm>> -> memref<10240x32xf32, #tpu.memory_space<hbm>>
      %dma_start3A_996 = tpu.memref_slice %arg11[%dma_start3A_985] : memref<8x!tpu.dma_semaphore, #tpu.memory_space<semaphore_mem>> -> memref<1x!tpu.dma_semaphore, #tpu.memory_space<semaphore_mem>>
      %dma_start3A_997 = tpu.memref_squeeze %dma_start3A_996 : memref<1x!tpu.dma_semaphore, #tpu.memory_space<semaphore_mem>> -> memref<!tpu.dma_semaphore, #tpu.memory_space<semaphore_mem>>
      tpu.enqueue_indirect_dma source(%dma_start3A_995 : memref<10240x32xf32, #tpu.memory_space<hbm>>) target(%dma_start3A_989 : memref<64x32xf32, #tpu.memory_space<vmem>>) offsets(%dma_start3A_992 : memref<64xi32, #tpu.memory_space<vmem>>) semaphore(%dma_start3A_997 : memref<!tpu.dma_semaphore, #tpu.memory_space<semaphore_mem>>)
      %add3A_998 = arith.constant 6 : i32
      %add3A_999 = arith.addi %mul3A_537, %add3A_998 : i32
      %dma_wait3A_1000 = arith.constant 6 : i32
      %dma_wait3A_1001 = arith.constant 6 : i32
      %dma_wait3A_1002 = arith.constant 0 : i32
      %dma_wait3A_1003 = arith.constant 0 : i32
      %dma_wait3A_1004 = tpu.memref_slice %arg9[%dma_wait3A_1000, %dma_wait3A_1002, %dma_wait3A_1003] : memref<8x64x32xf32, #tpu.memory_space<vmem>> -> memref<1x64x32xf32, #tpu.memory_space<vmem>>
      %dma_wait3A_1005 = tpu.memref_squeeze %dma_wait3A_1004 : memref<1x64x32xf32, #tpu.memory_space<vmem>> -> memref<64x32xf32, #tpu.memory_space<vmem>>
      %dma_wait3A_1006 = arith.constant 0 : i32
      %dma_wait3A_1007 = tpu.memref_slice %arg8[%add3A_999, %dma_wait3A_1006] : memref<304x64xi32, #tpu.memory_space<vmem>> -> memref<1x64xi32, #tpu.memory_space<vmem>>
      %dma_wait3A_1008 = tpu.memref_squeeze %dma_wait3A_1007 : memref<1x64xi32, #tpu.memory_space<vmem>> -> memref<64xi32, #tpu.memory_space<vmem>>
      %dma_wait3A_1009 = arith.constant 0 : i32
      %dma_wait3A_1010 = arith.constant 0 : i32
      %dma_wait3A_1011 = tpu.memref_slice %arg10[%dma_wait3A_1009, %dma_wait3A_1010] : memref<10240x32xf32, #tpu.memory_space<vmem_shared>> -> memref<10240x32xf32, #tpu.memory_space<vmem_shared>>
      %dma_wait3A_1012 = tpu.memref_slice %arg12[%dma_wait3A_1001] : memref<8x!tpu.dma_semaphore, #tpu.memory_space<semaphore_mem>> -> memref<1x!tpu.dma_semaphore, #tpu.memory_space<semaphore_mem>>
      %dma_wait3A_1013 = tpu.memref_squeeze %dma_wait3A_1012 : memref<1x!tpu.dma_semaphore, #tpu.memory_space<semaphore_mem>> -> memref<!tpu.dma_semaphore, #tpu.memory_space<semaphore_mem>>
      tpu.wait_indirect_dma semaphore(%dma_wait3A_1013 : memref<!tpu.dma_semaphore, #tpu.memory_space<semaphore_mem>>) src(%dma_wait3A_1005 : memref<64x32xf32, #tpu.memory_space<vmem>>) dst(%dma_wait3A_1011 : memref<10240x32xf32, #tpu.memory_space<vmem_shared>>)
      %add3A_1014 = arith.constant 8 : i32
      %add3A_1015 = arith.addi %mul3A_537, %add3A_1014 : i32
      %add3A_1016 = arith.constant 6 : i32
      %add3A_1017 = arith.addi %add3A_1015, %add3A_1016 : i32
      %dma_start3A_1018 = arith.constant 6 : i32
      %dma_start3A_1019 = arith.constant 6 : i32
      %dma_start3A_1020 = arith.constant 0 : i32
      %dma_start3A_1021 = arith.constant 0 : i32
      %dma_start3A_1022 = tpu.memref_slice %arg9[%dma_start3A_1018, %dma_start3A_1020, %dma_start3A_1021] : memref<8x64x32xf32, #tpu.memory_space<vmem>> -> memref<1x64x32xf32, #tpu.memory_space<vmem>>
      %dma_start3A_1023 = tpu.memref_squeeze %dma_start3A_1022 : memref<1x64x32xf32, #tpu.memory_space<vmem>> -> memref<64x32xf32, #tpu.memory_space<vmem>>
      %dma_start3A_1024 = arith.constant 0 : i32
      %dma_start3A_1025 = tpu.memref_slice %arg7[%add3A_1017, %dma_start3A_1024] : memref<304x64xi32, #tpu.memory_space<vmem>> -> memref<1x64xi32, #tpu.memory_space<vmem>>
      %dma_start3A_1026 = tpu.memref_squeeze %dma_start3A_1025 : memref<1x64xi32, #tpu.memory_space<vmem>> -> memref<64xi32, #tpu.memory_space<vmem>>
      %dma_start3A_1027 = arith.constant 0 : i32
      %dma_start3A_1028 = arith.constant 0 : i32
      %dma_start3A_1029 = tpu.memref_slice %arg2[%dma_start3A_1027, %dma_start3A_1028] : memref<10240x32xf32, #tpu.memory_space<hbm>> -> memref<10240x32xf32, #tpu.memory_space<hbm>>
      %dma_start3A_1030 = tpu.memref_slice %arg11[%dma_start3A_1019] : memref<8x!tpu.dma_semaphore, #tpu.memory_space<semaphore_mem>> -> memref<1x!tpu.dma_semaphore, #tpu.memory_space<semaphore_mem>>
      %dma_start3A_1031 = tpu.memref_squeeze %dma_start3A_1030 : memref<1x!tpu.dma_semaphore, #tpu.memory_space<semaphore_mem>> -> memref<!tpu.dma_semaphore, #tpu.memory_space<semaphore_mem>>
      tpu.enqueue_indirect_dma source(%dma_start3A_1029 : memref<10240x32xf32, #tpu.memory_space<hbm>>) target(%dma_start3A_1023 : memref<64x32xf32, #tpu.memory_space<vmem>>) offsets(%dma_start3A_1026 : memref<64xi32, #tpu.memory_space<vmem>>) semaphore(%dma_start3A_1031 : memref<!tpu.dma_semaphore, #tpu.memory_space<semaphore_mem>>)
      %add3A_1032 = arith.constant 7 : i32
      %add3A_1033 = arith.addi %mul3A_537, %add3A_1032 : i32
      %dma_wait3A_1034 = arith.constant 7 : i32
      %dma_wait3A_1035 = arith.constant 7 : i32
      %dma_wait3A_1036 = arith.constant 0 : i32
      %dma_wait3A_1037 = arith.constant 0 : i32
      %dma_wait3A_1038 = tpu.memref_slice %arg9[%dma_wait3A_1034, %dma_wait3A_1036, %dma_wait3A_1037] : memref<8x64x32xf32, #tpu.memory_space<vmem>> -> memref<1x64x32xf32, #tpu.memory_space<vmem>>
      %dma_wait3A_1039 = tpu.memref_squeeze %dma_wait3A_1038 : memref<1x64x32xf32, #tpu.memory_space<vmem>> -> memref<64x32xf32, #tpu.memory_space<vmem>>
      %dma_wait3A_1040 = arith.constant 0 : i32
      %dma_wait3A_1041 = tpu.memref_slice %arg8[%add3A_1033, %dma_wait3A_1040] : memref<304x64xi32, #tpu.memory_space<vmem>> -> memref<1x64xi32, #tpu.memory_space<vmem>>
      %dma_wait3A_1042 = tpu.memref_squeeze %dma_wait3A_1041 : memref<1x64xi32, #tpu.memory_space<vmem>> -> memref<64xi32, #tpu.memory_space<vmem>>
      %dma_wait3A_1043 = arith.constant 0 : i32
      %dma_wait3A_1044 = arith.constant 0 : i32
      %dma_wait3A_1045 = tpu.memref_slice %arg10[%dma_wait3A_1043, %dma_wait3A_1044] : memref<10240x32xf32, #tpu.memory_space<vmem_shared>> -> memref<10240x32xf32, #tpu.memory_space<vmem_shared>>
      %dma_wait3A_1046 = tpu.memref_slice %arg12[%dma_wait3A_1035] : memref<8x!tpu.dma_semaphore, #tpu.memory_space<semaphore_mem>> -> memref<1x!tpu.dma_semaphore, #tpu.memory_space<semaphore_mem>>
      %dma_wait3A_1047 = tpu.memref_squeeze %dma_wait3A_1046 : memref<1x!tpu.dma_semaphore, #tpu.memory_space<semaphore_mem>> -> memref<!tpu.dma_semaphore, #tpu.memory_space<semaphore_mem>>
      tpu.wait_indirect_dma semaphore(%dma_wait3A_1047 : memref<!tpu.dma_semaphore, #tpu.memory_space<semaphore_mem>>) src(%dma_wait3A_1039 : memref<64x32xf32, #tpu.memory_space<vmem>>) dst(%dma_wait3A_1045 : memref<10240x32xf32, #tpu.memory_space<vmem_shared>>)
      %add3A_1048 = arith.constant 8 : i32
      %add3A_1049 = arith.addi %mul3A_537, %add3A_1048 : i32
      %add3A_1050 = arith.constant 7 : i32
      %add3A_1051 = arith.addi %add3A_1049, %add3A_1050 : i32
      %dma_start3A_1052 = arith.constant 7 : i32
      %dma_start3A_1053 = arith.constant 7 : i32
      %dma_start3A_1054 = arith.constant 0 : i32
      %dma_start3A_1055 = arith.constant 0 : i32
      %dma_start3A_1056 = tpu.memref_slice %arg9[%dma_start3A_1052, %dma_start3A_1054, %dma_start3A_1055] : memref<8x64x32xf32, #tpu.memory_space<vmem>> -> memref<1x64x32xf32, #tpu.memory_space<vmem>>
      %dma_start3A_1057 = tpu.memref_squeeze %dma_start3A_1056 : memref<1x64x32xf32, #tpu.memory_space<vmem>> -> memref<64x32xf32, #tpu.memory_space<vmem>>
      %dma_start3A_1058 = arith.constant 0 : i32
      %dma_start3A_1059 = tpu.memref_slice %arg7[%add3A_1051, %dma_start3A_1058] : memref<304x64xi32, #tpu.memory_space<vmem>> -> memref<1x64xi32, #tpu.memory_space<vmem>>
      %dma_start3A_1060 = tpu.memref_squeeze %dma_start3A_1059 : memref<1x64xi32, #tpu.memory_space<vmem>> -> memref<64xi32, #tpu.memory_space<vmem>>
      %dma_start3A_1061 = arith.constant 0 : i32
      %dma_start3A_1062 = arith.constant 0 : i32
      %dma_start3A_1063 = tpu.memref_slice %arg2[%dma_start3A_1061, %dma_start3A_1062] : memref<10240x32xf32, #tpu.memory_space<hbm>> -> memref<10240x32xf32, #tpu.memory_space<hbm>>
      %dma_start3A_1064 = tpu.memref_slice %arg11[%dma_start3A_1053] : memref<8x!tpu.dma_semaphore, #tpu.memory_space<semaphore_mem>> -> memref<1x!tpu.dma_semaphore, #tpu.memory_space<semaphore_mem>>
      %dma_start3A_1065 = tpu.memref_squeeze %dma_start3A_1064 : memref<1x!tpu.dma_semaphore, #tpu.memory_space<semaphore_mem>> -> memref<!tpu.dma_semaphore, #tpu.memory_space<semaphore_mem>>
      tpu.enqueue_indirect_dma source(%dma_start3A_1063 : memref<10240x32xf32, #tpu.memory_space<hbm>>) target(%dma_start3A_1057 : memref<64x32xf32, #tpu.memory_space<vmem>>) offsets(%dma_start3A_1060 : memref<64xi32, #tpu.memory_space<vmem>>) semaphore(%dma_start3A_1065 : memref<!tpu.dma_semaphore, #tpu.memory_space<semaphore_mem>>)
    }
    %sub3A_147 = arith.constant 1 : i32
    %sub3A_148 = arith.subi %select_n3A, %sub3A_147 : i32
    %mul3A_149 = arith.constant 8 : i32
    %mul3A_150 = arith.muli %sub3A_148, %mul3A_149 : i32
    %add3A_151 = arith.constant 0 : i32
    %add3A_152 = arith.addi %mul3A_150, %add3A_151 : i32
    %dma_wait3A = arith.constant 0 : i32
    %dma_wait3A_153 = arith.constant 0 : i32
    %dma_wait3A_154 = arith.constant 0 : i32
    %dma_wait3A_155 = arith.constant 0 : i32
    %dma_wait3A_156 = tpu.memref_slice %arg9[%dma_wait3A, %dma_wait3A_154, %dma_wait3A_155] : memref<8x64x32xf32, #tpu.memory_space<vmem>> -> memref<1x64x32xf32, #tpu.memory_space<vmem>>
    %dma_wait3A_157 = tpu.memref_squeeze %dma_wait3A_156 : memref<1x64x32xf32, #tpu.memory_space<vmem>> -> memref<64x32xf32, #tpu.memory_space<vmem>>
    %dma_wait3A_158 = arith.constant 0 : i32
    %dma_wait3A_159 = tpu.memref_slice %arg7[%add3A_152, %dma_wait3A_158] : memref<304x64xi32, #tpu.memory_space<vmem>> -> memref<1x64xi32, #tpu.memory_space<vmem>>
    %dma_wait3A_160 = tpu.memref_squeeze %dma_wait3A_159 : memref<1x64xi32, #tpu.memory_space<vmem>> -> memref<64xi32, #tpu.memory_space<vmem>>
    %dma_wait3A_161 = arith.constant 0 : i32
    %dma_wait3A_162 = arith.constant 0 : i32
    %dma_wait3A_163 = tpu.memref_slice %arg2[%dma_wait3A_161, %dma_wait3A_162] : memref<10240x32xf32, #tpu.memory_space<hbm>> -> memref<10240x32xf32, #tpu.memory_space<hbm>>
    %dma_wait3A_164 = tpu.memref_slice %arg11[%dma_wait3A_153] : memref<8x!tpu.dma_semaphore, #tpu.memory_space<semaphore_mem>> -> memref<1x!tpu.dma_semaphore, #tpu.memory_space<semaphore_mem>>
    %dma_wait3A_165 = tpu.memref_squeeze %dma_wait3A_164 : memref<1x!tpu.dma_semaphore, #tpu.memory_space<semaphore_mem>> -> memref<!tpu.dma_semaphore, #tpu.memory_space<semaphore_mem>>
    tpu.wait_indirect_dma semaphore(%dma_wait3A_165 : memref<!tpu.dma_semaphore, #tpu.memory_space<semaphore_mem>>) src(%dma_wait3A_163 : memref<10240x32xf32, #tpu.memory_space<hbm>>) dst(%dma_wait3A_157 : memref<64x32xf32, #tpu.memory_space<vmem>>)
    %add3A_166 = arith.constant 0 : i32
    %add3A_167 = arith.addi %mul3A_150, %add3A_166 : i32
    %dma_start3A_168 = arith.constant 0 : i32
    %dma_start3A_169 = arith.constant 0 : i32
    %dma_start3A_170 = arith.constant 0 : i32
    %dma_start3A_171 = arith.constant 0 : i32
    %dma_start3A_172 = tpu.memref_slice %arg9[%dma_start3A_168, %dma_start3A_170, %dma_start3A_171] : memref<8x64x32xf32, #tpu.memory_space<vmem>> -> memref<1x64x32xf32, #tpu.memory_space<vmem>>
    %dma_start3A_173 = tpu.memref_squeeze %dma_start3A_172 : memref<1x64x32xf32, #tpu.memory_space<vmem>> -> memref<64x32xf32, #tpu.memory_space<vmem>>
    %dma_start3A_174 = arith.constant 0 : i32
    %dma_start3A_175 = tpu.memref_slice %arg8[%add3A_167, %dma_start3A_174] : memref<304x64xi32, #tpu.memory_space<vmem>> -> memref<1x64xi32, #tpu.memory_space<vmem>>
    %dma_start3A_176 = tpu.memref_squeeze %dma_start3A_175 : memref<1x64xi32, #tpu.memory_space<vmem>> -> memref<64xi32, #tpu.memory_space<vmem>>
    %dma_start3A_177 = arith.constant 0 : i32
    %dma_start3A_178 = arith.constant 0 : i32
    %dma_start3A_179 = tpu.memref_slice %arg10[%dma_start3A_177, %dma_start3A_178] : memref<10240x32xf32, #tpu.memory_space<vmem_shared>> -> memref<10240x32xf32, #tpu.memory_space<vmem_shared>>
    %dma_start3A_180 = tpu.memref_slice %arg12[%dma_start3A_169] : memref<8x!tpu.dma_semaphore, #tpu.memory_space<semaphore_mem>> -> memref<1x!tpu.dma_semaphore, #tpu.memory_space<semaphore_mem>>
    %dma_start3A_181 = tpu.memref_squeeze %dma_start3A_180 : memref<1x!tpu.dma_semaphore, #tpu.memory_space<semaphore_mem>> -> memref<!tpu.dma_semaphore, #tpu.memory_space<semaphore_mem>>
    tpu.enqueue_indirect_dma source(%dma_start3A_173 : memref<64x32xf32, #tpu.memory_space<vmem>>) target(%dma_start3A_179 : memref<10240x32xf32, #tpu.memory_space<vmem_shared>>) offsets(%dma_start3A_176 : memref<64xi32, #tpu.memory_space<vmem>>) semaphore(%dma_start3A_181 : memref<!tpu.dma_semaphore, #tpu.memory_space<semaphore_mem>>) {add = true}
    %add3A_182 = arith.constant 1 : i32
    %add3A_183 = arith.addi %mul3A_150, %add3A_182 : i32
    %dma_wait3A_184 = arith.constant 1 : i32
    %dma_wait3A_185 = arith.constant 1 : i32
    %dma_wait3A_186 = arith.constant 0 : i32
    %dma_wait3A_187 = arith.constant 0 : i32
    %dma_wait3A_188 = tpu.memref_slice %arg9[%dma_wait3A_184, %dma_wait3A_186, %dma_wait3A_187] : memref<8x64x32xf32, #tpu.memory_space<vmem>> -> memref<1x64x32xf32, #tpu.memory_space<vmem>>
    %dma_wait3A_189 = tpu.memref_squeeze %dma_wait3A_188 : memref<1x64x32xf32, #tpu.memory_space<vmem>> -> memref<64x32xf32, #tpu.memory_space<vmem>>
    %dma_wait3A_190 = arith.constant 0 : i32
    %dma_wait3A_191 = tpu.memref_slice %arg7[%add3A_183, %dma_wait3A_190] : memref<304x64xi32, #tpu.memory_space<vmem>> -> memref<1x64xi32, #tpu.memory_space<vmem>>
    %dma_wait3A_192 = tpu.memref_squeeze %dma_wait3A_191 : memref<1x64xi32, #tpu.memory_space<vmem>> -> memref<64xi32, #tpu.memory_space<vmem>>
    %dma_wait3A_193 = arith.constant 0 : i32
    %dma_wait3A_194 = arith.constant 0 : i32
    %dma_wait3A_195 = tpu.memref_slice %arg2[%dma_wait3A_193, %dma_wait3A_194] : memref<10240x32xf32, #tpu.memory_space<hbm>> -> memref<10240x32xf32, #tpu.memory_space<hbm>>
    %dma_wait3A_196 = tpu.memref_slice %arg11[%dma_wait3A_185] : memref<8x!tpu.dma_semaphore, #tpu.memory_space<semaphore_mem>> -> memref<1x!tpu.dma_semaphore, #tpu.memory_space<semaphore_mem>>
    %dma_wait3A_197 = tpu.memref_squeeze %dma_wait3A_196 : memref<1x!tpu.dma_semaphore, #tpu.memory_space<semaphore_mem>> -> memref<!tpu.dma_semaphore, #tpu.memory_space<semaphore_mem>>
    tpu.wait_indirect_dma semaphore(%dma_wait3A_197 : memref<!tpu.dma_semaphore, #tpu.memory_space<semaphore_mem>>) src(%dma_wait3A_195 : memref<10240x32xf32, #tpu.memory_space<hbm>>) dst(%dma_wait3A_189 : memref<64x32xf32, #tpu.memory_space<vmem>>)
    %add3A_198 = arith.constant 1 : i32
    %add3A_199 = arith.addi %mul3A_150, %add3A_198 : i32
    %dma_start3A_200 = arith.constant 1 : i32
    %dma_start3A_201 = arith.constant 1 : i32
    %dma_start3A_202 = arith.constant 0 : i32
    %dma_start3A_203 = arith.constant 0 : i32
    %dma_start3A_204 = tpu.memref_slice %arg9[%dma_start3A_200, %dma_start3A_202, %dma_start3A_203] : memref<8x64x32xf32, #tpu.memory_space<vmem>> -> memref<1x64x32xf32, #tpu.memory_space<vmem>>
    %dma_start3A_205 = tpu.memref_squeeze %dma_start3A_204 : memref<1x64x32xf32, #tpu.memory_space<vmem>> -> memref<64x32xf32, #tpu.memory_space<vmem>>
    %dma_start3A_206 = arith.constant 0 : i32
    %dma_start3A_207 = tpu.memref_slice %arg8[%add3A_199, %dma_start3A_206] : memref<304x64xi32, #tpu.memory_space<vmem>> -> memref<1x64xi32, #tpu.memory_space<vmem>>
    %dma_start3A_208 = tpu.memref_squeeze %dma_start3A_207 : memref<1x64xi32, #tpu.memory_space<vmem>> -> memref<64xi32, #tpu.memory_space<vmem>>
    %dma_start3A_209 = arith.constant 0 : i32
    %dma_start3A_210 = arith.constant 0 : i32
    %dma_start3A_211 = tpu.memref_slice %arg10[%dma_start3A_209, %dma_start3A_210] : memref<10240x32xf32, #tpu.memory_space<vmem_shared>> -> memref<10240x32xf32, #tpu.memory_space<vmem_shared>>
    %dma_start3A_212 = tpu.memref_slice %arg12[%dma_start3A_201] : memref<8x!tpu.dma_semaphore, #tpu.memory_space<semaphore_mem>> -> memref<1x!tpu.dma_semaphore, #tpu.memory_space<semaphore_mem>>
    %dma_start3A_213 = tpu.memref_squeeze %dma_start3A_212 : memref<1x!tpu.dma_semaphore, #tpu.memory_space<semaphore_mem>> -> memref<!tpu.dma_semaphore, #tpu.memory_space<semaphore_mem>>
    tpu.enqueue_indirect_dma source(%dma_start3A_205 : memref<64x32xf32, #tpu.memory_space<vmem>>) target(%dma_start3A_211 : memref<10240x32xf32, #tpu.memory_space<vmem_shared>>) offsets(%dma_start3A_208 : memref<64xi32, #tpu.memory_space<vmem>>) semaphore(%dma_start3A_213 : memref<!tpu.dma_semaphore, #tpu.memory_space<semaphore_mem>>) {add = true}
    %add3A_214 = arith.constant 2 : i32
    %add3A_215 = arith.addi %mul3A_150, %add3A_214 : i32
    %dma_wait3A_216 = arith.constant 2 : i32
    %dma_wait3A_217 = arith.constant 2 : i32
    %dma_wait3A_218 = arith.constant 0 : i32
    %dma_wait3A_219 = arith.constant 0 : i32
    %dma_wait3A_220 = tpu.memref_slice %arg9[%dma_wait3A_216, %dma_wait3A_218, %dma_wait3A_219] : memref<8x64x32xf32, #tpu.memory_space<vmem>> -> memref<1x64x32xf32, #tpu.memory_space<vmem>>
    %dma_wait3A_221 = tpu.memref_squeeze %dma_wait3A_220 : memref<1x64x32xf32, #tpu.memory_space<vmem>> -> memref<64x32xf32, #tpu.memory_space<vmem>>
    %dma_wait3A_222 = arith.constant 0 : i32
    %dma_wait3A_223 = tpu.memref_slice %arg7[%add3A_215, %dma_wait3A_222] : memref<304x64xi32, #tpu.memory_space<vmem>> -> memref<1x64xi32, #tpu.memory_space<vmem>>
    %dma_wait3A_224 = tpu.memref_squeeze %dma_wait3A_223 : memref<1x64xi32, #tpu.memory_space<vmem>> -> memref<64xi32, #tpu.memory_space<vmem>>
    %dma_wait3A_225 = arith.constant 0 : i32
    %dma_wait3A_226 = arith.constant 0 : i32
    %dma_wait3A_227 = tpu.memref_slice %arg2[%dma_wait3A_225, %dma_wait3A_226] : memref<10240x32xf32, #tpu.memory_space<hbm>> -> memref<10240x32xf32, #tpu.memory_space<hbm>>
    %dma_wait3A_228 = tpu.memref_slice %arg11[%dma_wait3A_217] : memref<8x!tpu.dma_semaphore, #tpu.memory_space<semaphore_mem>> -> memref<1x!tpu.dma_semaphore, #tpu.memory_space<semaphore_mem>>
    %dma_wait3A_229 = tpu.memref_squeeze %dma_wait3A_228 : memref<1x!tpu.dma_semaphore, #tpu.memory_space<semaphore_mem>> -> memref<!tpu.dma_semaphore, #tpu.memory_space<semaphore_mem>>
    tpu.wait_indirect_dma semaphore(%dma_wait3A_229 : memref<!tpu.dma_semaphore, #tpu.memory_space<semaphore_mem>>) src(%dma_wait3A_227 : memref<10240x32xf32, #tpu.memory_space<hbm>>) dst(%dma_wait3A_221 : memref<64x32xf32, #tpu.memory_space<vmem>>)
    %add3A_230 = arith.constant 2 : i32
    %add3A_231 = arith.addi %mul3A_150, %add3A_230 : i32
    %dma_start3A_232 = arith.constant 2 : i32
    %dma_start3A_233 = arith.constant 2 : i32
    %dma_start3A_234 = arith.constant 0 : i32
    %dma_start3A_235 = arith.constant 0 : i32
    %dma_start3A_236 = tpu.memref_slice %arg9[%dma_start3A_232, %dma_start3A_234, %dma_start3A_235] : memref<8x64x32xf32, #tpu.memory_space<vmem>> -> memref<1x64x32xf32, #tpu.memory_space<vmem>>
    %dma_start3A_237 = tpu.memref_squeeze %dma_start3A_236 : memref<1x64x32xf32, #tpu.memory_space<vmem>> -> memref<64x32xf32, #tpu.memory_space<vmem>>
    %dma_start3A_238 = arith.constant 0 : i32
    %dma_start3A_239 = tpu.memref_slice %arg8[%add3A_231, %dma_start3A_238] : memref<304x64xi32, #tpu.memory_space<vmem>> -> memref<1x64xi32, #tpu.memory_space<vmem>>
    %dma_start3A_240 = tpu.memref_squeeze %dma_start3A_239 : memref<1x64xi32, #tpu.memory_space<vmem>> -> memref<64xi32, #tpu.memory_space<vmem>>
    %dma_start3A_241 = arith.constant 0 : i32
    %dma_start3A_242 = arith.constant 0 : i32
    %dma_start3A_243 = tpu.memref_slice %arg10[%dma_start3A_241, %dma_start3A_242] : memref<10240x32xf32, #tpu.memory_space<vmem_shared>> -> memref<10240x32xf32, #tpu.memory_space<vmem_shared>>
    %dma_start3A_244 = tpu.memref_slice %arg12[%dma_start3A_233] : memref<8x!tpu.dma_semaphore, #tpu.memory_space<semaphore_mem>> -> memref<1x!tpu.dma_semaphore, #tpu.memory_space<semaphore_mem>>
    %dma_start3A_245 = tpu.memref_squeeze %dma_start3A_244 : memref<1x!tpu.dma_semaphore, #tpu.memory_space<semaphore_mem>> -> memref<!tpu.dma_semaphore, #tpu.memory_space<semaphore_mem>>
    tpu.enqueue_indirect_dma source(%dma_start3A_237 : memref<64x32xf32, #tpu.memory_space<vmem>>) target(%dma_start3A_243 : memref<10240x32xf32, #tpu.memory_space<vmem_shared>>) offsets(%dma_start3A_240 : memref<64xi32, #tpu.memory_space<vmem>>) semaphore(%dma_start3A_245 : memref<!tpu.dma_semaphore, #tpu.memory_space<semaphore_mem>>) {add = true}
    %add3A_246 = arith.constant 3 : i32
    %add3A_247 = arith.addi %mul3A_150, %add3A_246 : i32
    %dma_wait3A_248 = arith.constant 3 : i32
    %dma_wait3A_249 = arith.constant 3 : i32
    %dma_wait3A_250 = arith.constant 0 : i32
    %dma_wait3A_251 = arith.constant 0 : i32
    %dma_wait3A_252 = tpu.memref_slice %arg9[%dma_wait3A_248, %dma_wait3A_250, %dma_wait3A_251] : memref<8x64x32xf32, #tpu.memory_space<vmem>> -> memref<1x64x32xf32, #tpu.memory_space<vmem>>
    %dma_wait3A_253 = tpu.memref_squeeze %dma_wait3A_252 : memref<1x64x32xf32, #tpu.memory_space<vmem>> -> memref<64x32xf32, #tpu.memory_space<vmem>>
    %dma_wait3A_254 = arith.constant 0 : i32
    %dma_wait3A_255 = tpu.memref_slice %arg7[%add3A_247, %dma_wait3A_254] : memref<304x64xi32, #tpu.memory_space<vmem>> -> memref<1x64xi32, #tpu.memory_space<vmem>>
    %dma_wait3A_256 = tpu.memref_squeeze %dma_wait3A_255 : memref<1x64xi32, #tpu.memory_space<vmem>> -> memref<64xi32, #tpu.memory_space<vmem>>
    %dma_wait3A_257 = arith.constant 0 : i32
    %dma_wait3A_258 = arith.constant 0 : i32
    %dma_wait3A_259 = tpu.memref_slice %arg2[%dma_wait3A_257, %dma_wait3A_258] : memref<10240x32xf32, #tpu.memory_space<hbm>> -> memref<10240x32xf32, #tpu.memory_space<hbm>>
    %dma_wait3A_260 = tpu.memref_slice %arg11[%dma_wait3A_249] : memref<8x!tpu.dma_semaphore, #tpu.memory_space<semaphore_mem>> -> memref<1x!tpu.dma_semaphore, #tpu.memory_space<semaphore_mem>>
    %dma_wait3A_261 = tpu.memref_squeeze %dma_wait3A_260 : memref<1x!tpu.dma_semaphore, #tpu.memory_space<semaphore_mem>> -> memref<!tpu.dma_semaphore, #tpu.memory_space<semaphore_mem>>
    tpu.wait_indirect_dma semaphore(%dma_wait3A_261 : memref<!tpu.dma_semaphore, #tpu.memory_space<semaphore_mem>>) src(%dma_wait3A_259 : memref<10240x32xf32, #tpu.memory_space<hbm>>) dst(%dma_wait3A_253 : memref<64x32xf32, #tpu.memory_space<vmem>>)
    %add3A_262 = arith.constant 3 : i32
    %add3A_263 = arith.addi %mul3A_150, %add3A_262 : i32
    %dma_start3A_264 = arith.constant 3 : i32
    %dma_start3A_265 = arith.constant 3 : i32
    %dma_start3A_266 = arith.constant 0 : i32
    %dma_start3A_267 = arith.constant 0 : i32
    %dma_start3A_268 = tpu.memref_slice %arg9[%dma_start3A_264, %dma_start3A_266, %dma_start3A_267] : memref<8x64x32xf32, #tpu.memory_space<vmem>> -> memref<1x64x32xf32, #tpu.memory_space<vmem>>
    %dma_start3A_269 = tpu.memref_squeeze %dma_start3A_268 : memref<1x64x32xf32, #tpu.memory_space<vmem>> -> memref<64x32xf32, #tpu.memory_space<vmem>>
    %dma_start3A_270 = arith.constant 0 : i32
    %dma_start3A_271 = tpu.memref_slice %arg8[%add3A_263, %dma_start3A_270] : memref<304x64xi32, #tpu.memory_space<vmem>> -> memref<1x64xi32, #tpu.memory_space<vmem>>
    %dma_start3A_272 = tpu.memref_squeeze %dma_start3A_271 : memref<1x64xi32, #tpu.memory_space<vmem>> -> memref<64xi32, #tpu.memory_space<vmem>>
    %dma_start3A_273 = arith.constant 0 : i32
    %dma_start3A_274 = arith.constant 0 : i32
    %dma_start3A_275 = tpu.memref_slice %arg10[%dma_start3A_273, %dma_start3A_274] : memref<10240x32xf32, #tpu.memory_space<vmem_shared>> -> memref<10240x32xf32, #tpu.memory_space<vmem_shared>>
    %dma_start3A_276 = tpu.memref_slice %arg12[%dma_start3A_265] : memref<8x!tpu.dma_semaphore, #tpu.memory_space<semaphore_mem>> -> memref<1x!tpu.dma_semaphore, #tpu.memory_space<semaphore_mem>>
    %dma_start3A_277 = tpu.memref_squeeze %dma_start3A_276 : memref<1x!tpu.dma_semaphore, #tpu.memory_space<semaphore_mem>> -> memref<!tpu.dma_semaphore, #tpu.memory_space<semaphore_mem>>
    tpu.enqueue_indirect_dma source(%dma_start3A_269 : memref<64x32xf32, #tpu.memory_space<vmem>>) target(%dma_start3A_275 : memref<10240x32xf32, #tpu.memory_space<vmem_shared>>) offsets(%dma_start3A_272 : memref<64xi32, #tpu.memory_space<vmem>>) semaphore(%dma_start3A_277 : memref<!tpu.dma_semaphore, #tpu.memory_space<semaphore_mem>>) {add = true}
    %add3A_278 = arith.constant 4 : i32
    %add3A_279 = arith.addi %mul3A_150, %add3A_278 : i32
    %dma_wait3A_280 = arith.constant 4 : i32
    %dma_wait3A_281 = arith.constant 4 : i32
    %dma_wait3A_282 = arith.constant 0 : i32
    %dma_wait3A_283 = arith.constant 0 : i32
    %dma_wait3A_284 = tpu.memref_slice %arg9[%dma_wait3A_280, %dma_wait3A_282, %dma_wait3A_283] : memref<8x64x32xf32, #tpu.memory_space<vmem>> -> memref<1x64x32xf32, #tpu.memory_space<vmem>>
    %dma_wait3A_285 = tpu.memref_squeeze %dma_wait3A_284 : memref<1x64x32xf32, #tpu.memory_space<vmem>> -> memref<64x32xf32, #tpu.memory_space<vmem>>
    %dma_wait3A_286 = arith.constant 0 : i32
    %dma_wait3A_287 = tpu.memref_slice %arg7[%add3A_279, %dma_wait3A_286] : memref<304x64xi32, #tpu.memory_space<vmem>> -> memref<1x64xi32, #tpu.memory_space<vmem>>
    %dma_wait3A_288 = tpu.memref_squeeze %dma_wait3A_287 : memref<1x64xi32, #tpu.memory_space<vmem>> -> memref<64xi32, #tpu.memory_space<vmem>>
    %dma_wait3A_289 = arith.constant 0 : i32
    %dma_wait3A_290 = arith.constant 0 : i32
    %dma_wait3A_291 = tpu.memref_slice %arg2[%dma_wait3A_289, %dma_wait3A_290] : memref<10240x32xf32, #tpu.memory_space<hbm>> -> memref<10240x32xf32, #tpu.memory_space<hbm>>
    %dma_wait3A_292 = tpu.memref_slice %arg11[%dma_wait3A_281] : memref<8x!tpu.dma_semaphore, #tpu.memory_space<semaphore_mem>> -> memref<1x!tpu.dma_semaphore, #tpu.memory_space<semaphore_mem>>
    %dma_wait3A_293 = tpu.memref_squeeze %dma_wait3A_292 : memref<1x!tpu.dma_semaphore, #tpu.memory_space<semaphore_mem>> -> memref<!tpu.dma_semaphore, #tpu.memory_space<semaphore_mem>>
    tpu.wait_indirect_dma semaphore(%dma_wait3A_293 : memref<!tpu.dma_semaphore, #tpu.memory_space<semaphore_mem>>) src(%dma_wait3A_291 : memref<10240x32xf32, #tpu.memory_space<hbm>>) dst(%dma_wait3A_285 : memref<64x32xf32, #tpu.memory_space<vmem>>)
    %add3A_294 = arith.constant 4 : i32
    %add3A_295 = arith.addi %mul3A_150, %add3A_294 : i32
    %dma_start3A_296 = arith.constant 4 : i32
    %dma_start3A_297 = arith.constant 4 : i32
    %dma_start3A_298 = arith.constant 0 : i32
    %dma_start3A_299 = arith.constant 0 : i32
    %dma_start3A_300 = tpu.memref_slice %arg9[%dma_start3A_296, %dma_start3A_298, %dma_start3A_299] : memref<8x64x32xf32, #tpu.memory_space<vmem>> -> memref<1x64x32xf32, #tpu.memory_space<vmem>>
    %dma_start3A_301 = tpu.memref_squeeze %dma_start3A_300 : memref<1x64x32xf32, #tpu.memory_space<vmem>> -> memref<64x32xf32, #tpu.memory_space<vmem>>
    %dma_start3A_302 = arith.constant 0 : i32
    %dma_start3A_303 = tpu.memref_slice %arg8[%add3A_295, %dma_start3A_302] : memref<304x64xi32, #tpu.memory_space<vmem>> -> memref<1x64xi32, #tpu.memory_space<vmem>>
    %dma_start3A_304 = tpu.memref_squeeze %dma_start3A_303 : memref<1x64xi32, #tpu.memory_space<vmem>> -> memref<64xi32, #tpu.memory_space<vmem>>
    %dma_start3A_305 = arith.constant 0 : i32
    %dma_start3A_306 = arith.constant 0 : i32
    %dma_start3A_307 = tpu.memref_slice %arg10[%dma_start3A_305, %dma_start3A_306] : memref<10240x32xf32, #tpu.memory_space<vmem_shared>> -> memref<10240x32xf32, #tpu.memory_space<vmem_shared>>
    %dma_start3A_308 = tpu.memref_slice %arg12[%dma_start3A_297] : memref<8x!tpu.dma_semaphore, #tpu.memory_space<semaphore_mem>> -> memref<1x!tpu.dma_semaphore, #tpu.memory_space<semaphore_mem>>
    %dma_start3A_309 = tpu.memref_squeeze %dma_start3A_308 : memref<1x!tpu.dma_semaphore, #tpu.memory_space<semaphore_mem>> -> memref<!tpu.dma_semaphore, #tpu.memory_space<semaphore_mem>>
    tpu.enqueue_indirect_dma source(%dma_start3A_301 : memref<64x32xf32, #tpu.memory_space<vmem>>) target(%dma_start3A_307 : memref<10240x32xf32, #tpu.memory_space<vmem_shared>>) offsets(%dma_start3A_304 : memref<64xi32, #tpu.memory_space<vmem>>) semaphore(%dma_start3A_309 : memref<!tpu.dma_semaphore, #tpu.memory_space<semaphore_mem>>) {add = true}
    %add3A_310 = arith.constant 5 : i32
    %add3A_311 = arith.addi %mul3A_150, %add3A_310 : i32
    %dma_wait3A_312 = arith.constant 5 : i32
    %dma_wait3A_313 = arith.constant 5 : i32
    %dma_wait3A_314 = arith.constant 0 : i32
    %dma_wait3A_315 = arith.constant 0 : i32
    %dma_wait3A_316 = tpu.memref_slice %arg9[%dma_wait3A_312, %dma_wait3A_314, %dma_wait3A_315] : memref<8x64x32xf32, #tpu.memory_space<vmem>> -> memref<1x64x32xf32, #tpu.memory_space<vmem>>
    %dma_wait3A_317 = tpu.memref_squeeze %dma_wait3A_316 : memref<1x64x32xf32, #tpu.memory_space<vmem>> -> memref<64x32xf32, #tpu.memory_space<vmem>>
    %dma_wait3A_318 = arith.constant 0 : i32
    %dma_wait3A_319 = tpu.memref_slice %arg7[%add3A_311, %dma_wait3A_318] : memref<304x64xi32, #tpu.memory_space<vmem>> -> memref<1x64xi32, #tpu.memory_space<vmem>>
    %dma_wait3A_320 = tpu.memref_squeeze %dma_wait3A_319 : memref<1x64xi32, #tpu.memory_space<vmem>> -> memref<64xi32, #tpu.memory_space<vmem>>
    %dma_wait3A_321 = arith.constant 0 : i32
    %dma_wait3A_322 = arith.constant 0 : i32
    %dma_wait3A_323 = tpu.memref_slice %arg2[%dma_wait3A_321, %dma_wait3A_322] : memref<10240x32xf32, #tpu.memory_space<hbm>> -> memref<10240x32xf32, #tpu.memory_space<hbm>>
    %dma_wait3A_324 = tpu.memref_slice %arg11[%dma_wait3A_313] : memref<8x!tpu.dma_semaphore, #tpu.memory_space<semaphore_mem>> -> memref<1x!tpu.dma_semaphore, #tpu.memory_space<semaphore_mem>>
    %dma_wait3A_325 = tpu.memref_squeeze %dma_wait3A_324 : memref<1x!tpu.dma_semaphore, #tpu.memory_space<semaphore_mem>> -> memref<!tpu.dma_semaphore, #tpu.memory_space<semaphore_mem>>
    tpu.wait_indirect_dma semaphore(%dma_wait3A_325 : memref<!tpu.dma_semaphore, #tpu.memory_space<semaphore_mem>>) src(%dma_wait3A_323 : memref<10240x32xf32, #tpu.memory_space<hbm>>) dst(%dma_wait3A_317 : memref<64x32xf32, #tpu.memory_space<vmem>>)
    %add3A_326 = arith.constant 5 : i32
    %add3A_327 = arith.addi %mul3A_150, %add3A_326 : i32
    %dma_start3A_328 = arith.constant 5 : i32
    %dma_start3A_329 = arith.constant 5 : i32
    %dma_start3A_330 = arith.constant 0 : i32
    %dma_start3A_331 = arith.constant 0 : i32
    %dma_start3A_332 = tpu.memref_slice %arg9[%dma_start3A_328, %dma_start3A_330, %dma_start3A_331] : memref<8x64x32xf32, #tpu.memory_space<vmem>> -> memref<1x64x32xf32, #tpu.memory_space<vmem>>
    %dma_start3A_333 = tpu.memref_squeeze %dma_start3A_332 : memref<1x64x32xf32, #tpu.memory_space<vmem>> -> memref<64x32xf32, #tpu.memory_space<vmem>>
    %dma_start3A_334 = arith.constant 0 : i32
    %dma_start3A_335 = tpu.memref_slice %arg8[%add3A_327, %dma_start3A_334] : memref<304x64xi32, #tpu.memory_space<vmem>> -> memref<1x64xi32, #tpu.memory_space<vmem>>
    %dma_start3A_336 = tpu.memref_squeeze %dma_start3A_335 : memref<1x64xi32, #tpu.memory_space<vmem>> -> memref<64xi32, #tpu.memory_space<vmem>>
    %dma_start3A_337 = arith.constant 0 : i32
    %dma_start3A_338 = arith.constant 0 : i32
    %dma_start3A_339 = tpu.memref_slice %arg10[%dma_start3A_337, %dma_start3A_338] : memref<10240x32xf32, #tpu.memory_space<vmem_shared>> -> memref<10240x32xf32, #tpu.memory_space<vmem_shared>>
    %dma_start3A_340 = tpu.memref_slice %arg12[%dma_start3A_329] : memref<8x!tpu.dma_semaphore, #tpu.memory_space<semaphore_mem>> -> memref<1x!tpu.dma_semaphore, #tpu.memory_space<semaphore_mem>>
    %dma_start3A_341 = tpu.memref_squeeze %dma_start3A_340 : memref<1x!tpu.dma_semaphore, #tpu.memory_space<semaphore_mem>> -> memref<!tpu.dma_semaphore, #tpu.memory_space<semaphore_mem>>
    tpu.enqueue_indirect_dma source(%dma_start3A_333 : memref<64x32xf32, #tpu.memory_space<vmem>>) target(%dma_start3A_339 : memref<10240x32xf32, #tpu.memory_space<vmem_shared>>) offsets(%dma_start3A_336 : memref<64xi32, #tpu.memory_space<vmem>>) semaphore(%dma_start3A_341 : memref<!tpu.dma_semaphore, #tpu.memory_space<semaphore_mem>>) {add = true}
    %add3A_342 = arith.constant 6 : i32
    %add3A_343 = arith.addi %mul3A_150, %add3A_342 : i32
    %dma_wait3A_344 = arith.constant 6 : i32
    %dma_wait3A_345 = arith.constant 6 : i32
    %dma_wait3A_346 = arith.constant 0 : i32
    %dma_wait3A_347 = arith.constant 0 : i32
    %dma_wait3A_348 = tpu.memref_slice %arg9[%dma_wait3A_344, %dma_wait3A_346, %dma_wait3A_347] : memref<8x64x32xf32, #tpu.memory_space<vmem>> -> memref<1x64x32xf32, #tpu.memory_space<vmem>>
    %dma_wait3A_349 = tpu.memref_squeeze %dma_wait3A_348 : memref<1x64x32xf32, #tpu.memory_space<vmem>> -> memref<64x32xf32, #tpu.memory_space<vmem>>
    %dma_wait3A_350 = arith.constant 0 : i32
    %dma_wait3A_351 = tpu.memref_slice %arg7[%add3A_343, %dma_wait3A_350] : memref<304x64xi32, #tpu.memory_space<vmem>> -> memref<1x64xi32, #tpu.memory_space<vmem>>
    %dma_wait3A_352 = tpu.memref_squeeze %dma_wait3A_351 : memref<1x64xi32, #tpu.memory_space<vmem>> -> memref<64xi32, #tpu.memory_space<vmem>>
    %dma_wait3A_353 = arith.constant 0 : i32
    %dma_wait3A_354 = arith.constant 0 : i32
    %dma_wait3A_355 = tpu.memref_slice %arg2[%dma_wait3A_353, %dma_wait3A_354] : memref<10240x32xf32, #tpu.memory_space<hbm>> -> memref<10240x32xf32, #tpu.memory_space<hbm>>
    %dma_wait3A_356 = tpu.memref_slice %arg11[%dma_wait3A_345] : memref<8x!tpu.dma_semaphore, #tpu.memory_space<semaphore_mem>> -> memref<1x!tpu.dma_semaphore, #tpu.memory_space<semaphore_mem>>
    %dma_wait3A_357 = tpu.memref_squeeze %dma_wait3A_356 : memref<1x!tpu.dma_semaphore, #tpu.memory_space<semaphore_mem>> -> memref<!tpu.dma_semaphore, #tpu.memory_space<semaphore_mem>>
    tpu.wait_indirect_dma semaphore(%dma_wait3A_357 : memref<!tpu.dma_semaphore, #tpu.memory_space<semaphore_mem>>) src(%dma_wait3A_355 : memref<10240x32xf32, #tpu.memory_space<hbm>>) dst(%dma_wait3A_349 : memref<64x32xf32, #tpu.memory_space<vmem>>)
    %add3A_358 = arith.constant 6 : i32
    %add3A_359 = arith.addi %mul3A_150, %add3A_358 : i32
    %dma_start3A_360 = arith.constant 6 : i32
    %dma_start3A_361 = arith.constant 6 : i32
    %dma_start3A_362 = arith.constant 0 : i32
    %dma_start3A_363 = arith.constant 0 : i32
    %dma_start3A_364 = tpu.memref_slice %arg9[%dma_start3A_360, %dma_start3A_362, %dma_start3A_363] : memref<8x64x32xf32, #tpu.memory_space<vmem>> -> memref<1x64x32xf32, #tpu.memory_space<vmem>>
    %dma_start3A_365 = tpu.memref_squeeze %dma_start3A_364 : memref<1x64x32xf32, #tpu.memory_space<vmem>> -> memref<64x32xf32, #tpu.memory_space<vmem>>
    %dma_start3A_366 = arith.constant 0 : i32
    %dma_start3A_367 = tpu.memref_slice %arg8[%add3A_359, %dma_start3A_366] : memref<304x64xi32, #tpu.memory_space<vmem>> -> memref<1x64xi32, #tpu.memory_space<vmem>>
    %dma_start3A_368 = tpu.memref_squeeze %dma_start3A_367 : memref<1x64xi32, #tpu.memory_space<vmem>> -> memref<64xi32, #tpu.memory_space<vmem>>
    %dma_start3A_369 = arith.constant 0 : i32
    %dma_start3A_370 = arith.constant 0 : i32
    %dma_start3A_371 = tpu.memref_slice %arg10[%dma_start3A_369, %dma_start3A_370] : memref<10240x32xf32, #tpu.memory_space<vmem_shared>> -> memref<10240x32xf32, #tpu.memory_space<vmem_shared>>
    %dma_start3A_372 = tpu.memref_slice %arg12[%dma_start3A_361] : memref<8x!tpu.dma_semaphore, #tpu.memory_space<semaphore_mem>> -> memref<1x!tpu.dma_semaphore, #tpu.memory_space<semaphore_mem>>
    %dma_start3A_373 = tpu.memref_squeeze %dma_start3A_372 : memref<1x!tpu.dma_semaphore, #tpu.memory_space<semaphore_mem>> -> memref<!tpu.dma_semaphore, #tpu.memory_space<semaphore_mem>>
    tpu.enqueue_indirect_dma source(%dma_start3A_365 : memref<64x32xf32, #tpu.memory_space<vmem>>) target(%dma_start3A_371 : memref<10240x32xf32, #tpu.memory_space<vmem_shared>>) offsets(%dma_start3A_368 : memref<64xi32, #tpu.memory_space<vmem>>) semaphore(%dma_start3A_373 : memref<!tpu.dma_semaphore, #tpu.memory_space<semaphore_mem>>) {add = true}
    %add3A_374 = arith.constant 7 : i32
    %add3A_375 = arith.addi %mul3A_150, %add3A_374 : i32
    %dma_wait3A_376 = arith.constant 7 : i32
    %dma_wait3A_377 = arith.constant 7 : i32
    %dma_wait3A_378 = arith.constant 0 : i32
    %dma_wait3A_379 = arith.constant 0 : i32
    %dma_wait3A_380 = tpu.memref_slice %arg9[%dma_wait3A_376, %dma_wait3A_378, %dma_wait3A_379] : memref<8x64x32xf32, #tpu.memory_space<vmem>> -> memref<1x64x32xf32, #tpu.memory_space<vmem>>
    %dma_wait3A_381 = tpu.memref_squeeze %dma_wait3A_380 : memref<1x64x32xf32, #tpu.memory_space<vmem>> -> memref<64x32xf32, #tpu.memory_space<vmem>>
    %dma_wait3A_382 = arith.constant 0 : i32
    %dma_wait3A_383 = tpu.memref_slice %arg7[%add3A_375, %dma_wait3A_382] : memref<304x64xi32, #tpu.memory_space<vmem>> -> memref<1x64xi32, #tpu.memory_space<vmem>>
    %dma_wait3A_384 = tpu.memref_squeeze %dma_wait3A_383 : memref<1x64xi32, #tpu.memory_space<vmem>> -> memref<64xi32, #tpu.memory_space<vmem>>
    %dma_wait3A_385 = arith.constant 0 : i32
    %dma_wait3A_386 = arith.constant 0 : i32
    %dma_wait3A_387 = tpu.memref_slice %arg2[%dma_wait3A_385, %dma_wait3A_386] : memref<10240x32xf32, #tpu.memory_space<hbm>> -> memref<10240x32xf32, #tpu.memory_space<hbm>>
    %dma_wait3A_388 = tpu.memref_slice %arg11[%dma_wait3A_377] : memref<8x!tpu.dma_semaphore, #tpu.memory_space<semaphore_mem>> -> memref<1x!tpu.dma_semaphore, #tpu.memory_space<semaphore_mem>>
    %dma_wait3A_389 = tpu.memref_squeeze %dma_wait3A_388 : memref<1x!tpu.dma_semaphore, #tpu.memory_space<semaphore_mem>> -> memref<!tpu.dma_semaphore, #tpu.memory_space<semaphore_mem>>
    tpu.wait_indirect_dma semaphore(%dma_wait3A_389 : memref<!tpu.dma_semaphore, #tpu.memory_space<semaphore_mem>>) src(%dma_wait3A_387 : memref<10240x32xf32, #tpu.memory_space<hbm>>) dst(%dma_wait3A_381 : memref<64x32xf32, #tpu.memory_space<vmem>>)
    %add3A_390 = arith.constant 7 : i32
    %add3A_391 = arith.addi %mul3A_150, %add3A_390 : i32
    %dma_start3A_392 = arith.constant 7 : i32
    %dma_start3A_393 = arith.constant 7 : i32
    %dma_start3A_394 = arith.constant 0 : i32
    %dma_start3A_395 = arith.constant 0 : i32
    %dma_start3A_396 = tpu.memref_slice %arg9[%dma_start3A_392, %dma_start3A_394, %dma_start3A_395] : memref<8x64x32xf32, #tpu.memory_space<vmem>> -> memref<1x64x32xf32, #tpu.memory_space<vmem>>
    %dma_start3A_397 = tpu.memref_squeeze %dma_start3A_396 : memref<1x64x32xf32, #tpu.memory_space<vmem>> -> memref<64x32xf32, #tpu.memory_space<vmem>>
    %dma_start3A_398 = arith.constant 0 : i32
    %dma_start3A_399 = tpu.memref_slice %arg8[%add3A_391, %dma_start3A_398] : memref<304x64xi32, #tpu.memory_space<vmem>> -> memref<1x64xi32, #tpu.memory_space<vmem>>
    %dma_start3A_400 = tpu.memref_squeeze %dma_start3A_399 : memref<1x64xi32, #tpu.memory_space<vmem>> -> memref<64xi32, #tpu.memory_space<vmem>>
    %dma_start3A_401 = arith.constant 0 : i32
    %dma_start3A_402 = arith.constant 0 : i32
    %dma_start3A_403 = tpu.memref_slice %arg10[%dma_start3A_401, %dma_start3A_402] : memref<10240x32xf32, #tpu.memory_space<vmem_shared>> -> memref<10240x32xf32, #tpu.memory_space<vmem_shared>>
    %dma_start3A_404 = tpu.memref_slice %arg12[%dma_start3A_393] : memref<8x!tpu.dma_semaphore, #tpu.memory_space<semaphore_mem>> -> memref<1x!tpu.dma_semaphore, #tpu.memory_space<semaphore_mem>>
    %dma_start3A_405 = tpu.memref_squeeze %dma_start3A_404 : memref<1x!tpu.dma_semaphore, #tpu.memory_space<semaphore_mem>> -> memref<!tpu.dma_semaphore, #tpu.memory_space<semaphore_mem>>
    tpu.enqueue_indirect_dma source(%dma_start3A_397 : memref<64x32xf32, #tpu.memory_space<vmem>>) target(%dma_start3A_403 : memref<10240x32xf32, #tpu.memory_space<vmem_shared>>) offsets(%dma_start3A_400 : memref<64xi32, #tpu.memory_space<vmem>>) semaphore(%dma_start3A_405 : memref<!tpu.dma_semaphore, #tpu.memory_space<semaphore_mem>>) {add = true}
    %add3A_406 = arith.constant 0 : i32
    %add3A_407 = arith.addi %mul3A_150, %add3A_406 : i32
    %dma_wait3A_408 = arith.constant 0 : i32
    %dma_wait3A_409 = arith.constant 0 : i32
    %dma_wait3A_410 = arith.constant 0 : i32
    %dma_wait3A_411 = arith.constant 0 : i32
    %dma_wait3A_412 = tpu.memref_slice %arg9[%dma_wait3A_408, %dma_wait3A_410, %dma_wait3A_411] : memref<8x64x32xf32, #tpu.memory_space<vmem>> -> memref<1x64x32xf32, #tpu.memory_space<vmem>>
    %dma_wait3A_413 = tpu.memref_squeeze %dma_wait3A_412 : memref<1x64x32xf32, #tpu.memory_space<vmem>> -> memref<64x32xf32, #tpu.memory_space<vmem>>
    %dma_wait3A_414 = arith.constant 0 : i32
    %dma_wait3A_415 = tpu.memref_slice %arg8[%add3A_407, %dma_wait3A_414] : memref<304x64xi32, #tpu.memory_space<vmem>> -> memref<1x64xi32, #tpu.memory_space<vmem>>
    %dma_wait3A_416 = tpu.memref_squeeze %dma_wait3A_415 : memref<1x64xi32, #tpu.memory_space<vmem>> -> memref<64xi32, #tpu.memory_space<vmem>>
    %dma_wait3A_417 = arith.constant 0 : i32
    %dma_wait3A_418 = arith.constant 0 : i32
    %dma_wait3A_419 = tpu.memref_slice %arg10[%dma_wait3A_417, %dma_wait3A_418] : memref<10240x32xf32, #tpu.memory_space<vmem_shared>> -> memref<10240x32xf32, #tpu.memory_space<vmem_shared>>
    %dma_wait3A_420 = tpu.memref_slice %arg12[%dma_wait3A_409] : memref<8x!tpu.dma_semaphore, #tpu.memory_space<semaphore_mem>> -> memref<1x!tpu.dma_semaphore, #tpu.memory_space<semaphore_mem>>
    %dma_wait3A_421 = tpu.memref_squeeze %dma_wait3A_420 : memref<1x!tpu.dma_semaphore, #tpu.memory_space<semaphore_mem>> -> memref<!tpu.dma_semaphore, #tpu.memory_space<semaphore_mem>>
    tpu.wait_indirect_dma semaphore(%dma_wait3A_421 : memref<!tpu.dma_semaphore, #tpu.memory_space<semaphore_mem>>) src(%dma_wait3A_413 : memref<64x32xf32, #tpu.memory_space<vmem>>) dst(%dma_wait3A_419 : memref<10240x32xf32, #tpu.memory_space<vmem_shared>>)
    %add3A_422 = arith.constant 1 : i32
    %add3A_423 = arith.addi %mul3A_150, %add3A_422 : i32
    %dma_wait3A_424 = arith.constant 1 : i32
    %dma_wait3A_425 = arith.constant 1 : i32
    %dma_wait3A_426 = arith.constant 0 : i32
    %dma_wait3A_427 = arith.constant 0 : i32
    %dma_wait3A_428 = tpu.memref_slice %arg9[%dma_wait3A_424, %dma_wait3A_426, %dma_wait3A_427] : memref<8x64x32xf32, #tpu.memory_space<vmem>> -> memref<1x64x32xf32, #tpu.memory_space<vmem>>
    %dma_wait3A_429 = tpu.memref_squeeze %dma_wait3A_428 : memref<1x64x32xf32, #tpu.memory_space<vmem>> -> memref<64x32xf32, #tpu.memory_space<vmem>>
    %dma_wait3A_430 = arith.constant 0 : i32
    %dma_wait3A_431 = tpu.memref_slice %arg8[%add3A_423, %dma_wait3A_430] : memref<304x64xi32, #tpu.memory_space<vmem>> -> memref<1x64xi32, #tpu.memory_space<vmem>>
    %dma_wait3A_432 = tpu.memref_squeeze %dma_wait3A_431 : memref<1x64xi32, #tpu.memory_space<vmem>> -> memref<64xi32, #tpu.memory_space<vmem>>
    %dma_wait3A_433 = arith.constant 0 : i32
    %dma_wait3A_434 = arith.constant 0 : i32
    %dma_wait3A_435 = tpu.memref_slice %arg10[%dma_wait3A_433, %dma_wait3A_434] : memref<10240x32xf32, #tpu.memory_space<vmem_shared>> -> memref<10240x32xf32, #tpu.memory_space<vmem_shared>>
    %dma_wait3A_436 = tpu.memref_slice %arg12[%dma_wait3A_425] : memref<8x!tpu.dma_semaphore, #tpu.memory_space<semaphore_mem>> -> memref<1x!tpu.dma_semaphore, #tpu.memory_space<semaphore_mem>>
    %dma_wait3A_437 = tpu.memref_squeeze %dma_wait3A_436 : memref<1x!tpu.dma_semaphore, #tpu.memory_space<semaphore_mem>> -> memref<!tpu.dma_semaphore, #tpu.memory_space<semaphore_mem>>
    tpu.wait_indirect_dma semaphore(%dma_wait3A_437 : memref<!tpu.dma_semaphore, #tpu.memory_space<semaphore_mem>>) src(%dma_wait3A_429 : memref<64x32xf32, #tpu.memory_space<vmem>>) dst(%dma_wait3A_435 : memref<10240x32xf32, #tpu.memory_space<vmem_shared>>)
    %add3A_438 = arith.constant 2 : i32
    %add3A_439 = arith.addi %mul3A_150, %add3A_438 : i32
    %dma_wait3A_440 = arith.constant 2 : i32
    %dma_wait3A_441 = arith.constant 2 : i32
    %dma_wait3A_442 = arith.constant 0 : i32
    %dma_wait3A_443 = arith.constant 0 : i32
    %dma_wait3A_444 = tpu.memref_slice %arg9[%dma_wait3A_440, %dma_wait3A_442, %dma_wait3A_443] : memref<8x64x32xf32, #tpu.memory_space<vmem>> -> memref<1x64x32xf32, #tpu.memory_space<vmem>>
    %dma_wait3A_445 = tpu.memref_squeeze %dma_wait3A_444 : memref<1x64x32xf32, #tpu.memory_space<vmem>> -> memref<64x32xf32, #tpu.memory_space<vmem>>
    %dma_wait3A_446 = arith.constant 0 : i32
    %dma_wait3A_447 = tpu.memref_slice %arg8[%add3A_439, %dma_wait3A_446] : memref<304x64xi32, #tpu.memory_space<vmem>> -> memref<1x64xi32, #tpu.memory_space<vmem>>
    %dma_wait3A_448 = tpu.memref_squeeze %dma_wait3A_447 : memref<1x64xi32, #tpu.memory_space<vmem>> -> memref<64xi32, #tpu.memory_space<vmem>>
    %dma_wait3A_449 = arith.constant 0 : i32
    %dma_wait3A_450 = arith.constant 0 : i32
    %dma_wait3A_451 = tpu.memref_slice %arg10[%dma_wait3A_449, %dma_wait3A_450] : memref<10240x32xf32, #tpu.memory_space<vmem_shared>> -> memref<10240x32xf32, #tpu.memory_space<vmem_shared>>
    %dma_wait3A_452 = tpu.memref_slice %arg12[%dma_wait3A_441] : memref<8x!tpu.dma_semaphore, #tpu.memory_space<semaphore_mem>> -> memref<1x!tpu.dma_semaphore, #tpu.memory_space<semaphore_mem>>
    %dma_wait3A_453 = tpu.memref_squeeze %dma_wait3A_452 : memref<1x!tpu.dma_semaphore, #tpu.memory_space<semaphore_mem>> -> memref<!tpu.dma_semaphore, #tpu.memory_space<semaphore_mem>>
    tpu.wait_indirect_dma semaphore(%dma_wait3A_453 : memref<!tpu.dma_semaphore, #tpu.memory_space<semaphore_mem>>) src(%dma_wait3A_445 : memref<64x32xf32, #tpu.memory_space<vmem>>) dst(%dma_wait3A_451 : memref<10240x32xf32, #tpu.memory_space<vmem_shared>>)
    %add3A_454 = arith.constant 3 : i32
    %add3A_455 = arith.addi %mul3A_150, %add3A_454 : i32
    %dma_wait3A_456 = arith.constant 3 : i32
    %dma_wait3A_457 = arith.constant 3 : i32
    %dma_wait3A_458 = arith.constant 0 : i32
    %dma_wait3A_459 = arith.constant 0 : i32
    %dma_wait3A_460 = tpu.memref_slice %arg9[%dma_wait3A_456, %dma_wait3A_458, %dma_wait3A_459] : memref<8x64x32xf32, #tpu.memory_space<vmem>> -> memref<1x64x32xf32, #tpu.memory_space<vmem>>
    %dma_wait3A_461 = tpu.memref_squeeze %dma_wait3A_460 : memref<1x64x32xf32, #tpu.memory_space<vmem>> -> memref<64x32xf32, #tpu.memory_space<vmem>>
    %dma_wait3A_462 = arith.constant 0 : i32
    %dma_wait3A_463 = tpu.memref_slice %arg8[%add3A_455, %dma_wait3A_462] : memref<304x64xi32, #tpu.memory_space<vmem>> -> memref<1x64xi32, #tpu.memory_space<vmem>>
    %dma_wait3A_464 = tpu.memref_squeeze %dma_wait3A_463 : memref<1x64xi32, #tpu.memory_space<vmem>> -> memref<64xi32, #tpu.memory_space<vmem>>
    %dma_wait3A_465 = arith.constant 0 : i32
    %dma_wait3A_466 = arith.constant 0 : i32
    %dma_wait3A_467 = tpu.memref_slice %arg10[%dma_wait3A_465, %dma_wait3A_466] : memref<10240x32xf32, #tpu.memory_space<vmem_shared>> -> memref<10240x32xf32, #tpu.memory_space<vmem_shared>>
    %dma_wait3A_468 = tpu.memref_slice %arg12[%dma_wait3A_457] : memref<8x!tpu.dma_semaphore, #tpu.memory_space<semaphore_mem>> -> memref<1x!tpu.dma_semaphore, #tpu.memory_space<semaphore_mem>>
    %dma_wait3A_469 = tpu.memref_squeeze %dma_wait3A_468 : memref<1x!tpu.dma_semaphore, #tpu.memory_space<semaphore_mem>> -> memref<!tpu.dma_semaphore, #tpu.memory_space<semaphore_mem>>
    tpu.wait_indirect_dma semaphore(%dma_wait3A_469 : memref<!tpu.dma_semaphore, #tpu.memory_space<semaphore_mem>>) src(%dma_wait3A_461 : memref<64x32xf32, #tpu.memory_space<vmem>>) dst(%dma_wait3A_467 : memref<10240x32xf32, #tpu.memory_space<vmem_shared>>)
    %add3A_470 = arith.constant 4 : i32
    %add3A_471 = arith.addi %mul3A_150, %add3A_470 : i32
    %dma_wait3A_472 = arith.constant 4 : i32
    %dma_wait3A_473 = arith.constant 4 : i32
    %dma_wait3A_474 = arith.constant 0 : i32
    %dma_wait3A_475 = arith.constant 0 : i32
    %dma_wait3A_476 = tpu.memref_slice %arg9[%dma_wait3A_472, %dma_wait3A_474, %dma_wait3A_475] : memref<8x64x32xf32, #tpu.memory_space<vmem>> -> memref<1x64x32xf32, #tpu.memory_space<vmem>>
    %dma_wait3A_477 = tpu.memref_squeeze %dma_wait3A_476 : memref<1x64x32xf32, #tpu.memory_space<vmem>> -> memref<64x32xf32, #tpu.memory_space<vmem>>
    %dma_wait3A_478 = arith.constant 0 : i32
    %dma_wait3A_479 = tpu.memref_slice %arg8[%add3A_471, %dma_wait3A_478] : memref<304x64xi32, #tpu.memory_space<vmem>> -> memref<1x64xi32, #tpu.memory_space<vmem>>
    %dma_wait3A_480 = tpu.memref_squeeze %dma_wait3A_479 : memref<1x64xi32, #tpu.memory_space<vmem>> -> memref<64xi32, #tpu.memory_space<vmem>>
    %dma_wait3A_481 = arith.constant 0 : i32
    %dma_wait3A_482 = arith.constant 0 : i32
    %dma_wait3A_483 = tpu.memref_slice %arg10[%dma_wait3A_481, %dma_wait3A_482] : memref<10240x32xf32, #tpu.memory_space<vmem_shared>> -> memref<10240x32xf32, #tpu.memory_space<vmem_shared>>
    %dma_wait3A_484 = tpu.memref_slice %arg12[%dma_wait3A_473] : memref<8x!tpu.dma_semaphore, #tpu.memory_space<semaphore_mem>> -> memref<1x!tpu.dma_semaphore, #tpu.memory_space<semaphore_mem>>
    %dma_wait3A_485 = tpu.memref_squeeze %dma_wait3A_484 : memref<1x!tpu.dma_semaphore, #tpu.memory_space<semaphore_mem>> -> memref<!tpu.dma_semaphore, #tpu.memory_space<semaphore_mem>>
    tpu.wait_indirect_dma semaphore(%dma_wait3A_485 : memref<!tpu.dma_semaphore, #tpu.memory_space<semaphore_mem>>) src(%dma_wait3A_477 : memref<64x32xf32, #tpu.memory_space<vmem>>) dst(%dma_wait3A_483 : memref<10240x32xf32, #tpu.memory_space<vmem_shared>>)
    %add3A_486 = arith.constant 5 : i32
    %add3A_487 = arith.addi %mul3A_150, %add3A_486 : i32
    %dma_wait3A_488 = arith.constant 5 : i32
    %dma_wait3A_489 = arith.constant 5 : i32
    %dma_wait3A_490 = arith.constant 0 : i32
    %dma_wait3A_491 = arith.constant 0 : i32
    %dma_wait3A_492 = tpu.memref_slice %arg9[%dma_wait3A_488, %dma_wait3A_490, %dma_wait3A_491] : memref<8x64x32xf32, #tpu.memory_space<vmem>> -> memref<1x64x32xf32, #tpu.memory_space<vmem>>
    %dma_wait3A_493 = tpu.memref_squeeze %dma_wait3A_492 : memref<1x64x32xf32, #tpu.memory_space<vmem>> -> memref<64x32xf32, #tpu.memory_space<vmem>>
    %dma_wait3A_494 = arith.constant 0 : i32
    %dma_wait3A_495 = tpu.memref_slice %arg8[%add3A_487, %dma_wait3A_494] : memref<304x64xi32, #tpu.memory_space<vmem>> -> memref<1x64xi32, #tpu.memory_space<vmem>>
    %dma_wait3A_496 = tpu.memref_squeeze %dma_wait3A_495 : memref<1x64xi32, #tpu.memory_space<vmem>> -> memref<64xi32, #tpu.memory_space<vmem>>
    %dma_wait3A_497 = arith.constant 0 : i32
    %dma_wait3A_498 = arith.constant 0 : i32
    %dma_wait3A_499 = tpu.memref_slice %arg10[%dma_wait3A_497, %dma_wait3A_498] : memref<10240x32xf32, #tpu.memory_space<vmem_shared>> -> memref<10240x32xf32, #tpu.memory_space<vmem_shared>>
    %dma_wait3A_500 = tpu.memref_slice %arg12[%dma_wait3A_489] : memref<8x!tpu.dma_semaphore, #tpu.memory_space<semaphore_mem>> -> memref<1x!tpu.dma_semaphore, #tpu.memory_space<semaphore_mem>>
    %dma_wait3A_501 = tpu.memref_squeeze %dma_wait3A_500 : memref<1x!tpu.dma_semaphore, #tpu.memory_space<semaphore_mem>> -> memref<!tpu.dma_semaphore, #tpu.memory_space<semaphore_mem>>
    tpu.wait_indirect_dma semaphore(%dma_wait3A_501 : memref<!tpu.dma_semaphore, #tpu.memory_space<semaphore_mem>>) src(%dma_wait3A_493 : memref<64x32xf32, #tpu.memory_space<vmem>>) dst(%dma_wait3A_499 : memref<10240x32xf32, #tpu.memory_space<vmem_shared>>)
    %add3A_502 = arith.constant 6 : i32
    %add3A_503 = arith.addi %mul3A_150, %add3A_502 : i32
    %dma_wait3A_504 = arith.constant 6 : i32
    %dma_wait3A_505 = arith.constant 6 : i32
    %dma_wait3A_506 = arith.constant 0 : i32
    %dma_wait3A_507 = arith.constant 0 : i32
    %dma_wait3A_508 = tpu.memref_slice %arg9[%dma_wait3A_504, %dma_wait3A_506, %dma_wait3A_507] : memref<8x64x32xf32, #tpu.memory_space<vmem>> -> memref<1x64x32xf32, #tpu.memory_space<vmem>>
    %dma_wait3A_509 = tpu.memref_squeeze %dma_wait3A_508 : memref<1x64x32xf32, #tpu.memory_space<vmem>> -> memref<64x32xf32, #tpu.memory_space<vmem>>
    %dma_wait3A_510 = arith.constant 0 : i32
    %dma_wait3A_511 = tpu.memref_slice %arg8[%add3A_503, %dma_wait3A_510] : memref<304x64xi32, #tpu.memory_space<vmem>> -> memref<1x64xi32, #tpu.memory_space<vmem>>
    %dma_wait3A_512 = tpu.memref_squeeze %dma_wait3A_511 : memref<1x64xi32, #tpu.memory_space<vmem>> -> memref<64xi32, #tpu.memory_space<vmem>>
    %dma_wait3A_513 = arith.constant 0 : i32
    %dma_wait3A_514 = arith.constant 0 : i32
    %dma_wait3A_515 = tpu.memref_slice %arg10[%dma_wait3A_513, %dma_wait3A_514] : memref<10240x32xf32, #tpu.memory_space<vmem_shared>> -> memref<10240x32xf32, #tpu.memory_space<vmem_shared>>
    %dma_wait3A_516 = tpu.memref_slice %arg12[%dma_wait3A_505] : memref<8x!tpu.dma_semaphore, #tpu.memory_space<semaphore_mem>> -> memref<1x!tpu.dma_semaphore, #tpu.memory_space<semaphore_mem>>
    %dma_wait3A_517 = tpu.memref_squeeze %dma_wait3A_516 : memref<1x!tpu.dma_semaphore, #tpu.memory_space<semaphore_mem>> -> memref<!tpu.dma_semaphore, #tpu.memory_space<semaphore_mem>>
    tpu.wait_indirect_dma semaphore(%dma_wait3A_517 : memref<!tpu.dma_semaphore, #tpu.memory_space<semaphore_mem>>) src(%dma_wait3A_509 : memref<64x32xf32, #tpu.memory_space<vmem>>) dst(%dma_wait3A_515 : memref<10240x32xf32, #tpu.memory_space<vmem_shared>>)
    %add3A_518 = arith.constant 7 : i32
    %add3A_519 = arith.addi %mul3A_150, %add3A_518 : i32
    %dma_wait3A_520 = arith.constant 7 : i32
    %dma_wait3A_521 = arith.constant 7 : i32
    %dma_wait3A_522 = arith.constant 0 : i32
    %dma_wait3A_523 = arith.constant 0 : i32
    %dma_wait3A_524 = tpu.memref_slice %arg9[%dma_wait3A_520, %dma_wait3A_522, %dma_wait3A_523] : memref<8x64x32xf32, #tpu.memory_space<vmem>> -> memref<1x64x32xf32, #tpu.memory_space<vmem>>
    %dma_wait3A_525 = tpu.memref_squeeze %dma_wait3A_524 : memref<1x64x32xf32, #tpu.memory_space<vmem>> -> memref<64x32xf32, #tpu.memory_space<vmem>>
    %dma_wait3A_526 = arith.constant 0 : i32
    %dma_wait3A_527 = tpu.memref_slice %arg8[%add3A_519, %dma_wait3A_526] : memref<304x64xi32, #tpu.memory_space<vmem>> -> memref<1x64xi32, #tpu.memory_space<vmem>>
    %dma_wait3A_528 = tpu.memref_squeeze %dma_wait3A_527 : memref<1x64xi32, #tpu.memory_space<vmem>> -> memref<64xi32, #tpu.memory_space<vmem>>
    %dma_wait3A_529 = arith.constant 0 : i32
    %dma_wait3A_530 = arith.constant 0 : i32
    %dma_wait3A_531 = tpu.memref_slice %arg10[%dma_wait3A_529, %dma_wait3A_530] : memref<10240x32xf32, #tpu.memory_space<vmem_shared>> -> memref<10240x32xf32, #tpu.memory_space<vmem_shared>>
    %dma_wait3A_532 = tpu.memref_slice %arg12[%dma_wait3A_521] : memref<8x!tpu.dma_semaphore, #tpu.memory_space<semaphore_mem>> -> memref<1x!tpu.dma_semaphore, #tpu.memory_space<semaphore_mem>>
    %dma_wait3A_533 = tpu.memref_squeeze %dma_wait3A_532 : memref<1x!tpu.dma_semaphore, #tpu.memory_space<semaphore_mem>> -> memref<!tpu.dma_semaphore, #tpu.memory_space<semaphore_mem>>
    tpu.wait_indirect_dma semaphore(%dma_wait3A_533 : memref<!tpu.dma_semaphore, #tpu.memory_space<semaphore_mem>>) src(%dma_wait3A_525 : memref<64x32xf32, #tpu.memory_space<vmem>>) dst(%dma_wait3A_531 : memref<10240x32xf32, #tpu.memory_space<vmem_shared>>)
    %barrier3A_534 = arith.constant 0 : index
    tpu.barrier barrier_id(%barrier3A_534)
    "tpu.region"() ({
      %run_scoped3A = tpu.sem_alloc : memref<!tpu.dma_semaphore, #tpu.memory_space<semaphore_mem>>
      %dma_start3A_535 = arith.constant 0 : i32
      %dma_start3A_536 = tpu.memref_slice %arg6[%arg0, %mul3A_10, %dma_start3A_535] : memref<2x10240x32xf32, #tpu.memory_space<hbm>> -> memref<1x640x32xf32, #tpu.memory_space<hbm>>
      %dma_start3A_537 = tpu.memref_squeeze %dma_start3A_536 : memref<1x640x32xf32, #tpu.memory_space<hbm>> -> memref<640x32xf32, #tpu.memory_space<hbm>>
      %dma_start3A_538 = arith.constant 0 : i32
      %dma_start3A_539 = tpu.memref_slice %arg10[%mul3A_10, %dma_start3A_538] : memref<10240x32xf32, #tpu.memory_space<vmem_shared>> -> memref<640x32xf32, #tpu.memory_space<vmem_shared>>
      tpu.enqueue_dma source(%dma_start3A_539 : memref<640x32xf32, #tpu.memory_space<vmem_shared>>) target(%dma_start3A_537 : memref<640x32xf32, #tpu.memory_space<hbm>>) target_semaphore(%run_scoped3A : memref<!tpu.dma_semaphore, #tpu.memory_space<semaphore_mem>>)
      %dma_wait3A_540 = arith.constant 0 : i32
      %dma_wait3A_541 = tpu.memref_slice %arg6[%arg0, %mul3A_10, %dma_wait3A_540] : memref<2x10240x32xf32, #tpu.memory_space<hbm>> -> memref<1x640x32xf32, #tpu.memory_space<hbm>>
      %dma_wait3A_542 = tpu.memref_squeeze %dma_wait3A_541 : memref<1x640x32xf32, #tpu.memory_space<hbm>> -> memref<640x32xf32, #tpu.memory_space<hbm>>
      %dma_wait3A_543 = arith.constant 0 : i32
      %dma_wait3A_544 = tpu.memref_slice %arg10[%mul3A_10, %dma_wait3A_543] : memref<10240x32xf32, #tpu.memory_space<vmem_shared>> -> memref<640x32xf32, #tpu.memory_space<vmem_shared>>
      tpu.wait_dma2 semaphore(%run_scoped3A : memref<!tpu.dma_semaphore, #tpu.memory_space<semaphore_mem>>) src(%dma_wait3A_544 : memref<640x32xf32, #tpu.memory_space<vmem_shared>>) dst(%dma_wait3A_542 : memref<640x32xf32, #tpu.memory_space<hbm>>)
      tpu.yield
    }) : () -> ()
    return
  }
}

#map = affine_map<(d0, d1) -> (0, 0)>
module attributes {stable_mosaic.version = 14 : i64} {
  func.func @deg_kernel(%arg0: i32, %arg1: i32, %arg2: memref<2560x128xi32, #tpu.memory_space<hbm>>, %arg3: memref<128x16xf32, #tpu.memory_space<hbm>>, %arg4: memref<10240x16xf32, #tpu.memory_space<hbm>>, %arg5: memref<10240x16xf32, #tpu.memory_space<hbm>>, %arg6: memref<160x128xi32, #tpu.memory_space<vmem>>, %arg7: memref<128x16xf32, #tpu.memory_space<vmem>>, %arg8: memref<10240x16xf32, #tpu.memory_space<vmem_shared>>, %arg9: memref<!tpu.dma_semaphore, #tpu.memory_space<semaphore_mem>>) attributes {dimension_semantics = [#tpu.dimension_semantics<core_parallel>, #tpu.dimension_semantics<subcore_parallel>], iteration_bounds = array<i64: 2, 16>, scalar_prefetch = 0 : i64, scratch_operands = 4 : i64, tpu.core_type = #tpu.core_type<sc_vector_subcore>, window_params = [{transform_indices = #map}, {transform_indices = #map}, {transform_indices = #map}, {transform_indices = #map}]} {
    %eq3A = arith.constant 0 : i32
    %eq3A_0 = arith.cmpi eq, %arg0, %eq3A : i32
    %convert_element_type3A = arith.extui %eq3A_0 : i1 to i32
    %cond3A = arith.constant 0 : i32
    %cond3A_1 = arith.cmpi ne, %convert_element_type3A, %cond3A : i32
    scf.if %cond3A_1 {
      %mul3A = arith.constant 640 : i32
      %mul3A_2 = arith.muli %arg1, %mul3A : i32
      "tpu.region"() ({
        %run_scoped3A = tpu.sem_alloc : memref<!tpu.dma_semaphore, #tpu.memory_space<semaphore_mem>>
        %dma_start3A = arith.constant 0 : i32
        %dma_start3A_17 = tpu.memref_slice %arg8[%mul3A_2, %dma_start3A] : memref<10240x16xf32, #tpu.memory_space<vmem_shared>> -> memref<640x16xf32, #tpu.memory_space<vmem_shared>>
        %dma_start3A_18 = arith.constant 0 : i32
        %dma_start3A_19 = tpu.memref_slice %arg4[%mul3A_2, %dma_start3A_18] : memref<10240x16xf32, #tpu.memory_space<hbm>> -> memref<640x16xf32, #tpu.memory_space<hbm>>
        tpu.enqueue_dma source(%dma_start3A_19 : memref<640x16xf32, #tpu.memory_space<hbm>>) target(%dma_start3A_17 : memref<640x16xf32, #tpu.memory_space<vmem_shared>>) target_semaphore(%run_scoped3A : memref<!tpu.dma_semaphore, #tpu.memory_space<semaphore_mem>>)
        %dma_wait3A = arith.constant 0 : i32
        %dma_wait3A_20 = tpu.memref_slice %arg8[%mul3A_2, %dma_wait3A] : memref<10240x16xf32, #tpu.memory_space<vmem_shared>> -> memref<640x16xf32, #tpu.memory_space<vmem_shared>>
        %dma_wait3A_21 = arith.constant 0 : i32
        %dma_wait3A_22 = tpu.memref_slice %arg4[%mul3A_2, %dma_wait3A_21] : memref<10240x16xf32, #tpu.memory_space<hbm>> -> memref<640x16xf32, #tpu.memory_space<hbm>>
        tpu.wait_dma2 semaphore(%run_scoped3A : memref<!tpu.dma_semaphore, #tpu.memory_space<semaphore_mem>>) src(%dma_wait3A_22 : memref<640x16xf32, #tpu.memory_space<hbm>>) dst(%dma_wait3A_20 : memref<640x16xf32, #tpu.memory_space<vmem_shared>>)
        tpu.yield
      }) : () -> ()
      %mul3A_3 = arith.constant 160 : i32
      %mul3A_4 = arith.muli %arg1, %mul3A_3 : i32
      "tpu.region"() ({
        %run_scoped3A = tpu.sem_alloc : memref<!tpu.dma_semaphore, #tpu.memory_space<semaphore_mem>>
        %dma_start3A = arith.constant 0 : i32
        %dma_start3A_17 = tpu.memref_slice %arg2[%mul3A_4, %dma_start3A] : memref<2560x128xi32, #tpu.memory_space<hbm>> -> memref<160x128xi32, #tpu.memory_space<hbm>>
        %dma_start3A_18 = arith.constant 0 : i32
        %dma_start3A_19 = tpu.memref_slice %arg2[%mul3A_4, %dma_start3A_18] : memref<2560x128xi32, #tpu.memory_space<hbm>> -> memref<160x128xi32, #tpu.memory_space<hbm>>
        tpu.enqueue_dma source(%dma_start3A_19 : memref<160x128xi32, #tpu.memory_space<hbm>>) target(%arg6 : memref<160x128xi32, #tpu.memory_space<vmem>>) target_semaphore(%run_scoped3A : memref<!tpu.dma_semaphore, #tpu.memory_space<semaphore_mem>>)
        %dma_wait3A = arith.constant 0 : i32
        %dma_wait3A_20 = tpu.memref_slice %arg2[%mul3A_4, %dma_wait3A] : memref<2560x128xi32, #tpu.memory_space<hbm>> -> memref<160x128xi32, #tpu.memory_space<hbm>>
        %dma_wait3A_21 = arith.constant 0 : i32
        %dma_wait3A_22 = tpu.memref_slice %arg2[%mul3A_4, %dma_wait3A_21] : memref<2560x128xi32, #tpu.memory_space<hbm>> -> memref<160x128xi32, #tpu.memory_space<hbm>>
        tpu.wait_dma2 semaphore(%run_scoped3A : memref<!tpu.dma_semaphore, #tpu.memory_space<semaphore_mem>>) src(%dma_wait3A_22 : memref<160x128xi32, #tpu.memory_space<hbm>>) dst(%arg6 : memref<160x128xi32, #tpu.memory_space<vmem>>)
        tpu.yield
      }) : () -> ()
      "tpu.region"() ({
        %run_scoped3A = tpu.sem_alloc : memref<!tpu.dma_semaphore, #tpu.memory_space<semaphore_mem>>
        tpu.enqueue_dma source(%arg3 : memref<128x16xf32, #tpu.memory_space<hbm>>) target(%arg7 : memref<128x16xf32, #tpu.memory_space<vmem>>) target_semaphore(%run_scoped3A : memref<!tpu.dma_semaphore, #tpu.memory_space<semaphore_mem>>)
        tpu.wait_dma2 semaphore(%run_scoped3A : memref<!tpu.dma_semaphore, #tpu.memory_space<semaphore_mem>>) src(%arg3 : memref<128x16xf32, #tpu.memory_space<hbm>>) dst(%arg7 : memref<128x16xf32, #tpu.memory_space<vmem>>)
        tpu.yield
      }) : () -> ()
      %barrier3A = arith.constant 0 : index
      tpu.barrier barrier_id(%barrier3A)
      %scan3A = arith.constant 0 : i32
      %scan3A_5 = arith.constant 0 : i32
      %scan3A_6 = arith.constant 160 : i32
      %scan3A_7 = arith.addi %scan3A_5, %scan3A_6 : i32
      %scan3A_8 = arith.constant 1 : i32
      scf.for %scan3A_17 = %scan3A_5 to %scan3A_7 step %scan3A_8  : i32 {
        %dma_start3A = arith.constant 0 : i32
        %dma_start3A_18 = tpu.memref_slice %arg6[%scan3A_17, %dma_start3A] : memref<160x128xi32, #tpu.memory_space<vmem>> -> memref<1x128xi32, #tpu.memory_space<vmem>>
        %dma_start3A_19 = tpu.memref_squeeze %dma_start3A_18 : memref<1x128xi32, #tpu.memory_space<vmem>> -> memref<128xi32, #tpu.memory_space<vmem>>
        %dma_start3A_20 = arith.constant 0 : i32
        %dma_start3A_21 = arith.constant 0 : i32
        %dma_start3A_22 = tpu.memref_slice %arg8[%dma_start3A_20, %dma_start3A_21] : memref<10240x16xf32, #tpu.memory_space<vmem_shared>> -> memref<10240x16xf32, #tpu.memory_space<vmem_shared>>
        tpu.enqueue_indirect_dma source(%arg7 : memref<128x16xf32, #tpu.memory_space<vmem>>) target(%dma_start3A_22 : memref<10240x16xf32, #tpu.memory_space<vmem_shared>>) offsets(%dma_start3A_19 : memref<128xi32, #tpu.memory_space<vmem>>) semaphore(%arg9 : memref<!tpu.dma_semaphore, #tpu.memory_space<semaphore_mem>>) {add = true}
      }
      %scan3A_9 = arith.constant 160 : i32
      %scan3A_10 = arith.constant 0 : i32
      %scan3A_11 = arith.constant 0 : i32
      %scan3A_12 = arith.constant 160 : i32
      %scan3A_13 = arith.addi %scan3A_11, %scan3A_12 : i32
      %scan3A_14 = arith.constant 1 : i32
      scf.for %scan3A_17 = %scan3A_11 to %scan3A_13 step %scan3A_14  : i32 {
        %dma_wait3A = arith.constant 0 : i32
        %dma_wait3A_18 = tpu.memref_slice %arg6[%scan3A_17, %dma_wait3A] : memref<160x128xi32, #tpu.memory_space<vmem>> -> memref<1x128xi32, #tpu.memory_space<vmem>>
        %dma_wait3A_19 = tpu.memref_squeeze %dma_wait3A_18 : memref<1x128xi32, #tpu.memory_space<vmem>> -> memref<128xi32, #tpu.memory_space<vmem>>
        %dma_wait3A_20 = arith.constant 0 : i32
        %dma_wait3A_21 = arith.constant 0 : i32
        %dma_wait3A_22 = tpu.memref_slice %arg8[%dma_wait3A_20, %dma_wait3A_21] : memref<10240x16xf32, #tpu.memory_space<vmem_shared>> -> memref<10240x16xf32, #tpu.memory_space<vmem_shared>>
        tpu.wait_indirect_dma semaphore(%arg9 : memref<!tpu.dma_semaphore, #tpu.memory_space<semaphore_mem>>) src(%arg7 : memref<128x16xf32, #tpu.memory_space<vmem>>) dst(%dma_wait3A_22 : memref<10240x16xf32, #tpu.memory_space<vmem_shared>>)
      }
      %scan3A_15 = arith.constant 160 : i32
      %barrier3A_16 = arith.constant 0 : index
      tpu.barrier barrier_id(%barrier3A_16)
      "tpu.region"() ({
        %run_scoped3A = tpu.sem_alloc : memref<!tpu.dma_semaphore, #tpu.memory_space<semaphore_mem>>
        %dma_start3A = arith.constant 0 : i32
        %dma_start3A_17 = tpu.memref_slice %arg5[%mul3A_2, %dma_start3A] : memref<10240x16xf32, #tpu.memory_space<hbm>> -> memref<640x16xf32, #tpu.memory_space<hbm>>
        %dma_start3A_18 = arith.constant 0 : i32
        %dma_start3A_19 = tpu.memref_slice %arg8[%mul3A_2, %dma_start3A_18] : memref<10240x16xf32, #tpu.memory_space<vmem_shared>> -> memref<640x16xf32, #tpu.memory_space<vmem_shared>>
        tpu.enqueue_dma source(%dma_start3A_19 : memref<640x16xf32, #tpu.memory_space<vmem_shared>>) target(%dma_start3A_17 : memref<640x16xf32, #tpu.memory_space<hbm>>) target_semaphore(%run_scoped3A : memref<!tpu.dma_semaphore, #tpu.memory_space<semaphore_mem>>)
        %dma_wait3A = arith.constant 0 : i32
        %dma_wait3A_20 = tpu.memref_slice %arg5[%mul3A_2, %dma_wait3A] : memref<10240x16xf32, #tpu.memory_space<hbm>> -> memref<640x16xf32, #tpu.memory_space<hbm>>
        %dma_wait3A_21 = arith.constant 0 : i32
        %dma_wait3A_22 = tpu.memref_slice %arg8[%mul3A_2, %dma_wait3A_21] : memref<10240x16xf32, #tpu.memory_space<vmem_shared>> -> memref<640x16xf32, #tpu.memory_space<vmem_shared>>
        tpu.wait_dma2 semaphore(%run_scoped3A : memref<!tpu.dma_semaphore, #tpu.memory_space<semaphore_mem>>) src(%dma_wait3A_22 : memref<640x16xf32, #tpu.memory_space<vmem_shared>>) dst(%dma_wait3A_20 : memref<640x16xf32, #tpu.memory_space<hbm>>)
        tpu.yield
      }) : () -> ()
    } else {
    }
    return
  }
}

#map = affine_map<(d0, d1) -> (0, 0)>
#map1 = affine_map<(d0, d1) -> (0, 0, 0)>
module attributes {stable_mosaic.version = 14 : i64} {
  func.func @agg_kernel(%arg0: i32, %arg1: i32, %arg2: memref<10240x64xf32, #tpu.memory_space<hbm>>, %arg3: memref<5120x64xi32, #tpu.memory_space<hbm>>, %arg4: memref<5120x64xi32, #tpu.memory_space<hbm>>, %arg5: memref<10240x64xf32, #tpu.memory_space<hbm>>, %arg6: memref<2x10240x64xf32, #tpu.memory_space<hbm>>, %arg7: memref<304x64xi32, #tpu.memory_space<vmem>>, %arg8: memref<304x64xi32, #tpu.memory_space<vmem>>, %arg9: memref<8x64x64xf32, #tpu.memory_space<vmem>>, %arg10: memref<10240x64xf32, #tpu.memory_space<vmem_shared>>, %arg11: memref<8x!tpu.dma_semaphore, #tpu.memory_space<semaphore_mem>>, %arg12: memref<8x!tpu.dma_semaphore, #tpu.memory_space<semaphore_mem>>) attributes {dimension_semantics = [#tpu.dimension_semantics<core_parallel>, #tpu.dimension_semantics<subcore_parallel>], iteration_bounds = array<i64: 2, 16>, scalar_prefetch = 0 : i64, scratch_operands = 6 : i64, tpu.core_type = #tpu.core_type<sc_vector_subcore>, window_params = [{transform_indices = #map}, {transform_indices = #map}, {transform_indices = #map}, {transform_indices = #map}, {transform_indices = #map1}]} {
    %eq3A = arith.constant 0 : i32
    %eq3A_0 = arith.cmpi eq, %arg0, %eq3A : i32
    %jit3A = arith.constant 38 : i32
    %jit3A_1 = arith.constant 2 : i32
    %select_n3A = arith.select %eq3A_0, %jit3A, %jit3A_1 : i32
    %eq3A_2 = arith.constant 0 : i32
    %eq3A_3 = arith.cmpi eq, %arg0, %eq3A_2 : i32
    %mul3A = arith.constant 304 : i32
    %mul3A_4 = arith.muli %arg1, %mul3A : i32
    %mul3A_5 = arith.constant 16 : i32
    %mul3A_6 = arith.muli %arg1, %mul3A_5 : i32
    %add3A = arith.constant 4864 : i32
    %add3A_7 = arith.addi %add3A, %mul3A_6 : i32
    %select_n3A_8 = arith.select %eq3A_3, %mul3A_4, %add3A_7 : i32
    %mul3A_9 = arith.constant 640 : i32
    %mul3A_10 = arith.muli %arg1, %mul3A_9 : i32
    %eq3A_11 = arith.constant 0 : i32
    %eq3A_12 = arith.cmpi eq, %arg0, %eq3A_11 : i32
    %convert_element_type3A = arith.extui %eq3A_12 : i1 to i32
    %cond3A = arith.constant 0 : i32
    %cond3A_13 = arith.cmpi ne, %convert_element_type3A, %cond3A : i32
    scf.if %cond3A_13 {
      "tpu.region"() ({
        %run_scoped3A = tpu.sem_alloc : memref<!tpu.dma_semaphore, #tpu.memory_space<semaphore_mem>>
        %dma_start3A_535 = arith.constant 0 : i32
        %dma_start3A_536 = tpu.memref_slice %arg3[%select_n3A_8, %dma_start3A_535] : memref<5120x64xi32, #tpu.memory_space<hbm>> -> memref<304x64xi32, #tpu.memory_space<hbm>>
        %dma_start3A_537 = arith.constant 0 : i32
        %dma_start3A_538 = tpu.memref_slice %arg3[%select_n3A_8, %dma_start3A_537] : memref<5120x64xi32, #tpu.memory_space<hbm>> -> memref<304x64xi32, #tpu.memory_space<hbm>>
        tpu.enqueue_dma source(%dma_start3A_538 : memref<304x64xi32, #tpu.memory_space<hbm>>) target(%arg7 : memref<304x64xi32, #tpu.memory_space<vmem>>) target_semaphore(%run_scoped3A : memref<!tpu.dma_semaphore, #tpu.memory_space<semaphore_mem>>)
        %dma_wait3A_539 = arith.constant 0 : i32
        %dma_wait3A_540 = tpu.memref_slice %arg3[%select_n3A_8, %dma_wait3A_539] : memref<5120x64xi32, #tpu.memory_space<hbm>> -> memref<304x64xi32, #tpu.memory_space<hbm>>
        %dma_wait3A_541 = arith.constant 0 : i32
        %dma_wait3A_542 = tpu.memref_slice %arg3[%select_n3A_8, %dma_wait3A_541] : memref<5120x64xi32, #tpu.memory_space<hbm>> -> memref<304x64xi32, #tpu.memory_space<hbm>>
        tpu.wait_dma2 semaphore(%run_scoped3A : memref<!tpu.dma_semaphore, #tpu.memory_space<semaphore_mem>>) src(%dma_wait3A_542 : memref<304x64xi32, #tpu.memory_space<hbm>>) dst(%arg7 : memref<304x64xi32, #tpu.memory_space<vmem>>)
        tpu.yield
      }) : () -> ()
      "tpu.region"() ({
        %run_scoped3A = tpu.sem_alloc : memref<!tpu.dma_semaphore, #tpu.memory_space<semaphore_mem>>
        %dma_start3A_535 = arith.constant 0 : i32
        %dma_start3A_536 = tpu.memref_slice %arg4[%select_n3A_8, %dma_start3A_535] : memref<5120x64xi32, #tpu.memory_space<hbm>> -> memref<304x64xi32, #tpu.memory_space<hbm>>
        %dma_start3A_537 = arith.constant 0 : i32
        %dma_start3A_538 = tpu.memref_slice %arg4[%select_n3A_8, %dma_start3A_537] : memref<5120x64xi32, #tpu.memory_space<hbm>> -> memref<304x64xi32, #tpu.memory_space<hbm>>
        tpu.enqueue_dma source(%dma_start3A_538 : memref<304x64xi32, #tpu.memory_space<hbm>>) target(%arg8 : memref<304x64xi32, #tpu.memory_space<vmem>>) target_semaphore(%run_scoped3A : memref<!tpu.dma_semaphore, #tpu.memory_space<semaphore_mem>>)
        %dma_wait3A_539 = arith.constant 0 : i32
        %dma_wait3A_540 = tpu.memref_slice %arg4[%select_n3A_8, %dma_wait3A_539] : memref<5120x64xi32, #tpu.memory_space<hbm>> -> memref<304x64xi32, #tpu.memory_space<hbm>>
        %dma_wait3A_541 = arith.constant 0 : i32
        %dma_wait3A_542 = tpu.memref_slice %arg4[%select_n3A_8, %dma_wait3A_541] : memref<5120x64xi32, #tpu.memory_space<hbm>> -> memref<304x64xi32, #tpu.memory_space<hbm>>
        tpu.wait_dma2 semaphore(%run_scoped3A : memref<!tpu.dma_semaphore, #tpu.memory_space<semaphore_mem>>) src(%dma_wait3A_542 : memref<304x64xi32, #tpu.memory_space<hbm>>) dst(%arg8 : memref<304x64xi32, #tpu.memory_space<vmem>>)
        tpu.yield
      }) : () -> ()
    } else {
    }
    %ne3A = arith.constant 0 : i32
    %ne3A_14 = arith.cmpi ne, %arg0, %ne3A : i32
    %convert_element_type3A_15 = arith.extui %ne3A_14 : i1 to i32
    %cond3A_16 = arith.constant 0 : i32
    %cond3A_17 = arith.cmpi ne, %convert_element_type3A_15, %cond3A_16 : i32
    scf.if %cond3A_17 {
      "tpu.region"() ({
        %run_scoped3A = tpu.sem_alloc : memref<!tpu.dma_semaphore, #tpu.memory_space<semaphore_mem>>
        %dma_start3A_535 = arith.constant 0 : i32
        %dma_start3A_536 = arith.constant 0 : i32
        %dma_start3A_537 = tpu.memref_slice %arg7[%dma_start3A_535, %dma_start3A_536] : memref<304x64xi32, #tpu.memory_space<vmem>> -> memref<16x64xi32, #tpu.memory_space<vmem>>
        %dma_start3A_538 = arith.constant 0 : i32
        %dma_start3A_539 = tpu.memref_slice %arg3[%select_n3A_8, %dma_start3A_538] : memref<5120x64xi32, #tpu.memory_space<hbm>> -> memref<16x64xi32, #tpu.memory_space<hbm>>
        %dma_start3A_540 = arith.constant 0 : i32
        %dma_start3A_541 = arith.constant 0 : i32
        %dma_start3A_542 = tpu.memref_slice %arg7[%dma_start3A_540, %dma_start3A_541] : memref<304x64xi32, #tpu.memory_space<vmem>> -> memref<16x64xi32, #tpu.memory_space<vmem>>
        %dma_start3A_543 = arith.constant 0 : i32
        %dma_start3A_544 = tpu.memref_slice %arg3[%select_n3A_8, %dma_start3A_543] : memref<5120x64xi32, #tpu.memory_space<hbm>> -> memref<16x64xi32, #tpu.memory_space<hbm>>
        tpu.enqueue_dma source(%dma_start3A_544 : memref<16x64xi32, #tpu.memory_space<hbm>>) target(%dma_start3A_542 : memref<16x64xi32, #tpu.memory_space<vmem>>) target_semaphore(%run_scoped3A : memref<!tpu.dma_semaphore, #tpu.memory_space<semaphore_mem>>)
        %dma_wait3A_545 = arith.constant 0 : i32
        %dma_wait3A_546 = arith.constant 0 : i32
        %dma_wait3A_547 = tpu.memref_slice %arg7[%dma_wait3A_545, %dma_wait3A_546] : memref<304x64xi32, #tpu.memory_space<vmem>> -> memref<16x64xi32, #tpu.memory_space<vmem>>
        %dma_wait3A_548 = arith.constant 0 : i32
        %dma_wait3A_549 = tpu.memref_slice %arg3[%select_n3A_8, %dma_wait3A_548] : memref<5120x64xi32, #tpu.memory_space<hbm>> -> memref<16x64xi32, #tpu.memory_space<hbm>>
        %dma_wait3A_550 = arith.constant 0 : i32
        %dma_wait3A_551 = arith.constant 0 : i32
        %dma_wait3A_552 = tpu.memref_slice %arg7[%dma_wait3A_550, %dma_wait3A_551] : memref<304x64xi32, #tpu.memory_space<vmem>> -> memref<16x64xi32, #tpu.memory_space<vmem>>
        %dma_wait3A_553 = arith.constant 0 : i32
        %dma_wait3A_554 = tpu.memref_slice %arg3[%select_n3A_8, %dma_wait3A_553] : memref<5120x64xi32, #tpu.memory_space<hbm>> -> memref<16x64xi32, #tpu.memory_space<hbm>>
        tpu.wait_dma2 semaphore(%run_scoped3A : memref<!tpu.dma_semaphore, #tpu.memory_space<semaphore_mem>>) src(%dma_wait3A_554 : memref<16x64xi32, #tpu.memory_space<hbm>>) dst(%dma_wait3A_552 : memref<16x64xi32, #tpu.memory_space<vmem>>)
        tpu.yield
      }) : () -> ()
      "tpu.region"() ({
        %run_scoped3A = tpu.sem_alloc : memref<!tpu.dma_semaphore, #tpu.memory_space<semaphore_mem>>
        %dma_start3A_535 = arith.constant 0 : i32
        %dma_start3A_536 = arith.constant 0 : i32
        %dma_start3A_537 = tpu.memref_slice %arg8[%dma_start3A_535, %dma_start3A_536] : memref<304x64xi32, #tpu.memory_space<vmem>> -> memref<16x64xi32, #tpu.memory_space<vmem>>
        %dma_start3A_538 = arith.constant 0 : i32
        %dma_start3A_539 = tpu.memref_slice %arg4[%select_n3A_8, %dma_start3A_538] : memref<5120x64xi32, #tpu.memory_space<hbm>> -> memref<16x64xi32, #tpu.memory_space<hbm>>
        %dma_start3A_540 = arith.constant 0 : i32
        %dma_start3A_541 = arith.constant 0 : i32
        %dma_start3A_542 = tpu.memref_slice %arg8[%dma_start3A_540, %dma_start3A_541] : memref<304x64xi32, #tpu.memory_space<vmem>> -> memref<16x64xi32, #tpu.memory_space<vmem>>
        %dma_start3A_543 = arith.constant 0 : i32
        %dma_start3A_544 = tpu.memref_slice %arg4[%select_n3A_8, %dma_start3A_543] : memref<5120x64xi32, #tpu.memory_space<hbm>> -> memref<16x64xi32, #tpu.memory_space<hbm>>
        tpu.enqueue_dma source(%dma_start3A_544 : memref<16x64xi32, #tpu.memory_space<hbm>>) target(%dma_start3A_542 : memref<16x64xi32, #tpu.memory_space<vmem>>) target_semaphore(%run_scoped3A : memref<!tpu.dma_semaphore, #tpu.memory_space<semaphore_mem>>)
        %dma_wait3A_545 = arith.constant 0 : i32
        %dma_wait3A_546 = arith.constant 0 : i32
        %dma_wait3A_547 = tpu.memref_slice %arg8[%dma_wait3A_545, %dma_wait3A_546] : memref<304x64xi32, #tpu.memory_space<vmem>> -> memref<16x64xi32, #tpu.memory_space<vmem>>
        %dma_wait3A_548 = arith.constant 0 : i32
        %dma_wait3A_549 = tpu.memref_slice %arg4[%select_n3A_8, %dma_wait3A_548] : memref<5120x64xi32, #tpu.memory_space<hbm>> -> memref<16x64xi32, #tpu.memory_space<hbm>>
        %dma_wait3A_550 = arith.constant 0 : i32
        %dma_wait3A_551 = arith.constant 0 : i32
        %dma_wait3A_552 = tpu.memref_slice %arg8[%dma_wait3A_550, %dma_wait3A_551] : memref<304x64xi32, #tpu.memory_space<vmem>> -> memref<16x64xi32, #tpu.memory_space<vmem>>
        %dma_wait3A_553 = arith.constant 0 : i32
        %dma_wait3A_554 = tpu.memref_slice %arg4[%select_n3A_8, %dma_wait3A_553] : memref<5120x64xi32, #tpu.memory_space<hbm>> -> memref<16x64xi32, #tpu.memory_space<hbm>>
        tpu.wait_dma2 semaphore(%run_scoped3A : memref<!tpu.dma_semaphore, #tpu.memory_space<semaphore_mem>>) src(%dma_wait3A_554 : memref<16x64xi32, #tpu.memory_space<hbm>>) dst(%dma_wait3A_552 : memref<16x64xi32, #tpu.memory_space<vmem>>)
        tpu.yield
      }) : () -> ()
    } else {
    }
    %dma_start3A = arith.constant 0 : i32
    %dma_start3A_18 = arith.constant 0 : i32
    %dma_start3A_19 = arith.constant 0 : i32
    %dma_start3A_20 = arith.constant 0 : i32
    %dma_start3A_21 = arith.constant 0 : i32
    %dma_start3A_22 = tpu.memref_slice %arg9[%dma_start3A_18, %dma_start3A_20, %dma_start3A_21] : memref<8x64x64xf32, #tpu.memory_space<vmem>> -> memref<1x64x64xf32, #tpu.memory_space<vmem>>
    %dma_start3A_23 = tpu.memref_squeeze %dma_start3A_22 : memref<1x64x64xf32, #tpu.memory_space<vmem>> -> memref<64x64xf32, #tpu.memory_space<vmem>>
    %dma_start3A_24 = arith.constant 0 : i32
    %dma_start3A_25 = tpu.memref_slice %arg7[%dma_start3A, %dma_start3A_24] : memref<304x64xi32, #tpu.memory_space<vmem>> -> memref<1x64xi32, #tpu.memory_space<vmem>>
    %dma_start3A_26 = tpu.memref_squeeze %dma_start3A_25 : memref<1x64xi32, #tpu.memory_space<vmem>> -> memref<64xi32, #tpu.memory_space<vmem>>
    %dma_start3A_27 = arith.constant 0 : i32
    %dma_start3A_28 = arith.constant 0 : i32
    %dma_start3A_29 = tpu.memref_slice %arg2[%dma_start3A_27, %dma_start3A_28] : memref<10240x64xf32, #tpu.memory_space<hbm>> -> memref<10240x64xf32, #tpu.memory_space<hbm>>
    %dma_start3A_30 = tpu.memref_slice %arg11[%dma_start3A_19] : memref<8x!tpu.dma_semaphore, #tpu.memory_space<semaphore_mem>> -> memref<1x!tpu.dma_semaphore, #tpu.memory_space<semaphore_mem>>
    %dma_start3A_31 = tpu.memref_squeeze %dma_start3A_30 : memref<1x!tpu.dma_semaphore, #tpu.memory_space<semaphore_mem>> -> memref<!tpu.dma_semaphore, #tpu.memory_space<semaphore_mem>>
    tpu.enqueue_indirect_dma source(%dma_start3A_29 : memref<10240x64xf32, #tpu.memory_space<hbm>>) target(%dma_start3A_23 : memref<64x64xf32, #tpu.memory_space<vmem>>) offsets(%dma_start3A_26 : memref<64xi32, #tpu.memory_space<vmem>>) semaphore(%dma_start3A_31 : memref<!tpu.dma_semaphore, #tpu.memory_space<semaphore_mem>>)
    %dma_start3A_32 = arith.constant 1 : i32
    %dma_start3A_33 = arith.constant 1 : i32
    %dma_start3A_34 = arith.constant 1 : i32
    %dma_start3A_35 = arith.constant 0 : i32
    %dma_start3A_36 = arith.constant 0 : i32
    %dma_start3A_37 = tpu.memref_slice %arg9[%dma_start3A_33, %dma_start3A_35, %dma_start3A_36] : memref<8x64x64xf32, #tpu.memory_space<vmem>> -> memref<1x64x64xf32, #tpu.memory_space<vmem>>
    %dma_start3A_38 = tpu.memref_squeeze %dma_start3A_37 : memref<1x64x64xf32, #tpu.memory_space<vmem>> -> memref<64x64xf32, #tpu.memory_space<vmem>>
    %dma_start3A_39 = arith.constant 0 : i32
    %dma_start3A_40 = tpu.memref_slice %arg7[%dma_start3A_32, %dma_start3A_39] : memref<304x64xi32, #tpu.memory_space<vmem>> -> memref<1x64xi32, #tpu.memory_space<vmem>>
    %dma_start3A_41 = tpu.memref_squeeze %dma_start3A_40 : memref<1x64xi32, #tpu.memory_space<vmem>> -> memref<64xi32, #tpu.memory_space<vmem>>
    %dma_start3A_42 = arith.constant 0 : i32
    %dma_start3A_43 = arith.constant 0 : i32
    %dma_start3A_44 = tpu.memref_slice %arg2[%dma_start3A_42, %dma_start3A_43] : memref<10240x64xf32, #tpu.memory_space<hbm>> -> memref<10240x64xf32, #tpu.memory_space<hbm>>
    %dma_start3A_45 = tpu.memref_slice %arg11[%dma_start3A_34] : memref<8x!tpu.dma_semaphore, #tpu.memory_space<semaphore_mem>> -> memref<1x!tpu.dma_semaphore, #tpu.memory_space<semaphore_mem>>
    %dma_start3A_46 = tpu.memref_squeeze %dma_start3A_45 : memref<1x!tpu.dma_semaphore, #tpu.memory_space<semaphore_mem>> -> memref<!tpu.dma_semaphore, #tpu.memory_space<semaphore_mem>>
    tpu.enqueue_indirect_dma source(%dma_start3A_44 : memref<10240x64xf32, #tpu.memory_space<hbm>>) target(%dma_start3A_38 : memref<64x64xf32, #tpu.memory_space<vmem>>) offsets(%dma_start3A_41 : memref<64xi32, #tpu.memory_space<vmem>>) semaphore(%dma_start3A_46 : memref<!tpu.dma_semaphore, #tpu.memory_space<semaphore_mem>>)
    %dma_start3A_47 = arith.constant 2 : i32
    %dma_start3A_48 = arith.constant 2 : i32
    %dma_start3A_49 = arith.constant 2 : i32
    %dma_start3A_50 = arith.constant 0 : i32
    %dma_start3A_51 = arith.constant 0 : i32
    %dma_start3A_52 = tpu.memref_slice %arg9[%dma_start3A_48, %dma_start3A_50, %dma_start3A_51] : memref<8x64x64xf32, #tpu.memory_space<vmem>> -> memref<1x64x64xf32, #tpu.memory_space<vmem>>
    %dma_start3A_53 = tpu.memref_squeeze %dma_start3A_52 : memref<1x64x64xf32, #tpu.memory_space<vmem>> -> memref<64x64xf32, #tpu.memory_space<vmem>>
    %dma_start3A_54 = arith.constant 0 : i32
    %dma_start3A_55 = tpu.memref_slice %arg7[%dma_start3A_47, %dma_start3A_54] : memref<304x64xi32, #tpu.memory_space<vmem>> -> memref<1x64xi32, #tpu.memory_space<vmem>>
    %dma_start3A_56 = tpu.memref_squeeze %dma_start3A_55 : memref<1x64xi32, #tpu.memory_space<vmem>> -> memref<64xi32, #tpu.memory_space<vmem>>
    %dma_start3A_57 = arith.constant 0 : i32
    %dma_start3A_58 = arith.constant 0 : i32
    %dma_start3A_59 = tpu.memref_slice %arg2[%dma_start3A_57, %dma_start3A_58] : memref<10240x64xf32, #tpu.memory_space<hbm>> -> memref<10240x64xf32, #tpu.memory_space<hbm>>
    %dma_start3A_60 = tpu.memref_slice %arg11[%dma_start3A_49] : memref<8x!tpu.dma_semaphore, #tpu.memory_space<semaphore_mem>> -> memref<1x!tpu.dma_semaphore, #tpu.memory_space<semaphore_mem>>
    %dma_start3A_61 = tpu.memref_squeeze %dma_start3A_60 : memref<1x!tpu.dma_semaphore, #tpu.memory_space<semaphore_mem>> -> memref<!tpu.dma_semaphore, #tpu.memory_space<semaphore_mem>>
    tpu.enqueue_indirect_dma source(%dma_start3A_59 : memref<10240x64xf32, #tpu.memory_space<hbm>>) target(%dma_start3A_53 : memref<64x64xf32, #tpu.memory_space<vmem>>) offsets(%dma_start3A_56 : memref<64xi32, #tpu.memory_space<vmem>>) semaphore(%dma_start3A_61 : memref<!tpu.dma_semaphore, #tpu.memory_space<semaphore_mem>>)
    %dma_start3A_62 = arith.constant 3 : i32
    %dma_start3A_63 = arith.constant 3 : i32
    %dma_start3A_64 = arith.constant 3 : i32
    %dma_start3A_65 = arith.constant 0 : i32
    %dma_start3A_66 = arith.constant 0 : i32
    %dma_start3A_67 = tpu.memref_slice %arg9[%dma_start3A_63, %dma_start3A_65, %dma_start3A_66] : memref<8x64x64xf32, #tpu.memory_space<vmem>> -> memref<1x64x64xf32, #tpu.memory_space<vmem>>
    %dma_start3A_68 = tpu.memref_squeeze %dma_start3A_67 : memref<1x64x64xf32, #tpu.memory_space<vmem>> -> memref<64x64xf32, #tpu.memory_space<vmem>>
    %dma_start3A_69 = arith.constant 0 : i32
    %dma_start3A_70 = tpu.memref_slice %arg7[%dma_start3A_62, %dma_start3A_69] : memref<304x64xi32, #tpu.memory_space<vmem>> -> memref<1x64xi32, #tpu.memory_space<vmem>>
    %dma_start3A_71 = tpu.memref_squeeze %dma_start3A_70 : memref<1x64xi32, #tpu.memory_space<vmem>> -> memref<64xi32, #tpu.memory_space<vmem>>
    %dma_start3A_72 = arith.constant 0 : i32
    %dma_start3A_73 = arith.constant 0 : i32
    %dma_start3A_74 = tpu.memref_slice %arg2[%dma_start3A_72, %dma_start3A_73] : memref<10240x64xf32, #tpu.memory_space<hbm>> -> memref<10240x64xf32, #tpu.memory_space<hbm>>
    %dma_start3A_75 = tpu.memref_slice %arg11[%dma_start3A_64] : memref<8x!tpu.dma_semaphore, #tpu.memory_space<semaphore_mem>> -> memref<1x!tpu.dma_semaphore, #tpu.memory_space<semaphore_mem>>
    %dma_start3A_76 = tpu.memref_squeeze %dma_start3A_75 : memref<1x!tpu.dma_semaphore, #tpu.memory_space<semaphore_mem>> -> memref<!tpu.dma_semaphore, #tpu.memory_space<semaphore_mem>>
    tpu.enqueue_indirect_dma source(%dma_start3A_74 : memref<10240x64xf32, #tpu.memory_space<hbm>>) target(%dma_start3A_68 : memref<64x64xf32, #tpu.memory_space<vmem>>) offsets(%dma_start3A_71 : memref<64xi32, #tpu.memory_space<vmem>>) semaphore(%dma_start3A_76 : memref<!tpu.dma_semaphore, #tpu.memory_space<semaphore_mem>>)
    %dma_start3A_77 = arith.constant 4 : i32
    %dma_start3A_78 = arith.constant 4 : i32
    %dma_start3A_79 = arith.constant 4 : i32
    %dma_start3A_80 = arith.constant 0 : i32
    %dma_start3A_81 = arith.constant 0 : i32
    %dma_start3A_82 = tpu.memref_slice %arg9[%dma_start3A_78, %dma_start3A_80, %dma_start3A_81] : memref<8x64x64xf32, #tpu.memory_space<vmem>> -> memref<1x64x64xf32, #tpu.memory_space<vmem>>
    %dma_start3A_83 = tpu.memref_squeeze %dma_start3A_82 : memref<1x64x64xf32, #tpu.memory_space<vmem>> -> memref<64x64xf32, #tpu.memory_space<vmem>>
    %dma_start3A_84 = arith.constant 0 : i32
    %dma_start3A_85 = tpu.memref_slice %arg7[%dma_start3A_77, %dma_start3A_84] : memref<304x64xi32, #tpu.memory_space<vmem>> -> memref<1x64xi32, #tpu.memory_space<vmem>>
    %dma_start3A_86 = tpu.memref_squeeze %dma_start3A_85 : memref<1x64xi32, #tpu.memory_space<vmem>> -> memref<64xi32, #tpu.memory_space<vmem>>
    %dma_start3A_87 = arith.constant 0 : i32
    %dma_start3A_88 = arith.constant 0 : i32
    %dma_start3A_89 = tpu.memref_slice %arg2[%dma_start3A_87, %dma_start3A_88] : memref<10240x64xf32, #tpu.memory_space<hbm>> -> memref<10240x64xf32, #tpu.memory_space<hbm>>
    %dma_start3A_90 = tpu.memref_slice %arg11[%dma_start3A_79] : memref<8x!tpu.dma_semaphore, #tpu.memory_space<semaphore_mem>> -> memref<1x!tpu.dma_semaphore, #tpu.memory_space<semaphore_mem>>
    %dma_start3A_91 = tpu.memref_squeeze %dma_start3A_90 : memref<1x!tpu.dma_semaphore, #tpu.memory_space<semaphore_mem>> -> memref<!tpu.dma_semaphore, #tpu.memory_space<semaphore_mem>>
    tpu.enqueue_indirect_dma source(%dma_start3A_89 : memref<10240x64xf32, #tpu.memory_space<hbm>>) target(%dma_start3A_83 : memref<64x64xf32, #tpu.memory_space<vmem>>) offsets(%dma_start3A_86 : memref<64xi32, #tpu.memory_space<vmem>>) semaphore(%dma_start3A_91 : memref<!tpu.dma_semaphore, #tpu.memory_space<semaphore_mem>>)
    %dma_start3A_92 = arith.constant 5 : i32
    %dma_start3A_93 = arith.constant 5 : i32
    %dma_start3A_94 = arith.constant 5 : i32
    %dma_start3A_95 = arith.constant 0 : i32
    %dma_start3A_96 = arith.constant 0 : i32
    %dma_start3A_97 = tpu.memref_slice %arg9[%dma_start3A_93, %dma_start3A_95, %dma_start3A_96] : memref<8x64x64xf32, #tpu.memory_space<vmem>> -> memref<1x64x64xf32, #tpu.memory_space<vmem>>
    %dma_start3A_98 = tpu.memref_squeeze %dma_start3A_97 : memref<1x64x64xf32, #tpu.memory_space<vmem>> -> memref<64x64xf32, #tpu.memory_space<vmem>>
    %dma_start3A_99 = arith.constant 0 : i32
    %dma_start3A_100 = tpu.memref_slice %arg7[%dma_start3A_92, %dma_start3A_99] : memref<304x64xi32, #tpu.memory_space<vmem>> -> memref<1x64xi32, #tpu.memory_space<vmem>>
    %dma_start3A_101 = tpu.memref_squeeze %dma_start3A_100 : memref<1x64xi32, #tpu.memory_space<vmem>> -> memref<64xi32, #tpu.memory_space<vmem>>
    %dma_start3A_102 = arith.constant 0 : i32
    %dma_start3A_103 = arith.constant 0 : i32
    %dma_start3A_104 = tpu.memref_slice %arg2[%dma_start3A_102, %dma_start3A_103] : memref<10240x64xf32, #tpu.memory_space<hbm>> -> memref<10240x64xf32, #tpu.memory_space<hbm>>
    %dma_start3A_105 = tpu.memref_slice %arg11[%dma_start3A_94] : memref<8x!tpu.dma_semaphore, #tpu.memory_space<semaphore_mem>> -> memref<1x!tpu.dma_semaphore, #tpu.memory_space<semaphore_mem>>
    %dma_start3A_106 = tpu.memref_squeeze %dma_start3A_105 : memref<1x!tpu.dma_semaphore, #tpu.memory_space<semaphore_mem>> -> memref<!tpu.dma_semaphore, #tpu.memory_space<semaphore_mem>>
    tpu.enqueue_indirect_dma source(%dma_start3A_104 : memref<10240x64xf32, #tpu.memory_space<hbm>>) target(%dma_start3A_98 : memref<64x64xf32, #tpu.memory_space<vmem>>) offsets(%dma_start3A_101 : memref<64xi32, #tpu.memory_space<vmem>>) semaphore(%dma_start3A_106 : memref<!tpu.dma_semaphore, #tpu.memory_space<semaphore_mem>>)
    %dma_start3A_107 = arith.constant 6 : i32
    %dma_start3A_108 = arith.constant 6 : i32
    %dma_start3A_109 = arith.constant 6 : i32
    %dma_start3A_110 = arith.constant 0 : i32
    %dma_start3A_111 = arith.constant 0 : i32
    %dma_start3A_112 = tpu.memref_slice %arg9[%dma_start3A_108, %dma_start3A_110, %dma_start3A_111] : memref<8x64x64xf32, #tpu.memory_space<vmem>> -> memref<1x64x64xf32, #tpu.memory_space<vmem>>
    %dma_start3A_113 = tpu.memref_squeeze %dma_start3A_112 : memref<1x64x64xf32, #tpu.memory_space<vmem>> -> memref<64x64xf32, #tpu.memory_space<vmem>>
    %dma_start3A_114 = arith.constant 0 : i32
    %dma_start3A_115 = tpu.memref_slice %arg7[%dma_start3A_107, %dma_start3A_114] : memref<304x64xi32, #tpu.memory_space<vmem>> -> memref<1x64xi32, #tpu.memory_space<vmem>>
    %dma_start3A_116 = tpu.memref_squeeze %dma_start3A_115 : memref<1x64xi32, #tpu.memory_space<vmem>> -> memref<64xi32, #tpu.memory_space<vmem>>
    %dma_start3A_117 = arith.constant 0 : i32
    %dma_start3A_118 = arith.constant 0 : i32
    %dma_start3A_119 = tpu.memref_slice %arg2[%dma_start3A_117, %dma_start3A_118] : memref<10240x64xf32, #tpu.memory_space<hbm>> -> memref<10240x64xf32, #tpu.memory_space<hbm>>
    %dma_start3A_120 = tpu.memref_slice %arg11[%dma_start3A_109] : memref<8x!tpu.dma_semaphore, #tpu.memory_space<semaphore_mem>> -> memref<1x!tpu.dma_semaphore, #tpu.memory_space<semaphore_mem>>
    %dma_start3A_121 = tpu.memref_squeeze %dma_start3A_120 : memref<1x!tpu.dma_semaphore, #tpu.memory_space<semaphore_mem>> -> memref<!tpu.dma_semaphore, #tpu.memory_space<semaphore_mem>>
    tpu.enqueue_indirect_dma source(%dma_start3A_119 : memref<10240x64xf32, #tpu.memory_space<hbm>>) target(%dma_start3A_113 : memref<64x64xf32, #tpu.memory_space<vmem>>) offsets(%dma_start3A_116 : memref<64xi32, #tpu.memory_space<vmem>>) semaphore(%dma_start3A_121 : memref<!tpu.dma_semaphore, #tpu.memory_space<semaphore_mem>>)
    %dma_start3A_122 = arith.constant 7 : i32
    %dma_start3A_123 = arith.constant 7 : i32
    %dma_start3A_124 = arith.constant 7 : i32
    %dma_start3A_125 = arith.constant 0 : i32
    %dma_start3A_126 = arith.constant 0 : i32
    %dma_start3A_127 = tpu.memref_slice %arg9[%dma_start3A_123, %dma_start3A_125, %dma_start3A_126] : memref<8x64x64xf32, #tpu.memory_space<vmem>> -> memref<1x64x64xf32, #tpu.memory_space<vmem>>
    %dma_start3A_128 = tpu.memref_squeeze %dma_start3A_127 : memref<1x64x64xf32, #tpu.memory_space<vmem>> -> memref<64x64xf32, #tpu.memory_space<vmem>>
    %dma_start3A_129 = arith.constant 0 : i32
    %dma_start3A_130 = tpu.memref_slice %arg7[%dma_start3A_122, %dma_start3A_129] : memref<304x64xi32, #tpu.memory_space<vmem>> -> memref<1x64xi32, #tpu.memory_space<vmem>>
    %dma_start3A_131 = tpu.memref_squeeze %dma_start3A_130 : memref<1x64xi32, #tpu.memory_space<vmem>> -> memref<64xi32, #tpu.memory_space<vmem>>
    %dma_start3A_132 = arith.constant 0 : i32
    %dma_start3A_133 = arith.constant 0 : i32
    %dma_start3A_134 = tpu.memref_slice %arg2[%dma_start3A_132, %dma_start3A_133] : memref<10240x64xf32, #tpu.memory_space<hbm>> -> memref<10240x64xf32, #tpu.memory_space<hbm>>
    %dma_start3A_135 = tpu.memref_slice %arg11[%dma_start3A_124] : memref<8x!tpu.dma_semaphore, #tpu.memory_space<semaphore_mem>> -> memref<1x!tpu.dma_semaphore, #tpu.memory_space<semaphore_mem>>
    %dma_start3A_136 = tpu.memref_squeeze %dma_start3A_135 : memref<1x!tpu.dma_semaphore, #tpu.memory_space<semaphore_mem>> -> memref<!tpu.dma_semaphore, #tpu.memory_space<semaphore_mem>>
    tpu.enqueue_indirect_dma source(%dma_start3A_134 : memref<10240x64xf32, #tpu.memory_space<hbm>>) target(%dma_start3A_128 : memref<64x64xf32, #tpu.memory_space<vmem>>) offsets(%dma_start3A_131 : memref<64xi32, #tpu.memory_space<vmem>>) semaphore(%dma_start3A_136 : memref<!tpu.dma_semaphore, #tpu.memory_space<semaphore_mem>>)
    "tpu.region"() ({
      %run_scoped3A = tpu.sem_alloc : memref<!tpu.dma_semaphore, #tpu.memory_space<semaphore_mem>>
      %dma_start3A_535 = arith.constant 0 : i32
      %dma_start3A_536 = tpu.memref_slice %arg10[%mul3A_10, %dma_start3A_535] : memref<10240x64xf32, #tpu.memory_space<vmem_shared>> -> memref<640x64xf32, #tpu.memory_space<vmem_shared>>
      %dma_start3A_537 = arith.constant 0 : i32
      %dma_start3A_538 = tpu.memref_slice %arg5[%mul3A_10, %dma_start3A_537] : memref<10240x64xf32, #tpu.memory_space<hbm>> -> memref<640x64xf32, #tpu.memory_space<hbm>>
      tpu.enqueue_dma source(%dma_start3A_538 : memref<640x64xf32, #tpu.memory_space<hbm>>) target(%dma_start3A_536 : memref<640x64xf32, #tpu.memory_space<vmem_shared>>) target_semaphore(%run_scoped3A : memref<!tpu.dma_semaphore, #tpu.memory_space<semaphore_mem>>)
      %dma_wait3A_539 = arith.constant 0 : i32
      %dma_wait3A_540 = tpu.memref_slice %arg10[%mul3A_10, %dma_wait3A_539] : memref<10240x64xf32, #tpu.memory_space<vmem_shared>> -> memref<640x64xf32, #tpu.memory_space<vmem_shared>>
      %dma_wait3A_541 = arith.constant 0 : i32
      %dma_wait3A_542 = tpu.memref_slice %arg5[%mul3A_10, %dma_wait3A_541] : memref<10240x64xf32, #tpu.memory_space<hbm>> -> memref<640x64xf32, #tpu.memory_space<hbm>>
      tpu.wait_dma2 semaphore(%run_scoped3A : memref<!tpu.dma_semaphore, #tpu.memory_space<semaphore_mem>>) src(%dma_wait3A_542 : memref<640x64xf32, #tpu.memory_space<hbm>>) dst(%dma_wait3A_540 : memref<640x64xf32, #tpu.memory_space<vmem_shared>>)
      tpu.yield
    }) : () -> ()
    %barrier3A = arith.constant 0 : index
    tpu.barrier barrier_id(%barrier3A)
    %sub3A = arith.constant 1 : i32
    %sub3A_137 = arith.subi %select_n3A, %sub3A : i32
    %while3A = arith.constant 0 : i32
    %while3A_138 = arith.constant 0 : i32
    %while3A_139 = arith.subi %sub3A_137, %while3A_138 : i32
    %while3A_140 = arith.addi %while3A_138, %while3A_139 : i32
    %while3A_141 = arith.constant 1 : i32
    %while3A_142 = arith.divsi %while3A_139, %while3A_141 : i32
    %while3A_143 = arith.muli %while3A_142, %while3A_141 : i32
    %while3A_144 = arith.addi %while3A_138, %while3A_143 : i32
    %while3A_145 = arith.constant 1 : i32
    scf.for %while3A_535 = %while3A_138 to %while3A_144 step %while3A_145  : i32 {
      %mul3A_536 = arith.constant 8 : i32
      %mul3A_537 = arith.muli %while3A_535, %mul3A_536 : i32
      %add3A_538 = arith.constant 0 : i32
      %add3A_539 = arith.addi %mul3A_537, %add3A_538 : i32
      %dma_wait3A_540 = arith.constant 0 : i32
      %dma_wait3A_541 = arith.constant 0 : i32
      %dma_wait3A_542 = arith.constant 0 : i32
      %dma_wait3A_543 = arith.constant 0 : i32
      %dma_wait3A_544 = tpu.memref_slice %arg9[%dma_wait3A_540, %dma_wait3A_542, %dma_wait3A_543] : memref<8x64x64xf32, #tpu.memory_space<vmem>> -> memref<1x64x64xf32, #tpu.memory_space<vmem>>
      %dma_wait3A_545 = tpu.memref_squeeze %dma_wait3A_544 : memref<1x64x64xf32, #tpu.memory_space<vmem>> -> memref<64x64xf32, #tpu.memory_space<vmem>>
      %dma_wait3A_546 = arith.constant 0 : i32
      %dma_wait3A_547 = tpu.memref_slice %arg7[%add3A_539, %dma_wait3A_546] : memref<304x64xi32, #tpu.memory_space<vmem>> -> memref<1x64xi32, #tpu.memory_space<vmem>>
      %dma_wait3A_548 = tpu.memref_squeeze %dma_wait3A_547 : memref<1x64xi32, #tpu.memory_space<vmem>> -> memref<64xi32, #tpu.memory_space<vmem>>
      %dma_wait3A_549 = arith.constant 0 : i32
      %dma_wait3A_550 = arith.constant 0 : i32
      %dma_wait3A_551 = tpu.memref_slice %arg2[%dma_wait3A_549, %dma_wait3A_550] : memref<10240x64xf32, #tpu.memory_space<hbm>> -> memref<10240x64xf32, #tpu.memory_space<hbm>>
      %dma_wait3A_552 = tpu.memref_slice %arg11[%dma_wait3A_541] : memref<8x!tpu.dma_semaphore, #tpu.memory_space<semaphore_mem>> -> memref<1x!tpu.dma_semaphore, #tpu.memory_space<semaphore_mem>>
      %dma_wait3A_553 = tpu.memref_squeeze %dma_wait3A_552 : memref<1x!tpu.dma_semaphore, #tpu.memory_space<semaphore_mem>> -> memref<!tpu.dma_semaphore, #tpu.memory_space<semaphore_mem>>
      tpu.wait_indirect_dma semaphore(%dma_wait3A_553 : memref<!tpu.dma_semaphore, #tpu.memory_space<semaphore_mem>>) src(%dma_wait3A_551 : memref<10240x64xf32, #tpu.memory_space<hbm>>) dst(%dma_wait3A_545 : memref<64x64xf32, #tpu.memory_space<vmem>>)
      %add3A_554 = arith.constant 0 : i32
      %add3A_555 = arith.addi %mul3A_537, %add3A_554 : i32
      %dma_start3A_556 = arith.constant 0 : i32
      %dma_start3A_557 = arith.constant 0 : i32
      %dma_start3A_558 = arith.constant 0 : i32
      %dma_start3A_559 = arith.constant 0 : i32
      %dma_start3A_560 = tpu.memref_slice %arg9[%dma_start3A_556, %dma_start3A_558, %dma_start3A_559] : memref<8x64x64xf32, #tpu.memory_space<vmem>> -> memref<1x64x64xf32, #tpu.memory_space<vmem>>
      %dma_start3A_561 = tpu.memref_squeeze %dma_start3A_560 : memref<1x64x64xf32, #tpu.memory_space<vmem>> -> memref<64x64xf32, #tpu.memory_space<vmem>>
      %dma_start3A_562 = arith.constant 0 : i32
      %dma_start3A_563 = tpu.memref_slice %arg8[%add3A_555, %dma_start3A_562] : memref<304x64xi32, #tpu.memory_space<vmem>> -> memref<1x64xi32, #tpu.memory_space<vmem>>
      %dma_start3A_564 = tpu.memref_squeeze %dma_start3A_563 : memref<1x64xi32, #tpu.memory_space<vmem>> -> memref<64xi32, #tpu.memory_space<vmem>>
      %dma_start3A_565 = arith.constant 0 : i32
      %dma_start3A_566 = arith.constant 0 : i32
      %dma_start3A_567 = tpu.memref_slice %arg10[%dma_start3A_565, %dma_start3A_566] : memref<10240x64xf32, #tpu.memory_space<vmem_shared>> -> memref<10240x64xf32, #tpu.memory_space<vmem_shared>>
      %dma_start3A_568 = tpu.memref_slice %arg12[%dma_start3A_557] : memref<8x!tpu.dma_semaphore, #tpu.memory_space<semaphore_mem>> -> memref<1x!tpu.dma_semaphore, #tpu.memory_space<semaphore_mem>>
      %dma_start3A_569 = tpu.memref_squeeze %dma_start3A_568 : memref<1x!tpu.dma_semaphore, #tpu.memory_space<semaphore_mem>> -> memref<!tpu.dma_semaphore, #tpu.memory_space<semaphore_mem>>
      tpu.enqueue_indirect_dma source(%dma_start3A_561 : memref<64x64xf32, #tpu.memory_space<vmem>>) target(%dma_start3A_567 : memref<10240x64xf32, #tpu.memory_space<vmem_shared>>) offsets(%dma_start3A_564 : memref<64xi32, #tpu.memory_space<vmem>>) semaphore(%dma_start3A_569 : memref<!tpu.dma_semaphore, #tpu.memory_space<semaphore_mem>>) {add = true}
      %add3A_570 = arith.constant 1 : i32
      %add3A_571 = arith.addi %mul3A_537, %add3A_570 : i32
      %dma_wait3A_572 = arith.constant 1 : i32
      %dma_wait3A_573 = arith.constant 1 : i32
      %dma_wait3A_574 = arith.constant 0 : i32
      %dma_wait3A_575 = arith.constant 0 : i32
      %dma_wait3A_576 = tpu.memref_slice %arg9[%dma_wait3A_572, %dma_wait3A_574, %dma_wait3A_575] : memref<8x64x64xf32, #tpu.memory_space<vmem>> -> memref<1x64x64xf32, #tpu.memory_space<vmem>>
      %dma_wait3A_577 = tpu.memref_squeeze %dma_wait3A_576 : memref<1x64x64xf32, #tpu.memory_space<vmem>> -> memref<64x64xf32, #tpu.memory_space<vmem>>
      %dma_wait3A_578 = arith.constant 0 : i32
      %dma_wait3A_579 = tpu.memref_slice %arg7[%add3A_571, %dma_wait3A_578] : memref<304x64xi32, #tpu.memory_space<vmem>> -> memref<1x64xi32, #tpu.memory_space<vmem>>
      %dma_wait3A_580 = tpu.memref_squeeze %dma_wait3A_579 : memref<1x64xi32, #tpu.memory_space<vmem>> -> memref<64xi32, #tpu.memory_space<vmem>>
      %dma_wait3A_581 = arith.constant 0 : i32
      %dma_wait3A_582 = arith.constant 0 : i32
      %dma_wait3A_583 = tpu.memref_slice %arg2[%dma_wait3A_581, %dma_wait3A_582] : memref<10240x64xf32, #tpu.memory_space<hbm>> -> memref<10240x64xf32, #tpu.memory_space<hbm>>
      %dma_wait3A_584 = tpu.memref_slice %arg11[%dma_wait3A_573] : memref<8x!tpu.dma_semaphore, #tpu.memory_space<semaphore_mem>> -> memref<1x!tpu.dma_semaphore, #tpu.memory_space<semaphore_mem>>
      %dma_wait3A_585 = tpu.memref_squeeze %dma_wait3A_584 : memref<1x!tpu.dma_semaphore, #tpu.memory_space<semaphore_mem>> -> memref<!tpu.dma_semaphore, #tpu.memory_space<semaphore_mem>>
      tpu.wait_indirect_dma semaphore(%dma_wait3A_585 : memref<!tpu.dma_semaphore, #tpu.memory_space<semaphore_mem>>) src(%dma_wait3A_583 : memref<10240x64xf32, #tpu.memory_space<hbm>>) dst(%dma_wait3A_577 : memref<64x64xf32, #tpu.memory_space<vmem>>)
      %add3A_586 = arith.constant 1 : i32
      %add3A_587 = arith.addi %mul3A_537, %add3A_586 : i32
      %dma_start3A_588 = arith.constant 1 : i32
      %dma_start3A_589 = arith.constant 1 : i32
      %dma_start3A_590 = arith.constant 0 : i32
      %dma_start3A_591 = arith.constant 0 : i32
      %dma_start3A_592 = tpu.memref_slice %arg9[%dma_start3A_588, %dma_start3A_590, %dma_start3A_591] : memref<8x64x64xf32, #tpu.memory_space<vmem>> -> memref<1x64x64xf32, #tpu.memory_space<vmem>>
      %dma_start3A_593 = tpu.memref_squeeze %dma_start3A_592 : memref<1x64x64xf32, #tpu.memory_space<vmem>> -> memref<64x64xf32, #tpu.memory_space<vmem>>
      %dma_start3A_594 = arith.constant 0 : i32
      %dma_start3A_595 = tpu.memref_slice %arg8[%add3A_587, %dma_start3A_594] : memref<304x64xi32, #tpu.memory_space<vmem>> -> memref<1x64xi32, #tpu.memory_space<vmem>>
      %dma_start3A_596 = tpu.memref_squeeze %dma_start3A_595 : memref<1x64xi32, #tpu.memory_space<vmem>> -> memref<64xi32, #tpu.memory_space<vmem>>
      %dma_start3A_597 = arith.constant 0 : i32
      %dma_start3A_598 = arith.constant 0 : i32
      %dma_start3A_599 = tpu.memref_slice %arg10[%dma_start3A_597, %dma_start3A_598] : memref<10240x64xf32, #tpu.memory_space<vmem_shared>> -> memref<10240x64xf32, #tpu.memory_space<vmem_shared>>
      %dma_start3A_600 = tpu.memref_slice %arg12[%dma_start3A_589] : memref<8x!tpu.dma_semaphore, #tpu.memory_space<semaphore_mem>> -> memref<1x!tpu.dma_semaphore, #tpu.memory_space<semaphore_mem>>
      %dma_start3A_601 = tpu.memref_squeeze %dma_start3A_600 : memref<1x!tpu.dma_semaphore, #tpu.memory_space<semaphore_mem>> -> memref<!tpu.dma_semaphore, #tpu.memory_space<semaphore_mem>>
      tpu.enqueue_indirect_dma source(%dma_start3A_593 : memref<64x64xf32, #tpu.memory_space<vmem>>) target(%dma_start3A_599 : memref<10240x64xf32, #tpu.memory_space<vmem_shared>>) offsets(%dma_start3A_596 : memref<64xi32, #tpu.memory_space<vmem>>) semaphore(%dma_start3A_601 : memref<!tpu.dma_semaphore, #tpu.memory_space<semaphore_mem>>) {add = true}
      %add3A_602 = arith.constant 2 : i32
      %add3A_603 = arith.addi %mul3A_537, %add3A_602 : i32
      %dma_wait3A_604 = arith.constant 2 : i32
      %dma_wait3A_605 = arith.constant 2 : i32
      %dma_wait3A_606 = arith.constant 0 : i32
      %dma_wait3A_607 = arith.constant 0 : i32
      %dma_wait3A_608 = tpu.memref_slice %arg9[%dma_wait3A_604, %dma_wait3A_606, %dma_wait3A_607] : memref<8x64x64xf32, #tpu.memory_space<vmem>> -> memref<1x64x64xf32, #tpu.memory_space<vmem>>
      %dma_wait3A_609 = tpu.memref_squeeze %dma_wait3A_608 : memref<1x64x64xf32, #tpu.memory_space<vmem>> -> memref<64x64xf32, #tpu.memory_space<vmem>>
      %dma_wait3A_610 = arith.constant 0 : i32
      %dma_wait3A_611 = tpu.memref_slice %arg7[%add3A_603, %dma_wait3A_610] : memref<304x64xi32, #tpu.memory_space<vmem>> -> memref<1x64xi32, #tpu.memory_space<vmem>>
      %dma_wait3A_612 = tpu.memref_squeeze %dma_wait3A_611 : memref<1x64xi32, #tpu.memory_space<vmem>> -> memref<64xi32, #tpu.memory_space<vmem>>
      %dma_wait3A_613 = arith.constant 0 : i32
      %dma_wait3A_614 = arith.constant 0 : i32
      %dma_wait3A_615 = tpu.memref_slice %arg2[%dma_wait3A_613, %dma_wait3A_614] : memref<10240x64xf32, #tpu.memory_space<hbm>> -> memref<10240x64xf32, #tpu.memory_space<hbm>>
      %dma_wait3A_616 = tpu.memref_slice %arg11[%dma_wait3A_605] : memref<8x!tpu.dma_semaphore, #tpu.memory_space<semaphore_mem>> -> memref<1x!tpu.dma_semaphore, #tpu.memory_space<semaphore_mem>>
      %dma_wait3A_617 = tpu.memref_squeeze %dma_wait3A_616 : memref<1x!tpu.dma_semaphore, #tpu.memory_space<semaphore_mem>> -> memref<!tpu.dma_semaphore, #tpu.memory_space<semaphore_mem>>
      tpu.wait_indirect_dma semaphore(%dma_wait3A_617 : memref<!tpu.dma_semaphore, #tpu.memory_space<semaphore_mem>>) src(%dma_wait3A_615 : memref<10240x64xf32, #tpu.memory_space<hbm>>) dst(%dma_wait3A_609 : memref<64x64xf32, #tpu.memory_space<vmem>>)
      %add3A_618 = arith.constant 2 : i32
      %add3A_619 = arith.addi %mul3A_537, %add3A_618 : i32
      %dma_start3A_620 = arith.constant 2 : i32
      %dma_start3A_621 = arith.constant 2 : i32
      %dma_start3A_622 = arith.constant 0 : i32
      %dma_start3A_623 = arith.constant 0 : i32
      %dma_start3A_624 = tpu.memref_slice %arg9[%dma_start3A_620, %dma_start3A_622, %dma_start3A_623] : memref<8x64x64xf32, #tpu.memory_space<vmem>> -> memref<1x64x64xf32, #tpu.memory_space<vmem>>
      %dma_start3A_625 = tpu.memref_squeeze %dma_start3A_624 : memref<1x64x64xf32, #tpu.memory_space<vmem>> -> memref<64x64xf32, #tpu.memory_space<vmem>>
      %dma_start3A_626 = arith.constant 0 : i32
      %dma_start3A_627 = tpu.memref_slice %arg8[%add3A_619, %dma_start3A_626] : memref<304x64xi32, #tpu.memory_space<vmem>> -> memref<1x64xi32, #tpu.memory_space<vmem>>
      %dma_start3A_628 = tpu.memref_squeeze %dma_start3A_627 : memref<1x64xi32, #tpu.memory_space<vmem>> -> memref<64xi32, #tpu.memory_space<vmem>>
      %dma_start3A_629 = arith.constant 0 : i32
      %dma_start3A_630 = arith.constant 0 : i32
      %dma_start3A_631 = tpu.memref_slice %arg10[%dma_start3A_629, %dma_start3A_630] : memref<10240x64xf32, #tpu.memory_space<vmem_shared>> -> memref<10240x64xf32, #tpu.memory_space<vmem_shared>>
      %dma_start3A_632 = tpu.memref_slice %arg12[%dma_start3A_621] : memref<8x!tpu.dma_semaphore, #tpu.memory_space<semaphore_mem>> -> memref<1x!tpu.dma_semaphore, #tpu.memory_space<semaphore_mem>>
      %dma_start3A_633 = tpu.memref_squeeze %dma_start3A_632 : memref<1x!tpu.dma_semaphore, #tpu.memory_space<semaphore_mem>> -> memref<!tpu.dma_semaphore, #tpu.memory_space<semaphore_mem>>
      tpu.enqueue_indirect_dma source(%dma_start3A_625 : memref<64x64xf32, #tpu.memory_space<vmem>>) target(%dma_start3A_631 : memref<10240x64xf32, #tpu.memory_space<vmem_shared>>) offsets(%dma_start3A_628 : memref<64xi32, #tpu.memory_space<vmem>>) semaphore(%dma_start3A_633 : memref<!tpu.dma_semaphore, #tpu.memory_space<semaphore_mem>>) {add = true}
      %add3A_634 = arith.constant 3 : i32
      %add3A_635 = arith.addi %mul3A_537, %add3A_634 : i32
      %dma_wait3A_636 = arith.constant 3 : i32
      %dma_wait3A_637 = arith.constant 3 : i32
      %dma_wait3A_638 = arith.constant 0 : i32
      %dma_wait3A_639 = arith.constant 0 : i32
      %dma_wait3A_640 = tpu.memref_slice %arg9[%dma_wait3A_636, %dma_wait3A_638, %dma_wait3A_639] : memref<8x64x64xf32, #tpu.memory_space<vmem>> -> memref<1x64x64xf32, #tpu.memory_space<vmem>>
      %dma_wait3A_641 = tpu.memref_squeeze %dma_wait3A_640 : memref<1x64x64xf32, #tpu.memory_space<vmem>> -> memref<64x64xf32, #tpu.memory_space<vmem>>
      %dma_wait3A_642 = arith.constant 0 : i32
      %dma_wait3A_643 = tpu.memref_slice %arg7[%add3A_635, %dma_wait3A_642] : memref<304x64xi32, #tpu.memory_space<vmem>> -> memref<1x64xi32, #tpu.memory_space<vmem>>
      %dma_wait3A_644 = tpu.memref_squeeze %dma_wait3A_643 : memref<1x64xi32, #tpu.memory_space<vmem>> -> memref<64xi32, #tpu.memory_space<vmem>>
      %dma_wait3A_645 = arith.constant 0 : i32
      %dma_wait3A_646 = arith.constant 0 : i32
      %dma_wait3A_647 = tpu.memref_slice %arg2[%dma_wait3A_645, %dma_wait3A_646] : memref<10240x64xf32, #tpu.memory_space<hbm>> -> memref<10240x64xf32, #tpu.memory_space<hbm>>
      %dma_wait3A_648 = tpu.memref_slice %arg11[%dma_wait3A_637] : memref<8x!tpu.dma_semaphore, #tpu.memory_space<semaphore_mem>> -> memref<1x!tpu.dma_semaphore, #tpu.memory_space<semaphore_mem>>
      %dma_wait3A_649 = tpu.memref_squeeze %dma_wait3A_648 : memref<1x!tpu.dma_semaphore, #tpu.memory_space<semaphore_mem>> -> memref<!tpu.dma_semaphore, #tpu.memory_space<semaphore_mem>>
      tpu.wait_indirect_dma semaphore(%dma_wait3A_649 : memref<!tpu.dma_semaphore, #tpu.memory_space<semaphore_mem>>) src(%dma_wait3A_647 : memref<10240x64xf32, #tpu.memory_space<hbm>>) dst(%dma_wait3A_641 : memref<64x64xf32, #tpu.memory_space<vmem>>)
      %add3A_650 = arith.constant 3 : i32
      %add3A_651 = arith.addi %mul3A_537, %add3A_650 : i32
      %dma_start3A_652 = arith.constant 3 : i32
      %dma_start3A_653 = arith.constant 3 : i32
      %dma_start3A_654 = arith.constant 0 : i32
      %dma_start3A_655 = arith.constant 0 : i32
      %dma_start3A_656 = tpu.memref_slice %arg9[%dma_start3A_652, %dma_start3A_654, %dma_start3A_655] : memref<8x64x64xf32, #tpu.memory_space<vmem>> -> memref<1x64x64xf32, #tpu.memory_space<vmem>>
      %dma_start3A_657 = tpu.memref_squeeze %dma_start3A_656 : memref<1x64x64xf32, #tpu.memory_space<vmem>> -> memref<64x64xf32, #tpu.memory_space<vmem>>
      %dma_start3A_658 = arith.constant 0 : i32
      %dma_start3A_659 = tpu.memref_slice %arg8[%add3A_651, %dma_start3A_658] : memref<304x64xi32, #tpu.memory_space<vmem>> -> memref<1x64xi32, #tpu.memory_space<vmem>>
      %dma_start3A_660 = tpu.memref_squeeze %dma_start3A_659 : memref<1x64xi32, #tpu.memory_space<vmem>> -> memref<64xi32, #tpu.memory_space<vmem>>
      %dma_start3A_661 = arith.constant 0 : i32
      %dma_start3A_662 = arith.constant 0 : i32
      %dma_start3A_663 = tpu.memref_slice %arg10[%dma_start3A_661, %dma_start3A_662] : memref<10240x64xf32, #tpu.memory_space<vmem_shared>> -> memref<10240x64xf32, #tpu.memory_space<vmem_shared>>
      %dma_start3A_664 = tpu.memref_slice %arg12[%dma_start3A_653] : memref<8x!tpu.dma_semaphore, #tpu.memory_space<semaphore_mem>> -> memref<1x!tpu.dma_semaphore, #tpu.memory_space<semaphore_mem>>
      %dma_start3A_665 = tpu.memref_squeeze %dma_start3A_664 : memref<1x!tpu.dma_semaphore, #tpu.memory_space<semaphore_mem>> -> memref<!tpu.dma_semaphore, #tpu.memory_space<semaphore_mem>>
      tpu.enqueue_indirect_dma source(%dma_start3A_657 : memref<64x64xf32, #tpu.memory_space<vmem>>) target(%dma_start3A_663 : memref<10240x64xf32, #tpu.memory_space<vmem_shared>>) offsets(%dma_start3A_660 : memref<64xi32, #tpu.memory_space<vmem>>) semaphore(%dma_start3A_665 : memref<!tpu.dma_semaphore, #tpu.memory_space<semaphore_mem>>) {add = true}
      %add3A_666 = arith.constant 4 : i32
      %add3A_667 = arith.addi %mul3A_537, %add3A_666 : i32
      %dma_wait3A_668 = arith.constant 4 : i32
      %dma_wait3A_669 = arith.constant 4 : i32
      %dma_wait3A_670 = arith.constant 0 : i32
      %dma_wait3A_671 = arith.constant 0 : i32
      %dma_wait3A_672 = tpu.memref_slice %arg9[%dma_wait3A_668, %dma_wait3A_670, %dma_wait3A_671] : memref<8x64x64xf32, #tpu.memory_space<vmem>> -> memref<1x64x64xf32, #tpu.memory_space<vmem>>
      %dma_wait3A_673 = tpu.memref_squeeze %dma_wait3A_672 : memref<1x64x64xf32, #tpu.memory_space<vmem>> -> memref<64x64xf32, #tpu.memory_space<vmem>>
      %dma_wait3A_674 = arith.constant 0 : i32
      %dma_wait3A_675 = tpu.memref_slice %arg7[%add3A_667, %dma_wait3A_674] : memref<304x64xi32, #tpu.memory_space<vmem>> -> memref<1x64xi32, #tpu.memory_space<vmem>>
      %dma_wait3A_676 = tpu.memref_squeeze %dma_wait3A_675 : memref<1x64xi32, #tpu.memory_space<vmem>> -> memref<64xi32, #tpu.memory_space<vmem>>
      %dma_wait3A_677 = arith.constant 0 : i32
      %dma_wait3A_678 = arith.constant 0 : i32
      %dma_wait3A_679 = tpu.memref_slice %arg2[%dma_wait3A_677, %dma_wait3A_678] : memref<10240x64xf32, #tpu.memory_space<hbm>> -> memref<10240x64xf32, #tpu.memory_space<hbm>>
      %dma_wait3A_680 = tpu.memref_slice %arg11[%dma_wait3A_669] : memref<8x!tpu.dma_semaphore, #tpu.memory_space<semaphore_mem>> -> memref<1x!tpu.dma_semaphore, #tpu.memory_space<semaphore_mem>>
      %dma_wait3A_681 = tpu.memref_squeeze %dma_wait3A_680 : memref<1x!tpu.dma_semaphore, #tpu.memory_space<semaphore_mem>> -> memref<!tpu.dma_semaphore, #tpu.memory_space<semaphore_mem>>
      tpu.wait_indirect_dma semaphore(%dma_wait3A_681 : memref<!tpu.dma_semaphore, #tpu.memory_space<semaphore_mem>>) src(%dma_wait3A_679 : memref<10240x64xf32, #tpu.memory_space<hbm>>) dst(%dma_wait3A_673 : memref<64x64xf32, #tpu.memory_space<vmem>>)
      %add3A_682 = arith.constant 4 : i32
      %add3A_683 = arith.addi %mul3A_537, %add3A_682 : i32
      %dma_start3A_684 = arith.constant 4 : i32
      %dma_start3A_685 = arith.constant 4 : i32
      %dma_start3A_686 = arith.constant 0 : i32
      %dma_start3A_687 = arith.constant 0 : i32
      %dma_start3A_688 = tpu.memref_slice %arg9[%dma_start3A_684, %dma_start3A_686, %dma_start3A_687] : memref<8x64x64xf32, #tpu.memory_space<vmem>> -> memref<1x64x64xf32, #tpu.memory_space<vmem>>
      %dma_start3A_689 = tpu.memref_squeeze %dma_start3A_688 : memref<1x64x64xf32, #tpu.memory_space<vmem>> -> memref<64x64xf32, #tpu.memory_space<vmem>>
      %dma_start3A_690 = arith.constant 0 : i32
      %dma_start3A_691 = tpu.memref_slice %arg8[%add3A_683, %dma_start3A_690] : memref<304x64xi32, #tpu.memory_space<vmem>> -> memref<1x64xi32, #tpu.memory_space<vmem>>
      %dma_start3A_692 = tpu.memref_squeeze %dma_start3A_691 : memref<1x64xi32, #tpu.memory_space<vmem>> -> memref<64xi32, #tpu.memory_space<vmem>>
      %dma_start3A_693 = arith.constant 0 : i32
      %dma_start3A_694 = arith.constant 0 : i32
      %dma_start3A_695 = tpu.memref_slice %arg10[%dma_start3A_693, %dma_start3A_694] : memref<10240x64xf32, #tpu.memory_space<vmem_shared>> -> memref<10240x64xf32, #tpu.memory_space<vmem_shared>>
      %dma_start3A_696 = tpu.memref_slice %arg12[%dma_start3A_685] : memref<8x!tpu.dma_semaphore, #tpu.memory_space<semaphore_mem>> -> memref<1x!tpu.dma_semaphore, #tpu.memory_space<semaphore_mem>>
      %dma_start3A_697 = tpu.memref_squeeze %dma_start3A_696 : memref<1x!tpu.dma_semaphore, #tpu.memory_space<semaphore_mem>> -> memref<!tpu.dma_semaphore, #tpu.memory_space<semaphore_mem>>
      tpu.enqueue_indirect_dma source(%dma_start3A_689 : memref<64x64xf32, #tpu.memory_space<vmem>>) target(%dma_start3A_695 : memref<10240x64xf32, #tpu.memory_space<vmem_shared>>) offsets(%dma_start3A_692 : memref<64xi32, #tpu.memory_space<vmem>>) semaphore(%dma_start3A_697 : memref<!tpu.dma_semaphore, #tpu.memory_space<semaphore_mem>>) {add = true}
      %add3A_698 = arith.constant 5 : i32
      %add3A_699 = arith.addi %mul3A_537, %add3A_698 : i32
      %dma_wait3A_700 = arith.constant 5 : i32
      %dma_wait3A_701 = arith.constant 5 : i32
      %dma_wait3A_702 = arith.constant 0 : i32
      %dma_wait3A_703 = arith.constant 0 : i32
      %dma_wait3A_704 = tpu.memref_slice %arg9[%dma_wait3A_700, %dma_wait3A_702, %dma_wait3A_703] : memref<8x64x64xf32, #tpu.memory_space<vmem>> -> memref<1x64x64xf32, #tpu.memory_space<vmem>>
      %dma_wait3A_705 = tpu.memref_squeeze %dma_wait3A_704 : memref<1x64x64xf32, #tpu.memory_space<vmem>> -> memref<64x64xf32, #tpu.memory_space<vmem>>
      %dma_wait3A_706 = arith.constant 0 : i32
      %dma_wait3A_707 = tpu.memref_slice %arg7[%add3A_699, %dma_wait3A_706] : memref<304x64xi32, #tpu.memory_space<vmem>> -> memref<1x64xi32, #tpu.memory_space<vmem>>
      %dma_wait3A_708 = tpu.memref_squeeze %dma_wait3A_707 : memref<1x64xi32, #tpu.memory_space<vmem>> -> memref<64xi32, #tpu.memory_space<vmem>>
      %dma_wait3A_709 = arith.constant 0 : i32
      %dma_wait3A_710 = arith.constant 0 : i32
      %dma_wait3A_711 = tpu.memref_slice %arg2[%dma_wait3A_709, %dma_wait3A_710] : memref<10240x64xf32, #tpu.memory_space<hbm>> -> memref<10240x64xf32, #tpu.memory_space<hbm>>
      %dma_wait3A_712 = tpu.memref_slice %arg11[%dma_wait3A_701] : memref<8x!tpu.dma_semaphore, #tpu.memory_space<semaphore_mem>> -> memref<1x!tpu.dma_semaphore, #tpu.memory_space<semaphore_mem>>
      %dma_wait3A_713 = tpu.memref_squeeze %dma_wait3A_712 : memref<1x!tpu.dma_semaphore, #tpu.memory_space<semaphore_mem>> -> memref<!tpu.dma_semaphore, #tpu.memory_space<semaphore_mem>>
      tpu.wait_indirect_dma semaphore(%dma_wait3A_713 : memref<!tpu.dma_semaphore, #tpu.memory_space<semaphore_mem>>) src(%dma_wait3A_711 : memref<10240x64xf32, #tpu.memory_space<hbm>>) dst(%dma_wait3A_705 : memref<64x64xf32, #tpu.memory_space<vmem>>)
      %add3A_714 = arith.constant 5 : i32
      %add3A_715 = arith.addi %mul3A_537, %add3A_714 : i32
      %dma_start3A_716 = arith.constant 5 : i32
      %dma_start3A_717 = arith.constant 5 : i32
      %dma_start3A_718 = arith.constant 0 : i32
      %dma_start3A_719 = arith.constant 0 : i32
      %dma_start3A_720 = tpu.memref_slice %arg9[%dma_start3A_716, %dma_start3A_718, %dma_start3A_719] : memref<8x64x64xf32, #tpu.memory_space<vmem>> -> memref<1x64x64xf32, #tpu.memory_space<vmem>>
      %dma_start3A_721 = tpu.memref_squeeze %dma_start3A_720 : memref<1x64x64xf32, #tpu.memory_space<vmem>> -> memref<64x64xf32, #tpu.memory_space<vmem>>
      %dma_start3A_722 = arith.constant 0 : i32
      %dma_start3A_723 = tpu.memref_slice %arg8[%add3A_715, %dma_start3A_722] : memref<304x64xi32, #tpu.memory_space<vmem>> -> memref<1x64xi32, #tpu.memory_space<vmem>>
      %dma_start3A_724 = tpu.memref_squeeze %dma_start3A_723 : memref<1x64xi32, #tpu.memory_space<vmem>> -> memref<64xi32, #tpu.memory_space<vmem>>
      %dma_start3A_725 = arith.constant 0 : i32
      %dma_start3A_726 = arith.constant 0 : i32
      %dma_start3A_727 = tpu.memref_slice %arg10[%dma_start3A_725, %dma_start3A_726] : memref<10240x64xf32, #tpu.memory_space<vmem_shared>> -> memref<10240x64xf32, #tpu.memory_space<vmem_shared>>
      %dma_start3A_728 = tpu.memref_slice %arg12[%dma_start3A_717] : memref<8x!tpu.dma_semaphore, #tpu.memory_space<semaphore_mem>> -> memref<1x!tpu.dma_semaphore, #tpu.memory_space<semaphore_mem>>
      %dma_start3A_729 = tpu.memref_squeeze %dma_start3A_728 : memref<1x!tpu.dma_semaphore, #tpu.memory_space<semaphore_mem>> -> memref<!tpu.dma_semaphore, #tpu.memory_space<semaphore_mem>>
      tpu.enqueue_indirect_dma source(%dma_start3A_721 : memref<64x64xf32, #tpu.memory_space<vmem>>) target(%dma_start3A_727 : memref<10240x64xf32, #tpu.memory_space<vmem_shared>>) offsets(%dma_start3A_724 : memref<64xi32, #tpu.memory_space<vmem>>) semaphore(%dma_start3A_729 : memref<!tpu.dma_semaphore, #tpu.memory_space<semaphore_mem>>) {add = true}
      %add3A_730 = arith.constant 6 : i32
      %add3A_731 = arith.addi %mul3A_537, %add3A_730 : i32
      %dma_wait3A_732 = arith.constant 6 : i32
      %dma_wait3A_733 = arith.constant 6 : i32
      %dma_wait3A_734 = arith.constant 0 : i32
      %dma_wait3A_735 = arith.constant 0 : i32
      %dma_wait3A_736 = tpu.memref_slice %arg9[%dma_wait3A_732, %dma_wait3A_734, %dma_wait3A_735] : memref<8x64x64xf32, #tpu.memory_space<vmem>> -> memref<1x64x64xf32, #tpu.memory_space<vmem>>
      %dma_wait3A_737 = tpu.memref_squeeze %dma_wait3A_736 : memref<1x64x64xf32, #tpu.memory_space<vmem>> -> memref<64x64xf32, #tpu.memory_space<vmem>>
      %dma_wait3A_738 = arith.constant 0 : i32
      %dma_wait3A_739 = tpu.memref_slice %arg7[%add3A_731, %dma_wait3A_738] : memref<304x64xi32, #tpu.memory_space<vmem>> -> memref<1x64xi32, #tpu.memory_space<vmem>>
      %dma_wait3A_740 = tpu.memref_squeeze %dma_wait3A_739 : memref<1x64xi32, #tpu.memory_space<vmem>> -> memref<64xi32, #tpu.memory_space<vmem>>
      %dma_wait3A_741 = arith.constant 0 : i32
      %dma_wait3A_742 = arith.constant 0 : i32
      %dma_wait3A_743 = tpu.memref_slice %arg2[%dma_wait3A_741, %dma_wait3A_742] : memref<10240x64xf32, #tpu.memory_space<hbm>> -> memref<10240x64xf32, #tpu.memory_space<hbm>>
      %dma_wait3A_744 = tpu.memref_slice %arg11[%dma_wait3A_733] : memref<8x!tpu.dma_semaphore, #tpu.memory_space<semaphore_mem>> -> memref<1x!tpu.dma_semaphore, #tpu.memory_space<semaphore_mem>>
      %dma_wait3A_745 = tpu.memref_squeeze %dma_wait3A_744 : memref<1x!tpu.dma_semaphore, #tpu.memory_space<semaphore_mem>> -> memref<!tpu.dma_semaphore, #tpu.memory_space<semaphore_mem>>
      tpu.wait_indirect_dma semaphore(%dma_wait3A_745 : memref<!tpu.dma_semaphore, #tpu.memory_space<semaphore_mem>>) src(%dma_wait3A_743 : memref<10240x64xf32, #tpu.memory_space<hbm>>) dst(%dma_wait3A_737 : memref<64x64xf32, #tpu.memory_space<vmem>>)
      %add3A_746 = arith.constant 6 : i32
      %add3A_747 = arith.addi %mul3A_537, %add3A_746 : i32
      %dma_start3A_748 = arith.constant 6 : i32
      %dma_start3A_749 = arith.constant 6 : i32
      %dma_start3A_750 = arith.constant 0 : i32
      %dma_start3A_751 = arith.constant 0 : i32
      %dma_start3A_752 = tpu.memref_slice %arg9[%dma_start3A_748, %dma_start3A_750, %dma_start3A_751] : memref<8x64x64xf32, #tpu.memory_space<vmem>> -> memref<1x64x64xf32, #tpu.memory_space<vmem>>
      %dma_start3A_753 = tpu.memref_squeeze %dma_start3A_752 : memref<1x64x64xf32, #tpu.memory_space<vmem>> -> memref<64x64xf32, #tpu.memory_space<vmem>>
      %dma_start3A_754 = arith.constant 0 : i32
      %dma_start3A_755 = tpu.memref_slice %arg8[%add3A_747, %dma_start3A_754] : memref<304x64xi32, #tpu.memory_space<vmem>> -> memref<1x64xi32, #tpu.memory_space<vmem>>
      %dma_start3A_756 = tpu.memref_squeeze %dma_start3A_755 : memref<1x64xi32, #tpu.memory_space<vmem>> -> memref<64xi32, #tpu.memory_space<vmem>>
      %dma_start3A_757 = arith.constant 0 : i32
      %dma_start3A_758 = arith.constant 0 : i32
      %dma_start3A_759 = tpu.memref_slice %arg10[%dma_start3A_757, %dma_start3A_758] : memref<10240x64xf32, #tpu.memory_space<vmem_shared>> -> memref<10240x64xf32, #tpu.memory_space<vmem_shared>>
      %dma_start3A_760 = tpu.memref_slice %arg12[%dma_start3A_749] : memref<8x!tpu.dma_semaphore, #tpu.memory_space<semaphore_mem>> -> memref<1x!tpu.dma_semaphore, #tpu.memory_space<semaphore_mem>>
      %dma_start3A_761 = tpu.memref_squeeze %dma_start3A_760 : memref<1x!tpu.dma_semaphore, #tpu.memory_space<semaphore_mem>> -> memref<!tpu.dma_semaphore, #tpu.memory_space<semaphore_mem>>
      tpu.enqueue_indirect_dma source(%dma_start3A_753 : memref<64x64xf32, #tpu.memory_space<vmem>>) target(%dma_start3A_759 : memref<10240x64xf32, #tpu.memory_space<vmem_shared>>) offsets(%dma_start3A_756 : memref<64xi32, #tpu.memory_space<vmem>>) semaphore(%dma_start3A_761 : memref<!tpu.dma_semaphore, #tpu.memory_space<semaphore_mem>>) {add = true}
      %add3A_762 = arith.constant 7 : i32
      %add3A_763 = arith.addi %mul3A_537, %add3A_762 : i32
      %dma_wait3A_764 = arith.constant 7 : i32
      %dma_wait3A_765 = arith.constant 7 : i32
      %dma_wait3A_766 = arith.constant 0 : i32
      %dma_wait3A_767 = arith.constant 0 : i32
      %dma_wait3A_768 = tpu.memref_slice %arg9[%dma_wait3A_764, %dma_wait3A_766, %dma_wait3A_767] : memref<8x64x64xf32, #tpu.memory_space<vmem>> -> memref<1x64x64xf32, #tpu.memory_space<vmem>>
      %dma_wait3A_769 = tpu.memref_squeeze %dma_wait3A_768 : memref<1x64x64xf32, #tpu.memory_space<vmem>> -> memref<64x64xf32, #tpu.memory_space<vmem>>
      %dma_wait3A_770 = arith.constant 0 : i32
      %dma_wait3A_771 = tpu.memref_slice %arg7[%add3A_763, %dma_wait3A_770] : memref<304x64xi32, #tpu.memory_space<vmem>> -> memref<1x64xi32, #tpu.memory_space<vmem>>
      %dma_wait3A_772 = tpu.memref_squeeze %dma_wait3A_771 : memref<1x64xi32, #tpu.memory_space<vmem>> -> memref<64xi32, #tpu.memory_space<vmem>>
      %dma_wait3A_773 = arith.constant 0 : i32
      %dma_wait3A_774 = arith.constant 0 : i32
      %dma_wait3A_775 = tpu.memref_slice %arg2[%dma_wait3A_773, %dma_wait3A_774] : memref<10240x64xf32, #tpu.memory_space<hbm>> -> memref<10240x64xf32, #tpu.memory_space<hbm>>
      %dma_wait3A_776 = tpu.memref_slice %arg11[%dma_wait3A_765] : memref<8x!tpu.dma_semaphore, #tpu.memory_space<semaphore_mem>> -> memref<1x!tpu.dma_semaphore, #tpu.memory_space<semaphore_mem>>
      %dma_wait3A_777 = tpu.memref_squeeze %dma_wait3A_776 : memref<1x!tpu.dma_semaphore, #tpu.memory_space<semaphore_mem>> -> memref<!tpu.dma_semaphore, #tpu.memory_space<semaphore_mem>>
      tpu.wait_indirect_dma semaphore(%dma_wait3A_777 : memref<!tpu.dma_semaphore, #tpu.memory_space<semaphore_mem>>) src(%dma_wait3A_775 : memref<10240x64xf32, #tpu.memory_space<hbm>>) dst(%dma_wait3A_769 : memref<64x64xf32, #tpu.memory_space<vmem>>)
      %add3A_778 = arith.constant 7 : i32
      %add3A_779 = arith.addi %mul3A_537, %add3A_778 : i32
      %dma_start3A_780 = arith.constant 7 : i32
      %dma_start3A_781 = arith.constant 7 : i32
      %dma_start3A_782 = arith.constant 0 : i32
      %dma_start3A_783 = arith.constant 0 : i32
      %dma_start3A_784 = tpu.memref_slice %arg9[%dma_start3A_780, %dma_start3A_782, %dma_start3A_783] : memref<8x64x64xf32, #tpu.memory_space<vmem>> -> memref<1x64x64xf32, #tpu.memory_space<vmem>>
      %dma_start3A_785 = tpu.memref_squeeze %dma_start3A_784 : memref<1x64x64xf32, #tpu.memory_space<vmem>> -> memref<64x64xf32, #tpu.memory_space<vmem>>
      %dma_start3A_786 = arith.constant 0 : i32
      %dma_start3A_787 = tpu.memref_slice %arg8[%add3A_779, %dma_start3A_786] : memref<304x64xi32, #tpu.memory_space<vmem>> -> memref<1x64xi32, #tpu.memory_space<vmem>>
      %dma_start3A_788 = tpu.memref_squeeze %dma_start3A_787 : memref<1x64xi32, #tpu.memory_space<vmem>> -> memref<64xi32, #tpu.memory_space<vmem>>
      %dma_start3A_789 = arith.constant 0 : i32
      %dma_start3A_790 = arith.constant 0 : i32
      %dma_start3A_791 = tpu.memref_slice %arg10[%dma_start3A_789, %dma_start3A_790] : memref<10240x64xf32, #tpu.memory_space<vmem_shared>> -> memref<10240x64xf32, #tpu.memory_space<vmem_shared>>
      %dma_start3A_792 = tpu.memref_slice %arg12[%dma_start3A_781] : memref<8x!tpu.dma_semaphore, #tpu.memory_space<semaphore_mem>> -> memref<1x!tpu.dma_semaphore, #tpu.memory_space<semaphore_mem>>
      %dma_start3A_793 = tpu.memref_squeeze %dma_start3A_792 : memref<1x!tpu.dma_semaphore, #tpu.memory_space<semaphore_mem>> -> memref<!tpu.dma_semaphore, #tpu.memory_space<semaphore_mem>>
      tpu.enqueue_indirect_dma source(%dma_start3A_785 : memref<64x64xf32, #tpu.memory_space<vmem>>) target(%dma_start3A_791 : memref<10240x64xf32, #tpu.memory_space<vmem_shared>>) offsets(%dma_start3A_788 : memref<64xi32, #tpu.memory_space<vmem>>) semaphore(%dma_start3A_793 : memref<!tpu.dma_semaphore, #tpu.memory_space<semaphore_mem>>) {add = true}
      %add3A_794 = arith.constant 0 : i32
      %add3A_795 = arith.addi %mul3A_537, %add3A_794 : i32
      %dma_wait3A_796 = arith.constant 0 : i32
      %dma_wait3A_797 = arith.constant 0 : i32
      %dma_wait3A_798 = arith.constant 0 : i32
      %dma_wait3A_799 = arith.constant 0 : i32
      %dma_wait3A_800 = tpu.memref_slice %arg9[%dma_wait3A_796, %dma_wait3A_798, %dma_wait3A_799] : memref<8x64x64xf32, #tpu.memory_space<vmem>> -> memref<1x64x64xf32, #tpu.memory_space<vmem>>
      %dma_wait3A_801 = tpu.memref_squeeze %dma_wait3A_800 : memref<1x64x64xf32, #tpu.memory_space<vmem>> -> memref<64x64xf32, #tpu.memory_space<vmem>>
      %dma_wait3A_802 = arith.constant 0 : i32
      %dma_wait3A_803 = tpu.memref_slice %arg8[%add3A_795, %dma_wait3A_802] : memref<304x64xi32, #tpu.memory_space<vmem>> -> memref<1x64xi32, #tpu.memory_space<vmem>>
      %dma_wait3A_804 = tpu.memref_squeeze %dma_wait3A_803 : memref<1x64xi32, #tpu.memory_space<vmem>> -> memref<64xi32, #tpu.memory_space<vmem>>
      %dma_wait3A_805 = arith.constant 0 : i32
      %dma_wait3A_806 = arith.constant 0 : i32
      %dma_wait3A_807 = tpu.memref_slice %arg10[%dma_wait3A_805, %dma_wait3A_806] : memref<10240x64xf32, #tpu.memory_space<vmem_shared>> -> memref<10240x64xf32, #tpu.memory_space<vmem_shared>>
      %dma_wait3A_808 = tpu.memref_slice %arg12[%dma_wait3A_797] : memref<8x!tpu.dma_semaphore, #tpu.memory_space<semaphore_mem>> -> memref<1x!tpu.dma_semaphore, #tpu.memory_space<semaphore_mem>>
      %dma_wait3A_809 = tpu.memref_squeeze %dma_wait3A_808 : memref<1x!tpu.dma_semaphore, #tpu.memory_space<semaphore_mem>> -> memref<!tpu.dma_semaphore, #tpu.memory_space<semaphore_mem>>
      tpu.wait_indirect_dma semaphore(%dma_wait3A_809 : memref<!tpu.dma_semaphore, #tpu.memory_space<semaphore_mem>>) src(%dma_wait3A_801 : memref<64x64xf32, #tpu.memory_space<vmem>>) dst(%dma_wait3A_807 : memref<10240x64xf32, #tpu.memory_space<vmem_shared>>)
      %add3A_810 = arith.constant 8 : i32
      %add3A_811 = arith.addi %mul3A_537, %add3A_810 : i32
      %add3A_812 = arith.constant 0 : i32
      %add3A_813 = arith.addi %add3A_811, %add3A_812 : i32
      %dma_start3A_814 = arith.constant 0 : i32
      %dma_start3A_815 = arith.constant 0 : i32
      %dma_start3A_816 = arith.constant 0 : i32
      %dma_start3A_817 = arith.constant 0 : i32
      %dma_start3A_818 = tpu.memref_slice %arg9[%dma_start3A_814, %dma_start3A_816, %dma_start3A_817] : memref<8x64x64xf32, #tpu.memory_space<vmem>> -> memref<1x64x64xf32, #tpu.memory_space<vmem>>
      %dma_start3A_819 = tpu.memref_squeeze %dma_start3A_818 : memref<1x64x64xf32, #tpu.memory_space<vmem>> -> memref<64x64xf32, #tpu.memory_space<vmem>>
      %dma_start3A_820 = arith.constant 0 : i32
      %dma_start3A_821 = tpu.memref_slice %arg7[%add3A_813, %dma_start3A_820] : memref<304x64xi32, #tpu.memory_space<vmem>> -> memref<1x64xi32, #tpu.memory_space<vmem>>
      %dma_start3A_822 = tpu.memref_squeeze %dma_start3A_821 : memref<1x64xi32, #tpu.memory_space<vmem>> -> memref<64xi32, #tpu.memory_space<vmem>>
      %dma_start3A_823 = arith.constant 0 : i32
      %dma_start3A_824 = arith.constant 0 : i32
      %dma_start3A_825 = tpu.memref_slice %arg2[%dma_start3A_823, %dma_start3A_824] : memref<10240x64xf32, #tpu.memory_space<hbm>> -> memref<10240x64xf32, #tpu.memory_space<hbm>>
      %dma_start3A_826 = tpu.memref_slice %arg11[%dma_start3A_815] : memref<8x!tpu.dma_semaphore, #tpu.memory_space<semaphore_mem>> -> memref<1x!tpu.dma_semaphore, #tpu.memory_space<semaphore_mem>>
      %dma_start3A_827 = tpu.memref_squeeze %dma_start3A_826 : memref<1x!tpu.dma_semaphore, #tpu.memory_space<semaphore_mem>> -> memref<!tpu.dma_semaphore, #tpu.memory_space<semaphore_mem>>
      tpu.enqueue_indirect_dma source(%dma_start3A_825 : memref<10240x64xf32, #tpu.memory_space<hbm>>) target(%dma_start3A_819 : memref<64x64xf32, #tpu.memory_space<vmem>>) offsets(%dma_start3A_822 : memref<64xi32, #tpu.memory_space<vmem>>) semaphore(%dma_start3A_827 : memref<!tpu.dma_semaphore, #tpu.memory_space<semaphore_mem>>)
      %add3A_828 = arith.constant 1 : i32
      %add3A_829 = arith.addi %mul3A_537, %add3A_828 : i32
      %dma_wait3A_830 = arith.constant 1 : i32
      %dma_wait3A_831 = arith.constant 1 : i32
      %dma_wait3A_832 = arith.constant 0 : i32
      %dma_wait3A_833 = arith.constant 0 : i32
      %dma_wait3A_834 = tpu.memref_slice %arg9[%dma_wait3A_830, %dma_wait3A_832, %dma_wait3A_833] : memref<8x64x64xf32, #tpu.memory_space<vmem>> -> memref<1x64x64xf32, #tpu.memory_space<vmem>>
      %dma_wait3A_835 = tpu.memref_squeeze %dma_wait3A_834 : memref<1x64x64xf32, #tpu.memory_space<vmem>> -> memref<64x64xf32, #tpu.memory_space<vmem>>
      %dma_wait3A_836 = arith.constant 0 : i32
      %dma_wait3A_837 = tpu.memref_slice %arg8[%add3A_829, %dma_wait3A_836] : memref<304x64xi32, #tpu.memory_space<vmem>> -> memref<1x64xi32, #tpu.memory_space<vmem>>
      %dma_wait3A_838 = tpu.memref_squeeze %dma_wait3A_837 : memref<1x64xi32, #tpu.memory_space<vmem>> -> memref<64xi32, #tpu.memory_space<vmem>>
      %dma_wait3A_839 = arith.constant 0 : i32
      %dma_wait3A_840 = arith.constant 0 : i32
      %dma_wait3A_841 = tpu.memref_slice %arg10[%dma_wait3A_839, %dma_wait3A_840] : memref<10240x64xf32, #tpu.memory_space<vmem_shared>> -> memref<10240x64xf32, #tpu.memory_space<vmem_shared>>
      %dma_wait3A_842 = tpu.memref_slice %arg12[%dma_wait3A_831] : memref<8x!tpu.dma_semaphore, #tpu.memory_space<semaphore_mem>> -> memref<1x!tpu.dma_semaphore, #tpu.memory_space<semaphore_mem>>
      %dma_wait3A_843 = tpu.memref_squeeze %dma_wait3A_842 : memref<1x!tpu.dma_semaphore, #tpu.memory_space<semaphore_mem>> -> memref<!tpu.dma_semaphore, #tpu.memory_space<semaphore_mem>>
      tpu.wait_indirect_dma semaphore(%dma_wait3A_843 : memref<!tpu.dma_semaphore, #tpu.memory_space<semaphore_mem>>) src(%dma_wait3A_835 : memref<64x64xf32, #tpu.memory_space<vmem>>) dst(%dma_wait3A_841 : memref<10240x64xf32, #tpu.memory_space<vmem_shared>>)
      %add3A_844 = arith.constant 8 : i32
      %add3A_845 = arith.addi %mul3A_537, %add3A_844 : i32
      %add3A_846 = arith.constant 1 : i32
      %add3A_847 = arith.addi %add3A_845, %add3A_846 : i32
      %dma_start3A_848 = arith.constant 1 : i32
      %dma_start3A_849 = arith.constant 1 : i32
      %dma_start3A_850 = arith.constant 0 : i32
      %dma_start3A_851 = arith.constant 0 : i32
      %dma_start3A_852 = tpu.memref_slice %arg9[%dma_start3A_848, %dma_start3A_850, %dma_start3A_851] : memref<8x64x64xf32, #tpu.memory_space<vmem>> -> memref<1x64x64xf32, #tpu.memory_space<vmem>>
      %dma_start3A_853 = tpu.memref_squeeze %dma_start3A_852 : memref<1x64x64xf32, #tpu.memory_space<vmem>> -> memref<64x64xf32, #tpu.memory_space<vmem>>
      %dma_start3A_854 = arith.constant 0 : i32
      %dma_start3A_855 = tpu.memref_slice %arg7[%add3A_847, %dma_start3A_854] : memref<304x64xi32, #tpu.memory_space<vmem>> -> memref<1x64xi32, #tpu.memory_space<vmem>>
      %dma_start3A_856 = tpu.memref_squeeze %dma_start3A_855 : memref<1x64xi32, #tpu.memory_space<vmem>> -> memref<64xi32, #tpu.memory_space<vmem>>
      %dma_start3A_857 = arith.constant 0 : i32
      %dma_start3A_858 = arith.constant 0 : i32
      %dma_start3A_859 = tpu.memref_slice %arg2[%dma_start3A_857, %dma_start3A_858] : memref<10240x64xf32, #tpu.memory_space<hbm>> -> memref<10240x64xf32, #tpu.memory_space<hbm>>
      %dma_start3A_860 = tpu.memref_slice %arg11[%dma_start3A_849] : memref<8x!tpu.dma_semaphore, #tpu.memory_space<semaphore_mem>> -> memref<1x!tpu.dma_semaphore, #tpu.memory_space<semaphore_mem>>
      %dma_start3A_861 = tpu.memref_squeeze %dma_start3A_860 : memref<1x!tpu.dma_semaphore, #tpu.memory_space<semaphore_mem>> -> memref<!tpu.dma_semaphore, #tpu.memory_space<semaphore_mem>>
      tpu.enqueue_indirect_dma source(%dma_start3A_859 : memref<10240x64xf32, #tpu.memory_space<hbm>>) target(%dma_start3A_853 : memref<64x64xf32, #tpu.memory_space<vmem>>) offsets(%dma_start3A_856 : memref<64xi32, #tpu.memory_space<vmem>>) semaphore(%dma_start3A_861 : memref<!tpu.dma_semaphore, #tpu.memory_space<semaphore_mem>>)
      %add3A_862 = arith.constant 2 : i32
      %add3A_863 = arith.addi %mul3A_537, %add3A_862 : i32
      %dma_wait3A_864 = arith.constant 2 : i32
      %dma_wait3A_865 = arith.constant 2 : i32
      %dma_wait3A_866 = arith.constant 0 : i32
      %dma_wait3A_867 = arith.constant 0 : i32
      %dma_wait3A_868 = tpu.memref_slice %arg9[%dma_wait3A_864, %dma_wait3A_866, %dma_wait3A_867] : memref<8x64x64xf32, #tpu.memory_space<vmem>> -> memref<1x64x64xf32, #tpu.memory_space<vmem>>
      %dma_wait3A_869 = tpu.memref_squeeze %dma_wait3A_868 : memref<1x64x64xf32, #tpu.memory_space<vmem>> -> memref<64x64xf32, #tpu.memory_space<vmem>>
      %dma_wait3A_870 = arith.constant 0 : i32
      %dma_wait3A_871 = tpu.memref_slice %arg8[%add3A_863, %dma_wait3A_870] : memref<304x64xi32, #tpu.memory_space<vmem>> -> memref<1x64xi32, #tpu.memory_space<vmem>>
      %dma_wait3A_872 = tpu.memref_squeeze %dma_wait3A_871 : memref<1x64xi32, #tpu.memory_space<vmem>> -> memref<64xi32, #tpu.memory_space<vmem>>
      %dma_wait3A_873 = arith.constant 0 : i32
      %dma_wait3A_874 = arith.constant 0 : i32
      %dma_wait3A_875 = tpu.memref_slice %arg10[%dma_wait3A_873, %dma_wait3A_874] : memref<10240x64xf32, #tpu.memory_space<vmem_shared>> -> memref<10240x64xf32, #tpu.memory_space<vmem_shared>>
      %dma_wait3A_876 = tpu.memref_slice %arg12[%dma_wait3A_865] : memref<8x!tpu.dma_semaphore, #tpu.memory_space<semaphore_mem>> -> memref<1x!tpu.dma_semaphore, #tpu.memory_space<semaphore_mem>>
      %dma_wait3A_877 = tpu.memref_squeeze %dma_wait3A_876 : memref<1x!tpu.dma_semaphore, #tpu.memory_space<semaphore_mem>> -> memref<!tpu.dma_semaphore, #tpu.memory_space<semaphore_mem>>
      tpu.wait_indirect_dma semaphore(%dma_wait3A_877 : memref<!tpu.dma_semaphore, #tpu.memory_space<semaphore_mem>>) src(%dma_wait3A_869 : memref<64x64xf32, #tpu.memory_space<vmem>>) dst(%dma_wait3A_875 : memref<10240x64xf32, #tpu.memory_space<vmem_shared>>)
      %add3A_878 = arith.constant 8 : i32
      %add3A_879 = arith.addi %mul3A_537, %add3A_878 : i32
      %add3A_880 = arith.constant 2 : i32
      %add3A_881 = arith.addi %add3A_879, %add3A_880 : i32
      %dma_start3A_882 = arith.constant 2 : i32
      %dma_start3A_883 = arith.constant 2 : i32
      %dma_start3A_884 = arith.constant 0 : i32
      %dma_start3A_885 = arith.constant 0 : i32
      %dma_start3A_886 = tpu.memref_slice %arg9[%dma_start3A_882, %dma_start3A_884, %dma_start3A_885] : memref<8x64x64xf32, #tpu.memory_space<vmem>> -> memref<1x64x64xf32, #tpu.memory_space<vmem>>
      %dma_start3A_887 = tpu.memref_squeeze %dma_start3A_886 : memref<1x64x64xf32, #tpu.memory_space<vmem>> -> memref<64x64xf32, #tpu.memory_space<vmem>>
      %dma_start3A_888 = arith.constant 0 : i32
      %dma_start3A_889 = tpu.memref_slice %arg7[%add3A_881, %dma_start3A_888] : memref<304x64xi32, #tpu.memory_space<vmem>> -> memref<1x64xi32, #tpu.memory_space<vmem>>
      %dma_start3A_890 = tpu.memref_squeeze %dma_start3A_889 : memref<1x64xi32, #tpu.memory_space<vmem>> -> memref<64xi32, #tpu.memory_space<vmem>>
      %dma_start3A_891 = arith.constant 0 : i32
      %dma_start3A_892 = arith.constant 0 : i32
      %dma_start3A_893 = tpu.memref_slice %arg2[%dma_start3A_891, %dma_start3A_892] : memref<10240x64xf32, #tpu.memory_space<hbm>> -> memref<10240x64xf32, #tpu.memory_space<hbm>>
      %dma_start3A_894 = tpu.memref_slice %arg11[%dma_start3A_883] : memref<8x!tpu.dma_semaphore, #tpu.memory_space<semaphore_mem>> -> memref<1x!tpu.dma_semaphore, #tpu.memory_space<semaphore_mem>>
      %dma_start3A_895 = tpu.memref_squeeze %dma_start3A_894 : memref<1x!tpu.dma_semaphore, #tpu.memory_space<semaphore_mem>> -> memref<!tpu.dma_semaphore, #tpu.memory_space<semaphore_mem>>
      tpu.enqueue_indirect_dma source(%dma_start3A_893 : memref<10240x64xf32, #tpu.memory_space<hbm>>) target(%dma_start3A_887 : memref<64x64xf32, #tpu.memory_space<vmem>>) offsets(%dma_start3A_890 : memref<64xi32, #tpu.memory_space<vmem>>) semaphore(%dma_start3A_895 : memref<!tpu.dma_semaphore, #tpu.memory_space<semaphore_mem>>)
      %add3A_896 = arith.constant 3 : i32
      %add3A_897 = arith.addi %mul3A_537, %add3A_896 : i32
      %dma_wait3A_898 = arith.constant 3 : i32
      %dma_wait3A_899 = arith.constant 3 : i32
      %dma_wait3A_900 = arith.constant 0 : i32
      %dma_wait3A_901 = arith.constant 0 : i32
      %dma_wait3A_902 = tpu.memref_slice %arg9[%dma_wait3A_898, %dma_wait3A_900, %dma_wait3A_901] : memref<8x64x64xf32, #tpu.memory_space<vmem>> -> memref<1x64x64xf32, #tpu.memory_space<vmem>>
      %dma_wait3A_903 = tpu.memref_squeeze %dma_wait3A_902 : memref<1x64x64xf32, #tpu.memory_space<vmem>> -> memref<64x64xf32, #tpu.memory_space<vmem>>
      %dma_wait3A_904 = arith.constant 0 : i32
      %dma_wait3A_905 = tpu.memref_slice %arg8[%add3A_897, %dma_wait3A_904] : memref<304x64xi32, #tpu.memory_space<vmem>> -> memref<1x64xi32, #tpu.memory_space<vmem>>
      %dma_wait3A_906 = tpu.memref_squeeze %dma_wait3A_905 : memref<1x64xi32, #tpu.memory_space<vmem>> -> memref<64xi32, #tpu.memory_space<vmem>>
      %dma_wait3A_907 = arith.constant 0 : i32
      %dma_wait3A_908 = arith.constant 0 : i32
      %dma_wait3A_909 = tpu.memref_slice %arg10[%dma_wait3A_907, %dma_wait3A_908] : memref<10240x64xf32, #tpu.memory_space<vmem_shared>> -> memref<10240x64xf32, #tpu.memory_space<vmem_shared>>
      %dma_wait3A_910 = tpu.memref_slice %arg12[%dma_wait3A_899] : memref<8x!tpu.dma_semaphore, #tpu.memory_space<semaphore_mem>> -> memref<1x!tpu.dma_semaphore, #tpu.memory_space<semaphore_mem>>
      %dma_wait3A_911 = tpu.memref_squeeze %dma_wait3A_910 : memref<1x!tpu.dma_semaphore, #tpu.memory_space<semaphore_mem>> -> memref<!tpu.dma_semaphore, #tpu.memory_space<semaphore_mem>>
      tpu.wait_indirect_dma semaphore(%dma_wait3A_911 : memref<!tpu.dma_semaphore, #tpu.memory_space<semaphore_mem>>) src(%dma_wait3A_903 : memref<64x64xf32, #tpu.memory_space<vmem>>) dst(%dma_wait3A_909 : memref<10240x64xf32, #tpu.memory_space<vmem_shared>>)
      %add3A_912 = arith.constant 8 : i32
      %add3A_913 = arith.addi %mul3A_537, %add3A_912 : i32
      %add3A_914 = arith.constant 3 : i32
      %add3A_915 = arith.addi %add3A_913, %add3A_914 : i32
      %dma_start3A_916 = arith.constant 3 : i32
      %dma_start3A_917 = arith.constant 3 : i32
      %dma_start3A_918 = arith.constant 0 : i32
      %dma_start3A_919 = arith.constant 0 : i32
      %dma_start3A_920 = tpu.memref_slice %arg9[%dma_start3A_916, %dma_start3A_918, %dma_start3A_919] : memref<8x64x64xf32, #tpu.memory_space<vmem>> -> memref<1x64x64xf32, #tpu.memory_space<vmem>>
      %dma_start3A_921 = tpu.memref_squeeze %dma_start3A_920 : memref<1x64x64xf32, #tpu.memory_space<vmem>> -> memref<64x64xf32, #tpu.memory_space<vmem>>
      %dma_start3A_922 = arith.constant 0 : i32
      %dma_start3A_923 = tpu.memref_slice %arg7[%add3A_915, %dma_start3A_922] : memref<304x64xi32, #tpu.memory_space<vmem>> -> memref<1x64xi32, #tpu.memory_space<vmem>>
      %dma_start3A_924 = tpu.memref_squeeze %dma_start3A_923 : memref<1x64xi32, #tpu.memory_space<vmem>> -> memref<64xi32, #tpu.memory_space<vmem>>
      %dma_start3A_925 = arith.constant 0 : i32
      %dma_start3A_926 = arith.constant 0 : i32
      %dma_start3A_927 = tpu.memref_slice %arg2[%dma_start3A_925, %dma_start3A_926] : memref<10240x64xf32, #tpu.memory_space<hbm>> -> memref<10240x64xf32, #tpu.memory_space<hbm>>
      %dma_start3A_928 = tpu.memref_slice %arg11[%dma_start3A_917] : memref<8x!tpu.dma_semaphore, #tpu.memory_space<semaphore_mem>> -> memref<1x!tpu.dma_semaphore, #tpu.memory_space<semaphore_mem>>
      %dma_start3A_929 = tpu.memref_squeeze %dma_start3A_928 : memref<1x!tpu.dma_semaphore, #tpu.memory_space<semaphore_mem>> -> memref<!tpu.dma_semaphore, #tpu.memory_space<semaphore_mem>>
      tpu.enqueue_indirect_dma source(%dma_start3A_927 : memref<10240x64xf32, #tpu.memory_space<hbm>>) target(%dma_start3A_921 : memref<64x64xf32, #tpu.memory_space<vmem>>) offsets(%dma_start3A_924 : memref<64xi32, #tpu.memory_space<vmem>>) semaphore(%dma_start3A_929 : memref<!tpu.dma_semaphore, #tpu.memory_space<semaphore_mem>>)
      %add3A_930 = arith.constant 4 : i32
      %add3A_931 = arith.addi %mul3A_537, %add3A_930 : i32
      %dma_wait3A_932 = arith.constant 4 : i32
      %dma_wait3A_933 = arith.constant 4 : i32
      %dma_wait3A_934 = arith.constant 0 : i32
      %dma_wait3A_935 = arith.constant 0 : i32
      %dma_wait3A_936 = tpu.memref_slice %arg9[%dma_wait3A_932, %dma_wait3A_934, %dma_wait3A_935] : memref<8x64x64xf32, #tpu.memory_space<vmem>> -> memref<1x64x64xf32, #tpu.memory_space<vmem>>
      %dma_wait3A_937 = tpu.memref_squeeze %dma_wait3A_936 : memref<1x64x64xf32, #tpu.memory_space<vmem>> -> memref<64x64xf32, #tpu.memory_space<vmem>>
      %dma_wait3A_938 = arith.constant 0 : i32
      %dma_wait3A_939 = tpu.memref_slice %arg8[%add3A_931, %dma_wait3A_938] : memref<304x64xi32, #tpu.memory_space<vmem>> -> memref<1x64xi32, #tpu.memory_space<vmem>>
      %dma_wait3A_940 = tpu.memref_squeeze %dma_wait3A_939 : memref<1x64xi32, #tpu.memory_space<vmem>> -> memref<64xi32, #tpu.memory_space<vmem>>
      %dma_wait3A_941 = arith.constant 0 : i32
      %dma_wait3A_942 = arith.constant 0 : i32
      %dma_wait3A_943 = tpu.memref_slice %arg10[%dma_wait3A_941, %dma_wait3A_942] : memref<10240x64xf32, #tpu.memory_space<vmem_shared>> -> memref<10240x64xf32, #tpu.memory_space<vmem_shared>>
      %dma_wait3A_944 = tpu.memref_slice %arg12[%dma_wait3A_933] : memref<8x!tpu.dma_semaphore, #tpu.memory_space<semaphore_mem>> -> memref<1x!tpu.dma_semaphore, #tpu.memory_space<semaphore_mem>>
      %dma_wait3A_945 = tpu.memref_squeeze %dma_wait3A_944 : memref<1x!tpu.dma_semaphore, #tpu.memory_space<semaphore_mem>> -> memref<!tpu.dma_semaphore, #tpu.memory_space<semaphore_mem>>
      tpu.wait_indirect_dma semaphore(%dma_wait3A_945 : memref<!tpu.dma_semaphore, #tpu.memory_space<semaphore_mem>>) src(%dma_wait3A_937 : memref<64x64xf32, #tpu.memory_space<vmem>>) dst(%dma_wait3A_943 : memref<10240x64xf32, #tpu.memory_space<vmem_shared>>)
      %add3A_946 = arith.constant 8 : i32
      %add3A_947 = arith.addi %mul3A_537, %add3A_946 : i32
      %add3A_948 = arith.constant 4 : i32
      %add3A_949 = arith.addi %add3A_947, %add3A_948 : i32
      %dma_start3A_950 = arith.constant 4 : i32
      %dma_start3A_951 = arith.constant 4 : i32
      %dma_start3A_952 = arith.constant 0 : i32
      %dma_start3A_953 = arith.constant 0 : i32
      %dma_start3A_954 = tpu.memref_slice %arg9[%dma_start3A_950, %dma_start3A_952, %dma_start3A_953] : memref<8x64x64xf32, #tpu.memory_space<vmem>> -> memref<1x64x64xf32, #tpu.memory_space<vmem>>
      %dma_start3A_955 = tpu.memref_squeeze %dma_start3A_954 : memref<1x64x64xf32, #tpu.memory_space<vmem>> -> memref<64x64xf32, #tpu.memory_space<vmem>>
      %dma_start3A_956 = arith.constant 0 : i32
      %dma_start3A_957 = tpu.memref_slice %arg7[%add3A_949, %dma_start3A_956] : memref<304x64xi32, #tpu.memory_space<vmem>> -> memref<1x64xi32, #tpu.memory_space<vmem>>
      %dma_start3A_958 = tpu.memref_squeeze %dma_start3A_957 : memref<1x64xi32, #tpu.memory_space<vmem>> -> memref<64xi32, #tpu.memory_space<vmem>>
      %dma_start3A_959 = arith.constant 0 : i32
      %dma_start3A_960 = arith.constant 0 : i32
      %dma_start3A_961 = tpu.memref_slice %arg2[%dma_start3A_959, %dma_start3A_960] : memref<10240x64xf32, #tpu.memory_space<hbm>> -> memref<10240x64xf32, #tpu.memory_space<hbm>>
      %dma_start3A_962 = tpu.memref_slice %arg11[%dma_start3A_951] : memref<8x!tpu.dma_semaphore, #tpu.memory_space<semaphore_mem>> -> memref<1x!tpu.dma_semaphore, #tpu.memory_space<semaphore_mem>>
      %dma_start3A_963 = tpu.memref_squeeze %dma_start3A_962 : memref<1x!tpu.dma_semaphore, #tpu.memory_space<semaphore_mem>> -> memref<!tpu.dma_semaphore, #tpu.memory_space<semaphore_mem>>
      tpu.enqueue_indirect_dma source(%dma_start3A_961 : memref<10240x64xf32, #tpu.memory_space<hbm>>) target(%dma_start3A_955 : memref<64x64xf32, #tpu.memory_space<vmem>>) offsets(%dma_start3A_958 : memref<64xi32, #tpu.memory_space<vmem>>) semaphore(%dma_start3A_963 : memref<!tpu.dma_semaphore, #tpu.memory_space<semaphore_mem>>)
      %add3A_964 = arith.constant 5 : i32
      %add3A_965 = arith.addi %mul3A_537, %add3A_964 : i32
      %dma_wait3A_966 = arith.constant 5 : i32
      %dma_wait3A_967 = arith.constant 5 : i32
      %dma_wait3A_968 = arith.constant 0 : i32
      %dma_wait3A_969 = arith.constant 0 : i32
      %dma_wait3A_970 = tpu.memref_slice %arg9[%dma_wait3A_966, %dma_wait3A_968, %dma_wait3A_969] : memref<8x64x64xf32, #tpu.memory_space<vmem>> -> memref<1x64x64xf32, #tpu.memory_space<vmem>>
      %dma_wait3A_971 = tpu.memref_squeeze %dma_wait3A_970 : memref<1x64x64xf32, #tpu.memory_space<vmem>> -> memref<64x64xf32, #tpu.memory_space<vmem>>
      %dma_wait3A_972 = arith.constant 0 : i32
      %dma_wait3A_973 = tpu.memref_slice %arg8[%add3A_965, %dma_wait3A_972] : memref<304x64xi32, #tpu.memory_space<vmem>> -> memref<1x64xi32, #tpu.memory_space<vmem>>
      %dma_wait3A_974 = tpu.memref_squeeze %dma_wait3A_973 : memref<1x64xi32, #tpu.memory_space<vmem>> -> memref<64xi32, #tpu.memory_space<vmem>>
      %dma_wait3A_975 = arith.constant 0 : i32
      %dma_wait3A_976 = arith.constant 0 : i32
      %dma_wait3A_977 = tpu.memref_slice %arg10[%dma_wait3A_975, %dma_wait3A_976] : memref<10240x64xf32, #tpu.memory_space<vmem_shared>> -> memref<10240x64xf32, #tpu.memory_space<vmem_shared>>
      %dma_wait3A_978 = tpu.memref_slice %arg12[%dma_wait3A_967] : memref<8x!tpu.dma_semaphore, #tpu.memory_space<semaphore_mem>> -> memref<1x!tpu.dma_semaphore, #tpu.memory_space<semaphore_mem>>
      %dma_wait3A_979 = tpu.memref_squeeze %dma_wait3A_978 : memref<1x!tpu.dma_semaphore, #tpu.memory_space<semaphore_mem>> -> memref<!tpu.dma_semaphore, #tpu.memory_space<semaphore_mem>>
      tpu.wait_indirect_dma semaphore(%dma_wait3A_979 : memref<!tpu.dma_semaphore, #tpu.memory_space<semaphore_mem>>) src(%dma_wait3A_971 : memref<64x64xf32, #tpu.memory_space<vmem>>) dst(%dma_wait3A_977 : memref<10240x64xf32, #tpu.memory_space<vmem_shared>>)
      %add3A_980 = arith.constant 8 : i32
      %add3A_981 = arith.addi %mul3A_537, %add3A_980 : i32
      %add3A_982 = arith.constant 5 : i32
      %add3A_983 = arith.addi %add3A_981, %add3A_982 : i32
      %dma_start3A_984 = arith.constant 5 : i32
      %dma_start3A_985 = arith.constant 5 : i32
      %dma_start3A_986 = arith.constant 0 : i32
      %dma_start3A_987 = arith.constant 0 : i32
      %dma_start3A_988 = tpu.memref_slice %arg9[%dma_start3A_984, %dma_start3A_986, %dma_start3A_987] : memref<8x64x64xf32, #tpu.memory_space<vmem>> -> memref<1x64x64xf32, #tpu.memory_space<vmem>>
      %dma_start3A_989 = tpu.memref_squeeze %dma_start3A_988 : memref<1x64x64xf32, #tpu.memory_space<vmem>> -> memref<64x64xf32, #tpu.memory_space<vmem>>
      %dma_start3A_990 = arith.constant 0 : i32
      %dma_start3A_991 = tpu.memref_slice %arg7[%add3A_983, %dma_start3A_990] : memref<304x64xi32, #tpu.memory_space<vmem>> -> memref<1x64xi32, #tpu.memory_space<vmem>>
      %dma_start3A_992 = tpu.memref_squeeze %dma_start3A_991 : memref<1x64xi32, #tpu.memory_space<vmem>> -> memref<64xi32, #tpu.memory_space<vmem>>
      %dma_start3A_993 = arith.constant 0 : i32
      %dma_start3A_994 = arith.constant 0 : i32
      %dma_start3A_995 = tpu.memref_slice %arg2[%dma_start3A_993, %dma_start3A_994] : memref<10240x64xf32, #tpu.memory_space<hbm>> -> memref<10240x64xf32, #tpu.memory_space<hbm>>
      %dma_start3A_996 = tpu.memref_slice %arg11[%dma_start3A_985] : memref<8x!tpu.dma_semaphore, #tpu.memory_space<semaphore_mem>> -> memref<1x!tpu.dma_semaphore, #tpu.memory_space<semaphore_mem>>
      %dma_start3A_997 = tpu.memref_squeeze %dma_start3A_996 : memref<1x!tpu.dma_semaphore, #tpu.memory_space<semaphore_mem>> -> memref<!tpu.dma_semaphore, #tpu.memory_space<semaphore_mem>>
      tpu.enqueue_indirect_dma source(%dma_start3A_995 : memref<10240x64xf32, #tpu.memory_space<hbm>>) target(%dma_start3A_989 : memref<64x64xf32, #tpu.memory_space<vmem>>) offsets(%dma_start3A_992 : memref<64xi32, #tpu.memory_space<vmem>>) semaphore(%dma_start3A_997 : memref<!tpu.dma_semaphore, #tpu.memory_space<semaphore_mem>>)
      %add3A_998 = arith.constant 6 : i32
      %add3A_999 = arith.addi %mul3A_537, %add3A_998 : i32
      %dma_wait3A_1000 = arith.constant 6 : i32
      %dma_wait3A_1001 = arith.constant 6 : i32
      %dma_wait3A_1002 = arith.constant 0 : i32
      %dma_wait3A_1003 = arith.constant 0 : i32
      %dma_wait3A_1004 = tpu.memref_slice %arg9[%dma_wait3A_1000, %dma_wait3A_1002, %dma_wait3A_1003] : memref<8x64x64xf32, #tpu.memory_space<vmem>> -> memref<1x64x64xf32, #tpu.memory_space<vmem>>
      %dma_wait3A_1005 = tpu.memref_squeeze %dma_wait3A_1004 : memref<1x64x64xf32, #tpu.memory_space<vmem>> -> memref<64x64xf32, #tpu.memory_space<vmem>>
      %dma_wait3A_1006 = arith.constant 0 : i32
      %dma_wait3A_1007 = tpu.memref_slice %arg8[%add3A_999, %dma_wait3A_1006] : memref<304x64xi32, #tpu.memory_space<vmem>> -> memref<1x64xi32, #tpu.memory_space<vmem>>
      %dma_wait3A_1008 = tpu.memref_squeeze %dma_wait3A_1007 : memref<1x64xi32, #tpu.memory_space<vmem>> -> memref<64xi32, #tpu.memory_space<vmem>>
      %dma_wait3A_1009 = arith.constant 0 : i32
      %dma_wait3A_1010 = arith.constant 0 : i32
      %dma_wait3A_1011 = tpu.memref_slice %arg10[%dma_wait3A_1009, %dma_wait3A_1010] : memref<10240x64xf32, #tpu.memory_space<vmem_shared>> -> memref<10240x64xf32, #tpu.memory_space<vmem_shared>>
      %dma_wait3A_1012 = tpu.memref_slice %arg12[%dma_wait3A_1001] : memref<8x!tpu.dma_semaphore, #tpu.memory_space<semaphore_mem>> -> memref<1x!tpu.dma_semaphore, #tpu.memory_space<semaphore_mem>>
      %dma_wait3A_1013 = tpu.memref_squeeze %dma_wait3A_1012 : memref<1x!tpu.dma_semaphore, #tpu.memory_space<semaphore_mem>> -> memref<!tpu.dma_semaphore, #tpu.memory_space<semaphore_mem>>
      tpu.wait_indirect_dma semaphore(%dma_wait3A_1013 : memref<!tpu.dma_semaphore, #tpu.memory_space<semaphore_mem>>) src(%dma_wait3A_1005 : memref<64x64xf32, #tpu.memory_space<vmem>>) dst(%dma_wait3A_1011 : memref<10240x64xf32, #tpu.memory_space<vmem_shared>>)
      %add3A_1014 = arith.constant 8 : i32
      %add3A_1015 = arith.addi %mul3A_537, %add3A_1014 : i32
      %add3A_1016 = arith.constant 6 : i32
      %add3A_1017 = arith.addi %add3A_1015, %add3A_1016 : i32
      %dma_start3A_1018 = arith.constant 6 : i32
      %dma_start3A_1019 = arith.constant 6 : i32
      %dma_start3A_1020 = arith.constant 0 : i32
      %dma_start3A_1021 = arith.constant 0 : i32
      %dma_start3A_1022 = tpu.memref_slice %arg9[%dma_start3A_1018, %dma_start3A_1020, %dma_start3A_1021] : memref<8x64x64xf32, #tpu.memory_space<vmem>> -> memref<1x64x64xf32, #tpu.memory_space<vmem>>
      %dma_start3A_1023 = tpu.memref_squeeze %dma_start3A_1022 : memref<1x64x64xf32, #tpu.memory_space<vmem>> -> memref<64x64xf32, #tpu.memory_space<vmem>>
      %dma_start3A_1024 = arith.constant 0 : i32
      %dma_start3A_1025 = tpu.memref_slice %arg7[%add3A_1017, %dma_start3A_1024] : memref<304x64xi32, #tpu.memory_space<vmem>> -> memref<1x64xi32, #tpu.memory_space<vmem>>
      %dma_start3A_1026 = tpu.memref_squeeze %dma_start3A_1025 : memref<1x64xi32, #tpu.memory_space<vmem>> -> memref<64xi32, #tpu.memory_space<vmem>>
      %dma_start3A_1027 = arith.constant 0 : i32
      %dma_start3A_1028 = arith.constant 0 : i32
      %dma_start3A_1029 = tpu.memref_slice %arg2[%dma_start3A_1027, %dma_start3A_1028] : memref<10240x64xf32, #tpu.memory_space<hbm>> -> memref<10240x64xf32, #tpu.memory_space<hbm>>
      %dma_start3A_1030 = tpu.memref_slice %arg11[%dma_start3A_1019] : memref<8x!tpu.dma_semaphore, #tpu.memory_space<semaphore_mem>> -> memref<1x!tpu.dma_semaphore, #tpu.memory_space<semaphore_mem>>
      %dma_start3A_1031 = tpu.memref_squeeze %dma_start3A_1030 : memref<1x!tpu.dma_semaphore, #tpu.memory_space<semaphore_mem>> -> memref<!tpu.dma_semaphore, #tpu.memory_space<semaphore_mem>>
      tpu.enqueue_indirect_dma source(%dma_start3A_1029 : memref<10240x64xf32, #tpu.memory_space<hbm>>) target(%dma_start3A_1023 : memref<64x64xf32, #tpu.memory_space<vmem>>) offsets(%dma_start3A_1026 : memref<64xi32, #tpu.memory_space<vmem>>) semaphore(%dma_start3A_1031 : memref<!tpu.dma_semaphore, #tpu.memory_space<semaphore_mem>>)
      %add3A_1032 = arith.constant 7 : i32
      %add3A_1033 = arith.addi %mul3A_537, %add3A_1032 : i32
      %dma_wait3A_1034 = arith.constant 7 : i32
      %dma_wait3A_1035 = arith.constant 7 : i32
      %dma_wait3A_1036 = arith.constant 0 : i32
      %dma_wait3A_1037 = arith.constant 0 : i32
      %dma_wait3A_1038 = tpu.memref_slice %arg9[%dma_wait3A_1034, %dma_wait3A_1036, %dma_wait3A_1037] : memref<8x64x64xf32, #tpu.memory_space<vmem>> -> memref<1x64x64xf32, #tpu.memory_space<vmem>>
      %dma_wait3A_1039 = tpu.memref_squeeze %dma_wait3A_1038 : memref<1x64x64xf32, #tpu.memory_space<vmem>> -> memref<64x64xf32, #tpu.memory_space<vmem>>
      %dma_wait3A_1040 = arith.constant 0 : i32
      %dma_wait3A_1041 = tpu.memref_slice %arg8[%add3A_1033, %dma_wait3A_1040] : memref<304x64xi32, #tpu.memory_space<vmem>> -> memref<1x64xi32, #tpu.memory_space<vmem>>
      %dma_wait3A_1042 = tpu.memref_squeeze %dma_wait3A_1041 : memref<1x64xi32, #tpu.memory_space<vmem>> -> memref<64xi32, #tpu.memory_space<vmem>>
      %dma_wait3A_1043 = arith.constant 0 : i32
      %dma_wait3A_1044 = arith.constant 0 : i32
      %dma_wait3A_1045 = tpu.memref_slice %arg10[%dma_wait3A_1043, %dma_wait3A_1044] : memref<10240x64xf32, #tpu.memory_space<vmem_shared>> -> memref<10240x64xf32, #tpu.memory_space<vmem_shared>>
      %dma_wait3A_1046 = tpu.memref_slice %arg12[%dma_wait3A_1035] : memref<8x!tpu.dma_semaphore, #tpu.memory_space<semaphore_mem>> -> memref<1x!tpu.dma_semaphore, #tpu.memory_space<semaphore_mem>>
      %dma_wait3A_1047 = tpu.memref_squeeze %dma_wait3A_1046 : memref<1x!tpu.dma_semaphore, #tpu.memory_space<semaphore_mem>> -> memref<!tpu.dma_semaphore, #tpu.memory_space<semaphore_mem>>
      tpu.wait_indirect_dma semaphore(%dma_wait3A_1047 : memref<!tpu.dma_semaphore, #tpu.memory_space<semaphore_mem>>) src(%dma_wait3A_1039 : memref<64x64xf32, #tpu.memory_space<vmem>>) dst(%dma_wait3A_1045 : memref<10240x64xf32, #tpu.memory_space<vmem_shared>>)
      %add3A_1048 = arith.constant 8 : i32
      %add3A_1049 = arith.addi %mul3A_537, %add3A_1048 : i32
      %add3A_1050 = arith.constant 7 : i32
      %add3A_1051 = arith.addi %add3A_1049, %add3A_1050 : i32
      %dma_start3A_1052 = arith.constant 7 : i32
      %dma_start3A_1053 = arith.constant 7 : i32
      %dma_start3A_1054 = arith.constant 0 : i32
      %dma_start3A_1055 = arith.constant 0 : i32
      %dma_start3A_1056 = tpu.memref_slice %arg9[%dma_start3A_1052, %dma_start3A_1054, %dma_start3A_1055] : memref<8x64x64xf32, #tpu.memory_space<vmem>> -> memref<1x64x64xf32, #tpu.memory_space<vmem>>
      %dma_start3A_1057 = tpu.memref_squeeze %dma_start3A_1056 : memref<1x64x64xf32, #tpu.memory_space<vmem>> -> memref<64x64xf32, #tpu.memory_space<vmem>>
      %dma_start3A_1058 = arith.constant 0 : i32
      %dma_start3A_1059 = tpu.memref_slice %arg7[%add3A_1051, %dma_start3A_1058] : memref<304x64xi32, #tpu.memory_space<vmem>> -> memref<1x64xi32, #tpu.memory_space<vmem>>
      %dma_start3A_1060 = tpu.memref_squeeze %dma_start3A_1059 : memref<1x64xi32, #tpu.memory_space<vmem>> -> memref<64xi32, #tpu.memory_space<vmem>>
      %dma_start3A_1061 = arith.constant 0 : i32
      %dma_start3A_1062 = arith.constant 0 : i32
      %dma_start3A_1063 = tpu.memref_slice %arg2[%dma_start3A_1061, %dma_start3A_1062] : memref<10240x64xf32, #tpu.memory_space<hbm>> -> memref<10240x64xf32, #tpu.memory_space<hbm>>
      %dma_start3A_1064 = tpu.memref_slice %arg11[%dma_start3A_1053] : memref<8x!tpu.dma_semaphore, #tpu.memory_space<semaphore_mem>> -> memref<1x!tpu.dma_semaphore, #tpu.memory_space<semaphore_mem>>
      %dma_start3A_1065 = tpu.memref_squeeze %dma_start3A_1064 : memref<1x!tpu.dma_semaphore, #tpu.memory_space<semaphore_mem>> -> memref<!tpu.dma_semaphore, #tpu.memory_space<semaphore_mem>>
      tpu.enqueue_indirect_dma source(%dma_start3A_1063 : memref<10240x64xf32, #tpu.memory_space<hbm>>) target(%dma_start3A_1057 : memref<64x64xf32, #tpu.memory_space<vmem>>) offsets(%dma_start3A_1060 : memref<64xi32, #tpu.memory_space<vmem>>) semaphore(%dma_start3A_1065 : memref<!tpu.dma_semaphore, #tpu.memory_space<semaphore_mem>>)
    }
    %while3A_146 = arith.constant 1 : i32
    scf.for %while3A_535 = %while3A_144 to %while3A_140 step %while3A_146  : i32 {
      %mul3A_536 = arith.constant 8 : i32
      %mul3A_537 = arith.muli %while3A_535, %mul3A_536 : i32
      %add3A_538 = arith.constant 0 : i32
      %add3A_539 = arith.addi %mul3A_537, %add3A_538 : i32
      %dma_wait3A_540 = arith.constant 0 : i32
      %dma_wait3A_541 = arith.constant 0 : i32
      %dma_wait3A_542 = arith.constant 0 : i32
      %dma_wait3A_543 = arith.constant 0 : i32
      %dma_wait3A_544 = tpu.memref_slice %arg9[%dma_wait3A_540, %dma_wait3A_542, %dma_wait3A_543] : memref<8x64x64xf32, #tpu.memory_space<vmem>> -> memref<1x64x64xf32, #tpu.memory_space<vmem>>
      %dma_wait3A_545 = tpu.memref_squeeze %dma_wait3A_544 : memref<1x64x64xf32, #tpu.memory_space<vmem>> -> memref<64x64xf32, #tpu.memory_space<vmem>>
      %dma_wait3A_546 = arith.constant 0 : i32
      %dma_wait3A_547 = tpu.memref_slice %arg7[%add3A_539, %dma_wait3A_546] : memref<304x64xi32, #tpu.memory_space<vmem>> -> memref<1x64xi32, #tpu.memory_space<vmem>>
      %dma_wait3A_548 = tpu.memref_squeeze %dma_wait3A_547 : memref<1x64xi32, #tpu.memory_space<vmem>> -> memref<64xi32, #tpu.memory_space<vmem>>
      %dma_wait3A_549 = arith.constant 0 : i32
      %dma_wait3A_550 = arith.constant 0 : i32
      %dma_wait3A_551 = tpu.memref_slice %arg2[%dma_wait3A_549, %dma_wait3A_550] : memref<10240x64xf32, #tpu.memory_space<hbm>> -> memref<10240x64xf32, #tpu.memory_space<hbm>>
      %dma_wait3A_552 = tpu.memref_slice %arg11[%dma_wait3A_541] : memref<8x!tpu.dma_semaphore, #tpu.memory_space<semaphore_mem>> -> memref<1x!tpu.dma_semaphore, #tpu.memory_space<semaphore_mem>>
      %dma_wait3A_553 = tpu.memref_squeeze %dma_wait3A_552 : memref<1x!tpu.dma_semaphore, #tpu.memory_space<semaphore_mem>> -> memref<!tpu.dma_semaphore, #tpu.memory_space<semaphore_mem>>
      tpu.wait_indirect_dma semaphore(%dma_wait3A_553 : memref<!tpu.dma_semaphore, #tpu.memory_space<semaphore_mem>>) src(%dma_wait3A_551 : memref<10240x64xf32, #tpu.memory_space<hbm>>) dst(%dma_wait3A_545 : memref<64x64xf32, #tpu.memory_space<vmem>>)
      %add3A_554 = arith.constant 0 : i32
      %add3A_555 = arith.addi %mul3A_537, %add3A_554 : i32
      %dma_start3A_556 = arith.constant 0 : i32
      %dma_start3A_557 = arith.constant 0 : i32
      %dma_start3A_558 = arith.constant 0 : i32
      %dma_start3A_559 = arith.constant 0 : i32
      %dma_start3A_560 = tpu.memref_slice %arg9[%dma_start3A_556, %dma_start3A_558, %dma_start3A_559] : memref<8x64x64xf32, #tpu.memory_space<vmem>> -> memref<1x64x64xf32, #tpu.memory_space<vmem>>
      %dma_start3A_561 = tpu.memref_squeeze %dma_start3A_560 : memref<1x64x64xf32, #tpu.memory_space<vmem>> -> memref<64x64xf32, #tpu.memory_space<vmem>>
      %dma_start3A_562 = arith.constant 0 : i32
      %dma_start3A_563 = tpu.memref_slice %arg8[%add3A_555, %dma_start3A_562] : memref<304x64xi32, #tpu.memory_space<vmem>> -> memref<1x64xi32, #tpu.memory_space<vmem>>
      %dma_start3A_564 = tpu.memref_squeeze %dma_start3A_563 : memref<1x64xi32, #tpu.memory_space<vmem>> -> memref<64xi32, #tpu.memory_space<vmem>>
      %dma_start3A_565 = arith.constant 0 : i32
      %dma_start3A_566 = arith.constant 0 : i32
      %dma_start3A_567 = tpu.memref_slice %arg10[%dma_start3A_565, %dma_start3A_566] : memref<10240x64xf32, #tpu.memory_space<vmem_shared>> -> memref<10240x64xf32, #tpu.memory_space<vmem_shared>>
      %dma_start3A_568 = tpu.memref_slice %arg12[%dma_start3A_557] : memref<8x!tpu.dma_semaphore, #tpu.memory_space<semaphore_mem>> -> memref<1x!tpu.dma_semaphore, #tpu.memory_space<semaphore_mem>>
      %dma_start3A_569 = tpu.memref_squeeze %dma_start3A_568 : memref<1x!tpu.dma_semaphore, #tpu.memory_space<semaphore_mem>> -> memref<!tpu.dma_semaphore, #tpu.memory_space<semaphore_mem>>
      tpu.enqueue_indirect_dma source(%dma_start3A_561 : memref<64x64xf32, #tpu.memory_space<vmem>>) target(%dma_start3A_567 : memref<10240x64xf32, #tpu.memory_space<vmem_shared>>) offsets(%dma_start3A_564 : memref<64xi32, #tpu.memory_space<vmem>>) semaphore(%dma_start3A_569 : memref<!tpu.dma_semaphore, #tpu.memory_space<semaphore_mem>>) {add = true}
      %add3A_570 = arith.constant 1 : i32
      %add3A_571 = arith.addi %mul3A_537, %add3A_570 : i32
      %dma_wait3A_572 = arith.constant 1 : i32
      %dma_wait3A_573 = arith.constant 1 : i32
      %dma_wait3A_574 = arith.constant 0 : i32
      %dma_wait3A_575 = arith.constant 0 : i32
      %dma_wait3A_576 = tpu.memref_slice %arg9[%dma_wait3A_572, %dma_wait3A_574, %dma_wait3A_575] : memref<8x64x64xf32, #tpu.memory_space<vmem>> -> memref<1x64x64xf32, #tpu.memory_space<vmem>>
      %dma_wait3A_577 = tpu.memref_squeeze %dma_wait3A_576 : memref<1x64x64xf32, #tpu.memory_space<vmem>> -> memref<64x64xf32, #tpu.memory_space<vmem>>
      %dma_wait3A_578 = arith.constant 0 : i32
      %dma_wait3A_579 = tpu.memref_slice %arg7[%add3A_571, %dma_wait3A_578] : memref<304x64xi32, #tpu.memory_space<vmem>> -> memref<1x64xi32, #tpu.memory_space<vmem>>
      %dma_wait3A_580 = tpu.memref_squeeze %dma_wait3A_579 : memref<1x64xi32, #tpu.memory_space<vmem>> -> memref<64xi32, #tpu.memory_space<vmem>>
      %dma_wait3A_581 = arith.constant 0 : i32
      %dma_wait3A_582 = arith.constant 0 : i32
      %dma_wait3A_583 = tpu.memref_slice %arg2[%dma_wait3A_581, %dma_wait3A_582] : memref<10240x64xf32, #tpu.memory_space<hbm>> -> memref<10240x64xf32, #tpu.memory_space<hbm>>
      %dma_wait3A_584 = tpu.memref_slice %arg11[%dma_wait3A_573] : memref<8x!tpu.dma_semaphore, #tpu.memory_space<semaphore_mem>> -> memref<1x!tpu.dma_semaphore, #tpu.memory_space<semaphore_mem>>
      %dma_wait3A_585 = tpu.memref_squeeze %dma_wait3A_584 : memref<1x!tpu.dma_semaphore, #tpu.memory_space<semaphore_mem>> -> memref<!tpu.dma_semaphore, #tpu.memory_space<semaphore_mem>>
      tpu.wait_indirect_dma semaphore(%dma_wait3A_585 : memref<!tpu.dma_semaphore, #tpu.memory_space<semaphore_mem>>) src(%dma_wait3A_583 : memref<10240x64xf32, #tpu.memory_space<hbm>>) dst(%dma_wait3A_577 : memref<64x64xf32, #tpu.memory_space<vmem>>)
      %add3A_586 = arith.constant 1 : i32
      %add3A_587 = arith.addi %mul3A_537, %add3A_586 : i32
      %dma_start3A_588 = arith.constant 1 : i32
      %dma_start3A_589 = arith.constant 1 : i32
      %dma_start3A_590 = arith.constant 0 : i32
      %dma_start3A_591 = arith.constant 0 : i32
      %dma_start3A_592 = tpu.memref_slice %arg9[%dma_start3A_588, %dma_start3A_590, %dma_start3A_591] : memref<8x64x64xf32, #tpu.memory_space<vmem>> -> memref<1x64x64xf32, #tpu.memory_space<vmem>>
      %dma_start3A_593 = tpu.memref_squeeze %dma_start3A_592 : memref<1x64x64xf32, #tpu.memory_space<vmem>> -> memref<64x64xf32, #tpu.memory_space<vmem>>
      %dma_start3A_594 = arith.constant 0 : i32
      %dma_start3A_595 = tpu.memref_slice %arg8[%add3A_587, %dma_start3A_594] : memref<304x64xi32, #tpu.memory_space<vmem>> -> memref<1x64xi32, #tpu.memory_space<vmem>>
      %dma_start3A_596 = tpu.memref_squeeze %dma_start3A_595 : memref<1x64xi32, #tpu.memory_space<vmem>> -> memref<64xi32, #tpu.memory_space<vmem>>
      %dma_start3A_597 = arith.constant 0 : i32
      %dma_start3A_598 = arith.constant 0 : i32
      %dma_start3A_599 = tpu.memref_slice %arg10[%dma_start3A_597, %dma_start3A_598] : memref<10240x64xf32, #tpu.memory_space<vmem_shared>> -> memref<10240x64xf32, #tpu.memory_space<vmem_shared>>
      %dma_start3A_600 = tpu.memref_slice %arg12[%dma_start3A_589] : memref<8x!tpu.dma_semaphore, #tpu.memory_space<semaphore_mem>> -> memref<1x!tpu.dma_semaphore, #tpu.memory_space<semaphore_mem>>
      %dma_start3A_601 = tpu.memref_squeeze %dma_start3A_600 : memref<1x!tpu.dma_semaphore, #tpu.memory_space<semaphore_mem>> -> memref<!tpu.dma_semaphore, #tpu.memory_space<semaphore_mem>>
      tpu.enqueue_indirect_dma source(%dma_start3A_593 : memref<64x64xf32, #tpu.memory_space<vmem>>) target(%dma_start3A_599 : memref<10240x64xf32, #tpu.memory_space<vmem_shared>>) offsets(%dma_start3A_596 : memref<64xi32, #tpu.memory_space<vmem>>) semaphore(%dma_start3A_601 : memref<!tpu.dma_semaphore, #tpu.memory_space<semaphore_mem>>) {add = true}
      %add3A_602 = arith.constant 2 : i32
      %add3A_603 = arith.addi %mul3A_537, %add3A_602 : i32
      %dma_wait3A_604 = arith.constant 2 : i32
      %dma_wait3A_605 = arith.constant 2 : i32
      %dma_wait3A_606 = arith.constant 0 : i32
      %dma_wait3A_607 = arith.constant 0 : i32
      %dma_wait3A_608 = tpu.memref_slice %arg9[%dma_wait3A_604, %dma_wait3A_606, %dma_wait3A_607] : memref<8x64x64xf32, #tpu.memory_space<vmem>> -> memref<1x64x64xf32, #tpu.memory_space<vmem>>
      %dma_wait3A_609 = tpu.memref_squeeze %dma_wait3A_608 : memref<1x64x64xf32, #tpu.memory_space<vmem>> -> memref<64x64xf32, #tpu.memory_space<vmem>>
      %dma_wait3A_610 = arith.constant 0 : i32
      %dma_wait3A_611 = tpu.memref_slice %arg7[%add3A_603, %dma_wait3A_610] : memref<304x64xi32, #tpu.memory_space<vmem>> -> memref<1x64xi32, #tpu.memory_space<vmem>>
      %dma_wait3A_612 = tpu.memref_squeeze %dma_wait3A_611 : memref<1x64xi32, #tpu.memory_space<vmem>> -> memref<64xi32, #tpu.memory_space<vmem>>
      %dma_wait3A_613 = arith.constant 0 : i32
      %dma_wait3A_614 = arith.constant 0 : i32
      %dma_wait3A_615 = tpu.memref_slice %arg2[%dma_wait3A_613, %dma_wait3A_614] : memref<10240x64xf32, #tpu.memory_space<hbm>> -> memref<10240x64xf32, #tpu.memory_space<hbm>>
      %dma_wait3A_616 = tpu.memref_slice %arg11[%dma_wait3A_605] : memref<8x!tpu.dma_semaphore, #tpu.memory_space<semaphore_mem>> -> memref<1x!tpu.dma_semaphore, #tpu.memory_space<semaphore_mem>>
      %dma_wait3A_617 = tpu.memref_squeeze %dma_wait3A_616 : memref<1x!tpu.dma_semaphore, #tpu.memory_space<semaphore_mem>> -> memref<!tpu.dma_semaphore, #tpu.memory_space<semaphore_mem>>
      tpu.wait_indirect_dma semaphore(%dma_wait3A_617 : memref<!tpu.dma_semaphore, #tpu.memory_space<semaphore_mem>>) src(%dma_wait3A_615 : memref<10240x64xf32, #tpu.memory_space<hbm>>) dst(%dma_wait3A_609 : memref<64x64xf32, #tpu.memory_space<vmem>>)
      %add3A_618 = arith.constant 2 : i32
      %add3A_619 = arith.addi %mul3A_537, %add3A_618 : i32
      %dma_start3A_620 = arith.constant 2 : i32
      %dma_start3A_621 = arith.constant 2 : i32
      %dma_start3A_622 = arith.constant 0 : i32
      %dma_start3A_623 = arith.constant 0 : i32
      %dma_start3A_624 = tpu.memref_slice %arg9[%dma_start3A_620, %dma_start3A_622, %dma_start3A_623] : memref<8x64x64xf32, #tpu.memory_space<vmem>> -> memref<1x64x64xf32, #tpu.memory_space<vmem>>
      %dma_start3A_625 = tpu.memref_squeeze %dma_start3A_624 : memref<1x64x64xf32, #tpu.memory_space<vmem>> -> memref<64x64xf32, #tpu.memory_space<vmem>>
      %dma_start3A_626 = arith.constant 0 : i32
      %dma_start3A_627 = tpu.memref_slice %arg8[%add3A_619, %dma_start3A_626] : memref<304x64xi32, #tpu.memory_space<vmem>> -> memref<1x64xi32, #tpu.memory_space<vmem>>
      %dma_start3A_628 = tpu.memref_squeeze %dma_start3A_627 : memref<1x64xi32, #tpu.memory_space<vmem>> -> memref<64xi32, #tpu.memory_space<vmem>>
      %dma_start3A_629 = arith.constant 0 : i32
      %dma_start3A_630 = arith.constant 0 : i32
      %dma_start3A_631 = tpu.memref_slice %arg10[%dma_start3A_629, %dma_start3A_630] : memref<10240x64xf32, #tpu.memory_space<vmem_shared>> -> memref<10240x64xf32, #tpu.memory_space<vmem_shared>>
      %dma_start3A_632 = tpu.memref_slice %arg12[%dma_start3A_621] : memref<8x!tpu.dma_semaphore, #tpu.memory_space<semaphore_mem>> -> memref<1x!tpu.dma_semaphore, #tpu.memory_space<semaphore_mem>>
      %dma_start3A_633 = tpu.memref_squeeze %dma_start3A_632 : memref<1x!tpu.dma_semaphore, #tpu.memory_space<semaphore_mem>> -> memref<!tpu.dma_semaphore, #tpu.memory_space<semaphore_mem>>
      tpu.enqueue_indirect_dma source(%dma_start3A_625 : memref<64x64xf32, #tpu.memory_space<vmem>>) target(%dma_start3A_631 : memref<10240x64xf32, #tpu.memory_space<vmem_shared>>) offsets(%dma_start3A_628 : memref<64xi32, #tpu.memory_space<vmem>>) semaphore(%dma_start3A_633 : memref<!tpu.dma_semaphore, #tpu.memory_space<semaphore_mem>>) {add = true}
      %add3A_634 = arith.constant 3 : i32
      %add3A_635 = arith.addi %mul3A_537, %add3A_634 : i32
      %dma_wait3A_636 = arith.constant 3 : i32
      %dma_wait3A_637 = arith.constant 3 : i32
      %dma_wait3A_638 = arith.constant 0 : i32
      %dma_wait3A_639 = arith.constant 0 : i32
      %dma_wait3A_640 = tpu.memref_slice %arg9[%dma_wait3A_636, %dma_wait3A_638, %dma_wait3A_639] : memref<8x64x64xf32, #tpu.memory_space<vmem>> -> memref<1x64x64xf32, #tpu.memory_space<vmem>>
      %dma_wait3A_641 = tpu.memref_squeeze %dma_wait3A_640 : memref<1x64x64xf32, #tpu.memory_space<vmem>> -> memref<64x64xf32, #tpu.memory_space<vmem>>
      %dma_wait3A_642 = arith.constant 0 : i32
      %dma_wait3A_643 = tpu.memref_slice %arg7[%add3A_635, %dma_wait3A_642] : memref<304x64xi32, #tpu.memory_space<vmem>> -> memref<1x64xi32, #tpu.memory_space<vmem>>
      %dma_wait3A_644 = tpu.memref_squeeze %dma_wait3A_643 : memref<1x64xi32, #tpu.memory_space<vmem>> -> memref<64xi32, #tpu.memory_space<vmem>>
      %dma_wait3A_645 = arith.constant 0 : i32
      %dma_wait3A_646 = arith.constant 0 : i32
      %dma_wait3A_647 = tpu.memref_slice %arg2[%dma_wait3A_645, %dma_wait3A_646] : memref<10240x64xf32, #tpu.memory_space<hbm>> -> memref<10240x64xf32, #tpu.memory_space<hbm>>
      %dma_wait3A_648 = tpu.memref_slice %arg11[%dma_wait3A_637] : memref<8x!tpu.dma_semaphore, #tpu.memory_space<semaphore_mem>> -> memref<1x!tpu.dma_semaphore, #tpu.memory_space<semaphore_mem>>
      %dma_wait3A_649 = tpu.memref_squeeze %dma_wait3A_648 : memref<1x!tpu.dma_semaphore, #tpu.memory_space<semaphore_mem>> -> memref<!tpu.dma_semaphore, #tpu.memory_space<semaphore_mem>>
      tpu.wait_indirect_dma semaphore(%dma_wait3A_649 : memref<!tpu.dma_semaphore, #tpu.memory_space<semaphore_mem>>) src(%dma_wait3A_647 : memref<10240x64xf32, #tpu.memory_space<hbm>>) dst(%dma_wait3A_641 : memref<64x64xf32, #tpu.memory_space<vmem>>)
      %add3A_650 = arith.constant 3 : i32
      %add3A_651 = arith.addi %mul3A_537, %add3A_650 : i32
      %dma_start3A_652 = arith.constant 3 : i32
      %dma_start3A_653 = arith.constant 3 : i32
      %dma_start3A_654 = arith.constant 0 : i32
      %dma_start3A_655 = arith.constant 0 : i32
      %dma_start3A_656 = tpu.memref_slice %arg9[%dma_start3A_652, %dma_start3A_654, %dma_start3A_655] : memref<8x64x64xf32, #tpu.memory_space<vmem>> -> memref<1x64x64xf32, #tpu.memory_space<vmem>>
      %dma_start3A_657 = tpu.memref_squeeze %dma_start3A_656 : memref<1x64x64xf32, #tpu.memory_space<vmem>> -> memref<64x64xf32, #tpu.memory_space<vmem>>
      %dma_start3A_658 = arith.constant 0 : i32
      %dma_start3A_659 = tpu.memref_slice %arg8[%add3A_651, %dma_start3A_658] : memref<304x64xi32, #tpu.memory_space<vmem>> -> memref<1x64xi32, #tpu.memory_space<vmem>>
      %dma_start3A_660 = tpu.memref_squeeze %dma_start3A_659 : memref<1x64xi32, #tpu.memory_space<vmem>> -> memref<64xi32, #tpu.memory_space<vmem>>
      %dma_start3A_661 = arith.constant 0 : i32
      %dma_start3A_662 = arith.constant 0 : i32
      %dma_start3A_663 = tpu.memref_slice %arg10[%dma_start3A_661, %dma_start3A_662] : memref<10240x64xf32, #tpu.memory_space<vmem_shared>> -> memref<10240x64xf32, #tpu.memory_space<vmem_shared>>
      %dma_start3A_664 = tpu.memref_slice %arg12[%dma_start3A_653] : memref<8x!tpu.dma_semaphore, #tpu.memory_space<semaphore_mem>> -> memref<1x!tpu.dma_semaphore, #tpu.memory_space<semaphore_mem>>
      %dma_start3A_665 = tpu.memref_squeeze %dma_start3A_664 : memref<1x!tpu.dma_semaphore, #tpu.memory_space<semaphore_mem>> -> memref<!tpu.dma_semaphore, #tpu.memory_space<semaphore_mem>>
      tpu.enqueue_indirect_dma source(%dma_start3A_657 : memref<64x64xf32, #tpu.memory_space<vmem>>) target(%dma_start3A_663 : memref<10240x64xf32, #tpu.memory_space<vmem_shared>>) offsets(%dma_start3A_660 : memref<64xi32, #tpu.memory_space<vmem>>) semaphore(%dma_start3A_665 : memref<!tpu.dma_semaphore, #tpu.memory_space<semaphore_mem>>) {add = true}
      %add3A_666 = arith.constant 4 : i32
      %add3A_667 = arith.addi %mul3A_537, %add3A_666 : i32
      %dma_wait3A_668 = arith.constant 4 : i32
      %dma_wait3A_669 = arith.constant 4 : i32
      %dma_wait3A_670 = arith.constant 0 : i32
      %dma_wait3A_671 = arith.constant 0 : i32
      %dma_wait3A_672 = tpu.memref_slice %arg9[%dma_wait3A_668, %dma_wait3A_670, %dma_wait3A_671] : memref<8x64x64xf32, #tpu.memory_space<vmem>> -> memref<1x64x64xf32, #tpu.memory_space<vmem>>
      %dma_wait3A_673 = tpu.memref_squeeze %dma_wait3A_672 : memref<1x64x64xf32, #tpu.memory_space<vmem>> -> memref<64x64xf32, #tpu.memory_space<vmem>>
      %dma_wait3A_674 = arith.constant 0 : i32
      %dma_wait3A_675 = tpu.memref_slice %arg7[%add3A_667, %dma_wait3A_674] : memref<304x64xi32, #tpu.memory_space<vmem>> -> memref<1x64xi32, #tpu.memory_space<vmem>>
      %dma_wait3A_676 = tpu.memref_squeeze %dma_wait3A_675 : memref<1x64xi32, #tpu.memory_space<vmem>> -> memref<64xi32, #tpu.memory_space<vmem>>
      %dma_wait3A_677 = arith.constant 0 : i32
      %dma_wait3A_678 = arith.constant 0 : i32
      %dma_wait3A_679 = tpu.memref_slice %arg2[%dma_wait3A_677, %dma_wait3A_678] : memref<10240x64xf32, #tpu.memory_space<hbm>> -> memref<10240x64xf32, #tpu.memory_space<hbm>>
      %dma_wait3A_680 = tpu.memref_slice %arg11[%dma_wait3A_669] : memref<8x!tpu.dma_semaphore, #tpu.memory_space<semaphore_mem>> -> memref<1x!tpu.dma_semaphore, #tpu.memory_space<semaphore_mem>>
      %dma_wait3A_681 = tpu.memref_squeeze %dma_wait3A_680 : memref<1x!tpu.dma_semaphore, #tpu.memory_space<semaphore_mem>> -> memref<!tpu.dma_semaphore, #tpu.memory_space<semaphore_mem>>
      tpu.wait_indirect_dma semaphore(%dma_wait3A_681 : memref<!tpu.dma_semaphore, #tpu.memory_space<semaphore_mem>>) src(%dma_wait3A_679 : memref<10240x64xf32, #tpu.memory_space<hbm>>) dst(%dma_wait3A_673 : memref<64x64xf32, #tpu.memory_space<vmem>>)
      %add3A_682 = arith.constant 4 : i32
      %add3A_683 = arith.addi %mul3A_537, %add3A_682 : i32
      %dma_start3A_684 = arith.constant 4 : i32
      %dma_start3A_685 = arith.constant 4 : i32
      %dma_start3A_686 = arith.constant 0 : i32
      %dma_start3A_687 = arith.constant 0 : i32
      %dma_start3A_688 = tpu.memref_slice %arg9[%dma_start3A_684, %dma_start3A_686, %dma_start3A_687] : memref<8x64x64xf32, #tpu.memory_space<vmem>> -> memref<1x64x64xf32, #tpu.memory_space<vmem>>
      %dma_start3A_689 = tpu.memref_squeeze %dma_start3A_688 : memref<1x64x64xf32, #tpu.memory_space<vmem>> -> memref<64x64xf32, #tpu.memory_space<vmem>>
      %dma_start3A_690 = arith.constant 0 : i32
      %dma_start3A_691 = tpu.memref_slice %arg8[%add3A_683, %dma_start3A_690] : memref<304x64xi32, #tpu.memory_space<vmem>> -> memref<1x64xi32, #tpu.memory_space<vmem>>
      %dma_start3A_692 = tpu.memref_squeeze %dma_start3A_691 : memref<1x64xi32, #tpu.memory_space<vmem>> -> memref<64xi32, #tpu.memory_space<vmem>>
      %dma_start3A_693 = arith.constant 0 : i32
      %dma_start3A_694 = arith.constant 0 : i32
      %dma_start3A_695 = tpu.memref_slice %arg10[%dma_start3A_693, %dma_start3A_694] : memref<10240x64xf32, #tpu.memory_space<vmem_shared>> -> memref<10240x64xf32, #tpu.memory_space<vmem_shared>>
      %dma_start3A_696 = tpu.memref_slice %arg12[%dma_start3A_685] : memref<8x!tpu.dma_semaphore, #tpu.memory_space<semaphore_mem>> -> memref<1x!tpu.dma_semaphore, #tpu.memory_space<semaphore_mem>>
      %dma_start3A_697 = tpu.memref_squeeze %dma_start3A_696 : memref<1x!tpu.dma_semaphore, #tpu.memory_space<semaphore_mem>> -> memref<!tpu.dma_semaphore, #tpu.memory_space<semaphore_mem>>
      tpu.enqueue_indirect_dma source(%dma_start3A_689 : memref<64x64xf32, #tpu.memory_space<vmem>>) target(%dma_start3A_695 : memref<10240x64xf32, #tpu.memory_space<vmem_shared>>) offsets(%dma_start3A_692 : memref<64xi32, #tpu.memory_space<vmem>>) semaphore(%dma_start3A_697 : memref<!tpu.dma_semaphore, #tpu.memory_space<semaphore_mem>>) {add = true}
      %add3A_698 = arith.constant 5 : i32
      %add3A_699 = arith.addi %mul3A_537, %add3A_698 : i32
      %dma_wait3A_700 = arith.constant 5 : i32
      %dma_wait3A_701 = arith.constant 5 : i32
      %dma_wait3A_702 = arith.constant 0 : i32
      %dma_wait3A_703 = arith.constant 0 : i32
      %dma_wait3A_704 = tpu.memref_slice %arg9[%dma_wait3A_700, %dma_wait3A_702, %dma_wait3A_703] : memref<8x64x64xf32, #tpu.memory_space<vmem>> -> memref<1x64x64xf32, #tpu.memory_space<vmem>>
      %dma_wait3A_705 = tpu.memref_squeeze %dma_wait3A_704 : memref<1x64x64xf32, #tpu.memory_space<vmem>> -> memref<64x64xf32, #tpu.memory_space<vmem>>
      %dma_wait3A_706 = arith.constant 0 : i32
      %dma_wait3A_707 = tpu.memref_slice %arg7[%add3A_699, %dma_wait3A_706] : memref<304x64xi32, #tpu.memory_space<vmem>> -> memref<1x64xi32, #tpu.memory_space<vmem>>
      %dma_wait3A_708 = tpu.memref_squeeze %dma_wait3A_707 : memref<1x64xi32, #tpu.memory_space<vmem>> -> memref<64xi32, #tpu.memory_space<vmem>>
      %dma_wait3A_709 = arith.constant 0 : i32
      %dma_wait3A_710 = arith.constant 0 : i32
      %dma_wait3A_711 = tpu.memref_slice %arg2[%dma_wait3A_709, %dma_wait3A_710] : memref<10240x64xf32, #tpu.memory_space<hbm>> -> memref<10240x64xf32, #tpu.memory_space<hbm>>
      %dma_wait3A_712 = tpu.memref_slice %arg11[%dma_wait3A_701] : memref<8x!tpu.dma_semaphore, #tpu.memory_space<semaphore_mem>> -> memref<1x!tpu.dma_semaphore, #tpu.memory_space<semaphore_mem>>
      %dma_wait3A_713 = tpu.memref_squeeze %dma_wait3A_712 : memref<1x!tpu.dma_semaphore, #tpu.memory_space<semaphore_mem>> -> memref<!tpu.dma_semaphore, #tpu.memory_space<semaphore_mem>>
      tpu.wait_indirect_dma semaphore(%dma_wait3A_713 : memref<!tpu.dma_semaphore, #tpu.memory_space<semaphore_mem>>) src(%dma_wait3A_711 : memref<10240x64xf32, #tpu.memory_space<hbm>>) dst(%dma_wait3A_705 : memref<64x64xf32, #tpu.memory_space<vmem>>)
      %add3A_714 = arith.constant 5 : i32
      %add3A_715 = arith.addi %mul3A_537, %add3A_714 : i32
      %dma_start3A_716 = arith.constant 5 : i32
      %dma_start3A_717 = arith.constant 5 : i32
      %dma_start3A_718 = arith.constant 0 : i32
      %dma_start3A_719 = arith.constant 0 : i32
      %dma_start3A_720 = tpu.memref_slice %arg9[%dma_start3A_716, %dma_start3A_718, %dma_start3A_719] : memref<8x64x64xf32, #tpu.memory_space<vmem>> -> memref<1x64x64xf32, #tpu.memory_space<vmem>>
      %dma_start3A_721 = tpu.memref_squeeze %dma_start3A_720 : memref<1x64x64xf32, #tpu.memory_space<vmem>> -> memref<64x64xf32, #tpu.memory_space<vmem>>
      %dma_start3A_722 = arith.constant 0 : i32
      %dma_start3A_723 = tpu.memref_slice %arg8[%add3A_715, %dma_start3A_722] : memref<304x64xi32, #tpu.memory_space<vmem>> -> memref<1x64xi32, #tpu.memory_space<vmem>>
      %dma_start3A_724 = tpu.memref_squeeze %dma_start3A_723 : memref<1x64xi32, #tpu.memory_space<vmem>> -> memref<64xi32, #tpu.memory_space<vmem>>
      %dma_start3A_725 = arith.constant 0 : i32
      %dma_start3A_726 = arith.constant 0 : i32
      %dma_start3A_727 = tpu.memref_slice %arg10[%dma_start3A_725, %dma_start3A_726] : memref<10240x64xf32, #tpu.memory_space<vmem_shared>> -> memref<10240x64xf32, #tpu.memory_space<vmem_shared>>
      %dma_start3A_728 = tpu.memref_slice %arg12[%dma_start3A_717] : memref<8x!tpu.dma_semaphore, #tpu.memory_space<semaphore_mem>> -> memref<1x!tpu.dma_semaphore, #tpu.memory_space<semaphore_mem>>
      %dma_start3A_729 = tpu.memref_squeeze %dma_start3A_728 : memref<1x!tpu.dma_semaphore, #tpu.memory_space<semaphore_mem>> -> memref<!tpu.dma_semaphore, #tpu.memory_space<semaphore_mem>>
      tpu.enqueue_indirect_dma source(%dma_start3A_721 : memref<64x64xf32, #tpu.memory_space<vmem>>) target(%dma_start3A_727 : memref<10240x64xf32, #tpu.memory_space<vmem_shared>>) offsets(%dma_start3A_724 : memref<64xi32, #tpu.memory_space<vmem>>) semaphore(%dma_start3A_729 : memref<!tpu.dma_semaphore, #tpu.memory_space<semaphore_mem>>) {add = true}
      %add3A_730 = arith.constant 6 : i32
      %add3A_731 = arith.addi %mul3A_537, %add3A_730 : i32
      %dma_wait3A_732 = arith.constant 6 : i32
      %dma_wait3A_733 = arith.constant 6 : i32
      %dma_wait3A_734 = arith.constant 0 : i32
      %dma_wait3A_735 = arith.constant 0 : i32
      %dma_wait3A_736 = tpu.memref_slice %arg9[%dma_wait3A_732, %dma_wait3A_734, %dma_wait3A_735] : memref<8x64x64xf32, #tpu.memory_space<vmem>> -> memref<1x64x64xf32, #tpu.memory_space<vmem>>
      %dma_wait3A_737 = tpu.memref_squeeze %dma_wait3A_736 : memref<1x64x64xf32, #tpu.memory_space<vmem>> -> memref<64x64xf32, #tpu.memory_space<vmem>>
      %dma_wait3A_738 = arith.constant 0 : i32
      %dma_wait3A_739 = tpu.memref_slice %arg7[%add3A_731, %dma_wait3A_738] : memref<304x64xi32, #tpu.memory_space<vmem>> -> memref<1x64xi32, #tpu.memory_space<vmem>>
      %dma_wait3A_740 = tpu.memref_squeeze %dma_wait3A_739 : memref<1x64xi32, #tpu.memory_space<vmem>> -> memref<64xi32, #tpu.memory_space<vmem>>
      %dma_wait3A_741 = arith.constant 0 : i32
      %dma_wait3A_742 = arith.constant 0 : i32
      %dma_wait3A_743 = tpu.memref_slice %arg2[%dma_wait3A_741, %dma_wait3A_742] : memref<10240x64xf32, #tpu.memory_space<hbm>> -> memref<10240x64xf32, #tpu.memory_space<hbm>>
      %dma_wait3A_744 = tpu.memref_slice %arg11[%dma_wait3A_733] : memref<8x!tpu.dma_semaphore, #tpu.memory_space<semaphore_mem>> -> memref<1x!tpu.dma_semaphore, #tpu.memory_space<semaphore_mem>>
      %dma_wait3A_745 = tpu.memref_squeeze %dma_wait3A_744 : memref<1x!tpu.dma_semaphore, #tpu.memory_space<semaphore_mem>> -> memref<!tpu.dma_semaphore, #tpu.memory_space<semaphore_mem>>
      tpu.wait_indirect_dma semaphore(%dma_wait3A_745 : memref<!tpu.dma_semaphore, #tpu.memory_space<semaphore_mem>>) src(%dma_wait3A_743 : memref<10240x64xf32, #tpu.memory_space<hbm>>) dst(%dma_wait3A_737 : memref<64x64xf32, #tpu.memory_space<vmem>>)
      %add3A_746 = arith.constant 6 : i32
      %add3A_747 = arith.addi %mul3A_537, %add3A_746 : i32
      %dma_start3A_748 = arith.constant 6 : i32
      %dma_start3A_749 = arith.constant 6 : i32
      %dma_start3A_750 = arith.constant 0 : i32
      %dma_start3A_751 = arith.constant 0 : i32
      %dma_start3A_752 = tpu.memref_slice %arg9[%dma_start3A_748, %dma_start3A_750, %dma_start3A_751] : memref<8x64x64xf32, #tpu.memory_space<vmem>> -> memref<1x64x64xf32, #tpu.memory_space<vmem>>
      %dma_start3A_753 = tpu.memref_squeeze %dma_start3A_752 : memref<1x64x64xf32, #tpu.memory_space<vmem>> -> memref<64x64xf32, #tpu.memory_space<vmem>>
      %dma_start3A_754 = arith.constant 0 : i32
      %dma_start3A_755 = tpu.memref_slice %arg8[%add3A_747, %dma_start3A_754] : memref<304x64xi32, #tpu.memory_space<vmem>> -> memref<1x64xi32, #tpu.memory_space<vmem>>
      %dma_start3A_756 = tpu.memref_squeeze %dma_start3A_755 : memref<1x64xi32, #tpu.memory_space<vmem>> -> memref<64xi32, #tpu.memory_space<vmem>>
      %dma_start3A_757 = arith.constant 0 : i32
      %dma_start3A_758 = arith.constant 0 : i32
      %dma_start3A_759 = tpu.memref_slice %arg10[%dma_start3A_757, %dma_start3A_758] : memref<10240x64xf32, #tpu.memory_space<vmem_shared>> -> memref<10240x64xf32, #tpu.memory_space<vmem_shared>>
      %dma_start3A_760 = tpu.memref_slice %arg12[%dma_start3A_749] : memref<8x!tpu.dma_semaphore, #tpu.memory_space<semaphore_mem>> -> memref<1x!tpu.dma_semaphore, #tpu.memory_space<semaphore_mem>>
      %dma_start3A_761 = tpu.memref_squeeze %dma_start3A_760 : memref<1x!tpu.dma_semaphore, #tpu.memory_space<semaphore_mem>> -> memref<!tpu.dma_semaphore, #tpu.memory_space<semaphore_mem>>
      tpu.enqueue_indirect_dma source(%dma_start3A_753 : memref<64x64xf32, #tpu.memory_space<vmem>>) target(%dma_start3A_759 : memref<10240x64xf32, #tpu.memory_space<vmem_shared>>) offsets(%dma_start3A_756 : memref<64xi32, #tpu.memory_space<vmem>>) semaphore(%dma_start3A_761 : memref<!tpu.dma_semaphore, #tpu.memory_space<semaphore_mem>>) {add = true}
      %add3A_762 = arith.constant 7 : i32
      %add3A_763 = arith.addi %mul3A_537, %add3A_762 : i32
      %dma_wait3A_764 = arith.constant 7 : i32
      %dma_wait3A_765 = arith.constant 7 : i32
      %dma_wait3A_766 = arith.constant 0 : i32
      %dma_wait3A_767 = arith.constant 0 : i32
      %dma_wait3A_768 = tpu.memref_slice %arg9[%dma_wait3A_764, %dma_wait3A_766, %dma_wait3A_767] : memref<8x64x64xf32, #tpu.memory_space<vmem>> -> memref<1x64x64xf32, #tpu.memory_space<vmem>>
      %dma_wait3A_769 = tpu.memref_squeeze %dma_wait3A_768 : memref<1x64x64xf32, #tpu.memory_space<vmem>> -> memref<64x64xf32, #tpu.memory_space<vmem>>
      %dma_wait3A_770 = arith.constant 0 : i32
      %dma_wait3A_771 = tpu.memref_slice %arg7[%add3A_763, %dma_wait3A_770] : memref<304x64xi32, #tpu.memory_space<vmem>> -> memref<1x64xi32, #tpu.memory_space<vmem>>
      %dma_wait3A_772 = tpu.memref_squeeze %dma_wait3A_771 : memref<1x64xi32, #tpu.memory_space<vmem>> -> memref<64xi32, #tpu.memory_space<vmem>>
      %dma_wait3A_773 = arith.constant 0 : i32
      %dma_wait3A_774 = arith.constant 0 : i32
      %dma_wait3A_775 = tpu.memref_slice %arg2[%dma_wait3A_773, %dma_wait3A_774] : memref<10240x64xf32, #tpu.memory_space<hbm>> -> memref<10240x64xf32, #tpu.memory_space<hbm>>
      %dma_wait3A_776 = tpu.memref_slice %arg11[%dma_wait3A_765] : memref<8x!tpu.dma_semaphore, #tpu.memory_space<semaphore_mem>> -> memref<1x!tpu.dma_semaphore, #tpu.memory_space<semaphore_mem>>
      %dma_wait3A_777 = tpu.memref_squeeze %dma_wait3A_776 : memref<1x!tpu.dma_semaphore, #tpu.memory_space<semaphore_mem>> -> memref<!tpu.dma_semaphore, #tpu.memory_space<semaphore_mem>>
      tpu.wait_indirect_dma semaphore(%dma_wait3A_777 : memref<!tpu.dma_semaphore, #tpu.memory_space<semaphore_mem>>) src(%dma_wait3A_775 : memref<10240x64xf32, #tpu.memory_space<hbm>>) dst(%dma_wait3A_769 : memref<64x64xf32, #tpu.memory_space<vmem>>)
      %add3A_778 = arith.constant 7 : i32
      %add3A_779 = arith.addi %mul3A_537, %add3A_778 : i32
      %dma_start3A_780 = arith.constant 7 : i32
      %dma_start3A_781 = arith.constant 7 : i32
      %dma_start3A_782 = arith.constant 0 : i32
      %dma_start3A_783 = arith.constant 0 : i32
      %dma_start3A_784 = tpu.memref_slice %arg9[%dma_start3A_780, %dma_start3A_782, %dma_start3A_783] : memref<8x64x64xf32, #tpu.memory_space<vmem>> -> memref<1x64x64xf32, #tpu.memory_space<vmem>>
      %dma_start3A_785 = tpu.memref_squeeze %dma_start3A_784 : memref<1x64x64xf32, #tpu.memory_space<vmem>> -> memref<64x64xf32, #tpu.memory_space<vmem>>
      %dma_start3A_786 = arith.constant 0 : i32
      %dma_start3A_787 = tpu.memref_slice %arg8[%add3A_779, %dma_start3A_786] : memref<304x64xi32, #tpu.memory_space<vmem>> -> memref<1x64xi32, #tpu.memory_space<vmem>>
      %dma_start3A_788 = tpu.memref_squeeze %dma_start3A_787 : memref<1x64xi32, #tpu.memory_space<vmem>> -> memref<64xi32, #tpu.memory_space<vmem>>
      %dma_start3A_789 = arith.constant 0 : i32
      %dma_start3A_790 = arith.constant 0 : i32
      %dma_start3A_791 = tpu.memref_slice %arg10[%dma_start3A_789, %dma_start3A_790] : memref<10240x64xf32, #tpu.memory_space<vmem_shared>> -> memref<10240x64xf32, #tpu.memory_space<vmem_shared>>
      %dma_start3A_792 = tpu.memref_slice %arg12[%dma_start3A_781] : memref<8x!tpu.dma_semaphore, #tpu.memory_space<semaphore_mem>> -> memref<1x!tpu.dma_semaphore, #tpu.memory_space<semaphore_mem>>
      %dma_start3A_793 = tpu.memref_squeeze %dma_start3A_792 : memref<1x!tpu.dma_semaphore, #tpu.memory_space<semaphore_mem>> -> memref<!tpu.dma_semaphore, #tpu.memory_space<semaphore_mem>>
      tpu.enqueue_indirect_dma source(%dma_start3A_785 : memref<64x64xf32, #tpu.memory_space<vmem>>) target(%dma_start3A_791 : memref<10240x64xf32, #tpu.memory_space<vmem_shared>>) offsets(%dma_start3A_788 : memref<64xi32, #tpu.memory_space<vmem>>) semaphore(%dma_start3A_793 : memref<!tpu.dma_semaphore, #tpu.memory_space<semaphore_mem>>) {add = true}
      %add3A_794 = arith.constant 0 : i32
      %add3A_795 = arith.addi %mul3A_537, %add3A_794 : i32
      %dma_wait3A_796 = arith.constant 0 : i32
      %dma_wait3A_797 = arith.constant 0 : i32
      %dma_wait3A_798 = arith.constant 0 : i32
      %dma_wait3A_799 = arith.constant 0 : i32
      %dma_wait3A_800 = tpu.memref_slice %arg9[%dma_wait3A_796, %dma_wait3A_798, %dma_wait3A_799] : memref<8x64x64xf32, #tpu.memory_space<vmem>> -> memref<1x64x64xf32, #tpu.memory_space<vmem>>
      %dma_wait3A_801 = tpu.memref_squeeze %dma_wait3A_800 : memref<1x64x64xf32, #tpu.memory_space<vmem>> -> memref<64x64xf32, #tpu.memory_space<vmem>>
      %dma_wait3A_802 = arith.constant 0 : i32
      %dma_wait3A_803 = tpu.memref_slice %arg8[%add3A_795, %dma_wait3A_802] : memref<304x64xi32, #tpu.memory_space<vmem>> -> memref<1x64xi32, #tpu.memory_space<vmem>>
      %dma_wait3A_804 = tpu.memref_squeeze %dma_wait3A_803 : memref<1x64xi32, #tpu.memory_space<vmem>> -> memref<64xi32, #tpu.memory_space<vmem>>
      %dma_wait3A_805 = arith.constant 0 : i32
      %dma_wait3A_806 = arith.constant 0 : i32
      %dma_wait3A_807 = tpu.memref_slice %arg10[%dma_wait3A_805, %dma_wait3A_806] : memref<10240x64xf32, #tpu.memory_space<vmem_shared>> -> memref<10240x64xf32, #tpu.memory_space<vmem_shared>>
      %dma_wait3A_808 = tpu.memref_slice %arg12[%dma_wait3A_797] : memref<8x!tpu.dma_semaphore, #tpu.memory_space<semaphore_mem>> -> memref<1x!tpu.dma_semaphore, #tpu.memory_space<semaphore_mem>>
      %dma_wait3A_809 = tpu.memref_squeeze %dma_wait3A_808 : memref<1x!tpu.dma_semaphore, #tpu.memory_space<semaphore_mem>> -> memref<!tpu.dma_semaphore, #tpu.memory_space<semaphore_mem>>
      tpu.wait_indirect_dma semaphore(%dma_wait3A_809 : memref<!tpu.dma_semaphore, #tpu.memory_space<semaphore_mem>>) src(%dma_wait3A_801 : memref<64x64xf32, #tpu.memory_space<vmem>>) dst(%dma_wait3A_807 : memref<10240x64xf32, #tpu.memory_space<vmem_shared>>)
      %add3A_810 = arith.constant 8 : i32
      %add3A_811 = arith.addi %mul3A_537, %add3A_810 : i32
      %add3A_812 = arith.constant 0 : i32
      %add3A_813 = arith.addi %add3A_811, %add3A_812 : i32
      %dma_start3A_814 = arith.constant 0 : i32
      %dma_start3A_815 = arith.constant 0 : i32
      %dma_start3A_816 = arith.constant 0 : i32
      %dma_start3A_817 = arith.constant 0 : i32
      %dma_start3A_818 = tpu.memref_slice %arg9[%dma_start3A_814, %dma_start3A_816, %dma_start3A_817] : memref<8x64x64xf32, #tpu.memory_space<vmem>> -> memref<1x64x64xf32, #tpu.memory_space<vmem>>
      %dma_start3A_819 = tpu.memref_squeeze %dma_start3A_818 : memref<1x64x64xf32, #tpu.memory_space<vmem>> -> memref<64x64xf32, #tpu.memory_space<vmem>>
      %dma_start3A_820 = arith.constant 0 : i32
      %dma_start3A_821 = tpu.memref_slice %arg7[%add3A_813, %dma_start3A_820] : memref<304x64xi32, #tpu.memory_space<vmem>> -> memref<1x64xi32, #tpu.memory_space<vmem>>
      %dma_start3A_822 = tpu.memref_squeeze %dma_start3A_821 : memref<1x64xi32, #tpu.memory_space<vmem>> -> memref<64xi32, #tpu.memory_space<vmem>>
      %dma_start3A_823 = arith.constant 0 : i32
      %dma_start3A_824 = arith.constant 0 : i32
      %dma_start3A_825 = tpu.memref_slice %arg2[%dma_start3A_823, %dma_start3A_824] : memref<10240x64xf32, #tpu.memory_space<hbm>> -> memref<10240x64xf32, #tpu.memory_space<hbm>>
      %dma_start3A_826 = tpu.memref_slice %arg11[%dma_start3A_815] : memref<8x!tpu.dma_semaphore, #tpu.memory_space<semaphore_mem>> -> memref<1x!tpu.dma_semaphore, #tpu.memory_space<semaphore_mem>>
      %dma_start3A_827 = tpu.memref_squeeze %dma_start3A_826 : memref<1x!tpu.dma_semaphore, #tpu.memory_space<semaphore_mem>> -> memref<!tpu.dma_semaphore, #tpu.memory_space<semaphore_mem>>
      tpu.enqueue_indirect_dma source(%dma_start3A_825 : memref<10240x64xf32, #tpu.memory_space<hbm>>) target(%dma_start3A_819 : memref<64x64xf32, #tpu.memory_space<vmem>>) offsets(%dma_start3A_822 : memref<64xi32, #tpu.memory_space<vmem>>) semaphore(%dma_start3A_827 : memref<!tpu.dma_semaphore, #tpu.memory_space<semaphore_mem>>)
      %add3A_828 = arith.constant 1 : i32
      %add3A_829 = arith.addi %mul3A_537, %add3A_828 : i32
      %dma_wait3A_830 = arith.constant 1 : i32
      %dma_wait3A_831 = arith.constant 1 : i32
      %dma_wait3A_832 = arith.constant 0 : i32
      %dma_wait3A_833 = arith.constant 0 : i32
      %dma_wait3A_834 = tpu.memref_slice %arg9[%dma_wait3A_830, %dma_wait3A_832, %dma_wait3A_833] : memref<8x64x64xf32, #tpu.memory_space<vmem>> -> memref<1x64x64xf32, #tpu.memory_space<vmem>>
      %dma_wait3A_835 = tpu.memref_squeeze %dma_wait3A_834 : memref<1x64x64xf32, #tpu.memory_space<vmem>> -> memref<64x64xf32, #tpu.memory_space<vmem>>
      %dma_wait3A_836 = arith.constant 0 : i32
      %dma_wait3A_837 = tpu.memref_slice %arg8[%add3A_829, %dma_wait3A_836] : memref<304x64xi32, #tpu.memory_space<vmem>> -> memref<1x64xi32, #tpu.memory_space<vmem>>
      %dma_wait3A_838 = tpu.memref_squeeze %dma_wait3A_837 : memref<1x64xi32, #tpu.memory_space<vmem>> -> memref<64xi32, #tpu.memory_space<vmem>>
      %dma_wait3A_839 = arith.constant 0 : i32
      %dma_wait3A_840 = arith.constant 0 : i32
      %dma_wait3A_841 = tpu.memref_slice %arg10[%dma_wait3A_839, %dma_wait3A_840] : memref<10240x64xf32, #tpu.memory_space<vmem_shared>> -> memref<10240x64xf32, #tpu.memory_space<vmem_shared>>
      %dma_wait3A_842 = tpu.memref_slice %arg12[%dma_wait3A_831] : memref<8x!tpu.dma_semaphore, #tpu.memory_space<semaphore_mem>> -> memref<1x!tpu.dma_semaphore, #tpu.memory_space<semaphore_mem>>
      %dma_wait3A_843 = tpu.memref_squeeze %dma_wait3A_842 : memref<1x!tpu.dma_semaphore, #tpu.memory_space<semaphore_mem>> -> memref<!tpu.dma_semaphore, #tpu.memory_space<semaphore_mem>>
      tpu.wait_indirect_dma semaphore(%dma_wait3A_843 : memref<!tpu.dma_semaphore, #tpu.memory_space<semaphore_mem>>) src(%dma_wait3A_835 : memref<64x64xf32, #tpu.memory_space<vmem>>) dst(%dma_wait3A_841 : memref<10240x64xf32, #tpu.memory_space<vmem_shared>>)
      %add3A_844 = arith.constant 8 : i32
      %add3A_845 = arith.addi %mul3A_537, %add3A_844 : i32
      %add3A_846 = arith.constant 1 : i32
      %add3A_847 = arith.addi %add3A_845, %add3A_846 : i32
      %dma_start3A_848 = arith.constant 1 : i32
      %dma_start3A_849 = arith.constant 1 : i32
      %dma_start3A_850 = arith.constant 0 : i32
      %dma_start3A_851 = arith.constant 0 : i32
      %dma_start3A_852 = tpu.memref_slice %arg9[%dma_start3A_848, %dma_start3A_850, %dma_start3A_851] : memref<8x64x64xf32, #tpu.memory_space<vmem>> -> memref<1x64x64xf32, #tpu.memory_space<vmem>>
      %dma_start3A_853 = tpu.memref_squeeze %dma_start3A_852 : memref<1x64x64xf32, #tpu.memory_space<vmem>> -> memref<64x64xf32, #tpu.memory_space<vmem>>
      %dma_start3A_854 = arith.constant 0 : i32
      %dma_start3A_855 = tpu.memref_slice %arg7[%add3A_847, %dma_start3A_854] : memref<304x64xi32, #tpu.memory_space<vmem>> -> memref<1x64xi32, #tpu.memory_space<vmem>>
      %dma_start3A_856 = tpu.memref_squeeze %dma_start3A_855 : memref<1x64xi32, #tpu.memory_space<vmem>> -> memref<64xi32, #tpu.memory_space<vmem>>
      %dma_start3A_857 = arith.constant 0 : i32
      %dma_start3A_858 = arith.constant 0 : i32
      %dma_start3A_859 = tpu.memref_slice %arg2[%dma_start3A_857, %dma_start3A_858] : memref<10240x64xf32, #tpu.memory_space<hbm>> -> memref<10240x64xf32, #tpu.memory_space<hbm>>
      %dma_start3A_860 = tpu.memref_slice %arg11[%dma_start3A_849] : memref<8x!tpu.dma_semaphore, #tpu.memory_space<semaphore_mem>> -> memref<1x!tpu.dma_semaphore, #tpu.memory_space<semaphore_mem>>
      %dma_start3A_861 = tpu.memref_squeeze %dma_start3A_860 : memref<1x!tpu.dma_semaphore, #tpu.memory_space<semaphore_mem>> -> memref<!tpu.dma_semaphore, #tpu.memory_space<semaphore_mem>>
      tpu.enqueue_indirect_dma source(%dma_start3A_859 : memref<10240x64xf32, #tpu.memory_space<hbm>>) target(%dma_start3A_853 : memref<64x64xf32, #tpu.memory_space<vmem>>) offsets(%dma_start3A_856 : memref<64xi32, #tpu.memory_space<vmem>>) semaphore(%dma_start3A_861 : memref<!tpu.dma_semaphore, #tpu.memory_space<semaphore_mem>>)
      %add3A_862 = arith.constant 2 : i32
      %add3A_863 = arith.addi %mul3A_537, %add3A_862 : i32
      %dma_wait3A_864 = arith.constant 2 : i32
      %dma_wait3A_865 = arith.constant 2 : i32
      %dma_wait3A_866 = arith.constant 0 : i32
      %dma_wait3A_867 = arith.constant 0 : i32
      %dma_wait3A_868 = tpu.memref_slice %arg9[%dma_wait3A_864, %dma_wait3A_866, %dma_wait3A_867] : memref<8x64x64xf32, #tpu.memory_space<vmem>> -> memref<1x64x64xf32, #tpu.memory_space<vmem>>
      %dma_wait3A_869 = tpu.memref_squeeze %dma_wait3A_868 : memref<1x64x64xf32, #tpu.memory_space<vmem>> -> memref<64x64xf32, #tpu.memory_space<vmem>>
      %dma_wait3A_870 = arith.constant 0 : i32
      %dma_wait3A_871 = tpu.memref_slice %arg8[%add3A_863, %dma_wait3A_870] : memref<304x64xi32, #tpu.memory_space<vmem>> -> memref<1x64xi32, #tpu.memory_space<vmem>>
      %dma_wait3A_872 = tpu.memref_squeeze %dma_wait3A_871 : memref<1x64xi32, #tpu.memory_space<vmem>> -> memref<64xi32, #tpu.memory_space<vmem>>
      %dma_wait3A_873 = arith.constant 0 : i32
      %dma_wait3A_874 = arith.constant 0 : i32
      %dma_wait3A_875 = tpu.memref_slice %arg10[%dma_wait3A_873, %dma_wait3A_874] : memref<10240x64xf32, #tpu.memory_space<vmem_shared>> -> memref<10240x64xf32, #tpu.memory_space<vmem_shared>>
      %dma_wait3A_876 = tpu.memref_slice %arg12[%dma_wait3A_865] : memref<8x!tpu.dma_semaphore, #tpu.memory_space<semaphore_mem>> -> memref<1x!tpu.dma_semaphore, #tpu.memory_space<semaphore_mem>>
      %dma_wait3A_877 = tpu.memref_squeeze %dma_wait3A_876 : memref<1x!tpu.dma_semaphore, #tpu.memory_space<semaphore_mem>> -> memref<!tpu.dma_semaphore, #tpu.memory_space<semaphore_mem>>
      tpu.wait_indirect_dma semaphore(%dma_wait3A_877 : memref<!tpu.dma_semaphore, #tpu.memory_space<semaphore_mem>>) src(%dma_wait3A_869 : memref<64x64xf32, #tpu.memory_space<vmem>>) dst(%dma_wait3A_875 : memref<10240x64xf32, #tpu.memory_space<vmem_shared>>)
      %add3A_878 = arith.constant 8 : i32
      %add3A_879 = arith.addi %mul3A_537, %add3A_878 : i32
      %add3A_880 = arith.constant 2 : i32
      %add3A_881 = arith.addi %add3A_879, %add3A_880 : i32
      %dma_start3A_882 = arith.constant 2 : i32
      %dma_start3A_883 = arith.constant 2 : i32
      %dma_start3A_884 = arith.constant 0 : i32
      %dma_start3A_885 = arith.constant 0 : i32
      %dma_start3A_886 = tpu.memref_slice %arg9[%dma_start3A_882, %dma_start3A_884, %dma_start3A_885] : memref<8x64x64xf32, #tpu.memory_space<vmem>> -> memref<1x64x64xf32, #tpu.memory_space<vmem>>
      %dma_start3A_887 = tpu.memref_squeeze %dma_start3A_886 : memref<1x64x64xf32, #tpu.memory_space<vmem>> -> memref<64x64xf32, #tpu.memory_space<vmem>>
      %dma_start3A_888 = arith.constant 0 : i32
      %dma_start3A_889 = tpu.memref_slice %arg7[%add3A_881, %dma_start3A_888] : memref<304x64xi32, #tpu.memory_space<vmem>> -> memref<1x64xi32, #tpu.memory_space<vmem>>
      %dma_start3A_890 = tpu.memref_squeeze %dma_start3A_889 : memref<1x64xi32, #tpu.memory_space<vmem>> -> memref<64xi32, #tpu.memory_space<vmem>>
      %dma_start3A_891 = arith.constant 0 : i32
      %dma_start3A_892 = arith.constant 0 : i32
      %dma_start3A_893 = tpu.memref_slice %arg2[%dma_start3A_891, %dma_start3A_892] : memref<10240x64xf32, #tpu.memory_space<hbm>> -> memref<10240x64xf32, #tpu.memory_space<hbm>>
      %dma_start3A_894 = tpu.memref_slice %arg11[%dma_start3A_883] : memref<8x!tpu.dma_semaphore, #tpu.memory_space<semaphore_mem>> -> memref<1x!tpu.dma_semaphore, #tpu.memory_space<semaphore_mem>>
      %dma_start3A_895 = tpu.memref_squeeze %dma_start3A_894 : memref<1x!tpu.dma_semaphore, #tpu.memory_space<semaphore_mem>> -> memref<!tpu.dma_semaphore, #tpu.memory_space<semaphore_mem>>
      tpu.enqueue_indirect_dma source(%dma_start3A_893 : memref<10240x64xf32, #tpu.memory_space<hbm>>) target(%dma_start3A_887 : memref<64x64xf32, #tpu.memory_space<vmem>>) offsets(%dma_start3A_890 : memref<64xi32, #tpu.memory_space<vmem>>) semaphore(%dma_start3A_895 : memref<!tpu.dma_semaphore, #tpu.memory_space<semaphore_mem>>)
      %add3A_896 = arith.constant 3 : i32
      %add3A_897 = arith.addi %mul3A_537, %add3A_896 : i32
      %dma_wait3A_898 = arith.constant 3 : i32
      %dma_wait3A_899 = arith.constant 3 : i32
      %dma_wait3A_900 = arith.constant 0 : i32
      %dma_wait3A_901 = arith.constant 0 : i32
      %dma_wait3A_902 = tpu.memref_slice %arg9[%dma_wait3A_898, %dma_wait3A_900, %dma_wait3A_901] : memref<8x64x64xf32, #tpu.memory_space<vmem>> -> memref<1x64x64xf32, #tpu.memory_space<vmem>>
      %dma_wait3A_903 = tpu.memref_squeeze %dma_wait3A_902 : memref<1x64x64xf32, #tpu.memory_space<vmem>> -> memref<64x64xf32, #tpu.memory_space<vmem>>
      %dma_wait3A_904 = arith.constant 0 : i32
      %dma_wait3A_905 = tpu.memref_slice %arg8[%add3A_897, %dma_wait3A_904] : memref<304x64xi32, #tpu.memory_space<vmem>> -> memref<1x64xi32, #tpu.memory_space<vmem>>
      %dma_wait3A_906 = tpu.memref_squeeze %dma_wait3A_905 : memref<1x64xi32, #tpu.memory_space<vmem>> -> memref<64xi32, #tpu.memory_space<vmem>>
      %dma_wait3A_907 = arith.constant 0 : i32
      %dma_wait3A_908 = arith.constant 0 : i32
      %dma_wait3A_909 = tpu.memref_slice %arg10[%dma_wait3A_907, %dma_wait3A_908] : memref<10240x64xf32, #tpu.memory_space<vmem_shared>> -> memref<10240x64xf32, #tpu.memory_space<vmem_shared>>
      %dma_wait3A_910 = tpu.memref_slice %arg12[%dma_wait3A_899] : memref<8x!tpu.dma_semaphore, #tpu.memory_space<semaphore_mem>> -> memref<1x!tpu.dma_semaphore, #tpu.memory_space<semaphore_mem>>
      %dma_wait3A_911 = tpu.memref_squeeze %dma_wait3A_910 : memref<1x!tpu.dma_semaphore, #tpu.memory_space<semaphore_mem>> -> memref<!tpu.dma_semaphore, #tpu.memory_space<semaphore_mem>>
      tpu.wait_indirect_dma semaphore(%dma_wait3A_911 : memref<!tpu.dma_semaphore, #tpu.memory_space<semaphore_mem>>) src(%dma_wait3A_903 : memref<64x64xf32, #tpu.memory_space<vmem>>) dst(%dma_wait3A_909 : memref<10240x64xf32, #tpu.memory_space<vmem_shared>>)
      %add3A_912 = arith.constant 8 : i32
      %add3A_913 = arith.addi %mul3A_537, %add3A_912 : i32
      %add3A_914 = arith.constant 3 : i32
      %add3A_915 = arith.addi %add3A_913, %add3A_914 : i32
      %dma_start3A_916 = arith.constant 3 : i32
      %dma_start3A_917 = arith.constant 3 : i32
      %dma_start3A_918 = arith.constant 0 : i32
      %dma_start3A_919 = arith.constant 0 : i32
      %dma_start3A_920 = tpu.memref_slice %arg9[%dma_start3A_916, %dma_start3A_918, %dma_start3A_919] : memref<8x64x64xf32, #tpu.memory_space<vmem>> -> memref<1x64x64xf32, #tpu.memory_space<vmem>>
      %dma_start3A_921 = tpu.memref_squeeze %dma_start3A_920 : memref<1x64x64xf32, #tpu.memory_space<vmem>> -> memref<64x64xf32, #tpu.memory_space<vmem>>
      %dma_start3A_922 = arith.constant 0 : i32
      %dma_start3A_923 = tpu.memref_slice %arg7[%add3A_915, %dma_start3A_922] : memref<304x64xi32, #tpu.memory_space<vmem>> -> memref<1x64xi32, #tpu.memory_space<vmem>>
      %dma_start3A_924 = tpu.memref_squeeze %dma_start3A_923 : memref<1x64xi32, #tpu.memory_space<vmem>> -> memref<64xi32, #tpu.memory_space<vmem>>
      %dma_start3A_925 = arith.constant 0 : i32
      %dma_start3A_926 = arith.constant 0 : i32
      %dma_start3A_927 = tpu.memref_slice %arg2[%dma_start3A_925, %dma_start3A_926] : memref<10240x64xf32, #tpu.memory_space<hbm>> -> memref<10240x64xf32, #tpu.memory_space<hbm>>
      %dma_start3A_928 = tpu.memref_slice %arg11[%dma_start3A_917] : memref<8x!tpu.dma_semaphore, #tpu.memory_space<semaphore_mem>> -> memref<1x!tpu.dma_semaphore, #tpu.memory_space<semaphore_mem>>
      %dma_start3A_929 = tpu.memref_squeeze %dma_start3A_928 : memref<1x!tpu.dma_semaphore, #tpu.memory_space<semaphore_mem>> -> memref<!tpu.dma_semaphore, #tpu.memory_space<semaphore_mem>>
      tpu.enqueue_indirect_dma source(%dma_start3A_927 : memref<10240x64xf32, #tpu.memory_space<hbm>>) target(%dma_start3A_921 : memref<64x64xf32, #tpu.memory_space<vmem>>) offsets(%dma_start3A_924 : memref<64xi32, #tpu.memory_space<vmem>>) semaphore(%dma_start3A_929 : memref<!tpu.dma_semaphore, #tpu.memory_space<semaphore_mem>>)
      %add3A_930 = arith.constant 4 : i32
      %add3A_931 = arith.addi %mul3A_537, %add3A_930 : i32
      %dma_wait3A_932 = arith.constant 4 : i32
      %dma_wait3A_933 = arith.constant 4 : i32
      %dma_wait3A_934 = arith.constant 0 : i32
      %dma_wait3A_935 = arith.constant 0 : i32
      %dma_wait3A_936 = tpu.memref_slice %arg9[%dma_wait3A_932, %dma_wait3A_934, %dma_wait3A_935] : memref<8x64x64xf32, #tpu.memory_space<vmem>> -> memref<1x64x64xf32, #tpu.memory_space<vmem>>
      %dma_wait3A_937 = tpu.memref_squeeze %dma_wait3A_936 : memref<1x64x64xf32, #tpu.memory_space<vmem>> -> memref<64x64xf32, #tpu.memory_space<vmem>>
      %dma_wait3A_938 = arith.constant 0 : i32
      %dma_wait3A_939 = tpu.memref_slice %arg8[%add3A_931, %dma_wait3A_938] : memref<304x64xi32, #tpu.memory_space<vmem>> -> memref<1x64xi32, #tpu.memory_space<vmem>>
      %dma_wait3A_940 = tpu.memref_squeeze %dma_wait3A_939 : memref<1x64xi32, #tpu.memory_space<vmem>> -> memref<64xi32, #tpu.memory_space<vmem>>
      %dma_wait3A_941 = arith.constant 0 : i32
      %dma_wait3A_942 = arith.constant 0 : i32
      %dma_wait3A_943 = tpu.memref_slice %arg10[%dma_wait3A_941, %dma_wait3A_942] : memref<10240x64xf32, #tpu.memory_space<vmem_shared>> -> memref<10240x64xf32, #tpu.memory_space<vmem_shared>>
      %dma_wait3A_944 = tpu.memref_slice %arg12[%dma_wait3A_933] : memref<8x!tpu.dma_semaphore, #tpu.memory_space<semaphore_mem>> -> memref<1x!tpu.dma_semaphore, #tpu.memory_space<semaphore_mem>>
      %dma_wait3A_945 = tpu.memref_squeeze %dma_wait3A_944 : memref<1x!tpu.dma_semaphore, #tpu.memory_space<semaphore_mem>> -> memref<!tpu.dma_semaphore, #tpu.memory_space<semaphore_mem>>
      tpu.wait_indirect_dma semaphore(%dma_wait3A_945 : memref<!tpu.dma_semaphore, #tpu.memory_space<semaphore_mem>>) src(%dma_wait3A_937 : memref<64x64xf32, #tpu.memory_space<vmem>>) dst(%dma_wait3A_943 : memref<10240x64xf32, #tpu.memory_space<vmem_shared>>)
      %add3A_946 = arith.constant 8 : i32
      %add3A_947 = arith.addi %mul3A_537, %add3A_946 : i32
      %add3A_948 = arith.constant 4 : i32
      %add3A_949 = arith.addi %add3A_947, %add3A_948 : i32
      %dma_start3A_950 = arith.constant 4 : i32
      %dma_start3A_951 = arith.constant 4 : i32
      %dma_start3A_952 = arith.constant 0 : i32
      %dma_start3A_953 = arith.constant 0 : i32
      %dma_start3A_954 = tpu.memref_slice %arg9[%dma_start3A_950, %dma_start3A_952, %dma_start3A_953] : memref<8x64x64xf32, #tpu.memory_space<vmem>> -> memref<1x64x64xf32, #tpu.memory_space<vmem>>
      %dma_start3A_955 = tpu.memref_squeeze %dma_start3A_954 : memref<1x64x64xf32, #tpu.memory_space<vmem>> -> memref<64x64xf32, #tpu.memory_space<vmem>>
      %dma_start3A_956 = arith.constant 0 : i32
      %dma_start3A_957 = tpu.memref_slice %arg7[%add3A_949, %dma_start3A_956] : memref<304x64xi32, #tpu.memory_space<vmem>> -> memref<1x64xi32, #tpu.memory_space<vmem>>
      %dma_start3A_958 = tpu.memref_squeeze %dma_start3A_957 : memref<1x64xi32, #tpu.memory_space<vmem>> -> memref<64xi32, #tpu.memory_space<vmem>>
      %dma_start3A_959 = arith.constant 0 : i32
      %dma_start3A_960 = arith.constant 0 : i32
      %dma_start3A_961 = tpu.memref_slice %arg2[%dma_start3A_959, %dma_start3A_960] : memref<10240x64xf32, #tpu.memory_space<hbm>> -> memref<10240x64xf32, #tpu.memory_space<hbm>>
      %dma_start3A_962 = tpu.memref_slice %arg11[%dma_start3A_951] : memref<8x!tpu.dma_semaphore, #tpu.memory_space<semaphore_mem>> -> memref<1x!tpu.dma_semaphore, #tpu.memory_space<semaphore_mem>>
      %dma_start3A_963 = tpu.memref_squeeze %dma_start3A_962 : memref<1x!tpu.dma_semaphore, #tpu.memory_space<semaphore_mem>> -> memref<!tpu.dma_semaphore, #tpu.memory_space<semaphore_mem>>
      tpu.enqueue_indirect_dma source(%dma_start3A_961 : memref<10240x64xf32, #tpu.memory_space<hbm>>) target(%dma_start3A_955 : memref<64x64xf32, #tpu.memory_space<vmem>>) offsets(%dma_start3A_958 : memref<64xi32, #tpu.memory_space<vmem>>) semaphore(%dma_start3A_963 : memref<!tpu.dma_semaphore, #tpu.memory_space<semaphore_mem>>)
      %add3A_964 = arith.constant 5 : i32
      %add3A_965 = arith.addi %mul3A_537, %add3A_964 : i32
      %dma_wait3A_966 = arith.constant 5 : i32
      %dma_wait3A_967 = arith.constant 5 : i32
      %dma_wait3A_968 = arith.constant 0 : i32
      %dma_wait3A_969 = arith.constant 0 : i32
      %dma_wait3A_970 = tpu.memref_slice %arg9[%dma_wait3A_966, %dma_wait3A_968, %dma_wait3A_969] : memref<8x64x64xf32, #tpu.memory_space<vmem>> -> memref<1x64x64xf32, #tpu.memory_space<vmem>>
      %dma_wait3A_971 = tpu.memref_squeeze %dma_wait3A_970 : memref<1x64x64xf32, #tpu.memory_space<vmem>> -> memref<64x64xf32, #tpu.memory_space<vmem>>
      %dma_wait3A_972 = arith.constant 0 : i32
      %dma_wait3A_973 = tpu.memref_slice %arg8[%add3A_965, %dma_wait3A_972] : memref<304x64xi32, #tpu.memory_space<vmem>> -> memref<1x64xi32, #tpu.memory_space<vmem>>
      %dma_wait3A_974 = tpu.memref_squeeze %dma_wait3A_973 : memref<1x64xi32, #tpu.memory_space<vmem>> -> memref<64xi32, #tpu.memory_space<vmem>>
      %dma_wait3A_975 = arith.constant 0 : i32
      %dma_wait3A_976 = arith.constant 0 : i32
      %dma_wait3A_977 = tpu.memref_slice %arg10[%dma_wait3A_975, %dma_wait3A_976] : memref<10240x64xf32, #tpu.memory_space<vmem_shared>> -> memref<10240x64xf32, #tpu.memory_space<vmem_shared>>
      %dma_wait3A_978 = tpu.memref_slice %arg12[%dma_wait3A_967] : memref<8x!tpu.dma_semaphore, #tpu.memory_space<semaphore_mem>> -> memref<1x!tpu.dma_semaphore, #tpu.memory_space<semaphore_mem>>
      %dma_wait3A_979 = tpu.memref_squeeze %dma_wait3A_978 : memref<1x!tpu.dma_semaphore, #tpu.memory_space<semaphore_mem>> -> memref<!tpu.dma_semaphore, #tpu.memory_space<semaphore_mem>>
      tpu.wait_indirect_dma semaphore(%dma_wait3A_979 : memref<!tpu.dma_semaphore, #tpu.memory_space<semaphore_mem>>) src(%dma_wait3A_971 : memref<64x64xf32, #tpu.memory_space<vmem>>) dst(%dma_wait3A_977 : memref<10240x64xf32, #tpu.memory_space<vmem_shared>>)
      %add3A_980 = arith.constant 8 : i32
      %add3A_981 = arith.addi %mul3A_537, %add3A_980 : i32
      %add3A_982 = arith.constant 5 : i32
      %add3A_983 = arith.addi %add3A_981, %add3A_982 : i32
      %dma_start3A_984 = arith.constant 5 : i32
      %dma_start3A_985 = arith.constant 5 : i32
      %dma_start3A_986 = arith.constant 0 : i32
      %dma_start3A_987 = arith.constant 0 : i32
      %dma_start3A_988 = tpu.memref_slice %arg9[%dma_start3A_984, %dma_start3A_986, %dma_start3A_987] : memref<8x64x64xf32, #tpu.memory_space<vmem>> -> memref<1x64x64xf32, #tpu.memory_space<vmem>>
      %dma_start3A_989 = tpu.memref_squeeze %dma_start3A_988 : memref<1x64x64xf32, #tpu.memory_space<vmem>> -> memref<64x64xf32, #tpu.memory_space<vmem>>
      %dma_start3A_990 = arith.constant 0 : i32
      %dma_start3A_991 = tpu.memref_slice %arg7[%add3A_983, %dma_start3A_990] : memref<304x64xi32, #tpu.memory_space<vmem>> -> memref<1x64xi32, #tpu.memory_space<vmem>>
      %dma_start3A_992 = tpu.memref_squeeze %dma_start3A_991 : memref<1x64xi32, #tpu.memory_space<vmem>> -> memref<64xi32, #tpu.memory_space<vmem>>
      %dma_start3A_993 = arith.constant 0 : i32
      %dma_start3A_994 = arith.constant 0 : i32
      %dma_start3A_995 = tpu.memref_slice %arg2[%dma_start3A_993, %dma_start3A_994] : memref<10240x64xf32, #tpu.memory_space<hbm>> -> memref<10240x64xf32, #tpu.memory_space<hbm>>
      %dma_start3A_996 = tpu.memref_slice %arg11[%dma_start3A_985] : memref<8x!tpu.dma_semaphore, #tpu.memory_space<semaphore_mem>> -> memref<1x!tpu.dma_semaphore, #tpu.memory_space<semaphore_mem>>
      %dma_start3A_997 = tpu.memref_squeeze %dma_start3A_996 : memref<1x!tpu.dma_semaphore, #tpu.memory_space<semaphore_mem>> -> memref<!tpu.dma_semaphore, #tpu.memory_space<semaphore_mem>>
      tpu.enqueue_indirect_dma source(%dma_start3A_995 : memref<10240x64xf32, #tpu.memory_space<hbm>>) target(%dma_start3A_989 : memref<64x64xf32, #tpu.memory_space<vmem>>) offsets(%dma_start3A_992 : memref<64xi32, #tpu.memory_space<vmem>>) semaphore(%dma_start3A_997 : memref<!tpu.dma_semaphore, #tpu.memory_space<semaphore_mem>>)
      %add3A_998 = arith.constant 6 : i32
      %add3A_999 = arith.addi %mul3A_537, %add3A_998 : i32
      %dma_wait3A_1000 = arith.constant 6 : i32
      %dma_wait3A_1001 = arith.constant 6 : i32
      %dma_wait3A_1002 = arith.constant 0 : i32
      %dma_wait3A_1003 = arith.constant 0 : i32
      %dma_wait3A_1004 = tpu.memref_slice %arg9[%dma_wait3A_1000, %dma_wait3A_1002, %dma_wait3A_1003] : memref<8x64x64xf32, #tpu.memory_space<vmem>> -> memref<1x64x64xf32, #tpu.memory_space<vmem>>
      %dma_wait3A_1005 = tpu.memref_squeeze %dma_wait3A_1004 : memref<1x64x64xf32, #tpu.memory_space<vmem>> -> memref<64x64xf32, #tpu.memory_space<vmem>>
      %dma_wait3A_1006 = arith.constant 0 : i32
      %dma_wait3A_1007 = tpu.memref_slice %arg8[%add3A_999, %dma_wait3A_1006] : memref<304x64xi32, #tpu.memory_space<vmem>> -> memref<1x64xi32, #tpu.memory_space<vmem>>
      %dma_wait3A_1008 = tpu.memref_squeeze %dma_wait3A_1007 : memref<1x64xi32, #tpu.memory_space<vmem>> -> memref<64xi32, #tpu.memory_space<vmem>>
      %dma_wait3A_1009 = arith.constant 0 : i32
      %dma_wait3A_1010 = arith.constant 0 : i32
      %dma_wait3A_1011 = tpu.memref_slice %arg10[%dma_wait3A_1009, %dma_wait3A_1010] : memref<10240x64xf32, #tpu.memory_space<vmem_shared>> -> memref<10240x64xf32, #tpu.memory_space<vmem_shared>>
      %dma_wait3A_1012 = tpu.memref_slice %arg12[%dma_wait3A_1001] : memref<8x!tpu.dma_semaphore, #tpu.memory_space<semaphore_mem>> -> memref<1x!tpu.dma_semaphore, #tpu.memory_space<semaphore_mem>>
      %dma_wait3A_1013 = tpu.memref_squeeze %dma_wait3A_1012 : memref<1x!tpu.dma_semaphore, #tpu.memory_space<semaphore_mem>> -> memref<!tpu.dma_semaphore, #tpu.memory_space<semaphore_mem>>
      tpu.wait_indirect_dma semaphore(%dma_wait3A_1013 : memref<!tpu.dma_semaphore, #tpu.memory_space<semaphore_mem>>) src(%dma_wait3A_1005 : memref<64x64xf32, #tpu.memory_space<vmem>>) dst(%dma_wait3A_1011 : memref<10240x64xf32, #tpu.memory_space<vmem_shared>>)
      %add3A_1014 = arith.constant 8 : i32
      %add3A_1015 = arith.addi %mul3A_537, %add3A_1014 : i32
      %add3A_1016 = arith.constant 6 : i32
      %add3A_1017 = arith.addi %add3A_1015, %add3A_1016 : i32
      %dma_start3A_1018 = arith.constant 6 : i32
      %dma_start3A_1019 = arith.constant 6 : i32
      %dma_start3A_1020 = arith.constant 0 : i32
      %dma_start3A_1021 = arith.constant 0 : i32
      %dma_start3A_1022 = tpu.memref_slice %arg9[%dma_start3A_1018, %dma_start3A_1020, %dma_start3A_1021] : memref<8x64x64xf32, #tpu.memory_space<vmem>> -> memref<1x64x64xf32, #tpu.memory_space<vmem>>
      %dma_start3A_1023 = tpu.memref_squeeze %dma_start3A_1022 : memref<1x64x64xf32, #tpu.memory_space<vmem>> -> memref<64x64xf32, #tpu.memory_space<vmem>>
      %dma_start3A_1024 = arith.constant 0 : i32
      %dma_start3A_1025 = tpu.memref_slice %arg7[%add3A_1017, %dma_start3A_1024] : memref<304x64xi32, #tpu.memory_space<vmem>> -> memref<1x64xi32, #tpu.memory_space<vmem>>
      %dma_start3A_1026 = tpu.memref_squeeze %dma_start3A_1025 : memref<1x64xi32, #tpu.memory_space<vmem>> -> memref<64xi32, #tpu.memory_space<vmem>>
      %dma_start3A_1027 = arith.constant 0 : i32
      %dma_start3A_1028 = arith.constant 0 : i32
      %dma_start3A_1029 = tpu.memref_slice %arg2[%dma_start3A_1027, %dma_start3A_1028] : memref<10240x64xf32, #tpu.memory_space<hbm>> -> memref<10240x64xf32, #tpu.memory_space<hbm>>
      %dma_start3A_1030 = tpu.memref_slice %arg11[%dma_start3A_1019] : memref<8x!tpu.dma_semaphore, #tpu.memory_space<semaphore_mem>> -> memref<1x!tpu.dma_semaphore, #tpu.memory_space<semaphore_mem>>
      %dma_start3A_1031 = tpu.memref_squeeze %dma_start3A_1030 : memref<1x!tpu.dma_semaphore, #tpu.memory_space<semaphore_mem>> -> memref<!tpu.dma_semaphore, #tpu.memory_space<semaphore_mem>>
      tpu.enqueue_indirect_dma source(%dma_start3A_1029 : memref<10240x64xf32, #tpu.memory_space<hbm>>) target(%dma_start3A_1023 : memref<64x64xf32, #tpu.memory_space<vmem>>) offsets(%dma_start3A_1026 : memref<64xi32, #tpu.memory_space<vmem>>) semaphore(%dma_start3A_1031 : memref<!tpu.dma_semaphore, #tpu.memory_space<semaphore_mem>>)
      %add3A_1032 = arith.constant 7 : i32
      %add3A_1033 = arith.addi %mul3A_537, %add3A_1032 : i32
      %dma_wait3A_1034 = arith.constant 7 : i32
      %dma_wait3A_1035 = arith.constant 7 : i32
      %dma_wait3A_1036 = arith.constant 0 : i32
      %dma_wait3A_1037 = arith.constant 0 : i32
      %dma_wait3A_1038 = tpu.memref_slice %arg9[%dma_wait3A_1034, %dma_wait3A_1036, %dma_wait3A_1037] : memref<8x64x64xf32, #tpu.memory_space<vmem>> -> memref<1x64x64xf32, #tpu.memory_space<vmem>>
      %dma_wait3A_1039 = tpu.memref_squeeze %dma_wait3A_1038 : memref<1x64x64xf32, #tpu.memory_space<vmem>> -> memref<64x64xf32, #tpu.memory_space<vmem>>
      %dma_wait3A_1040 = arith.constant 0 : i32
      %dma_wait3A_1041 = tpu.memref_slice %arg8[%add3A_1033, %dma_wait3A_1040] : memref<304x64xi32, #tpu.memory_space<vmem>> -> memref<1x64xi32, #tpu.memory_space<vmem>>
      %dma_wait3A_1042 = tpu.memref_squeeze %dma_wait3A_1041 : memref<1x64xi32, #tpu.memory_space<vmem>> -> memref<64xi32, #tpu.memory_space<vmem>>
      %dma_wait3A_1043 = arith.constant 0 : i32
      %dma_wait3A_1044 = arith.constant 0 : i32
      %dma_wait3A_1045 = tpu.memref_slice %arg10[%dma_wait3A_1043, %dma_wait3A_1044] : memref<10240x64xf32, #tpu.memory_space<vmem_shared>> -> memref<10240x64xf32, #tpu.memory_space<vmem_shared>>
      %dma_wait3A_1046 = tpu.memref_slice %arg12[%dma_wait3A_1035] : memref<8x!tpu.dma_semaphore, #tpu.memory_space<semaphore_mem>> -> memref<1x!tpu.dma_semaphore, #tpu.memory_space<semaphore_mem>>
      %dma_wait3A_1047 = tpu.memref_squeeze %dma_wait3A_1046 : memref<1x!tpu.dma_semaphore, #tpu.memory_space<semaphore_mem>> -> memref<!tpu.dma_semaphore, #tpu.memory_space<semaphore_mem>>
      tpu.wait_indirect_dma semaphore(%dma_wait3A_1047 : memref<!tpu.dma_semaphore, #tpu.memory_space<semaphore_mem>>) src(%dma_wait3A_1039 : memref<64x64xf32, #tpu.memory_space<vmem>>) dst(%dma_wait3A_1045 : memref<10240x64xf32, #tpu.memory_space<vmem_shared>>)
      %add3A_1048 = arith.constant 8 : i32
      %add3A_1049 = arith.addi %mul3A_537, %add3A_1048 : i32
      %add3A_1050 = arith.constant 7 : i32
      %add3A_1051 = arith.addi %add3A_1049, %add3A_1050 : i32
      %dma_start3A_1052 = arith.constant 7 : i32
      %dma_start3A_1053 = arith.constant 7 : i32
      %dma_start3A_1054 = arith.constant 0 : i32
      %dma_start3A_1055 = arith.constant 0 : i32
      %dma_start3A_1056 = tpu.memref_slice %arg9[%dma_start3A_1052, %dma_start3A_1054, %dma_start3A_1055] : memref<8x64x64xf32, #tpu.memory_space<vmem>> -> memref<1x64x64xf32, #tpu.memory_space<vmem>>
      %dma_start3A_1057 = tpu.memref_squeeze %dma_start3A_1056 : memref<1x64x64xf32, #tpu.memory_space<vmem>> -> memref<64x64xf32, #tpu.memory_space<vmem>>
      %dma_start3A_1058 = arith.constant 0 : i32
      %dma_start3A_1059 = tpu.memref_slice %arg7[%add3A_1051, %dma_start3A_1058] : memref<304x64xi32, #tpu.memory_space<vmem>> -> memref<1x64xi32, #tpu.memory_space<vmem>>
      %dma_start3A_1060 = tpu.memref_squeeze %dma_start3A_1059 : memref<1x64xi32, #tpu.memory_space<vmem>> -> memref<64xi32, #tpu.memory_space<vmem>>
      %dma_start3A_1061 = arith.constant 0 : i32
      %dma_start3A_1062 = arith.constant 0 : i32
      %dma_start3A_1063 = tpu.memref_slice %arg2[%dma_start3A_1061, %dma_start3A_1062] : memref<10240x64xf32, #tpu.memory_space<hbm>> -> memref<10240x64xf32, #tpu.memory_space<hbm>>
      %dma_start3A_1064 = tpu.memref_slice %arg11[%dma_start3A_1053] : memref<8x!tpu.dma_semaphore, #tpu.memory_space<semaphore_mem>> -> memref<1x!tpu.dma_semaphore, #tpu.memory_space<semaphore_mem>>
      %dma_start3A_1065 = tpu.memref_squeeze %dma_start3A_1064 : memref<1x!tpu.dma_semaphore, #tpu.memory_space<semaphore_mem>> -> memref<!tpu.dma_semaphore, #tpu.memory_space<semaphore_mem>>
      tpu.enqueue_indirect_dma source(%dma_start3A_1063 : memref<10240x64xf32, #tpu.memory_space<hbm>>) target(%dma_start3A_1057 : memref<64x64xf32, #tpu.memory_space<vmem>>) offsets(%dma_start3A_1060 : memref<64xi32, #tpu.memory_space<vmem>>) semaphore(%dma_start3A_1065 : memref<!tpu.dma_semaphore, #tpu.memory_space<semaphore_mem>>)
    }
    %sub3A_147 = arith.constant 1 : i32
    %sub3A_148 = arith.subi %select_n3A, %sub3A_147 : i32
    %mul3A_149 = arith.constant 8 : i32
    %mul3A_150 = arith.muli %sub3A_148, %mul3A_149 : i32
    %add3A_151 = arith.constant 0 : i32
    %add3A_152 = arith.addi %mul3A_150, %add3A_151 : i32
    %dma_wait3A = arith.constant 0 : i32
    %dma_wait3A_153 = arith.constant 0 : i32
    %dma_wait3A_154 = arith.constant 0 : i32
    %dma_wait3A_155 = arith.constant 0 : i32
    %dma_wait3A_156 = tpu.memref_slice %arg9[%dma_wait3A, %dma_wait3A_154, %dma_wait3A_155] : memref<8x64x64xf32, #tpu.memory_space<vmem>> -> memref<1x64x64xf32, #tpu.memory_space<vmem>>
    %dma_wait3A_157 = tpu.memref_squeeze %dma_wait3A_156 : memref<1x64x64xf32, #tpu.memory_space<vmem>> -> memref<64x64xf32, #tpu.memory_space<vmem>>
    %dma_wait3A_158 = arith.constant 0 : i32
    %dma_wait3A_159 = tpu.memref_slice %arg7[%add3A_152, %dma_wait3A_158] : memref<304x64xi32, #tpu.memory_space<vmem>> -> memref<1x64xi32, #tpu.memory_space<vmem>>
    %dma_wait3A_160 = tpu.memref_squeeze %dma_wait3A_159 : memref<1x64xi32, #tpu.memory_space<vmem>> -> memref<64xi32, #tpu.memory_space<vmem>>
    %dma_wait3A_161 = arith.constant 0 : i32
    %dma_wait3A_162 = arith.constant 0 : i32
    %dma_wait3A_163 = tpu.memref_slice %arg2[%dma_wait3A_161, %dma_wait3A_162] : memref<10240x64xf32, #tpu.memory_space<hbm>> -> memref<10240x64xf32, #tpu.memory_space<hbm>>
    %dma_wait3A_164 = tpu.memref_slice %arg11[%dma_wait3A_153] : memref<8x!tpu.dma_semaphore, #tpu.memory_space<semaphore_mem>> -> memref<1x!tpu.dma_semaphore, #tpu.memory_space<semaphore_mem>>
    %dma_wait3A_165 = tpu.memref_squeeze %dma_wait3A_164 : memref<1x!tpu.dma_semaphore, #tpu.memory_space<semaphore_mem>> -> memref<!tpu.dma_semaphore, #tpu.memory_space<semaphore_mem>>
    tpu.wait_indirect_dma semaphore(%dma_wait3A_165 : memref<!tpu.dma_semaphore, #tpu.memory_space<semaphore_mem>>) src(%dma_wait3A_163 : memref<10240x64xf32, #tpu.memory_space<hbm>>) dst(%dma_wait3A_157 : memref<64x64xf32, #tpu.memory_space<vmem>>)
    %add3A_166 = arith.constant 0 : i32
    %add3A_167 = arith.addi %mul3A_150, %add3A_166 : i32
    %dma_start3A_168 = arith.constant 0 : i32
    %dma_start3A_169 = arith.constant 0 : i32
    %dma_start3A_170 = arith.constant 0 : i32
    %dma_start3A_171 = arith.constant 0 : i32
    %dma_start3A_172 = tpu.memref_slice %arg9[%dma_start3A_168, %dma_start3A_170, %dma_start3A_171] : memref<8x64x64xf32, #tpu.memory_space<vmem>> -> memref<1x64x64xf32, #tpu.memory_space<vmem>>
    %dma_start3A_173 = tpu.memref_squeeze %dma_start3A_172 : memref<1x64x64xf32, #tpu.memory_space<vmem>> -> memref<64x64xf32, #tpu.memory_space<vmem>>
    %dma_start3A_174 = arith.constant 0 : i32
    %dma_start3A_175 = tpu.memref_slice %arg8[%add3A_167, %dma_start3A_174] : memref<304x64xi32, #tpu.memory_space<vmem>> -> memref<1x64xi32, #tpu.memory_space<vmem>>
    %dma_start3A_176 = tpu.memref_squeeze %dma_start3A_175 : memref<1x64xi32, #tpu.memory_space<vmem>> -> memref<64xi32, #tpu.memory_space<vmem>>
    %dma_start3A_177 = arith.constant 0 : i32
    %dma_start3A_178 = arith.constant 0 : i32
    %dma_start3A_179 = tpu.memref_slice %arg10[%dma_start3A_177, %dma_start3A_178] : memref<10240x64xf32, #tpu.memory_space<vmem_shared>> -> memref<10240x64xf32, #tpu.memory_space<vmem_shared>>
    %dma_start3A_180 = tpu.memref_slice %arg12[%dma_start3A_169] : memref<8x!tpu.dma_semaphore, #tpu.memory_space<semaphore_mem>> -> memref<1x!tpu.dma_semaphore, #tpu.memory_space<semaphore_mem>>
    %dma_start3A_181 = tpu.memref_squeeze %dma_start3A_180 : memref<1x!tpu.dma_semaphore, #tpu.memory_space<semaphore_mem>> -> memref<!tpu.dma_semaphore, #tpu.memory_space<semaphore_mem>>
    tpu.enqueue_indirect_dma source(%dma_start3A_173 : memref<64x64xf32, #tpu.memory_space<vmem>>) target(%dma_start3A_179 : memref<10240x64xf32, #tpu.memory_space<vmem_shared>>) offsets(%dma_start3A_176 : memref<64xi32, #tpu.memory_space<vmem>>) semaphore(%dma_start3A_181 : memref<!tpu.dma_semaphore, #tpu.memory_space<semaphore_mem>>) {add = true}
    %add3A_182 = arith.constant 1 : i32
    %add3A_183 = arith.addi %mul3A_150, %add3A_182 : i32
    %dma_wait3A_184 = arith.constant 1 : i32
    %dma_wait3A_185 = arith.constant 1 : i32
    %dma_wait3A_186 = arith.constant 0 : i32
    %dma_wait3A_187 = arith.constant 0 : i32
    %dma_wait3A_188 = tpu.memref_slice %arg9[%dma_wait3A_184, %dma_wait3A_186, %dma_wait3A_187] : memref<8x64x64xf32, #tpu.memory_space<vmem>> -> memref<1x64x64xf32, #tpu.memory_space<vmem>>
    %dma_wait3A_189 = tpu.memref_squeeze %dma_wait3A_188 : memref<1x64x64xf32, #tpu.memory_space<vmem>> -> memref<64x64xf32, #tpu.memory_space<vmem>>
    %dma_wait3A_190 = arith.constant 0 : i32
    %dma_wait3A_191 = tpu.memref_slice %arg7[%add3A_183, %dma_wait3A_190] : memref<304x64xi32, #tpu.memory_space<vmem>> -> memref<1x64xi32, #tpu.memory_space<vmem>>
    %dma_wait3A_192 = tpu.memref_squeeze %dma_wait3A_191 : memref<1x64xi32, #tpu.memory_space<vmem>> -> memref<64xi32, #tpu.memory_space<vmem>>
    %dma_wait3A_193 = arith.constant 0 : i32
    %dma_wait3A_194 = arith.constant 0 : i32
    %dma_wait3A_195 = tpu.memref_slice %arg2[%dma_wait3A_193, %dma_wait3A_194] : memref<10240x64xf32, #tpu.memory_space<hbm>> -> memref<10240x64xf32, #tpu.memory_space<hbm>>
    %dma_wait3A_196 = tpu.memref_slice %arg11[%dma_wait3A_185] : memref<8x!tpu.dma_semaphore, #tpu.memory_space<semaphore_mem>> -> memref<1x!tpu.dma_semaphore, #tpu.memory_space<semaphore_mem>>
    %dma_wait3A_197 = tpu.memref_squeeze %dma_wait3A_196 : memref<1x!tpu.dma_semaphore, #tpu.memory_space<semaphore_mem>> -> memref<!tpu.dma_semaphore, #tpu.memory_space<semaphore_mem>>
    tpu.wait_indirect_dma semaphore(%dma_wait3A_197 : memref<!tpu.dma_semaphore, #tpu.memory_space<semaphore_mem>>) src(%dma_wait3A_195 : memref<10240x64xf32, #tpu.memory_space<hbm>>) dst(%dma_wait3A_189 : memref<64x64xf32, #tpu.memory_space<vmem>>)
    %add3A_198 = arith.constant 1 : i32
    %add3A_199 = arith.addi %mul3A_150, %add3A_198 : i32
    %dma_start3A_200 = arith.constant 1 : i32
    %dma_start3A_201 = arith.constant 1 : i32
    %dma_start3A_202 = arith.constant 0 : i32
    %dma_start3A_203 = arith.constant 0 : i32
    %dma_start3A_204 = tpu.memref_slice %arg9[%dma_start3A_200, %dma_start3A_202, %dma_start3A_203] : memref<8x64x64xf32, #tpu.memory_space<vmem>> -> memref<1x64x64xf32, #tpu.memory_space<vmem>>
    %dma_start3A_205 = tpu.memref_squeeze %dma_start3A_204 : memref<1x64x64xf32, #tpu.memory_space<vmem>> -> memref<64x64xf32, #tpu.memory_space<vmem>>
    %dma_start3A_206 = arith.constant 0 : i32
    %dma_start3A_207 = tpu.memref_slice %arg8[%add3A_199, %dma_start3A_206] : memref<304x64xi32, #tpu.memory_space<vmem>> -> memref<1x64xi32, #tpu.memory_space<vmem>>
    %dma_start3A_208 = tpu.memref_squeeze %dma_start3A_207 : memref<1x64xi32, #tpu.memory_space<vmem>> -> memref<64xi32, #tpu.memory_space<vmem>>
    %dma_start3A_209 = arith.constant 0 : i32
    %dma_start3A_210 = arith.constant 0 : i32
    %dma_start3A_211 = tpu.memref_slice %arg10[%dma_start3A_209, %dma_start3A_210] : memref<10240x64xf32, #tpu.memory_space<vmem_shared>> -> memref<10240x64xf32, #tpu.memory_space<vmem_shared>>
    %dma_start3A_212 = tpu.memref_slice %arg12[%dma_start3A_201] : memref<8x!tpu.dma_semaphore, #tpu.memory_space<semaphore_mem>> -> memref<1x!tpu.dma_semaphore, #tpu.memory_space<semaphore_mem>>
    %dma_start3A_213 = tpu.memref_squeeze %dma_start3A_212 : memref<1x!tpu.dma_semaphore, #tpu.memory_space<semaphore_mem>> -> memref<!tpu.dma_semaphore, #tpu.memory_space<semaphore_mem>>
    tpu.enqueue_indirect_dma source(%dma_start3A_205 : memref<64x64xf32, #tpu.memory_space<vmem>>) target(%dma_start3A_211 : memref<10240x64xf32, #tpu.memory_space<vmem_shared>>) offsets(%dma_start3A_208 : memref<64xi32, #tpu.memory_space<vmem>>) semaphore(%dma_start3A_213 : memref<!tpu.dma_semaphore, #tpu.memory_space<semaphore_mem>>) {add = true}
    %add3A_214 = arith.constant 2 : i32
    %add3A_215 = arith.addi %mul3A_150, %add3A_214 : i32
    %dma_wait3A_216 = arith.constant 2 : i32
    %dma_wait3A_217 = arith.constant 2 : i32
    %dma_wait3A_218 = arith.constant 0 : i32
    %dma_wait3A_219 = arith.constant 0 : i32
    %dma_wait3A_220 = tpu.memref_slice %arg9[%dma_wait3A_216, %dma_wait3A_218, %dma_wait3A_219] : memref<8x64x64xf32, #tpu.memory_space<vmem>> -> memref<1x64x64xf32, #tpu.memory_space<vmem>>
    %dma_wait3A_221 = tpu.memref_squeeze %dma_wait3A_220 : memref<1x64x64xf32, #tpu.memory_space<vmem>> -> memref<64x64xf32, #tpu.memory_space<vmem>>
    %dma_wait3A_222 = arith.constant 0 : i32
    %dma_wait3A_223 = tpu.memref_slice %arg7[%add3A_215, %dma_wait3A_222] : memref<304x64xi32, #tpu.memory_space<vmem>> -> memref<1x64xi32, #tpu.memory_space<vmem>>
    %dma_wait3A_224 = tpu.memref_squeeze %dma_wait3A_223 : memref<1x64xi32, #tpu.memory_space<vmem>> -> memref<64xi32, #tpu.memory_space<vmem>>
    %dma_wait3A_225 = arith.constant 0 : i32
    %dma_wait3A_226 = arith.constant 0 : i32
    %dma_wait3A_227 = tpu.memref_slice %arg2[%dma_wait3A_225, %dma_wait3A_226] : memref<10240x64xf32, #tpu.memory_space<hbm>> -> memref<10240x64xf32, #tpu.memory_space<hbm>>
    %dma_wait3A_228 = tpu.memref_slice %arg11[%dma_wait3A_217] : memref<8x!tpu.dma_semaphore, #tpu.memory_space<semaphore_mem>> -> memref<1x!tpu.dma_semaphore, #tpu.memory_space<semaphore_mem>>
    %dma_wait3A_229 = tpu.memref_squeeze %dma_wait3A_228 : memref<1x!tpu.dma_semaphore, #tpu.memory_space<semaphore_mem>> -> memref<!tpu.dma_semaphore, #tpu.memory_space<semaphore_mem>>
    tpu.wait_indirect_dma semaphore(%dma_wait3A_229 : memref<!tpu.dma_semaphore, #tpu.memory_space<semaphore_mem>>) src(%dma_wait3A_227 : memref<10240x64xf32, #tpu.memory_space<hbm>>) dst(%dma_wait3A_221 : memref<64x64xf32, #tpu.memory_space<vmem>>)
    %add3A_230 = arith.constant 2 : i32
    %add3A_231 = arith.addi %mul3A_150, %add3A_230 : i32
    %dma_start3A_232 = arith.constant 2 : i32
    %dma_start3A_233 = arith.constant 2 : i32
    %dma_start3A_234 = arith.constant 0 : i32
    %dma_start3A_235 = arith.constant 0 : i32
    %dma_start3A_236 = tpu.memref_slice %arg9[%dma_start3A_232, %dma_start3A_234, %dma_start3A_235] : memref<8x64x64xf32, #tpu.memory_space<vmem>> -> memref<1x64x64xf32, #tpu.memory_space<vmem>>
    %dma_start3A_237 = tpu.memref_squeeze %dma_start3A_236 : memref<1x64x64xf32, #tpu.memory_space<vmem>> -> memref<64x64xf32, #tpu.memory_space<vmem>>
    %dma_start3A_238 = arith.constant 0 : i32
    %dma_start3A_239 = tpu.memref_slice %arg8[%add3A_231, %dma_start3A_238] : memref<304x64xi32, #tpu.memory_space<vmem>> -> memref<1x64xi32, #tpu.memory_space<vmem>>
    %dma_start3A_240 = tpu.memref_squeeze %dma_start3A_239 : memref<1x64xi32, #tpu.memory_space<vmem>> -> memref<64xi32, #tpu.memory_space<vmem>>
    %dma_start3A_241 = arith.constant 0 : i32
    %dma_start3A_242 = arith.constant 0 : i32
    %dma_start3A_243 = tpu.memref_slice %arg10[%dma_start3A_241, %dma_start3A_242] : memref<10240x64xf32, #tpu.memory_space<vmem_shared>> -> memref<10240x64xf32, #tpu.memory_space<vmem_shared>>
    %dma_start3A_244 = tpu.memref_slice %arg12[%dma_start3A_233] : memref<8x!tpu.dma_semaphore, #tpu.memory_space<semaphore_mem>> -> memref<1x!tpu.dma_semaphore, #tpu.memory_space<semaphore_mem>>
    %dma_start3A_245 = tpu.memref_squeeze %dma_start3A_244 : memref<1x!tpu.dma_semaphore, #tpu.memory_space<semaphore_mem>> -> memref<!tpu.dma_semaphore, #tpu.memory_space<semaphore_mem>>
    tpu.enqueue_indirect_dma source(%dma_start3A_237 : memref<64x64xf32, #tpu.memory_space<vmem>>) target(%dma_start3A_243 : memref<10240x64xf32, #tpu.memory_space<vmem_shared>>) offsets(%dma_start3A_240 : memref<64xi32, #tpu.memory_space<vmem>>) semaphore(%dma_start3A_245 : memref<!tpu.dma_semaphore, #tpu.memory_space<semaphore_mem>>) {add = true}
    %add3A_246 = arith.constant 3 : i32
    %add3A_247 = arith.addi %mul3A_150, %add3A_246 : i32
    %dma_wait3A_248 = arith.constant 3 : i32
    %dma_wait3A_249 = arith.constant 3 : i32
    %dma_wait3A_250 = arith.constant 0 : i32
    %dma_wait3A_251 = arith.constant 0 : i32
    %dma_wait3A_252 = tpu.memref_slice %arg9[%dma_wait3A_248, %dma_wait3A_250, %dma_wait3A_251] : memref<8x64x64xf32, #tpu.memory_space<vmem>> -> memref<1x64x64xf32, #tpu.memory_space<vmem>>
    %dma_wait3A_253 = tpu.memref_squeeze %dma_wait3A_252 : memref<1x64x64xf32, #tpu.memory_space<vmem>> -> memref<64x64xf32, #tpu.memory_space<vmem>>
    %dma_wait3A_254 = arith.constant 0 : i32
    %dma_wait3A_255 = tpu.memref_slice %arg7[%add3A_247, %dma_wait3A_254] : memref<304x64xi32, #tpu.memory_space<vmem>> -> memref<1x64xi32, #tpu.memory_space<vmem>>
    %dma_wait3A_256 = tpu.memref_squeeze %dma_wait3A_255 : memref<1x64xi32, #tpu.memory_space<vmem>> -> memref<64xi32, #tpu.memory_space<vmem>>
    %dma_wait3A_257 = arith.constant 0 : i32
    %dma_wait3A_258 = arith.constant 0 : i32
    %dma_wait3A_259 = tpu.memref_slice %arg2[%dma_wait3A_257, %dma_wait3A_258] : memref<10240x64xf32, #tpu.memory_space<hbm>> -> memref<10240x64xf32, #tpu.memory_space<hbm>>
    %dma_wait3A_260 = tpu.memref_slice %arg11[%dma_wait3A_249] : memref<8x!tpu.dma_semaphore, #tpu.memory_space<semaphore_mem>> -> memref<1x!tpu.dma_semaphore, #tpu.memory_space<semaphore_mem>>
    %dma_wait3A_261 = tpu.memref_squeeze %dma_wait3A_260 : memref<1x!tpu.dma_semaphore, #tpu.memory_space<semaphore_mem>> -> memref<!tpu.dma_semaphore, #tpu.memory_space<semaphore_mem>>
    tpu.wait_indirect_dma semaphore(%dma_wait3A_261 : memref<!tpu.dma_semaphore, #tpu.memory_space<semaphore_mem>>) src(%dma_wait3A_259 : memref<10240x64xf32, #tpu.memory_space<hbm>>) dst(%dma_wait3A_253 : memref<64x64xf32, #tpu.memory_space<vmem>>)
    %add3A_262 = arith.constant 3 : i32
    %add3A_263 = arith.addi %mul3A_150, %add3A_262 : i32
    %dma_start3A_264 = arith.constant 3 : i32
    %dma_start3A_265 = arith.constant 3 : i32
    %dma_start3A_266 = arith.constant 0 : i32
    %dma_start3A_267 = arith.constant 0 : i32
    %dma_start3A_268 = tpu.memref_slice %arg9[%dma_start3A_264, %dma_start3A_266, %dma_start3A_267] : memref<8x64x64xf32, #tpu.memory_space<vmem>> -> memref<1x64x64xf32, #tpu.memory_space<vmem>>
    %dma_start3A_269 = tpu.memref_squeeze %dma_start3A_268 : memref<1x64x64xf32, #tpu.memory_space<vmem>> -> memref<64x64xf32, #tpu.memory_space<vmem>>
    %dma_start3A_270 = arith.constant 0 : i32
    %dma_start3A_271 = tpu.memref_slice %arg8[%add3A_263, %dma_start3A_270] : memref<304x64xi32, #tpu.memory_space<vmem>> -> memref<1x64xi32, #tpu.memory_space<vmem>>
    %dma_start3A_272 = tpu.memref_squeeze %dma_start3A_271 : memref<1x64xi32, #tpu.memory_space<vmem>> -> memref<64xi32, #tpu.memory_space<vmem>>
    %dma_start3A_273 = arith.constant 0 : i32
    %dma_start3A_274 = arith.constant 0 : i32
    %dma_start3A_275 = tpu.memref_slice %arg10[%dma_start3A_273, %dma_start3A_274] : memref<10240x64xf32, #tpu.memory_space<vmem_shared>> -> memref<10240x64xf32, #tpu.memory_space<vmem_shared>>
    %dma_start3A_276 = tpu.memref_slice %arg12[%dma_start3A_265] : memref<8x!tpu.dma_semaphore, #tpu.memory_space<semaphore_mem>> -> memref<1x!tpu.dma_semaphore, #tpu.memory_space<semaphore_mem>>
    %dma_start3A_277 = tpu.memref_squeeze %dma_start3A_276 : memref<1x!tpu.dma_semaphore, #tpu.memory_space<semaphore_mem>> -> memref<!tpu.dma_semaphore, #tpu.memory_space<semaphore_mem>>
    tpu.enqueue_indirect_dma source(%dma_start3A_269 : memref<64x64xf32, #tpu.memory_space<vmem>>) target(%dma_start3A_275 : memref<10240x64xf32, #tpu.memory_space<vmem_shared>>) offsets(%dma_start3A_272 : memref<64xi32, #tpu.memory_space<vmem>>) semaphore(%dma_start3A_277 : memref<!tpu.dma_semaphore, #tpu.memory_space<semaphore_mem>>) {add = true}
    %add3A_278 = arith.constant 4 : i32
    %add3A_279 = arith.addi %mul3A_150, %add3A_278 : i32
    %dma_wait3A_280 = arith.constant 4 : i32
    %dma_wait3A_281 = arith.constant 4 : i32
    %dma_wait3A_282 = arith.constant 0 : i32
    %dma_wait3A_283 = arith.constant 0 : i32
    %dma_wait3A_284 = tpu.memref_slice %arg9[%dma_wait3A_280, %dma_wait3A_282, %dma_wait3A_283] : memref<8x64x64xf32, #tpu.memory_space<vmem>> -> memref<1x64x64xf32, #tpu.memory_space<vmem>>
    %dma_wait3A_285 = tpu.memref_squeeze %dma_wait3A_284 : memref<1x64x64xf32, #tpu.memory_space<vmem>> -> memref<64x64xf32, #tpu.memory_space<vmem>>
    %dma_wait3A_286 = arith.constant 0 : i32
    %dma_wait3A_287 = tpu.memref_slice %arg7[%add3A_279, %dma_wait3A_286] : memref<304x64xi32, #tpu.memory_space<vmem>> -> memref<1x64xi32, #tpu.memory_space<vmem>>
    %dma_wait3A_288 = tpu.memref_squeeze %dma_wait3A_287 : memref<1x64xi32, #tpu.memory_space<vmem>> -> memref<64xi32, #tpu.memory_space<vmem>>
    %dma_wait3A_289 = arith.constant 0 : i32
    %dma_wait3A_290 = arith.constant 0 : i32
    %dma_wait3A_291 = tpu.memref_slice %arg2[%dma_wait3A_289, %dma_wait3A_290] : memref<10240x64xf32, #tpu.memory_space<hbm>> -> memref<10240x64xf32, #tpu.memory_space<hbm>>
    %dma_wait3A_292 = tpu.memref_slice %arg11[%dma_wait3A_281] : memref<8x!tpu.dma_semaphore, #tpu.memory_space<semaphore_mem>> -> memref<1x!tpu.dma_semaphore, #tpu.memory_space<semaphore_mem>>
    %dma_wait3A_293 = tpu.memref_squeeze %dma_wait3A_292 : memref<1x!tpu.dma_semaphore, #tpu.memory_space<semaphore_mem>> -> memref<!tpu.dma_semaphore, #tpu.memory_space<semaphore_mem>>
    tpu.wait_indirect_dma semaphore(%dma_wait3A_293 : memref<!tpu.dma_semaphore, #tpu.memory_space<semaphore_mem>>) src(%dma_wait3A_291 : memref<10240x64xf32, #tpu.memory_space<hbm>>) dst(%dma_wait3A_285 : memref<64x64xf32, #tpu.memory_space<vmem>>)
    %add3A_294 = arith.constant 4 : i32
    %add3A_295 = arith.addi %mul3A_150, %add3A_294 : i32
    %dma_start3A_296 = arith.constant 4 : i32
    %dma_start3A_297 = arith.constant 4 : i32
    %dma_start3A_298 = arith.constant 0 : i32
    %dma_start3A_299 = arith.constant 0 : i32
    %dma_start3A_300 = tpu.memref_slice %arg9[%dma_start3A_296, %dma_start3A_298, %dma_start3A_299] : memref<8x64x64xf32, #tpu.memory_space<vmem>> -> memref<1x64x64xf32, #tpu.memory_space<vmem>>
    %dma_start3A_301 = tpu.memref_squeeze %dma_start3A_300 : memref<1x64x64xf32, #tpu.memory_space<vmem>> -> memref<64x64xf32, #tpu.memory_space<vmem>>
    %dma_start3A_302 = arith.constant 0 : i32
    %dma_start3A_303 = tpu.memref_slice %arg8[%add3A_295, %dma_start3A_302] : memref<304x64xi32, #tpu.memory_space<vmem>> -> memref<1x64xi32, #tpu.memory_space<vmem>>
    %dma_start3A_304 = tpu.memref_squeeze %dma_start3A_303 : memref<1x64xi32, #tpu.memory_space<vmem>> -> memref<64xi32, #tpu.memory_space<vmem>>
    %dma_start3A_305 = arith.constant 0 : i32
    %dma_start3A_306 = arith.constant 0 : i32
    %dma_start3A_307 = tpu.memref_slice %arg10[%dma_start3A_305, %dma_start3A_306] : memref<10240x64xf32, #tpu.memory_space<vmem_shared>> -> memref<10240x64xf32, #tpu.memory_space<vmem_shared>>
    %dma_start3A_308 = tpu.memref_slice %arg12[%dma_start3A_297] : memref<8x!tpu.dma_semaphore, #tpu.memory_space<semaphore_mem>> -> memref<1x!tpu.dma_semaphore, #tpu.memory_space<semaphore_mem>>
    %dma_start3A_309 = tpu.memref_squeeze %dma_start3A_308 : memref<1x!tpu.dma_semaphore, #tpu.memory_space<semaphore_mem>> -> memref<!tpu.dma_semaphore, #tpu.memory_space<semaphore_mem>>
    tpu.enqueue_indirect_dma source(%dma_start3A_301 : memref<64x64xf32, #tpu.memory_space<vmem>>) target(%dma_start3A_307 : memref<10240x64xf32, #tpu.memory_space<vmem_shared>>) offsets(%dma_start3A_304 : memref<64xi32, #tpu.memory_space<vmem>>) semaphore(%dma_start3A_309 : memref<!tpu.dma_semaphore, #tpu.memory_space<semaphore_mem>>) {add = true}
    %add3A_310 = arith.constant 5 : i32
    %add3A_311 = arith.addi %mul3A_150, %add3A_310 : i32
    %dma_wait3A_312 = arith.constant 5 : i32
    %dma_wait3A_313 = arith.constant 5 : i32
    %dma_wait3A_314 = arith.constant 0 : i32
    %dma_wait3A_315 = arith.constant 0 : i32
    %dma_wait3A_316 = tpu.memref_slice %arg9[%dma_wait3A_312, %dma_wait3A_314, %dma_wait3A_315] : memref<8x64x64xf32, #tpu.memory_space<vmem>> -> memref<1x64x64xf32, #tpu.memory_space<vmem>>
    %dma_wait3A_317 = tpu.memref_squeeze %dma_wait3A_316 : memref<1x64x64xf32, #tpu.memory_space<vmem>> -> memref<64x64xf32, #tpu.memory_space<vmem>>
    %dma_wait3A_318 = arith.constant 0 : i32
    %dma_wait3A_319 = tpu.memref_slice %arg7[%add3A_311, %dma_wait3A_318] : memref<304x64xi32, #tpu.memory_space<vmem>> -> memref<1x64xi32, #tpu.memory_space<vmem>>
    %dma_wait3A_320 = tpu.memref_squeeze %dma_wait3A_319 : memref<1x64xi32, #tpu.memory_space<vmem>> -> memref<64xi32, #tpu.memory_space<vmem>>
    %dma_wait3A_321 = arith.constant 0 : i32
    %dma_wait3A_322 = arith.constant 0 : i32
    %dma_wait3A_323 = tpu.memref_slice %arg2[%dma_wait3A_321, %dma_wait3A_322] : memref<10240x64xf32, #tpu.memory_space<hbm>> -> memref<10240x64xf32, #tpu.memory_space<hbm>>
    %dma_wait3A_324 = tpu.memref_slice %arg11[%dma_wait3A_313] : memref<8x!tpu.dma_semaphore, #tpu.memory_space<semaphore_mem>> -> memref<1x!tpu.dma_semaphore, #tpu.memory_space<semaphore_mem>>
    %dma_wait3A_325 = tpu.memref_squeeze %dma_wait3A_324 : memref<1x!tpu.dma_semaphore, #tpu.memory_space<semaphore_mem>> -> memref<!tpu.dma_semaphore, #tpu.memory_space<semaphore_mem>>
    tpu.wait_indirect_dma semaphore(%dma_wait3A_325 : memref<!tpu.dma_semaphore, #tpu.memory_space<semaphore_mem>>) src(%dma_wait3A_323 : memref<10240x64xf32, #tpu.memory_space<hbm>>) dst(%dma_wait3A_317 : memref<64x64xf32, #tpu.memory_space<vmem>>)
    %add3A_326 = arith.constant 5 : i32
    %add3A_327 = arith.addi %mul3A_150, %add3A_326 : i32
    %dma_start3A_328 = arith.constant 5 : i32
    %dma_start3A_329 = arith.constant 5 : i32
    %dma_start3A_330 = arith.constant 0 : i32
    %dma_start3A_331 = arith.constant 0 : i32
    %dma_start3A_332 = tpu.memref_slice %arg9[%dma_start3A_328, %dma_start3A_330, %dma_start3A_331] : memref<8x64x64xf32, #tpu.memory_space<vmem>> -> memref<1x64x64xf32, #tpu.memory_space<vmem>>
    %dma_start3A_333 = tpu.memref_squeeze %dma_start3A_332 : memref<1x64x64xf32, #tpu.memory_space<vmem>> -> memref<64x64xf32, #tpu.memory_space<vmem>>
    %dma_start3A_334 = arith.constant 0 : i32
    %dma_start3A_335 = tpu.memref_slice %arg8[%add3A_327, %dma_start3A_334] : memref<304x64xi32, #tpu.memory_space<vmem>> -> memref<1x64xi32, #tpu.memory_space<vmem>>
    %dma_start3A_336 = tpu.memref_squeeze %dma_start3A_335 : memref<1x64xi32, #tpu.memory_space<vmem>> -> memref<64xi32, #tpu.memory_space<vmem>>
    %dma_start3A_337 = arith.constant 0 : i32
    %dma_start3A_338 = arith.constant 0 : i32
    %dma_start3A_339 = tpu.memref_slice %arg10[%dma_start3A_337, %dma_start3A_338] : memref<10240x64xf32, #tpu.memory_space<vmem_shared>> -> memref<10240x64xf32, #tpu.memory_space<vmem_shared>>
    %dma_start3A_340 = tpu.memref_slice %arg12[%dma_start3A_329] : memref<8x!tpu.dma_semaphore, #tpu.memory_space<semaphore_mem>> -> memref<1x!tpu.dma_semaphore, #tpu.memory_space<semaphore_mem>>
    %dma_start3A_341 = tpu.memref_squeeze %dma_start3A_340 : memref<1x!tpu.dma_semaphore, #tpu.memory_space<semaphore_mem>> -> memref<!tpu.dma_semaphore, #tpu.memory_space<semaphore_mem>>
    tpu.enqueue_indirect_dma source(%dma_start3A_333 : memref<64x64xf32, #tpu.memory_space<vmem>>) target(%dma_start3A_339 : memref<10240x64xf32, #tpu.memory_space<vmem_shared>>) offsets(%dma_start3A_336 : memref<64xi32, #tpu.memory_space<vmem>>) semaphore(%dma_start3A_341 : memref<!tpu.dma_semaphore, #tpu.memory_space<semaphore_mem>>) {add = true}
    %add3A_342 = arith.constant 6 : i32
    %add3A_343 = arith.addi %mul3A_150, %add3A_342 : i32
    %dma_wait3A_344 = arith.constant 6 : i32
    %dma_wait3A_345 = arith.constant 6 : i32
    %dma_wait3A_346 = arith.constant 0 : i32
    %dma_wait3A_347 = arith.constant 0 : i32
    %dma_wait3A_348 = tpu.memref_slice %arg9[%dma_wait3A_344, %dma_wait3A_346, %dma_wait3A_347] : memref<8x64x64xf32, #tpu.memory_space<vmem>> -> memref<1x64x64xf32, #tpu.memory_space<vmem>>
    %dma_wait3A_349 = tpu.memref_squeeze %dma_wait3A_348 : memref<1x64x64xf32, #tpu.memory_space<vmem>> -> memref<64x64xf32, #tpu.memory_space<vmem>>
    %dma_wait3A_350 = arith.constant 0 : i32
    %dma_wait3A_351 = tpu.memref_slice %arg7[%add3A_343, %dma_wait3A_350] : memref<304x64xi32, #tpu.memory_space<vmem>> -> memref<1x64xi32, #tpu.memory_space<vmem>>
    %dma_wait3A_352 = tpu.memref_squeeze %dma_wait3A_351 : memref<1x64xi32, #tpu.memory_space<vmem>> -> memref<64xi32, #tpu.memory_space<vmem>>
    %dma_wait3A_353 = arith.constant 0 : i32
    %dma_wait3A_354 = arith.constant 0 : i32
    %dma_wait3A_355 = tpu.memref_slice %arg2[%dma_wait3A_353, %dma_wait3A_354] : memref<10240x64xf32, #tpu.memory_space<hbm>> -> memref<10240x64xf32, #tpu.memory_space<hbm>>
    %dma_wait3A_356 = tpu.memref_slice %arg11[%dma_wait3A_345] : memref<8x!tpu.dma_semaphore, #tpu.memory_space<semaphore_mem>> -> memref<1x!tpu.dma_semaphore, #tpu.memory_space<semaphore_mem>>
    %dma_wait3A_357 = tpu.memref_squeeze %dma_wait3A_356 : memref<1x!tpu.dma_semaphore, #tpu.memory_space<semaphore_mem>> -> memref<!tpu.dma_semaphore, #tpu.memory_space<semaphore_mem>>
    tpu.wait_indirect_dma semaphore(%dma_wait3A_357 : memref<!tpu.dma_semaphore, #tpu.memory_space<semaphore_mem>>) src(%dma_wait3A_355 : memref<10240x64xf32, #tpu.memory_space<hbm>>) dst(%dma_wait3A_349 : memref<64x64xf32, #tpu.memory_space<vmem>>)
    %add3A_358 = arith.constant 6 : i32
    %add3A_359 = arith.addi %mul3A_150, %add3A_358 : i32
    %dma_start3A_360 = arith.constant 6 : i32
    %dma_start3A_361 = arith.constant 6 : i32
    %dma_start3A_362 = arith.constant 0 : i32
    %dma_start3A_363 = arith.constant 0 : i32
    %dma_start3A_364 = tpu.memref_slice %arg9[%dma_start3A_360, %dma_start3A_362, %dma_start3A_363] : memref<8x64x64xf32, #tpu.memory_space<vmem>> -> memref<1x64x64xf32, #tpu.memory_space<vmem>>
    %dma_start3A_365 = tpu.memref_squeeze %dma_start3A_364 : memref<1x64x64xf32, #tpu.memory_space<vmem>> -> memref<64x64xf32, #tpu.memory_space<vmem>>
    %dma_start3A_366 = arith.constant 0 : i32
    %dma_start3A_367 = tpu.memref_slice %arg8[%add3A_359, %dma_start3A_366] : memref<304x64xi32, #tpu.memory_space<vmem>> -> memref<1x64xi32, #tpu.memory_space<vmem>>
    %dma_start3A_368 = tpu.memref_squeeze %dma_start3A_367 : memref<1x64xi32, #tpu.memory_space<vmem>> -> memref<64xi32, #tpu.memory_space<vmem>>
    %dma_start3A_369 = arith.constant 0 : i32
    %dma_start3A_370 = arith.constant 0 : i32
    %dma_start3A_371 = tpu.memref_slice %arg10[%dma_start3A_369, %dma_start3A_370] : memref<10240x64xf32, #tpu.memory_space<vmem_shared>> -> memref<10240x64xf32, #tpu.memory_space<vmem_shared>>
    %dma_start3A_372 = tpu.memref_slice %arg12[%dma_start3A_361] : memref<8x!tpu.dma_semaphore, #tpu.memory_space<semaphore_mem>> -> memref<1x!tpu.dma_semaphore, #tpu.memory_space<semaphore_mem>>
    %dma_start3A_373 = tpu.memref_squeeze %dma_start3A_372 : memref<1x!tpu.dma_semaphore, #tpu.memory_space<semaphore_mem>> -> memref<!tpu.dma_semaphore, #tpu.memory_space<semaphore_mem>>
    tpu.enqueue_indirect_dma source(%dma_start3A_365 : memref<64x64xf32, #tpu.memory_space<vmem>>) target(%dma_start3A_371 : memref<10240x64xf32, #tpu.memory_space<vmem_shared>>) offsets(%dma_start3A_368 : memref<64xi32, #tpu.memory_space<vmem>>) semaphore(%dma_start3A_373 : memref<!tpu.dma_semaphore, #tpu.memory_space<semaphore_mem>>) {add = true}
    %add3A_374 = arith.constant 7 : i32
    %add3A_375 = arith.addi %mul3A_150, %add3A_374 : i32
    %dma_wait3A_376 = arith.constant 7 : i32
    %dma_wait3A_377 = arith.constant 7 : i32
    %dma_wait3A_378 = arith.constant 0 : i32
    %dma_wait3A_379 = arith.constant 0 : i32
    %dma_wait3A_380 = tpu.memref_slice %arg9[%dma_wait3A_376, %dma_wait3A_378, %dma_wait3A_379] : memref<8x64x64xf32, #tpu.memory_space<vmem>> -> memref<1x64x64xf32, #tpu.memory_space<vmem>>
    %dma_wait3A_381 = tpu.memref_squeeze %dma_wait3A_380 : memref<1x64x64xf32, #tpu.memory_space<vmem>> -> memref<64x64xf32, #tpu.memory_space<vmem>>
    %dma_wait3A_382 = arith.constant 0 : i32
    %dma_wait3A_383 = tpu.memref_slice %arg7[%add3A_375, %dma_wait3A_382] : memref<304x64xi32, #tpu.memory_space<vmem>> -> memref<1x64xi32, #tpu.memory_space<vmem>>
    %dma_wait3A_384 = tpu.memref_squeeze %dma_wait3A_383 : memref<1x64xi32, #tpu.memory_space<vmem>> -> memref<64xi32, #tpu.memory_space<vmem>>
    %dma_wait3A_385 = arith.constant 0 : i32
    %dma_wait3A_386 = arith.constant 0 : i32
    %dma_wait3A_387 = tpu.memref_slice %arg2[%dma_wait3A_385, %dma_wait3A_386] : memref<10240x64xf32, #tpu.memory_space<hbm>> -> memref<10240x64xf32, #tpu.memory_space<hbm>>
    %dma_wait3A_388 = tpu.memref_slice %arg11[%dma_wait3A_377] : memref<8x!tpu.dma_semaphore, #tpu.memory_space<semaphore_mem>> -> memref<1x!tpu.dma_semaphore, #tpu.memory_space<semaphore_mem>>
    %dma_wait3A_389 = tpu.memref_squeeze %dma_wait3A_388 : memref<1x!tpu.dma_semaphore, #tpu.memory_space<semaphore_mem>> -> memref<!tpu.dma_semaphore, #tpu.memory_space<semaphore_mem>>
    tpu.wait_indirect_dma semaphore(%dma_wait3A_389 : memref<!tpu.dma_semaphore, #tpu.memory_space<semaphore_mem>>) src(%dma_wait3A_387 : memref<10240x64xf32, #tpu.memory_space<hbm>>) dst(%dma_wait3A_381 : memref<64x64xf32, #tpu.memory_space<vmem>>)
    %add3A_390 = arith.constant 7 : i32
    %add3A_391 = arith.addi %mul3A_150, %add3A_390 : i32
    %dma_start3A_392 = arith.constant 7 : i32
    %dma_start3A_393 = arith.constant 7 : i32
    %dma_start3A_394 = arith.constant 0 : i32
    %dma_start3A_395 = arith.constant 0 : i32
    %dma_start3A_396 = tpu.memref_slice %arg9[%dma_start3A_392, %dma_start3A_394, %dma_start3A_395] : memref<8x64x64xf32, #tpu.memory_space<vmem>> -> memref<1x64x64xf32, #tpu.memory_space<vmem>>
    %dma_start3A_397 = tpu.memref_squeeze %dma_start3A_396 : memref<1x64x64xf32, #tpu.memory_space<vmem>> -> memref<64x64xf32, #tpu.memory_space<vmem>>
    %dma_start3A_398 = arith.constant 0 : i32
    %dma_start3A_399 = tpu.memref_slice %arg8[%add3A_391, %dma_start3A_398] : memref<304x64xi32, #tpu.memory_space<vmem>> -> memref<1x64xi32, #tpu.memory_space<vmem>>
    %dma_start3A_400 = tpu.memref_squeeze %dma_start3A_399 : memref<1x64xi32, #tpu.memory_space<vmem>> -> memref<64xi32, #tpu.memory_space<vmem>>
    %dma_start3A_401 = arith.constant 0 : i32
    %dma_start3A_402 = arith.constant 0 : i32
    %dma_start3A_403 = tpu.memref_slice %arg10[%dma_start3A_401, %dma_start3A_402] : memref<10240x64xf32, #tpu.memory_space<vmem_shared>> -> memref<10240x64xf32, #tpu.memory_space<vmem_shared>>
    %dma_start3A_404 = tpu.memref_slice %arg12[%dma_start3A_393] : memref<8x!tpu.dma_semaphore, #tpu.memory_space<semaphore_mem>> -> memref<1x!tpu.dma_semaphore, #tpu.memory_space<semaphore_mem>>
    %dma_start3A_405 = tpu.memref_squeeze %dma_start3A_404 : memref<1x!tpu.dma_semaphore, #tpu.memory_space<semaphore_mem>> -> memref<!tpu.dma_semaphore, #tpu.memory_space<semaphore_mem>>
    tpu.enqueue_indirect_dma source(%dma_start3A_397 : memref<64x64xf32, #tpu.memory_space<vmem>>) target(%dma_start3A_403 : memref<10240x64xf32, #tpu.memory_space<vmem_shared>>) offsets(%dma_start3A_400 : memref<64xi32, #tpu.memory_space<vmem>>) semaphore(%dma_start3A_405 : memref<!tpu.dma_semaphore, #tpu.memory_space<semaphore_mem>>) {add = true}
    %add3A_406 = arith.constant 0 : i32
    %add3A_407 = arith.addi %mul3A_150, %add3A_406 : i32
    %dma_wait3A_408 = arith.constant 0 : i32
    %dma_wait3A_409 = arith.constant 0 : i32
    %dma_wait3A_410 = arith.constant 0 : i32
    %dma_wait3A_411 = arith.constant 0 : i32
    %dma_wait3A_412 = tpu.memref_slice %arg9[%dma_wait3A_408, %dma_wait3A_410, %dma_wait3A_411] : memref<8x64x64xf32, #tpu.memory_space<vmem>> -> memref<1x64x64xf32, #tpu.memory_space<vmem>>
    %dma_wait3A_413 = tpu.memref_squeeze %dma_wait3A_412 : memref<1x64x64xf32, #tpu.memory_space<vmem>> -> memref<64x64xf32, #tpu.memory_space<vmem>>
    %dma_wait3A_414 = arith.constant 0 : i32
    %dma_wait3A_415 = tpu.memref_slice %arg8[%add3A_407, %dma_wait3A_414] : memref<304x64xi32, #tpu.memory_space<vmem>> -> memref<1x64xi32, #tpu.memory_space<vmem>>
    %dma_wait3A_416 = tpu.memref_squeeze %dma_wait3A_415 : memref<1x64xi32, #tpu.memory_space<vmem>> -> memref<64xi32, #tpu.memory_space<vmem>>
    %dma_wait3A_417 = arith.constant 0 : i32
    %dma_wait3A_418 = arith.constant 0 : i32
    %dma_wait3A_419 = tpu.memref_slice %arg10[%dma_wait3A_417, %dma_wait3A_418] : memref<10240x64xf32, #tpu.memory_space<vmem_shared>> -> memref<10240x64xf32, #tpu.memory_space<vmem_shared>>
    %dma_wait3A_420 = tpu.memref_slice %arg12[%dma_wait3A_409] : memref<8x!tpu.dma_semaphore, #tpu.memory_space<semaphore_mem>> -> memref<1x!tpu.dma_semaphore, #tpu.memory_space<semaphore_mem>>
    %dma_wait3A_421 = tpu.memref_squeeze %dma_wait3A_420 : memref<1x!tpu.dma_semaphore, #tpu.memory_space<semaphore_mem>> -> memref<!tpu.dma_semaphore, #tpu.memory_space<semaphore_mem>>
    tpu.wait_indirect_dma semaphore(%dma_wait3A_421 : memref<!tpu.dma_semaphore, #tpu.memory_space<semaphore_mem>>) src(%dma_wait3A_413 : memref<64x64xf32, #tpu.memory_space<vmem>>) dst(%dma_wait3A_419 : memref<10240x64xf32, #tpu.memory_space<vmem_shared>>)
    %add3A_422 = arith.constant 1 : i32
    %add3A_423 = arith.addi %mul3A_150, %add3A_422 : i32
    %dma_wait3A_424 = arith.constant 1 : i32
    %dma_wait3A_425 = arith.constant 1 : i32
    %dma_wait3A_426 = arith.constant 0 : i32
    %dma_wait3A_427 = arith.constant 0 : i32
    %dma_wait3A_428 = tpu.memref_slice %arg9[%dma_wait3A_424, %dma_wait3A_426, %dma_wait3A_427] : memref<8x64x64xf32, #tpu.memory_space<vmem>> -> memref<1x64x64xf32, #tpu.memory_space<vmem>>
    %dma_wait3A_429 = tpu.memref_squeeze %dma_wait3A_428 : memref<1x64x64xf32, #tpu.memory_space<vmem>> -> memref<64x64xf32, #tpu.memory_space<vmem>>
    %dma_wait3A_430 = arith.constant 0 : i32
    %dma_wait3A_431 = tpu.memref_slice %arg8[%add3A_423, %dma_wait3A_430] : memref<304x64xi32, #tpu.memory_space<vmem>> -> memref<1x64xi32, #tpu.memory_space<vmem>>
    %dma_wait3A_432 = tpu.memref_squeeze %dma_wait3A_431 : memref<1x64xi32, #tpu.memory_space<vmem>> -> memref<64xi32, #tpu.memory_space<vmem>>
    %dma_wait3A_433 = arith.constant 0 : i32
    %dma_wait3A_434 = arith.constant 0 : i32
    %dma_wait3A_435 = tpu.memref_slice %arg10[%dma_wait3A_433, %dma_wait3A_434] : memref<10240x64xf32, #tpu.memory_space<vmem_shared>> -> memref<10240x64xf32, #tpu.memory_space<vmem_shared>>
    %dma_wait3A_436 = tpu.memref_slice %arg12[%dma_wait3A_425] : memref<8x!tpu.dma_semaphore, #tpu.memory_space<semaphore_mem>> -> memref<1x!tpu.dma_semaphore, #tpu.memory_space<semaphore_mem>>
    %dma_wait3A_437 = tpu.memref_squeeze %dma_wait3A_436 : memref<1x!tpu.dma_semaphore, #tpu.memory_space<semaphore_mem>> -> memref<!tpu.dma_semaphore, #tpu.memory_space<semaphore_mem>>
    tpu.wait_indirect_dma semaphore(%dma_wait3A_437 : memref<!tpu.dma_semaphore, #tpu.memory_space<semaphore_mem>>) src(%dma_wait3A_429 : memref<64x64xf32, #tpu.memory_space<vmem>>) dst(%dma_wait3A_435 : memref<10240x64xf32, #tpu.memory_space<vmem_shared>>)
    %add3A_438 = arith.constant 2 : i32
    %add3A_439 = arith.addi %mul3A_150, %add3A_438 : i32
    %dma_wait3A_440 = arith.constant 2 : i32
    %dma_wait3A_441 = arith.constant 2 : i32
    %dma_wait3A_442 = arith.constant 0 : i32
    %dma_wait3A_443 = arith.constant 0 : i32
    %dma_wait3A_444 = tpu.memref_slice %arg9[%dma_wait3A_440, %dma_wait3A_442, %dma_wait3A_443] : memref<8x64x64xf32, #tpu.memory_space<vmem>> -> memref<1x64x64xf32, #tpu.memory_space<vmem>>
    %dma_wait3A_445 = tpu.memref_squeeze %dma_wait3A_444 : memref<1x64x64xf32, #tpu.memory_space<vmem>> -> memref<64x64xf32, #tpu.memory_space<vmem>>
    %dma_wait3A_446 = arith.constant 0 : i32
    %dma_wait3A_447 = tpu.memref_slice %arg8[%add3A_439, %dma_wait3A_446] : memref<304x64xi32, #tpu.memory_space<vmem>> -> memref<1x64xi32, #tpu.memory_space<vmem>>
    %dma_wait3A_448 = tpu.memref_squeeze %dma_wait3A_447 : memref<1x64xi32, #tpu.memory_space<vmem>> -> memref<64xi32, #tpu.memory_space<vmem>>
    %dma_wait3A_449 = arith.constant 0 : i32
    %dma_wait3A_450 = arith.constant 0 : i32
    %dma_wait3A_451 = tpu.memref_slice %arg10[%dma_wait3A_449, %dma_wait3A_450] : memref<10240x64xf32, #tpu.memory_space<vmem_shared>> -> memref<10240x64xf32, #tpu.memory_space<vmem_shared>>
    %dma_wait3A_452 = tpu.memref_slice %arg12[%dma_wait3A_441] : memref<8x!tpu.dma_semaphore, #tpu.memory_space<semaphore_mem>> -> memref<1x!tpu.dma_semaphore, #tpu.memory_space<semaphore_mem>>
    %dma_wait3A_453 = tpu.memref_squeeze %dma_wait3A_452 : memref<1x!tpu.dma_semaphore, #tpu.memory_space<semaphore_mem>> -> memref<!tpu.dma_semaphore, #tpu.memory_space<semaphore_mem>>
    tpu.wait_indirect_dma semaphore(%dma_wait3A_453 : memref<!tpu.dma_semaphore, #tpu.memory_space<semaphore_mem>>) src(%dma_wait3A_445 : memref<64x64xf32, #tpu.memory_space<vmem>>) dst(%dma_wait3A_451 : memref<10240x64xf32, #tpu.memory_space<vmem_shared>>)
    %add3A_454 = arith.constant 3 : i32
    %add3A_455 = arith.addi %mul3A_150, %add3A_454 : i32
    %dma_wait3A_456 = arith.constant 3 : i32
    %dma_wait3A_457 = arith.constant 3 : i32
    %dma_wait3A_458 = arith.constant 0 : i32
    %dma_wait3A_459 = arith.constant 0 : i32
    %dma_wait3A_460 = tpu.memref_slice %arg9[%dma_wait3A_456, %dma_wait3A_458, %dma_wait3A_459] : memref<8x64x64xf32, #tpu.memory_space<vmem>> -> memref<1x64x64xf32, #tpu.memory_space<vmem>>
    %dma_wait3A_461 = tpu.memref_squeeze %dma_wait3A_460 : memref<1x64x64xf32, #tpu.memory_space<vmem>> -> memref<64x64xf32, #tpu.memory_space<vmem>>
    %dma_wait3A_462 = arith.constant 0 : i32
    %dma_wait3A_463 = tpu.memref_slice %arg8[%add3A_455, %dma_wait3A_462] : memref<304x64xi32, #tpu.memory_space<vmem>> -> memref<1x64xi32, #tpu.memory_space<vmem>>
    %dma_wait3A_464 = tpu.memref_squeeze %dma_wait3A_463 : memref<1x64xi32, #tpu.memory_space<vmem>> -> memref<64xi32, #tpu.memory_space<vmem>>
    %dma_wait3A_465 = arith.constant 0 : i32
    %dma_wait3A_466 = arith.constant 0 : i32
    %dma_wait3A_467 = tpu.memref_slice %arg10[%dma_wait3A_465, %dma_wait3A_466] : memref<10240x64xf32, #tpu.memory_space<vmem_shared>> -> memref<10240x64xf32, #tpu.memory_space<vmem_shared>>
    %dma_wait3A_468 = tpu.memref_slice %arg12[%dma_wait3A_457] : memref<8x!tpu.dma_semaphore, #tpu.memory_space<semaphore_mem>> -> memref<1x!tpu.dma_semaphore, #tpu.memory_space<semaphore_mem>>
    %dma_wait3A_469 = tpu.memref_squeeze %dma_wait3A_468 : memref<1x!tpu.dma_semaphore, #tpu.memory_space<semaphore_mem>> -> memref<!tpu.dma_semaphore, #tpu.memory_space<semaphore_mem>>
    tpu.wait_indirect_dma semaphore(%dma_wait3A_469 : memref<!tpu.dma_semaphore, #tpu.memory_space<semaphore_mem>>) src(%dma_wait3A_461 : memref<64x64xf32, #tpu.memory_space<vmem>>) dst(%dma_wait3A_467 : memref<10240x64xf32, #tpu.memory_space<vmem_shared>>)
    %add3A_470 = arith.constant 4 : i32
    %add3A_471 = arith.addi %mul3A_150, %add3A_470 : i32
    %dma_wait3A_472 = arith.constant 4 : i32
    %dma_wait3A_473 = arith.constant 4 : i32
    %dma_wait3A_474 = arith.constant 0 : i32
    %dma_wait3A_475 = arith.constant 0 : i32
    %dma_wait3A_476 = tpu.memref_slice %arg9[%dma_wait3A_472, %dma_wait3A_474, %dma_wait3A_475] : memref<8x64x64xf32, #tpu.memory_space<vmem>> -> memref<1x64x64xf32, #tpu.memory_space<vmem>>
    %dma_wait3A_477 = tpu.memref_squeeze %dma_wait3A_476 : memref<1x64x64xf32, #tpu.memory_space<vmem>> -> memref<64x64xf32, #tpu.memory_space<vmem>>
    %dma_wait3A_478 = arith.constant 0 : i32
    %dma_wait3A_479 = tpu.memref_slice %arg8[%add3A_471, %dma_wait3A_478] : memref<304x64xi32, #tpu.memory_space<vmem>> -> memref<1x64xi32, #tpu.memory_space<vmem>>
    %dma_wait3A_480 = tpu.memref_squeeze %dma_wait3A_479 : memref<1x64xi32, #tpu.memory_space<vmem>> -> memref<64xi32, #tpu.memory_space<vmem>>
    %dma_wait3A_481 = arith.constant 0 : i32
    %dma_wait3A_482 = arith.constant 0 : i32
    %dma_wait3A_483 = tpu.memref_slice %arg10[%dma_wait3A_481, %dma_wait3A_482] : memref<10240x64xf32, #tpu.memory_space<vmem_shared>> -> memref<10240x64xf32, #tpu.memory_space<vmem_shared>>
    %dma_wait3A_484 = tpu.memref_slice %arg12[%dma_wait3A_473] : memref<8x!tpu.dma_semaphore, #tpu.memory_space<semaphore_mem>> -> memref<1x!tpu.dma_semaphore, #tpu.memory_space<semaphore_mem>>
    %dma_wait3A_485 = tpu.memref_squeeze %dma_wait3A_484 : memref<1x!tpu.dma_semaphore, #tpu.memory_space<semaphore_mem>> -> memref<!tpu.dma_semaphore, #tpu.memory_space<semaphore_mem>>
    tpu.wait_indirect_dma semaphore(%dma_wait3A_485 : memref<!tpu.dma_semaphore, #tpu.memory_space<semaphore_mem>>) src(%dma_wait3A_477 : memref<64x64xf32, #tpu.memory_space<vmem>>) dst(%dma_wait3A_483 : memref<10240x64xf32, #tpu.memory_space<vmem_shared>>)
    %add3A_486 = arith.constant 5 : i32
    %add3A_487 = arith.addi %mul3A_150, %add3A_486 : i32
    %dma_wait3A_488 = arith.constant 5 : i32
    %dma_wait3A_489 = arith.constant 5 : i32
    %dma_wait3A_490 = arith.constant 0 : i32
    %dma_wait3A_491 = arith.constant 0 : i32
    %dma_wait3A_492 = tpu.memref_slice %arg9[%dma_wait3A_488, %dma_wait3A_490, %dma_wait3A_491] : memref<8x64x64xf32, #tpu.memory_space<vmem>> -> memref<1x64x64xf32, #tpu.memory_space<vmem>>
    %dma_wait3A_493 = tpu.memref_squeeze %dma_wait3A_492 : memref<1x64x64xf32, #tpu.memory_space<vmem>> -> memref<64x64xf32, #tpu.memory_space<vmem>>
    %dma_wait3A_494 = arith.constant 0 : i32
    %dma_wait3A_495 = tpu.memref_slice %arg8[%add3A_487, %dma_wait3A_494] : memref<304x64xi32, #tpu.memory_space<vmem>> -> memref<1x64xi32, #tpu.memory_space<vmem>>
    %dma_wait3A_496 = tpu.memref_squeeze %dma_wait3A_495 : memref<1x64xi32, #tpu.memory_space<vmem>> -> memref<64xi32, #tpu.memory_space<vmem>>
    %dma_wait3A_497 = arith.constant 0 : i32
    %dma_wait3A_498 = arith.constant 0 : i32
    %dma_wait3A_499 = tpu.memref_slice %arg10[%dma_wait3A_497, %dma_wait3A_498] : memref<10240x64xf32, #tpu.memory_space<vmem_shared>> -> memref<10240x64xf32, #tpu.memory_space<vmem_shared>>
    %dma_wait3A_500 = tpu.memref_slice %arg12[%dma_wait3A_489] : memref<8x!tpu.dma_semaphore, #tpu.memory_space<semaphore_mem>> -> memref<1x!tpu.dma_semaphore, #tpu.memory_space<semaphore_mem>>
    %dma_wait3A_501 = tpu.memref_squeeze %dma_wait3A_500 : memref<1x!tpu.dma_semaphore, #tpu.memory_space<semaphore_mem>> -> memref<!tpu.dma_semaphore, #tpu.memory_space<semaphore_mem>>
    tpu.wait_indirect_dma semaphore(%dma_wait3A_501 : memref<!tpu.dma_semaphore, #tpu.memory_space<semaphore_mem>>) src(%dma_wait3A_493 : memref<64x64xf32, #tpu.memory_space<vmem>>) dst(%dma_wait3A_499 : memref<10240x64xf32, #tpu.memory_space<vmem_shared>>)
    %add3A_502 = arith.constant 6 : i32
    %add3A_503 = arith.addi %mul3A_150, %add3A_502 : i32
    %dma_wait3A_504 = arith.constant 6 : i32
    %dma_wait3A_505 = arith.constant 6 : i32
    %dma_wait3A_506 = arith.constant 0 : i32
    %dma_wait3A_507 = arith.constant 0 : i32
    %dma_wait3A_508 = tpu.memref_slice %arg9[%dma_wait3A_504, %dma_wait3A_506, %dma_wait3A_507] : memref<8x64x64xf32, #tpu.memory_space<vmem>> -> memref<1x64x64xf32, #tpu.memory_space<vmem>>
    %dma_wait3A_509 = tpu.memref_squeeze %dma_wait3A_508 : memref<1x64x64xf32, #tpu.memory_space<vmem>> -> memref<64x64xf32, #tpu.memory_space<vmem>>
    %dma_wait3A_510 = arith.constant 0 : i32
    %dma_wait3A_511 = tpu.memref_slice %arg8[%add3A_503, %dma_wait3A_510] : memref<304x64xi32, #tpu.memory_space<vmem>> -> memref<1x64xi32, #tpu.memory_space<vmem>>
    %dma_wait3A_512 = tpu.memref_squeeze %dma_wait3A_511 : memref<1x64xi32, #tpu.memory_space<vmem>> -> memref<64xi32, #tpu.memory_space<vmem>>
    %dma_wait3A_513 = arith.constant 0 : i32
    %dma_wait3A_514 = arith.constant 0 : i32
    %dma_wait3A_515 = tpu.memref_slice %arg10[%dma_wait3A_513, %dma_wait3A_514] : memref<10240x64xf32, #tpu.memory_space<vmem_shared>> -> memref<10240x64xf32, #tpu.memory_space<vmem_shared>>
    %dma_wait3A_516 = tpu.memref_slice %arg12[%dma_wait3A_505] : memref<8x!tpu.dma_semaphore, #tpu.memory_space<semaphore_mem>> -> memref<1x!tpu.dma_semaphore, #tpu.memory_space<semaphore_mem>>
    %dma_wait3A_517 = tpu.memref_squeeze %dma_wait3A_516 : memref<1x!tpu.dma_semaphore, #tpu.memory_space<semaphore_mem>> -> memref<!tpu.dma_semaphore, #tpu.memory_space<semaphore_mem>>
    tpu.wait_indirect_dma semaphore(%dma_wait3A_517 : memref<!tpu.dma_semaphore, #tpu.memory_space<semaphore_mem>>) src(%dma_wait3A_509 : memref<64x64xf32, #tpu.memory_space<vmem>>) dst(%dma_wait3A_515 : memref<10240x64xf32, #tpu.memory_space<vmem_shared>>)
    %add3A_518 = arith.constant 7 : i32
    %add3A_519 = arith.addi %mul3A_150, %add3A_518 : i32
    %dma_wait3A_520 = arith.constant 7 : i32
    %dma_wait3A_521 = arith.constant 7 : i32
    %dma_wait3A_522 = arith.constant 0 : i32
    %dma_wait3A_523 = arith.constant 0 : i32
    %dma_wait3A_524 = tpu.memref_slice %arg9[%dma_wait3A_520, %dma_wait3A_522, %dma_wait3A_523] : memref<8x64x64xf32, #tpu.memory_space<vmem>> -> memref<1x64x64xf32, #tpu.memory_space<vmem>>
    %dma_wait3A_525 = tpu.memref_squeeze %dma_wait3A_524 : memref<1x64x64xf32, #tpu.memory_space<vmem>> -> memref<64x64xf32, #tpu.memory_space<vmem>>
    %dma_wait3A_526 = arith.constant 0 : i32
    %dma_wait3A_527 = tpu.memref_slice %arg8[%add3A_519, %dma_wait3A_526] : memref<304x64xi32, #tpu.memory_space<vmem>> -> memref<1x64xi32, #tpu.memory_space<vmem>>
    %dma_wait3A_528 = tpu.memref_squeeze %dma_wait3A_527 : memref<1x64xi32, #tpu.memory_space<vmem>> -> memref<64xi32, #tpu.memory_space<vmem>>
    %dma_wait3A_529 = arith.constant 0 : i32
    %dma_wait3A_530 = arith.constant 0 : i32
    %dma_wait3A_531 = tpu.memref_slice %arg10[%dma_wait3A_529, %dma_wait3A_530] : memref<10240x64xf32, #tpu.memory_space<vmem_shared>> -> memref<10240x64xf32, #tpu.memory_space<vmem_shared>>
    %dma_wait3A_532 = tpu.memref_slice %arg12[%dma_wait3A_521] : memref<8x!tpu.dma_semaphore, #tpu.memory_space<semaphore_mem>> -> memref<1x!tpu.dma_semaphore, #tpu.memory_space<semaphore_mem>>
    %dma_wait3A_533 = tpu.memref_squeeze %dma_wait3A_532 : memref<1x!tpu.dma_semaphore, #tpu.memory_space<semaphore_mem>> -> memref<!tpu.dma_semaphore, #tpu.memory_space<semaphore_mem>>
    tpu.wait_indirect_dma semaphore(%dma_wait3A_533 : memref<!tpu.dma_semaphore, #tpu.memory_space<semaphore_mem>>) src(%dma_wait3A_525 : memref<64x64xf32, #tpu.memory_space<vmem>>) dst(%dma_wait3A_531 : memref<10240x64xf32, #tpu.memory_space<vmem_shared>>)
    %barrier3A_534 = arith.constant 0 : index
    tpu.barrier barrier_id(%barrier3A_534)
    "tpu.region"() ({
      %run_scoped3A = tpu.sem_alloc : memref<!tpu.dma_semaphore, #tpu.memory_space<semaphore_mem>>
      %dma_start3A_535 = arith.constant 0 : i32
      %dma_start3A_536 = tpu.memref_slice %arg6[%arg0, %mul3A_10, %dma_start3A_535] : memref<2x10240x64xf32, #tpu.memory_space<hbm>> -> memref<1x640x64xf32, #tpu.memory_space<hbm>>
      %dma_start3A_537 = tpu.memref_squeeze %dma_start3A_536 : memref<1x640x64xf32, #tpu.memory_space<hbm>> -> memref<640x64xf32, #tpu.memory_space<hbm>>
      %dma_start3A_538 = arith.constant 0 : i32
      %dma_start3A_539 = tpu.memref_slice %arg10[%mul3A_10, %dma_start3A_538] : memref<10240x64xf32, #tpu.memory_space<vmem_shared>> -> memref<640x64xf32, #tpu.memory_space<vmem_shared>>
      tpu.enqueue_dma source(%dma_start3A_539 : memref<640x64xf32, #tpu.memory_space<vmem_shared>>) target(%dma_start3A_537 : memref<640x64xf32, #tpu.memory_space<hbm>>) target_semaphore(%run_scoped3A : memref<!tpu.dma_semaphore, #tpu.memory_space<semaphore_mem>>)
      %dma_wait3A_540 = arith.constant 0 : i32
      %dma_wait3A_541 = tpu.memref_slice %arg6[%arg0, %mul3A_10, %dma_wait3A_540] : memref<2x10240x64xf32, #tpu.memory_space<hbm>> -> memref<1x640x64xf32, #tpu.memory_space<hbm>>
      %dma_wait3A_542 = tpu.memref_squeeze %dma_wait3A_541 : memref<1x640x64xf32, #tpu.memory_space<hbm>> -> memref<640x64xf32, #tpu.memory_space<hbm>>
      %dma_wait3A_543 = arith.constant 0 : i32
      %dma_wait3A_544 = tpu.memref_slice %arg10[%mul3A_10, %dma_wait3A_543] : memref<10240x64xf32, #tpu.memory_space<vmem_shared>> -> memref<640x64xf32, #tpu.memory_space<vmem_shared>>
      tpu.wait_dma2 semaphore(%run_scoped3A : memref<!tpu.dma_semaphore, #tpu.memory_space<semaphore_mem>>) src(%dma_wait3A_544 : memref<640x64xf32, #tpu.memory_space<vmem_shared>>) dst(%dma_wait3A_542 : memref<640x64xf32, #tpu.memory_space<hbm>>)
      tpu.yield
    }) : () -> ()
    return
  }
}

module attributes {stable_mosaic.version = 14 : i64} {
  func.func @_mm0_body(%arg0: i32, %arg1: memref<1024x128xf32, #tpu.memory_space<vmem>>, %arg2: memref<128x64xf32, #tpu.memory_space<vmem>>, %arg3: memref<1024x16xf32, #tpu.memory_space<vmem>>, %arg4: memref<1024x64xf32, #tpu.memory_space<vmem>>, %arg5: memref<1024x1xf32, #tpu.memory_space<vmem>>) attributes {dimension_semantics = [#tpu.dimension_semantics<arbitrary>], iteration_bounds = array<i64: 10>, scalar_prefetch = 0 : i64, scratch_operands = 0 : i64, tpu.core_type = #tpu.core_type<tc>, window_params = [{transform_indices = @transform_0, window_bounds = array<i64: 1024, 128>}, {pipeline_mode = #tpu.pipeline_mode<synchronous>, transform_indices = @transform_1, window_bounds = array<i64: 128, 64>}, {transform_indices = @transform_2, window_bounds = array<i64: 1024, 16>}, {transform_indices = @transform_3, window_bounds = array<i64: 1024, 64>}, {transform_indices = @transform_4, window_bounds = array<i64: 1024, 1>}]} {
    %get3A = arith.constant 0 : index
    %get3A_0 = arith.constant 0 : index
    %get3A_1 = vector.load %arg3[%get3A, %get3A_0] : memref<1024x16xf32, #tpu.memory_space<vmem>>, vector<1024x1xf32>
    %add3A = arith.constant 1.000000e+00 : f32
    %add3A_2 = vector.broadcast %add3A : f32 to vector<1024x1xf32>
    %add3A_3 = arith.addf %get3A_1, %add3A_2 : vector<1024x1xf32>
    %rsqrt3A = math.rsqrt %add3A_3 : vector<1024x1xf32>
    %get3A_4 = arith.constant 0 : index
    %get3A_5 = arith.constant 0 : index
    %get3A_6 = vector.load %arg1[%get3A_4, %get3A_5] : memref<1024x128xf32, #tpu.memory_space<vmem>>, vector<1024x128xf32>
    %get3A_7 = arith.constant 0 : index
    %get3A_8 = arith.constant 0 : index
    %get3A_9 = vector.load %arg2[%get3A_7, %get3A_8] : memref<128x64xf32, #tpu.memory_space<vmem>>, vector<128x64xf32>
    %dot_general3A = arith.constant dense<0.000000e+00> : vector<1024x64xf32>
    %dot_general3A_10 = tpu.matmul %get3A_6, %get3A_9, %dot_general3A {dimension_numbers = #tpu.dot_dimension_numbers<[1], [0], [0], [1], [0, 0, 1, 1], [], []>, transpose_lhs_hint = false} : vector<1024x128xf32>, vector<128x64xf32>, vector<1024x64xf32> -> vector<1024x64xf32>
    %mul3A = vector.broadcast %rsqrt3A : vector<1024x1xf32> to vector<1024x64xf32>
    %mul3A_11 = arith.mulf %dot_general3A_10, %mul3A : vector<1024x64xf32>
    %swap3A = arith.constant 0 : index
    %swap3A_12 = arith.constant 0 : index
    %swap3A_13 = vector.load %arg4[%swap3A, %swap3A_12] : memref<1024x64xf32, #tpu.memory_space<vmem>>, vector<1024x64xf32>
    tpu.vector_store %arg4[%swap3A, %swap3A_12], %mul3A_11 {strides = array<i32>} : memref<1024x64xf32, #tpu.memory_space<vmem>>, vector<1024x64xf32>,
    %swap3A_14 = arith.constant 0 : index
    %swap3A_15 = arith.constant 0 : index
    %swap3A_16 = vector.load %arg5[%swap3A_14, %swap3A_15] : memref<1024x1xf32, #tpu.memory_space<vmem>>, vector<1024x1xf32>
    tpu.vector_store %arg5[%swap3A_14, %swap3A_15], %rsqrt3A {strides = array<i32>} : memref<1024x1xf32, #tpu.memory_space<vmem>>, vector<1024x1xf32>,
    return
  }
  func.func @transform_0(%arg0: i32) -> (i32, i32) {
    %c0_i32 = arith.constant 0 : i32
    %c0_i32_0 = arith.constant 0 : i32
    return %arg0, %c0_i32 : i32, i32
  }
  func.func @transform_1(%arg0: i32) -> (i32, i32) {
    %c0_i32 = arith.constant 0 : i32
    %c0_i32_0 = arith.constant 0 : i32
    %c0_i32_1 = arith.constant 0 : i32
    return %c0_i32, %c0_i32_0 : i32, i32
  }
  func.func @transform_2(%arg0: i32) -> (i32, i32) {
    %c0_i32 = arith.constant 0 : i32
    %c0_i32_0 = arith.constant 0 : i32
    return %arg0, %c0_i32 : i32, i32
  }
  func.func @transform_3(%arg0: i32) -> (i32, i32) {
    %c0_i32 = arith.constant 0 : i32
    %c0_i32_0 = arith.constant 0 : i32
    return %arg0, %c0_i32 : i32, i32
  }
  func.func @transform_4(%arg0: i32) -> (i32, i32) {
    %c0_i32 = arith.constant 0 : i32
    %c0_i32_0 = arith.constant 0 : i32
    return %arg0, %c0_i32 : i32, i32
  }
}

module attributes {stable_mosaic.version = 14 : i64} {
  func.func @_mid_body(%arg0: i32, %arg1: memref<1x1024x64xf32, #tpu.memory_space<vmem>>, %arg2: memref<1x1024x64xf32, #tpu.memory_space<vmem>>, %arg3: memref<1024x64xf32, #tpu.memory_space<vmem>>, %arg4: memref<1024x1xf32, #tpu.memory_space<vmem>>, %arg5: memref<1x64xf32, #tpu.memory_space<vmem>>, %arg6: memref<64x32xf32, #tpu.memory_space<vmem>>, %arg7: memref<1024x32xf32, #tpu.memory_space<vmem>>) attributes {dimension_semantics = [#tpu.dimension_semantics<arbitrary>], iteration_bounds = array<i64: 10>, scalar_prefetch = 0 : i64, scratch_operands = 0 : i64, tpu.core_type = #tpu.core_type<tc>, window_params = [{transform_indices = @transform_0, window_bounds = array<i64: 1, 1024, 64>}, {transform_indices = @transform_1, window_bounds = array<i64: 1, 1024, 64>}, {transform_indices = @transform_2, window_bounds = array<i64: 1024, 64>}, {transform_indices = @transform_3, window_bounds = array<i64: 1024, 1>}, {pipeline_mode = #tpu.pipeline_mode<synchronous>, transform_indices = @transform_4, window_bounds = array<i64: 1, 64>}, {pipeline_mode = #tpu.pipeline_mode<synchronous>, transform_indices = @transform_5, window_bounds = array<i64: 64, 32>}, {transform_indices = @transform_6, window_bounds = array<i64: 1024, 32>}]} {
    %get3A = arith.constant 0 : index
    %get3A_0 = arith.constant 0 : index
    %get3A_1 = vector.load %arg4[%get3A, %get3A_0] : memref<1024x1xf32, #tpu.memory_space<vmem>>, vector<1024x1xf32>
    %get3A_2 = arith.constant 0 : index
    %get3A_3 = arith.constant 0 : index
    %get3A_4 = arith.constant 0 : index
    %get3A_5 = vector.load %arg1[%get3A_2, %get3A_3, %get3A_4] : memref<1x1024x64xf32, #tpu.memory_space<vmem>>, vector<1x1024x64xf32>
    %get3A_6 = vector.shape_cast %get3A_5 : vector<1x1024x64xf32> to vector<1024x64xf32>
    %get3A_7 = arith.constant 0 : index
    %get3A_8 = arith.constant 0 : index
    %get3A_9 = arith.constant 0 : index
    %get3A_10 = vector.load %arg2[%get3A_7, %get3A_8, %get3A_9] : memref<1x1024x64xf32, #tpu.memory_space<vmem>>, vector<1x1024x64xf32>
    %get3A_11 = vector.shape_cast %get3A_10 : vector<1x1024x64xf32> to vector<1024x64xf32>
    %add3A = arith.addf %get3A_6, %get3A_11 : vector<1024x64xf32>
    %get3A_12 = arith.constant 0 : index
    %get3A_13 = arith.constant 0 : index
    %get3A_14 = vector.load %arg3[%get3A_12, %get3A_13] : memref<1024x64xf32, #tpu.memory_space<vmem>>, vector<1024x64xf32>
    %add3A_15 = arith.addf %add3A, %get3A_14 : vector<1024x64xf32>
    %mul3A = vector.broadcast %get3A_1 : vector<1024x1xf32> to vector<1024x64xf32>
    %mul3A_16 = arith.mulf %add3A_15, %mul3A : vector<1024x64xf32>
    %get3A_17 = arith.constant 0 : index
    %get3A_18 = arith.constant 0 : index
    %get3A_19 = vector.load %arg5[%get3A_17, %get3A_18] : memref<1x64xf32, #tpu.memory_space<vmem>>, vector<1x64xf32>
    %add3A_20 = vector.broadcast %get3A_19 : vector<1x64xf32> to vector<1024x64xf32>
    %add3A_21 = arith.addf %mul3A_16, %add3A_20 : vector<1024x64xf32>
    %ge3A = arith.constant 0.000000e+00 : f32
    %ge3A_22 = vector.broadcast %ge3A : f32 to vector<1024x64xf32>
    %ge3A_23 = arith.cmpf oge, %add3A_21, %ge3A_22 : vector<1024x64xf32>
    %mul3A_24 = arith.constant 0.00999999977 : f32
    %mul3A_25 = vector.broadcast %mul3A_24 : f32 to vector<1024x64xf32>
    %mul3A_26 = arith.mulf %mul3A_25, %add3A_21 : vector<1024x64xf32>
    %select_n3A = arith.select %ge3A_23, %add3A_21, %mul3A_26 : vector<1024x64xi1>, vector<1024x64xf32>
    %get3A_27 = arith.constant 0 : index
    %get3A_28 = arith.constant 0 : index
    %get3A_29 = vector.load %arg6[%get3A_27, %get3A_28] : memref<64x32xf32, #tpu.memory_space<vmem>>, vector<64x32xf32>
    %dot_general3A = arith.constant dense<0.000000e+00> : vector<1024x32xf32>
    %dot_general3A_30 = tpu.matmul %select_n3A, %get3A_29, %dot_general3A {dimension_numbers = #tpu.dot_dimension_numbers<[1], [0], [0], [1], [0, 0, 1, 1], [], []>, transpose_lhs_hint = false} : vector<1024x64xf32>, vector<64x32xf32>, vector<1024x32xf32> -> vector<1024x32xf32>
    %mul3A_31 = vector.broadcast %get3A_1 : vector<1024x1xf32> to vector<1024x32xf32>
    %mul3A_32 = arith.mulf %dot_general3A_30, %mul3A_31 : vector<1024x32xf32>
    %swap3A = arith.constant 0 : index
    %swap3A_33 = arith.constant 0 : index
    %swap3A_34 = vector.load %arg7[%swap3A, %swap3A_33] : memref<1024x32xf32, #tpu.memory_space<vmem>>, vector<1024x32xf32>
    tpu.vector_store %arg7[%swap3A, %swap3A_33], %mul3A_32 {strides = array<i32>} : memref<1024x32xf32, #tpu.memory_space<vmem>>, vector<1024x32xf32>,
    return
  }
  func.func @transform_0(%arg0: i32) -> (i32, i32, i32) {
    %c0_i32 = arith.constant 0 : i32
    %c0_i32_0 = arith.constant 0 : i32
    %c0_i32_1 = arith.constant 0 : i32
    return %c0_i32, %arg0, %c0_i32_0 : i32, i32, i32
  }
  func.func @transform_1(%arg0: i32) -> (i32, i32, i32) {
    %c1_i32 = arith.constant 1 : i32
    %c0_i32 = arith.constant 0 : i32
    %c0_i32_0 = arith.constant 0 : i32
    return %c1_i32, %arg0, %c0_i32 : i32, i32, i32
  }
  func.func @transform_2(%arg0: i32) -> (i32, i32) {
    %c0_i32 = arith.constant 0 : i32
    %c0_i32_0 = arith.constant 0 : i32
    return %arg0, %c0_i32 : i32, i32
  }
  func.func @transform_3(%arg0: i32) -> (i32, i32) {
    %c0_i32 = arith.constant 0 : i32
    %c0_i32_0 = arith.constant 0 : i32
    return %arg0, %c0_i32 : i32, i32
  }
  func.func @transform_4(%arg0: i32) -> (i32, i32) {
    %c0_i32 = arith.constant 0 : i32
    %c0_i32_0 = arith.constant 0 : i32
    %c0_i32_1 = arith.constant 0 : i32
    return %c0_i32, %c0_i32_0 : i32, i32
  }
  func.func @transform_5(%arg0: i32) -> (i32, i32) {
    %c0_i32 = arith.constant 0 : i32
    %c0_i32_0 = arith.constant 0 : i32
    %c0_i32_1 = arith.constant 0 : i32
    return %c0_i32, %c0_i32_0 : i32, i32
  }
  func.func @transform_6(%arg0: i32) -> (i32, i32) {
    %c0_i32 = arith.constant 0 : i32
    %c0_i32_0 = arith.constant 0 : i32
    return %arg0, %c0_i32 : i32, i32
  }
}

module attributes {stable_mosaic.version = 14 : i64} {
  func.func @final_body(%arg0: i32, %arg1: memref<1x1024x32xf32, #tpu.memory_space<vmem>>, %arg2: memref<1x1024x32xf32, #tpu.memory_space<vmem>>, %arg3: memref<1024x32xf32, #tpu.memory_space<vmem>>, %arg4: memref<1024x1xf32, #tpu.memory_space<vmem>>, %arg5: memref<1x32xf32, #tpu.memory_space<vmem>>, %arg6: memref<1024x1xi32, #tpu.memory_space<vmem>>, %arg7: memref<64x32xf32, #tpu.memory_space<vmem>>) attributes {dimension_semantics = [#tpu.dimension_semantics<arbitrary>], iteration_bounds = array<i64: 10>, scalar_prefetch = 0 : i64, scratch_operands = 0 : i64, tpu.core_type = #tpu.core_type<tc>, window_params = [{transform_indices = @transform_0, window_bounds = array<i64: 1, 1024, 32>}, {transform_indices = @transform_1, window_bounds = array<i64: 1, 1024, 32>}, {transform_indices = @transform_2, window_bounds = array<i64: 1024, 32>}, {transform_indices = @transform_3, window_bounds = array<i64: 1024, 1>}, {pipeline_mode = #tpu.pipeline_mode<synchronous>, transform_indices = @transform_4, window_bounds = array<i64: 1, 32>}, {transform_indices = @transform_5, window_bounds = array<i64: 1024, 1>}, {pipeline_mode = #tpu.pipeline_mode<synchronous>, transform_indices = @transform_6, window_bounds = array<i64: 64, 32>}]} {
    %eq3A = arith.constant 0 : i32
    %eq3A_0 = arith.cmpi eq, %arg0, %eq3A : i32
    %convert_element_type3A = arith.extui %eq3A_0 : i1 to i32
    %cond3A = arith.constant 0 : i32
    %cond3A_1 = arith.cmpi ne, %convert_element_type3A, %cond3A : i32
    scf.if %cond3A_1 {
      %broadcast_in_dim3A_64 = arith.constant 0xFF800000 : f32
      %broadcast_in_dim3A_65 = vector.broadcast %broadcast_in_dim3A_64 : f32 to vector<64x32xf32>
      %swap3A = arith.constant 0 : index
      %swap3A_66 = arith.constant 0 : index
      %swap3A_67 = vector.load %arg7[%swap3A, %swap3A_66] : memref<64x32xf32, #tpu.memory_space<vmem>>, vector<64x32xf32>
      tpu.vector_store %arg7[%swap3A, %swap3A_66], %broadcast_in_dim3A_65 {strides = array<i32>} : memref<64x32xf32, #tpu.memory_space<vmem>>, vector<64x32xf32>,
    } else {
    }
    %get3A = arith.constant 0 : index
    %get3A_2 = arith.constant 0 : index
    %get3A_3 = arith.constant 0 : index
    %get3A_4 = vector.load %arg1[%get3A, %get3A_2, %get3A_3] : memref<1x1024x32xf32, #tpu.memory_space<vmem>>, vector<1x1024x32xf32>
    %get3A_5 = vector.shape_cast %get3A_4 : vector<1x1024x32xf32> to vector<1024x32xf32>
    %get3A_6 = arith.constant 0 : index
    %get3A_7 = arith.constant 0 : index
    %get3A_8 = arith.constant 0 : index
    %get3A_9 = vector.load %arg2[%get3A_6, %get3A_7, %get3A_8] : memref<1x1024x32xf32, #tpu.memory_space<vmem>>, vector<1x1024x32xf32>
    %get3A_10 = vector.shape_cast %get3A_9 : vector<1x1024x32xf32> to vector<1024x32xf32>
    %add3A = arith.addf %get3A_5, %get3A_10 : vector<1024x32xf32>
    %get3A_11 = arith.constant 0 : index
    %get3A_12 = arith.constant 0 : index
    %get3A_13 = vector.load %arg3[%get3A_11, %get3A_12] : memref<1024x32xf32, #tpu.memory_space<vmem>>, vector<1024x32xf32>
    %add3A_14 = arith.addf %add3A, %get3A_13 : vector<1024x32xf32>
    %get3A_15 = arith.constant 0 : index
    %get3A_16 = arith.constant 0 : index
    %get3A_17 = vector.load %arg4[%get3A_15, %get3A_16] : memref<1024x1xf32, #tpu.memory_space<vmem>>, vector<1024x1xf32>
    %mul3A = vector.broadcast %get3A_17 : vector<1024x1xf32> to vector<1024x32xf32>
    %mul3A_18 = arith.mulf %add3A_14, %mul3A : vector<1024x32xf32>
    %get3A_19 = arith.constant 0 : index
    %get3A_20 = arith.constant 0 : index
    %get3A_21 = vector.load %arg5[%get3A_19, %get3A_20] : memref<1x32xf32, #tpu.memory_space<vmem>>, vector<1x32xf32>
    %add3A_22 = vector.broadcast %get3A_21 : vector<1x32xf32> to vector<1024x32xf32>
    %add3A_23 = arith.addf %mul3A_18, %add3A_22 : vector<1024x32xf32>
    %ge3A = arith.constant 0.000000e+00 : f32
    %ge3A_24 = vector.broadcast %ge3A : f32 to vector<1024x32xf32>
    %ge3A_25 = arith.cmpf oge, %add3A_23, %ge3A_24 : vector<1024x32xf32>
    %mul3A_26 = arith.constant 0.00999999977 : f32
    %mul3A_27 = vector.broadcast %mul3A_26 : f32 to vector<1024x32xf32>
    %mul3A_28 = arith.mulf %mul3A_27, %add3A_23 : vector<1024x32xf32>
    %select_n3A = arith.select %ge3A_25, %add3A_23, %mul3A_28 : vector<1024x32xi1>, vector<1024x32xf32>
    %iota3A = tpu.iota {dimensions = array<i32: 0>} : vector<1024x1xi32>
    %mul3A_29 = arith.constant 1024 : i32
    %mul3A_30 = arith.muli %arg0, %mul3A_29 : i32
    %add3A_31 = vector.broadcast %mul3A_30 : i32 to vector<1024x1xi32>
    %add3A_32 = arith.addi %iota3A, %add3A_31 : vector<1024x1xi32>
    %lt3A = arith.constant 10000 : i32
    %lt3A_33 = vector.broadcast %lt3A : i32 to vector<1024x1xi32>
    %lt3A_34 = arith.cmpi slt, %add3A_32, %lt3A_33 : vector<1024x1xi32>
    %jit3A = arith.constant 0xFF800000 : f32
    %broadcast_in_dim3A = vector.shape_cast %lt3A_34 : vector<1024x1xi1> to vector<1024x1xi1>
    %broadcast_in_dim3A_35 = vector.broadcast %broadcast_in_dim3A : vector<1024x1xi1> to vector<1024x32xi1>
    %broadcast_in_dim3A_36 = vector.broadcast %jit3A : f32 to vector<1024x32xf32>
    %select_n3A_37 = arith.select %broadcast_in_dim3A_35, %select_n3A, %broadcast_in_dim3A_36 : vector<1024x32xi1>, vector<1024x32xf32>
    %lt3A_38 = arith.constant 10000 : i32
    %lt3A_39 = vector.broadcast %lt3A_38 : i32 to vector<1024x1xi32>
    %lt3A_40 = arith.cmpi slt, %add3A_32, %lt3A_39 : vector<1024x1xi32>
    %get3A_41 = arith.constant 0 : index
    %get3A_42 = arith.constant 0 : index
    %get3A_43 = vector.load %arg6[%get3A_41, %get3A_42] : memref<1024x1xi32, #tpu.memory_space<vmem>>, vector<1024x1xi32>
    %jit3A_44 = arith.constant 63 : i32
    %broadcast_in_dim3A_45 = vector.broadcast %jit3A_44 : i32 to vector<1024x1xi32>
    %select_n3A_46 = arith.select %lt3A_40, %get3A_43, %broadcast_in_dim3A_45 : vector<1024x1xi1>, vector<1024x1xi32>
    %slice3A = vector.extract_strided_slice %select_n3A_46 {offsets = [0, 0], sizes = [1, 1], strides = [1, 1]} : vector<1024x1xi32> to vector<1x1xi32>
    %squeeze3A = vector.extract %slice3A[0, 0] : i32 from vector<1x1xi32>
    %jit3A_47 = arith.constant 0 : i32
    %jit3A_48 = arith.constant 63 : i32
    %max3A = arith.maxsi %jit3A_47, %squeeze3A : i32
    %min3A = arith.minsi %jit3A_48, %max3A : i32
    %slice3A_49 = vector.extract_strided_slice %select_n3A_46 {offsets = [1023, 0], sizes = [1, 1], strides = [1, 1]} : vector<1024x1xi32> to vector<1x1xi32>
    %squeeze3A_50 = vector.extract %slice3A_49[0, 0] : i32 from vector<1x1xi32>
    %jit3A_51 = arith.constant 63 : i32
    %max3A_52 = arith.maxsi %min3A, %squeeze3A_50 : i32
    %min3A_53 = arith.minsi %jit3A_51, %max3A_52 : i32
    %add3A_54 = arith.constant 1 : i32
    %add3A_55 = arith.addi %min3A_53, %add3A_54 : i32
    %while3A = arith.constant 0 : i32
    %while3A_56 = arith.subi %add3A_55, %min3A : i32
    %while3A_57 = arith.addi %min3A, %while3A_56 : i32
    %while3A_58 = arith.constant 1 : i32
    %while3A_59 = arith.divsi %while3A_56, %while3A_58 : i32
    %while3A_60 = arith.muli %while3A_59, %while3A_58 : i32
    %while3A_61 = arith.addi %min3A, %while3A_60 : i32
    %while3A_62 = arith.constant 1 : i32
    scf.for %while3A_64 = %min3A to %while3A_61 step %while3A_62  : i32 {
      %eq3A_65 = vector.broadcast %while3A_64 : i32 to vector<1024x1xi32>
      %eq3A_66 = arith.cmpi eq, %select_n3A_46, %eq3A_65 : vector<1024x1xi32>
      %jit3A_67 = arith.constant 0xFF800000 : f32
      %broadcast_in_dim3A_68 = vector.shape_cast %eq3A_66 : vector<1024x1xi1> to vector<1024x1xi1>
      %broadcast_in_dim3A_69 = vector.broadcast %broadcast_in_dim3A_68 : vector<1024x1xi1> to vector<1024x32xi1>
      %broadcast_in_dim3A_70 = vector.broadcast %jit3A_67 : f32 to vector<1024x32xf32>
      %select_n3A_71 = arith.select %broadcast_in_dim3A_69, %select_n3A_37, %broadcast_in_dim3A_70 : vector<1024x32xi1>, vector<1024x32xf32>
      %reduce_max3A = arith.constant dense<0xFF800000> : vector<32xf32>
      %reduce_max3A_72 = vector.multi_reduction <maximumf>, %select_n3A_71, %reduce_max3A [0] : vector<1024x32xf32> to vector<32xf32>
      %broadcast_in_dim3A_73 = vector.shape_cast %reduce_max3A_72 : vector<32xf32> to vector<1x32xf32>
      %get3A_74 = arith.index_cast %while3A_64 : i32 to index
      %get3A_75 = arith.constant 0 : index
      %get3A_76 = vector.load %arg7[%get3A_74, %get3A_75] : memref<64x32xf32, #tpu.memory_space<vmem>>, vector<1x32xf32>
      %max3A_77 = arith.maximumf %get3A_76, %broadcast_in_dim3A_73 : vector<1x32xf32>
      %swap3A = arith.index_cast %while3A_64 : i32 to index
      %swap3A_78 = arith.constant 0 : index
      %swap3A_79 = vector.load %arg7[%swap3A, %swap3A_78] : memref<64x32xf32, #tpu.memory_space<vmem>>, vector<1x32xf32>
      tpu.vector_store %arg7[%swap3A, %swap3A_78], %max3A_77 {strides = array<i32>} : memref<64x32xf32, #tpu.memory_space<vmem>>, vector<1x32xf32>,
    }
    %while3A_63 = arith.constant 1 : i32
    scf.for %while3A_64 = %while3A_61 to %while3A_57 step %while3A_63  : i32 {
      %eq3A_65 = vector.broadcast %while3A_64 : i32 to vector<1024x1xi32>
      %eq3A_66 = arith.cmpi eq, %select_n3A_46, %eq3A_65 : vector<1024x1xi32>
      %jit3A_67 = arith.constant 0xFF800000 : f32
      %broadcast_in_dim3A_68 = vector.shape_cast %eq3A_66 : vector<1024x1xi1> to vector<1024x1xi1>
      %broadcast_in_dim3A_69 = vector.broadcast %broadcast_in_dim3A_68 : vector<1024x1xi1> to vector<1024x32xi1>
      %broadcast_in_dim3A_70 = vector.broadcast %jit3A_67 : f32 to vector<1024x32xf32>
      %select_n3A_71 = arith.select %broadcast_in_dim3A_69, %select_n3A_37, %broadcast_in_dim3A_70 : vector<1024x32xi1>, vector<1024x32xf32>
      %reduce_max3A = arith.constant dense<0xFF800000> : vector<32xf32>
      %reduce_max3A_72 = vector.multi_reduction <maximumf>, %select_n3A_71, %reduce_max3A [0] : vector<1024x32xf32> to vector<32xf32>
      %broadcast_in_dim3A_73 = vector.shape_cast %reduce_max3A_72 : vector<32xf32> to vector<1x32xf32>
      %get3A_74 = arith.index_cast %while3A_64 : i32 to index
      %get3A_75 = arith.constant 0 : index
      %get3A_76 = vector.load %arg7[%get3A_74, %get3A_75] : memref<64x32xf32, #tpu.memory_space<vmem>>, vector<1x32xf32>
      %max3A_77 = arith.maximumf %get3A_76, %broadcast_in_dim3A_73 : vector<1x32xf32>
      %swap3A = arith.index_cast %while3A_64 : i32 to index
      %swap3A_78 = arith.constant 0 : index
      %swap3A_79 = vector.load %arg7[%swap3A, %swap3A_78] : memref<64x32xf32, #tpu.memory_space<vmem>>, vector<1x32xf32>
      tpu.vector_store %arg7[%swap3A, %swap3A_78], %max3A_77 {strides = array<i32>} : memref<64x32xf32, #tpu.memory_space<vmem>>, vector<1x32xf32>,
    }
    return
  }
  func.func @transform_0(%arg0: i32) -> (i32, i32, i32) {
    %c0_i32 = arith.constant 0 : i32
    %c0_i32_0 = arith.constant 0 : i32
    %c0_i32_1 = arith.constant 0 : i32
    return %c0_i32, %arg0, %c0_i32_0 : i32, i32, i32
  }
  func.func @transform_1(%arg0: i32) -> (i32, i32, i32) {
    %c1_i32 = arith.constant 1 : i32
    %c0_i32 = arith.constant 0 : i32
    %c0_i32_0 = arith.constant 0 : i32
    return %c1_i32, %arg0, %c0_i32 : i32, i32, i32
  }
  func.func @transform_2(%arg0: i32) -> (i32, i32) {
    %c0_i32 = arith.constant 0 : i32
    %c0_i32_0 = arith.constant 0 : i32
    return %arg0, %c0_i32 : i32, i32
  }
  func.func @transform_3(%arg0: i32) -> (i32, i32) {
    %c0_i32 = arith.constant 0 : i32
    %c0_i32_0 = arith.constant 0 : i32
    return %arg0, %c0_i32 : i32, i32
  }
  func.func @transform_4(%arg0: i32) -> (i32, i32) {
    %c0_i32 = arith.constant 0 : i32
    %c0_i32_0 = arith.constant 0 : i32
    %c0_i32_1 = arith.constant 0 : i32
    return %c0_i32, %c0_i32_0 : i32, i32
  }
  func.func @transform_5(%arg0: i32) -> (i32, i32) {
    %c0_i32 = arith.constant 0 : i32
    %c0_i32_0 = arith.constant 0 : i32
    return %arg0, %c0_i32 : i32, i32
  }
  func.func @transform_6(%arg0: i32) -> (i32, i32) {
    %c0_i32 = arith.constant 0 : i32
    %c0_i32_0 = arith.constant 0 : i32
    %c0_i32_1 = arith.constant 0 : i32
    return %c0_i32, %c0_i32_0 : i32, i32
  }
}

</mosaic_0001>

<sc_bundles>
// kernel: kernel.11.cloned.1.call-start
scs
__scs_entry_jumppad:
0x0: {  	(pc) =	sbr.rel $0x88, $3  }
0x1: {  	(tag) =	ssettag $0x0;
	lr =	simm.s32 $0x1  }
0x2: {  	[smem:$0x3F9A] =	sst lr;
	_ =	strace $0xD0000000  }
0x3: {  	_ = 	snop  }
0x4: {  	_ = 	snop  }
0x5: {  	_ = 	snop  }
0x6: {  	_ = 	snop  }
0x7: {  	_ = 	snop  }
__scs_overlays_trampoline_lowered:
0x8: {  	[smem:$0x3FA9] =	sst s0  }
0x9: {  	[smem:$0x3FAA] =	sst s1  }
0xa: {  	[smem:$0x3FAB] =	sst s2  }
0xb: {  	[smem:$0x3FAC] =	sst s3  }
0xc: {  	[smem:$0x3FAD] =	sst s4  }
0xd: {  	[smem:$0x3FAE] =	sst s5  }
0xe: {  	[smem:$0x3FAF] =	sst s6  }
0xf: {  	[smem:$0x3FB0] =	sst s7  }
0x10: {  	[smem:$0x3FB1] =	sst s8  }
0x11: {  	[smem:$0x3FB2] =	sst s9;
	s0 =	simm.s32 @!p0 $0x0  }
0x12: {  	s1 =	sld [smem:$0x3F98];
	s0 =	simm.s32 @p0 $0x1  }
0x13: {  	[smem:$0x3FB3] =	sst s0;
	s0 =	simm.s32 @!p1 $0x0  }
0x14: {  	s2 =	sld [smem:$0x3F97];
	s0 =	simm.s32 @p1 $0x1  }
0x15: {  	[smem:$0x3FB4] =	sst s0;
	s0 =	simm.s32 @!p2 $0x0  }
0x16: {  	s3 =	sld [smem:$0x3FDB];
	s0 =	simm.s32 @p2 $0x1  }
0x17: {  	s4 =	simm.s32 $0x1BF5;
	[smem:$0x3FB6] =	sst s0  }
0x18: {  	s0 =	sld [smem:$0x3F99];
	_ =	swait.ge [sflag:s4], $0x0  }
0x19: {  	s7 =	sld [smem:$0x3F9A]  }
0x1a: {  	s8 =	sadd.s32 $0xFFFFE003, lr  }
0x1b: {  	s9 =	sadd.s32 $0xFFFFFEF7, lr;
	s5 =	simm.s32 $0xFFFFFFFF;
	p2 =	slt.u32 s8, $0xFFFFF086  }
0x1c: {  	p1 =	slt.u32 s9, $0xF7A;
	s5 =	simm.s32 @!p2 $0x0  }
0x1d: {  	s5 =	simm.s32 @p1 $0x1;
	p0 =	seq.s32 s7, s2  }
0x1e: {  	s7 =	smul.u32 @!p0 $0xF7A, s2;
	p2 =	seq.s32 @!p0 s5, $0x0  }
0x1f: {  	s9 =	smul.u32 $0xF7A, s1;
	s8 =	simm.s32 @!p0 $0x1BF5;
	p2 =	por !p2, p0  }
0x20: {  	[sflag:s8] =	ssyncset.s32 @!p0 $0xFFFFF086;
	s6 =	sadd.s32 @!p0 s3, s7;
	s7 =	simm.s32 @!p0 $0x108  }
0x21: {  	s3 =	sadd.s32 s3, s9;
	s6 =	sadd.s32 @!p0 $0x88, s6;
	s7 =	simm.s32 @p2 $0x1082  }
0x22: {  	[simem:s7], [sflag:s8] =	dma.local @!p0 [hbm:s6], $0xF7A  }
0x23: {  	s9 =	sor.u32 $0xD0000000, s2;
	s6 =	simm.s32 $0x108;
	_ =	swait.ge @!p0 [sflag:s8], $0x0  }
0x24: {  	s3 =	sadd.s32 $0x88, s3;
	s6 =	simm.s32 @!p1 $0x1082;
	[sflag:s4] =	ssyncset.s32 $0xFFFFF086  }
0x25: {  	[simem:s6], [sflag:s4] =	dma.local [hbm:s3], $0xF7A  }
0x26: {  	[smem:$0x3F9A] =	sst s1;
	(tag) =	ssettag s2;
	_ =	strace s9  }
0x27: {  	s1 =	sld [smem:$0x3FAA]  }
0x28: {  	s2 =	sld [smem:$0x3FAB]  }
0x29: {  	s4 =	sld [smem:$0x3FAD]  }
0x2a: {  	p0 =	seq.s32 s5, $0x0;
	s5 =	sld [smem:$0x3FAE]  }
0x2b: {  	s6 =	sld [smem:$0x3FAF]  }
0x2c: {  	s7 =	sld [smem:$0x3FB0]  }
0x2d: {  	s3 =	simm.s32 $0x108;
	s8 =	sld [smem:$0x3FB1]  }
0x2e: {  	s3 =	simm.s32 @!p0 $0x1082;
	s9 =	sld [smem:$0x3FB2]  }
0x2f: {  	lr =	sadd.s32 s0, s3;
	s0 =	sld [smem:$0x3FA9]  }
0x30: {  	s3 =	sld [smem:$0x3FAC]  }
0x31: {  	[smem:$0x3FB5] =	sst s10  }
0x32: {  	s10 =	sld [smem:$0x3FB3];
	_ =	sdelay $0x3  }
0x33: {  	p0 =	seq.s32 s10, $0x1;
	s10 =	sld [smem:$0x3FB5];
	_ =	sdelay $0x3  }
0x34: {  	[smem:$0x3FB5] =	sst s10  }
0x35: {  	s10 =	sld [smem:$0x3FB4];
	_ =	sdelay $0x3  }
0x36: {  	p1 =	seq.s32 s10, $0x1;
	s10 =	sld [smem:$0x3FB5];
	_ =	sdelay $0x3  }
0x37: {  	[smem:$0x3FB5] =	sst s10  }
0x38: {  	s10 =	sld [smem:$0x3FB6]  }
0x39: {  	_ = 	snop;
	(pc) =	sbr.ind lr, $3  }
0x3a: {  	_ = 	snop  }
0x3b: {  	_ = 	snop  }
0x3c: {  	p2 =	seq.s32 s10, $0x1;
	s10 =	sld [smem:$0x3FB5]  }
0x3d: {  	_ =	shalt  }
0x3e: {  	_ =	shalt  }
0x3f: {  	_ =	shalt  }
0x40: {  	_ =	shalt  }
0x41: {  	_ =	shalt  }
0x42: {  	_ =	shalt  }
0x43: {  	_ =	shalt  }
0x44: {  	_ =	shalt  }
0x45: {  	_ =	shalt  }
0x46: {  	_ =	shalt  }
0x47: {  	_ =	shalt  }
0x48: {  	_ =	shalt  }
0x49: {  	_ =	shalt  }
0x4a: {  	_ =	shalt  }
0x4b: {  	_ =	shalt  }
0x4c: {  	_ =	shalt  }
0x4d: {  	_ =	shalt  }
0x4e: {  	_ =	shalt  }
0x4f: {  	_ =	shalt  }
0x50: {  	_ =	shalt  }
0x51: {  	_ =	shalt  }
0x52: {  	_ =	shalt  }
0x53: {  	_ =	shalt  }
0x54: {  	_ =	shalt  }
0x55: {  	_ =	shalt  }
0x56: {  	_ =	shalt  }
0x57: {  	_ =	shalt  }
0x58: {  	_ =	shalt  }
0x59: {  	_ =	shalt  }
0x5a: {  	_ =	shalt  }
0x5b: {  	_ =	shalt  }
0x5c: {  	_ =	shalt  }
0x5d: {  	_ =	shalt  }
0x5e: {  	_ =	shalt  }
0x5f: {  	_ =	shalt  }
0x60: {  	_ =	shalt  }
0x61: {  	_ =	shalt  }
0x62: {  	_ =	shalt  }
0x63: {  	_ =	shalt  }
0x64: {  	_ =	shalt  }
0x65: {  	_ =	shalt  }
0x66: {  	_ =	shalt  }
0x67: {  	_ =	shalt  }
0x68: {  	_ =	shalt  }
0x69: {  	_ =	shalt  }
0x6a: {  	_ =	shalt  }
0x6b: {  	_ =	shalt  }
0x6c: {  	_ =	shalt  }
0x6d: {  	_ =	shalt  }
0x6e: {  	_ =	shalt  }
0x6f: {  	_ =	shalt  }
0x70: {  	_ =	shalt  }
0x71: {  	_ =	shalt  }
0x72: {  	_ =	shalt  }
0x73: {  	_ =	shalt  }
0x74: {  	_ =	shalt  }
0x75: {  	_ =	shalt  }
0x76: {  	_ =	shalt  }
0x77: {  	_ =	shalt  }
0x78: {  	_ =	shalt  }
0x79: {  	_ =	shalt  }
0x7a: {  	_ =	shalt  }
0x7b: {  	_ =	shalt  }
0x7c: {  	_ =	shalt  }
0x7d: {  	_ =	shalt  }
0x7e: {  	_ =	shalt  }
0x7f: {  	_ =	shalt  }
0x80: {  	_ =	shalt  }
0x81: {  	_ =	shalt  }
0x82: {  	_ =	shalt  }
0x83: {  	_ =	shalt  }
0x84: {  	_ =	shalt  }
0x85: {  	_ =	shalt  }
0x86: {  	_ =	shalt  }
0x87: {  	_ =	shalt  }
.Lfunc_end0:
.L_simem_size_0:
called_computation.1_lowered:
.L_overlay_start_0:
0x88: {  	s2 =	sld [smem:$0x3FD9]  }
0x89: {  	s3 =	sld [smem:$0x3FFE];
	_ =	sdelay $0x1  }
0x8a: {  	s1 =	srdreg.scid  }
0x8b: {  	s0 =	sand.u32 $0x1, s1  }
0x8c: {  	s16 =	sshll.u32 s0, $0xA;
	s2 =	sadd.s32 s3, s2  }
0x8d: {  	s2 =	sadd.s32 s2, s16  }
0x8e: {  	[smem:$0x3FC1] =	sst s2  }
0x8f: {  	_ = 	snop  }
0x90: {  	(tm) =	ssettm $0x1  }
0x91: {  	s17 =	sld [smem:$0x3FFB];
	_ =	sdelay $0x3  }
0x92: {  	_ =	strace s17  }
0x93: {  	s2 =	sld [smem:$0x3FFC];
	_ =	sdelay $0x3  }
0x94: {  	_ =	strace s2  }
0x95: {  	s2 =	sld [smem:$0x3FFD];
	_ =	sdelay $0x3  }
0x96: {  	_ =	strace s2  }
0x97: {  	_ =	strace $0x8FFFFFFF  }
0x98: {  	s18 =	sld [smem:$0x3FDB];
	_ =	sdelay $0x1  }
0x99: {  	s19 =	simm.s32 $_scs_section_size  }
0x9a: {  	s4 =	simm.s32 $_size__tile_overlayer_lowered;
	s5 =	simm.s32 $_tile_overlayer_lowered  }
0x9b: {  	s22 =	simm.s32 $0x1BFF;
	s21 =	sshll.u32 s5, $0x1;
	s2 =	sadd.s32 s19, s18  }
0x9c: {  	s6 =	simm.s32 $0x0;
	s20 =	sshll.u32 s4, $0x1;
	s4 =	sadd.s32 s21, s2  }
0x9d: {  	[timem:s6], [sflag:s22] =	dma.local [hbm:s4], s20  }
0x9e: {  	_ =	swait.ge [sflag:s22], s20  }
0x9f: {  	s3 =	ssub.s32 $0x0, s20;
	[sflag:s22] =	ssyncset.done $0x0  }
0xa0: {  	[sflag:s22] =	ssyncadd.s32 s3;
	_ =	sdelay $0x1  }
0xa1: {  	s23 =	simm.s32 $0x1B8B  }
0xa2: {  	_ =	swait.ge [sflag:s23], $0x1  }
0xa3: {  	[sflag:s23] =	ssyncset.done $0x0  }
0xa4: {  	s25 =	simm.s32 $0x1B8E;
	s24 =	sld [smem:$0x3FFE];
	[sflag:s23] =	ssyncadd.s32 $0xFFFFFFFF  }
0xa5: {  	s26 =	simm.s32 $execute0_lowered;
	[smem:$0x3FD2] =	sst s25  }
0xa6: {  	s4 =	sshll.u32 s26, $0x1;
	_ =	strace $0x80000049;
	[dreg:$0x1] =	wrdreg $0xFFFFFFFF  }
0xa7: {  	s28 =	simm.s32 $_size_execute0_lowered;
	s2 =	sadd.s32 s2, s4;
	[dreg:$0x0] =	wrdreg $0x0  }
0xa8: {  	s4 =	sshll.u32 s28, $0x1;
	[dreg:$0x2] =	wrdreg s2  }
0xa9: {  	[dreg:$0x3] =	wrdreg s4  }
0xaa: {  	[dreg:$0x4] =	wrdreg $0xC0  }
0xab: {  	_ =	task [dreg:s6], $0x5FFFF  }
0xac: {  	[dreg:$0x1] =	wrdreg $0xFFFFFFFF  }
0xad: {  	[dreg:$0x0] =	wrdreg $0x60  }
0xae: {  	[dreg:$0x2] =	wrdreg s24  }
0xaf: {  	[dreg:$0x3] =	wrdreg $0x118000  }
0xb0: {  	[dreg:$0x4] =	wrdreg $0x9  }
0xb1: {  	_ =	task.clear_ibuf [dreg:s6], $0x5FFFF;
	_ =	strace $0x90000049  }
0xb2: {  	s29 =	simm.s32 $0x9;
	_ =	strace $0x8000004B  }
0xb3: {  	_ =	swait.ge [sflag:s29], $0x1  }
0xb4: {  	[sflag:s29] =	ssyncadd.s32 $0xFFFFFFFF  }
0xb5: {  	_ =	strace $0x9000004B  }
0xb6: {  	_ =	sfence  }
0xb7: {  	s30 =	sld [smem:$0x0];
	_ =	sdelay $0x2  }
0xb8: {  	s31 =	sshll.u32 s1, $0xD;
	s1 =	sshrl.u32 s1, $0x2  }
0xb9: {  	s3 =	sand.u32 $0x4000, s31;
	s1 =	sadd.s32 s1, s30  }
0xba: {  	s0 =	sor.u32 s3, s0;
	s1 =	sshll.u32 s1, $0x11  }
0xbb: {  	s0 =	sor.u32 s1, s0  }
0xbc: {  	s0 =	sadd.s32 $0x8F2B, s0  }
0xbd: {  	[sflag:s0] =	ssyncadd.remote.s32 $0x1  }
0xbe: {  	_ =	sfence.sel $0xFFFF  }
0xbf: {  	[dreg:$0x0] =	wrdreg $0xFFFFFFFF;
	(pc) =	sbr.abs _section_cstart, $3  }
0xc0: {  	[dreg:$0x1] =	wrdreg $0xFFFFFFFF  }
0xc1: {  	_ =	task.clear_ibuf [dreg:s6], $0x2FFFF;
	_ =	strace $0x9FFFFFFF  }
0xc2: {  	(tm) =	ssettm $0x7FFFFFFF  }
0xc3: {  	_ =	shalt  }
tec
execute0_lowered:
.L_overlay_start_1:
0x0: {  	(tag) =	ssettag $0x1  }
0x1: {  	s0 =	rddreg [dreg:$0x0]  }
0x2: {  	s2 =	rddreg [dreg:$0x1]  }
0x3: {  	s12 =	stileid.u32;
	s1 =	srdreg.scid  }
0x4: {  	s4 =	simm.s32 $0x0;
	s13 =	simm.s32 $0x40;
	s14 =	simm.s32 $0x9800  }
0x5: {  	s15 =	simm.s32 $0xA800;
	s17 =	simm.s32 $0xB800;
	s19 =	simm.s32 $0xC800  }
0x6: {  	s21 =	simm.s32 $0xD800;
	s28 =	simm.s32 $0x10800;
	s30 =	simm.s32 $0x1  }
0x7: {  	s31 =	simm.s32 $0x2;
	s16 =	simm.s32 $0x6;
	s18 =	simm.s32 $0x7  }
0x8: {  	s20 =	simm.s32 $0x8;
	s3 =	smul.u32 $0xA000, s12;
	s1 =	sand.u32 $0x1, s1  }
0x9: {  	[smem:$0x7FF] =	sst s4;
	s4 =	sadd.s32 $0x1F800, s0;
	s6 =	sadd.s32 $0x15800, s0  }
0xa: {  	s7 =	sadd.s32 $0x1800, s0;
	s11 =	sshll.u32 s12, $0x7;
	s12 =	smul.u32 $0x980, s12  }
0xb: {  	s5 =	smul.u32 $0xA0000, s1;
	_ =	strace $0x8000004A;
	s9 =	ssub.s32 $0x2, s1  }
0xc: {  	s23 =	sor.u32 $0x9800, s11;
	p0 =	sne.s32 s1, $0x0;
	s1 =	simm.s32 $0x5  }
0xd: {  	s8 =	sshrl.u32 s3, $0x3;
	s10 =	sshrl.u32 s9, $0x1;
	s24 =	sadd.s32 s6, s23  }
0xe: {  	s6 =	sadd.s32 s6, s12;
	s25 =	sadd.s32 s7, s12;
	s12 =	simm.s32 $0x0  }
0xf: {  	s5 =	sadd.s32 s3, s5;
	s8 =	sadd.s32 s8, s0;
	[dreg:$0x4] =	wrdreg s24  }
0x10: {  	s22 =	ssub.s32 s9, s10;
	s9 =	sadd.s32 s7, s23;
	[dreg:$0x6] =	wrdreg s6  }
0x11: {  	[dreg:$0x7] =	wrdreg s25;
	s3 =	sadd.s32 s3, s2;
	s23 =	simm.s32 $0xE800  }
0x12: {  	s25 =	simm.s32 $0xF800;
	s24 =	simm.s32 $0xA;
	s6 =	simm.s32 $0xD  }
0x13: {  	s7 =	simm.s32 $0xE;
	s5 =	sshrl.u32 s5, $0x3;
	[dreg:$0x5] =	wrdreg s9  }
0x14: {  	[dreg:$0x8] =	wrdreg s3;
	s26 =	sadd.s32 $0x33800, s8;
	s29 =	smax.u32 s22, $0x1  }
0x15: {  	s3 =	simm.s32 $0x4;
	s22 =	simm.s32 $0x9;
	s8 =	simm.s32 $0xF  }
0x16: {  	s9 =	simm.s32 $0x10;
	s0 =	sadd.s32 s5, s0;
	[dreg:$0x9] =	wrdreg s26  }
0x17: {  	[dreg:$0xb] =	wrdreg s29;
	s26 =	simm.s32 $0xB;
	s0 =	sadd.s32 $0x47800, s0  }
0x18: {  	s5 =	simm.s32 $0xC;
	[dreg:$0xa] =	wrdreg s0;
	s0 =	simm.s32 $0x3  }
.LBB2_1:
0x19: {  	[dreg:$0xc] =	wrdreg s12  }
0x1a: {  	s11 =	simm.s32 @p0 $0x0;
	s10 =	rddreg [dreg:$0x4];
	s12 =	simm.s32 @p0 $0x11  }
0x1b: {  	[tilespmem:s11], [sflag:$0x11] =	stream.linear.gather @p0 [hbm4b:s10+s11], $0x400, $0x38;
	[tilespmem:$0x1B800] =	vst v63  }
0x1c: {  	_ =	swait.ge @p0 [sflag:s12], $0x400  }
0x1d: {  	[sflag:s12] =	ssyncset.done @p0 $0x0  }
0x1e: {  	s29 =	simm.s32 @p0 $0x4C00;
	s10 =	rddreg [dreg:$0x5];
	[sflag:s12] =	ssyncadd.s32 @p0 $0xFFFFFC00  }
0x1f: {  	[tilespmem:s29], [sflag:$0x11] =	stream.linear.gather @p0 [hbm4b:s10+s11], $0x400, $0x38;
	[tilespmem:$0x1B800] =	vst v63  }
0x20: {  	_ =	swait.ge @p0 [sflag:s12], $0x400  }
0x21: {  	s11 =	simm.s32 @!p0 $0x0;
	[sflag:s12] =	ssyncset.done @p0 $0x0  }
0x22: {  	s10 =	rddreg [dreg:$0x6];
	[sflag:s12] =	ssyncadd.s32 @p0 $0xFFFFFC00;
	s12 =	simm.s32 @!p0 $0x11  }
0x23: {  	[tilespmem:s11], [sflag:$0x11] =	stream.linear.gather @!p0 [hbm4b:s10+s11], $0x4C00, $0x38;
	[tilespmem:$0x1B800] =	vst v63  }
0x24: {  	_ =	swait.ge @!p0 [sflag:s12], $0x4C00  }
0x25: {  	[sflag:s12] =	ssyncset.done @!p0 $0x0  }
0x26: {  	s29 =	simm.s32 @!p0 $0x4C00;
	s10 =	rddreg [dreg:$0x7];
	[sflag:s12] =	ssyncadd.s32 @!p0 $0xFFFFB400  }
0x27: {  	[tilespmem:s29], [sflag:$0x11] =	stream.linear.gather @!p0 [hbm4b:s10+s11], $0x4C00, $0x38;
	[tilespmem:$0x1B800] =	vst v63  }
0x28: {  	_ =	swait.ge @!p0 [sflag:s12], $0x4C00  }
0x29: {  	[sflag:s12] =	ssyncset.done @!p0 $0x0  }
0x2a: {  	s11 =	simm.s32 $0x0;
	[sflag:s12] =	ssyncadd.s32 @!p0 $0xFFFFB400  }
0x2b: {  	[tilespmem:s14], [sflag:$0x1] =	stream.indirect.gather [hbm4b:s4+s13], $0x40, s11, s13, $0xb8;
	[tilespmem:$0x1B800] =	vst v63  }
0x2c: {  	_ = 	snop  }
0x2d: {  	[tilespmem:s15], [sflag:$0x2] =	stream.indirect.gather [hbm4b:s4+s13], $0x40, s13, s13, $0xb8;
	[tilespmem:$0x1B800] =	vst v63  }
0x2e: {  	s12 =	simm.s32 $0x80  }
0x2f: {  	[tilespmem:s17], [sflag:$0x3] =	stream.indirect.gather [hbm4b:s4+s13], $0x40, s12, s13, $0xb8;
	[tilespmem:$0x1B800] =	vst v63  }
0x30: {  	s11 =	simm.s32 $0xC0  }
0x31: {  	[tilespmem:s19], [sflag:$0x4] =	stream.indirect.gather [hbm4b:s4+s13], $0x40, s11, s13, $0xb8;
	[tilespmem:$0x1B800] =	vst v63  }
0x32: {  	s12 =	simm.s32 $0x100  }
0x33: {  	[tilespmem:s21], [sflag:$0x5] =	stream.indirect.gather [hbm4b:s4+s13], $0x40, s12, s13, $0xb8;
	[tilespmem:$0x1B800] =	vst v63  }
0x34: {  	s11 =	simm.s32 $0x140  }
0x35: {  	[tilespmem:s23], [sflag:$0x6] =	stream.indirect.gather [hbm4b:s4+s13], $0x40, s11, s13, $0xb8;
	[tilespmem:$0x1B800] =	vst v63  }
0x36: {  	s12 =	simm.s32 $0x180  }
0x37: {  	[tilespmem:s25], [sflag:$0x7] =	stream.indirect.gather [hbm4b:s4+s13], $0x40, s12, s13, $0xb8;
	[tilespmem:$0x1B800] =	vst v63  }
0x38: {  	s12 =	stileid.u32  }
0x39: {  	s11 =	simm.s32 $0x1C0;
	s10 =	sshll.u32 s12, $0x6;
	s12 =	rddreg [dreg:$0x8]  }
0x3a: {  	[tilespmem:s28], [sflag:$0x8] =	stream.indirect.gather [hbm4b:s4+s13], $0x40, s11, s13, $0xb8;
	[tilespmem:$0x1B800] =	vst v63  }
0x3b: {  	s11 =	sor.u32 $0x1C11, s10;
	s10 =	rddreg [dreg:$0x9]  }
0x3c: {  	s12 =	sshrl.u32 s12, $0x3;
	[dreg:$0xd] =	wrdreg s11  }
0x3d: {  	[dreg:$0xe] =	wrdreg s12  }
0x3e: {  	[spmem:s12], [sflag:s11] =	dma.local [hbm:s10], $0x1400  }
0x3f: {  	s12 =	simm.s32 $0x11  }
0x40: {  	_ =	swait.ge [sflag:s12], $0x1400  }
0x41: {  	s29 =	simm.s32 @!p0 $0x25;
	s11 =	simm.s32 $0x11;
	[sflag:s12] =	ssyncset.done $0x0  }
0x42: {  	s29 =	simm.s32 @p0 $0x1;
	[sflag:s11] =	ssyncadd.s32 $0xFFFFEC00  }
0x43: {  	s12 =	sshll.u32 s29, $0xB;
	[bflag:$0x0] =	sbarrier.arrive $0xFFFF  }
0x44: {  	s11 =	simm.s32 $0x0;
	[dreg:$0x3] =	wrdreg s12  }
.LBB2_2:
0x45: {  	_ =	swait.ge [sflag:s30], $0x1000  }
0x46: {  	s12 =	sshra.s32 s11, $0x2;
	[sflag:s30] =	ssyncset.done $0x0  }
0x47: {  	s10 =	sadd.s32 $0x4C00, s12;
	[sflag:s30] =	ssyncadd.s32 $0xFFFFF000  }
0x48: {  	[spmem:s2] =	stream.indirect.scatter.add.f32 [tilespmem:s14], [sflag:$0x9], $0x40, s10, s13, $0xb8;
	[tilespmem:$0x1B800] =	vst v63  }
0x49: {  	_ =	swait.ge [sflag:s31], $0x1000  }
0x4a: {  	[sflag:s31] =	ssyncset.done $0x0  }
0x4b: {  	s10 =	sadd.s32 $0x4C40, s12;
	[sflag:s31] =	ssyncadd.s32 $0xFFFFF000  }
0x4c: {  	[spmem:s2] =	stream.indirect.scatter.add.f32 [tilespmem:s15], [sflag:$0xA], $0x40, s10, s13, $0xb8;
	[tilespmem:$0x1B800] =	vst v63  }
0x4d: {  	_ =	swait.ge [sflag:s0], $0x1000  }
0x4e: {  	[sflag:s0] =	ssyncset.done $0x0  }
0x4f: {  	s10 =	sadd.s32 $0x4C80, s12;
	[sflag:s0] =	ssyncadd.s32 $0xFFFFF000  }
0x50: {  	[spmem:s2] =	stream.indirect.scatter.add.f32 [tilespmem:s17], [sflag:$0xB], $0x40, s10, s13, $0xb8;
	[tilespmem:$0x1B800] =	vst v63  }
0x51: {  	_ =	swait.ge [sflag:s3], $0x1000  }
0x52: {  	[sflag:s3] =	ssyncset.done $0x0  }
0x53: {  	s10 =	sadd.s32 $0x4CC0, s12;
	[sflag:s3] =	ssyncadd.s32 $0xFFFFF000  }
0x54: {  	[spmem:s2] =	stream.indirect.scatter.add.f32 [tilespmem:s19], [sflag:$0xC], $0x40, s10, s13, $0xb8;
	[tilespmem:$0x1B800] =	vst v63  }
0x55: {  	_ =	swait.ge [sflag:s1], $0x1000  }
0x56: {  	[sflag:s1] =	ssyncset.done $0x0  }
0x57: {  	s10 =	sadd.s32 $0x4D00, s12;
	[sflag:s1] =	ssyncadd.s32 $0xFFFFF000  }
0x58: {  	[spmem:s2] =	stream.indirect.scatter.add.f32 [tilespmem:s21], [sflag:$0xD], $0x40, s10, s13, $0xb8;
	[tilespmem:$0x1B800] =	vst v63  }
0x59: {  	_ =	swait.ge [sflag:s16], $0x1000  }
0x5a: {  	[sflag:s16] =	ssyncset.done $0x0  }
0x5b: {  	s10 =	sadd.s32 $0x4D40, s12;
	[sflag:s16] =	ssyncadd.s32 $0xFFFFF000  }
0x5c: {  	[spmem:s2] =	stream.indirect.scatter.add.f32 [tilespmem:s23], [sflag:$0xE], $0x40, s10, s13, $0xb8;
	[tilespmem:$0x1B800] =	vst v63  }
0x5d: {  	_ =	swait.ge [sflag:s18], $0x1000  }
0x5e: {  	[sflag:s18] =	ssyncset.done $0x0  }
0x5f: {  	s10 =	sadd.s32 $0x4D80, s12;
	[sflag:s18] =	ssyncadd.s32 $0xFFFFF000  }
0x60: {  	[spmem:s2] =	stream.indirect.scatter.add.f32 [tilespmem:s25], [sflag:$0xF], $0x40, s10, s13, $0xb8;
	[tilespmem:$0x1B800] =	vst v63  }
0x61: {  	_ =	swait.ge [sflag:s20], $0x1000  }
0x62: {  	[sflag:s20] =	ssyncset.done $0x0  }
0x63: {  	s10 =	sadd.s32 $0x4DC0, s12;
	[sflag:s20] =	ssyncadd.s32 $0xFFFFF000  }
0x64: {  	[spmem:s2] =	stream.indirect.scatter.add.f32 [tilespmem:s28], [sflag:$0x10], $0x40, s10, s13, $0xb8;
	[tilespmem:$0x1B800] =	vst v63  }
0x65: {  	_ =	swait.ge [sflag:s22], $0x1000  }
0x66: {  	[sflag:s22] =	ssyncset.done $0x0  }
0x67: {  	s10 =	sadd.s32 $0x200, s12;
	[sflag:s22] =	ssyncadd.s32 $0xFFFFF000  }
0x68: {  	[tilespmem:s14], [sflag:$0x1] =	stream.indirect.gather [hbm4b:s4+s13], $0x40, s10, s13, $0xb8;
	[tilespmem:$0x1B800] =	vst v63  }
0x69: {  	_ =	swait.ge [sflag:s24], $0x1000  }
0x6a: {  	[sflag:s24] =	ssyncset.done $0x0  }
0x6b: {  	s10 =	sadd.s32 $0x240, s12;
	[sflag:s24] =	ssyncadd.s32 $0xFFFFF000  }
0x6c: {  	[tilespmem:s15], [sflag:$0x2] =	stream.indirect.gather [hbm4b:s4+s13], $0x40, s10, s13, $0xb8;
	[tilespmem:$0x1B800] =	vst v63  }
0x6d: {  	_ =	swait.ge [sflag:s26], $0x1000  }
0x6e: {  	[sflag:s26] =	ssyncset.done $0x0  }
0x6f: {  	s10 =	sadd.s32 $0x280, s12;
	[sflag:s26] =	ssyncadd.s32 $0xFFFFF000  }
0x70: {  	[tilespmem:s17], [sflag:$0x3] =	stream.indirect.gather [hbm4b:s4+s13], $0x40, s10, s13, $0xb8;
	[tilespmem:$0x1B800] =	vst v63  }
0x71: {  	_ =	swait.ge [sflag:s5], $0x1000  }
0x72: {  	[sflag:s5] =	ssyncset.done $0x0  }
0x73: {  	s10 =	sadd.s32 $0x2C0, s12;
	[sflag:s5] =	ssyncadd.s32 $0xFFFFF000  }
0x74: {  	[tilespmem:s19], [sflag:$0x4] =	stream.indirect.gather [hbm4b:s4+s13], $0x40, s10, s13, $0xb8;
	[tilespmem:$0x1B800] =	vst v63  }
0x75: {  	_ =	swait.ge [sflag:s6], $0x1000  }
0x76: {  	[sflag:s6] =	ssyncset.done $0x0  }
0x77: {  	s10 =	sadd.s32 $0x300, s12;
	[sflag:s6] =	ssyncadd.s32 $0xFFFFF000  }
0x78: {  	[tilespmem:s21], [sflag:$0x5] =	stream.indirect.gather [hbm4b:s4+s13], $0x40, s10, s13, $0xb8;
	[tilespmem:$0x1B800] =	vst v63  }
0x79: {  	_ =	swait.ge [sflag:s7], $0x1000  }
0x7a: {  	[sflag:s7] =	ssyncset.done $0x0  }
0x7b: {  	s10 =	sadd.s32 $0x340, s12;
	[sflag:s7] =	ssyncadd.s32 $0xFFFFF000  }
0x7c: {  	[tilespmem:s23], [sflag:$0x6] =	stream.indirect.gather [hbm4b:s4+s13], $0x40, s10, s13, $0xb8;
	[tilespmem:$0x1B800] =	vst v63  }
0x7d: {  	_ =	swait.ge [sflag:s8], $0x1000  }
0x7e: {  	[sflag:s8] =	ssyncset.done $0x0  }
0x7f: {  	s10 =	sadd.s32 $0x380, s12;
	[sflag:s8] =	ssyncadd.s32 $0xFFFFF000  }
0x80: {  	[tilespmem:s25], [sflag:$0x7] =	stream.indirect.gather [hbm4b:s4+s13], $0x40, s10, s13, $0xb8;
	[tilespmem:$0x1B800] =	vst v63  }
0x81: {  	_ =	swait.ge [sflag:s9], $0x1000  }
0x82: {  	s11 =	sadd.s32 $0x800, s11;
	s10 =	sadd.s32 $0x3C0, s12;
	s12 =	rddreg [dreg:$0x3]  }
0x83: {  	p1 =	sne.s32 s12, s11  }
.Ltmp0:
0x84: {  	_ = 	snop;
	(pc) =	sbr.rel @p1 .LBB2_2-.Ltmp0, $4  }
0x85: {  	_ = 	snop  }
0x86: {  	[sflag:s9] =	ssyncset.done $0x0  }
0x87: {  	[sflag:s9] =	ssyncadd.s32 $0xFFFFF000  }
0x88: {  	[tilespmem:s28], [sflag:$0x8] =	stream.indirect.gather [hbm4b:s4+s13], $0x40, s10, s13, $0xb8;
	[tilespmem:$0x1B800] =	vst v63  }
0x89: {  	_ =	swait.ge [sflag:s30], $0x1000  }
0x8a: {  	s10 =	sshll.u32 s29, $0x9;
	[sflag:s30] =	ssyncset.done $0x0  }
0x8b: {  	s11 =	sadd.s32 $0x4C00, s10;
	[sflag:s30] =	ssyncadd.s32 $0xFFFFF000  }
0x8c: {  	[spmem:s2] =	stream.indirect.scatter.add.f32 [tilespmem:s14], [sflag:$0x9], $0x40, s11, s13, $0xb8;
	[tilespmem:$0x1B800] =	vst v63  }
0x8d: {  	_ =	swait.ge [sflag:s31], $0x1000  }
0x8e: {  	[sflag:s31] =	ssyncset.done $0x0  }
0x8f: {  	s12 =	sadd.s32 $0x4C40, s10;
	[sflag:s31] =	ssyncadd.s32 $0xFFFFF000  }
0x90: {  	[spmem:s2] =	stream.indirect.scatter.add.f32 [tilespmem:s15], [sflag:$0xA], $0x40, s12, s13, $0xb8;
	[tilespmem:$0x1B800] =	vst v63  }
0x91: {  	_ =	swait.ge [sflag:s0], $0x1000  }
0x92: {  	[sflag:s0] =	ssyncset.done $0x0  }
0x93: {  	s29 =	sadd.s32 $0x4C80, s10;
	[sflag:s0] =	ssyncadd.s32 $0xFFFFF000  }
0x94: {  	[spmem:s2] =	stream.indirect.scatter.add.f32 [tilespmem:s17], [sflag:$0xB], $0x40, s29, s13, $0xb8;
	[tilespmem:$0x1B800] =	vst v63  }
0x95: {  	_ =	swait.ge [sflag:s3], $0x1000  }
0x96: {  	[sflag:s3] =	ssyncset.done $0x0  }
0x97: {  	s12 =	sadd.s32 $0x4CC0, s10;
	[sflag:s3] =	ssyncadd.s32 $0xFFFFF000  }
0x98: {  	[spmem:s2] =	stream.indirect.scatter.add.f32 [tilespmem:s19], [sflag:$0xC], $0x40, s12, s13, $0xb8;
	[tilespmem:$0x1B800] =	vst v63  }
0x99: {  	_ =	swait.ge [sflag:s1], $0x1000  }
0x9a: {  	[sflag:s1] =	ssyncset.done $0x0  }
0x9b: {  	s29 =	sadd.s32 $0x4D00, s10;
	[sflag:s1] =	ssyncadd.s32 $0xFFFFF000  }
0x9c: {  	[spmem:s2] =	stream.indirect.scatter.add.f32 [tilespmem:s21], [sflag:$0xD], $0x40, s29, s13, $0xb8;
	[tilespmem:$0x1B800] =	vst v63  }
0x9d: {  	_ =	swait.ge [sflag:s16], $0x1000  }
0x9e: {  	[sflag:s16] =	ssyncset.done $0x0  }
0x9f: {  	s12 =	sadd.s32 $0x4D40, s10;
	[sflag:s16] =	ssyncadd.s32 $0xFFFFF000  }
0xa0: {  	[spmem:s2] =	stream.indirect.scatter.add.f32 [tilespmem:s23], [sflag:$0xE], $0x40, s12, s13, $0xb8;
	[tilespmem:$0x1B800] =	vst v63  }
0xa1: {  	_ =	swait.ge [sflag:s18], $0x1000  }
0xa2: {  	[sflag:s18] =	ssyncset.done $0x0  }
0xa3: {  	s29 =	sadd.s32 $0x4D80, s10;
	[sflag:s18] =	ssyncadd.s32 $0xFFFFF000  }
0xa4: {  	[spmem:s2] =	stream.indirect.scatter.add.f32 [tilespmem:s25], [sflag:$0xF], $0x40, s29, s13, $0xb8;
	[tilespmem:$0x1B800] =	vst v63  }
0xa5: {  	_ =	swait.ge [sflag:s20], $0x1000  }
0xa6: {  	[sflag:s20] =	ssyncset.done $0x0  }
0xa7: {  	s10 =	sadd.s32 $0x4DC0, s10;
	[sflag:s20] =	ssyncadd.s32 $0xFFFFF000  }
0xa8: {  	[spmem:s2] =	stream.indirect.scatter.add.f32 [tilespmem:s28], [sflag:$0x10], $0x40, s10, s13, $0xb8;
	[tilespmem:$0x1B800] =	vst v63  }
0xa9: {  	_ =	swait.ge [sflag:s22], $0x1000  }
0xaa: {  	[sflag:s22] =	ssyncset.done $0x0  }
0xab: {  	[sflag:s22] =	ssyncadd.s32 $0xFFFFF000  }
0xac: {  	_ =	swait.ge [sflag:s24], $0x1000  }
0xad: {  	[sflag:s24] =	ssyncset.done $0x0  }
0xae: {  	[sflag:s24] =	ssyncadd.s32 $0xFFFFF000  }
0xaf: {  	_ =	swait.ge [sflag:s26], $0x1000  }
0xb0: {  	[sflag:s26] =	ssyncset.done $0x0  }
0xb1: {  	[sflag:s26] =	ssyncadd.s32 $0xFFFFF000  }
0xb2: {  	_ =	swait.ge [sflag:s5], $0x1000  }
0xb3: {  	[sflag:s5] =	ssyncset.done $0x0  }
0xb4: {  	[sflag:s5] =	ssyncadd.s32 $0xFFFFF000  }
0xb5: {  	_ =	swait.ge [sflag:s6], $0x1000  }
0xb6: {  	[sflag:s6] =	ssyncset.done $0x0  }
0xb7: {  	[sflag:s6] =	ssyncadd.s32 $0xFFFFF000  }
0xb8: {  	_ =	swait.ge [sflag:s7], $0x1000  }
0xb9: {  	[sflag:s7] =	ssyncset.done $0x0  }
0xba: {  	[sflag:s7] =	ssyncadd.s32 $0xFFFFF000  }
0xbb: {  	_ =	swait.ge [sflag:s8], $0x1000  }
0xbc: {  	[sflag:s8] =	ssyncset.done $0x0  }
0xbd: {  	[sflag:s8] =	ssyncadd.s32 $0xFFFFF000  }
0xbe: {  	_ =	swait.ge [sflag:s9], $0x1000  }
0xbf: {  	[sflag:s9] =	ssyncset.done $0x0  }
0xc0: {  	[sflag:s9] =	ssyncadd.s32 $0xFFFFF000  }
0xc1: {  	[bflag:$0x0] =	sbarrier.arrive $0xFFFF  }
0xc2: {  	s11 =	rddreg [dreg:$0xa]  }
0xc3: {  	s29 =	rddreg [dreg:$0xd]  }
0xc4: {  	s12 =	rddreg [dreg:$0xe]  }
0xc5: {  	[hbm:s11], [sflag:s29] =	dma.local [spmem:s12], $0x1400  }
0xc6: {  	s11 =	simm.s32 $0x11  }
0xc7: {  	_ =	swait.ge [sflag:s11], $0x1400  }
0xc8: {  	s10 =	rddreg [dreg:$0xc]  }
0xc9: {  	s29 =	rddreg [dreg:$0xb];
	s12 =	sadd.s32 $0x1, s10  }
0xca: {  	p1 =	sne.s32 s12, s29  }
.Ltmp1:
0xcb: {  	_ = 	snop;
	(pc) =	sbr.rel @p1 .LBB2_1-.Ltmp1, $3  }
0xcc: {  	_ =	sdelay $0x1  }
0xcd: {  	[sflag:s11] =	ssyncset.done $0x0  }
0xce: {  	[sflag:s11] =	ssyncadd.s32 $0xFFFFEC00  }
0xcf: {  	_ =	sfence.sel $0x180000  }
0xd0: {  	[bflag:$0x0] =	sbarrier.arrive $0xFFFF  }
0xd1: {  	_ =	strace $0x9000004A  }
0xd2: {  	s0 =	stileid.u32;
	[bflag:$0x2] =	sbarrier.arrive $0xFFFF  }
0xd3: {  	p0 =	sne.s32 s0, $0x0;
	s0 =	rddreg [dreg:$0x2]  }
0xd4: {  	s0 =	sadd.s32 @!p0 $0x100000, s0  }
0xd5: {  	[sflag:s0] =	ssyncadd.tile.s32 @!p0 $0x1;
	_ =	shalt  }
.Lfunc_end2:
_tile_overlayer_lowered:
.L_overlay_start_2:
0xd6: {  	(tag) =	ssettag $0x2  }
0xd7: {  	s0 =	rddreg [dreg:$0x0];
	s2 =	stileid.u32  }
0xd8: {  	s1 =	rddreg [dreg:$0x1];
	p0 =	sne.s32 s2, $0x0  }
0xd9: {  	s3 =	rddreg [dreg:$0x2];
	[bflag:$0x3] =	sbarrier.arrive $0xFFFF;
	s2 =	simm.s32 @!p0 $0x1C11  }
0xda: {  	[timem:s3], [sflag:s2] =	dma.local @!p0 [hbm:s0], s1  }
0xdb: {  	s0 =	simm.s32 @!p0 $0x11  }
0xdc: {  	_ =	swait.ge @!p0 [sflag:s0], s1  }
0xdd: {  	s1 =	ssub.s32 @!p0 $0x0, s1;
	[sflag:s0] =	ssyncset.done @!p0 $0x0  }
0xde: {  	[sflag:s0] =	ssyncadd.s32 @!p0 s1  }
0xdf: {  	[bflag:$0x3] =	sbarrier.arrive $0xFFFF  }
0xe0: {  	_ =	shalt  }

// kernel: kernel.14.cloned.1.call-start
scs
__scs_entry_jumppad:
0x0: {  	(pc) =	sbr.rel $0x88, $3  }
0x1: {  	(tag) =	ssettag $0x0;
	lr =	simm.s32 $0x1  }
0x2: {  	[smem:$0x3F9A] =	sst lr;
	_ =	strace $0xD0000000  }
0x3: {  	_ = 	snop  }
0x4: {  	_ = 	snop  }
0x5: {  	_ = 	snop  }
0x6: {  	_ = 	snop  }
0x7: {  	_ = 	snop  }
__scs_overlays_trampoline_lowered:
0x8: {  	[smem:$0x3FA9] =	sst s0  }
0x9: {  	[smem:$0x3FAA] =	sst s1  }
0xa: {  	[smem:$0x3FAB] =	sst s2  }
0xb: {  	[smem:$0x3FAC] =	sst s3  }
0xc: {  	[smem:$0x3FAD] =	sst s4  }
0xd: {  	[smem:$0x3FAE] =	sst s5  }
0xe: {  	[smem:$0x3FAF] =	sst s6  }
0xf: {  	[smem:$0x3FB0] =	sst s7  }
0x10: {  	[smem:$0x3FB1] =	sst s8  }
0x11: {  	[smem:$0x3FB2] =	sst s9;
	s0 =	simm.s32 @!p0 $0x0  }
0x12: {  	s1 =	sld [smem:$0x3F98];
	s0 =	simm.s32 @p0 $0x1  }
0x13: {  	[smem:$0x3FB3] =	sst s0;
	s0 =	simm.s32 @!p1 $0x0  }
0x14: {  	s2 =	sld [smem:$0x3F97];
	s0 =	simm.s32 @p1 $0x1  }
0x15: {  	[smem:$0x3FB4] =	sst s0;
	s0 =	simm.s32 @!p2 $0x0  }
0x16: {  	s3 =	sld [smem:$0x3FDB];
	s0 =	simm.s32 @p2 $0x1  }
0x17: {  	s4 =	simm.s32 $0x1BF5;
	[smem:$0x3FB6] =	sst s0  }
0x18: {  	s0 =	sld [smem:$0x3F99];
	_ =	swait.ge [sflag:s4], $0x0  }
0x19: {  	s7 =	sld [smem:$0x3F9A]  }
0x1a: {  	s8 =	sadd.s32 $0xFFFFE003, lr  }
0x1b: {  	s9 =	sadd.s32 $0xFFFFFEF7, lr;
	s5 =	simm.s32 $0xFFFFFFFF;
	p2 =	slt.u32 s8, $0xFFFFF086  }
0x1c: {  	p1 =	slt.u32 s9, $0xF7A;
	s5 =	simm.s32 @!p2 $0x0  }
0x1d: {  	s5 =	simm.s32 @p1 $0x1;
	p0 =	seq.s32 s7, s2  }
0x1e: {  	s7 =	smul.u32 @!p0 $0xF7A, s2;
	p2 =	seq.s32 @!p0 s5, $0x0  }
0x1f: {  	s9 =	smul.u32 $0xF7A, s1;
	s8 =	simm.s32 @!p0 $0x1BF5;
	p2 =	por !p2, p0  }
0x20: {  	[sflag:s8] =	ssyncset.s32 @!p0 $0xFFFFF086;
	s6 =	sadd.s32 @!p0 s3, s7;
	s7 =	simm.s32 @!p0 $0x108  }
0x21: {  	s3 =	sadd.s32 s3, s9;
	s6 =	sadd.s32 @!p0 $0x88, s6;
	s7 =	simm.s32 @p2 $0x1082  }
0x22: {  	[simem:s7], [sflag:s8] =	dma.local @!p0 [hbm:s6], $0xF7A  }
0x23: {  	s9 =	sor.u32 $0xD0000000, s2;
	s6 =	simm.s32 $0x108;
	_ =	swait.ge @!p0 [sflag:s8], $0x0  }
0x24: {  	s3 =	sadd.s32 $0x88, s3;
	s6 =	simm.s32 @!p1 $0x1082;
	[sflag:s4] =	ssyncset.s32 $0xFFFFF086  }
0x25: {  	[simem:s6], [sflag:s4] =	dma.local [hbm:s3], $0xF7A  }
0x26: {  	[smem:$0x3F9A] =	sst s1;
	(tag) =	ssettag s2;
	_ =	strace s9  }
0x27: {  	s1 =	sld [smem:$0x3FAA]  }
0x28: {  	s2 =	sld [smem:$0x3FAB]  }
0x29: {  	s4 =	sld [smem:$0x3FAD]  }
0x2a: {  	p0 =	seq.s32 s5, $0x0;
	s5 =	sld [smem:$0x3FAE]  }
0x2b: {  	s6 =	sld [smem:$0x3FAF]  }
0x2c: {  	s7 =	sld [smem:$0x3FB0]  }
0x2d: {  	s3 =	simm.s32 $0x108;
	s8 =	sld [smem:$0x3FB1]  }
0x2e: {  	s3 =	simm.s32 @!p0 $0x1082;
	s9 =	sld [smem:$0x3FB2]  }
0x2f: {  	lr =	sadd.s32 s0, s3;
	s0 =	sld [smem:$0x3FA9]  }
0x30: {  	s3 =	sld [smem:$0x3FAC]  }
0x31: {  	[smem:$0x3FB5] =	sst s10  }
0x32: {  	s10 =	sld [smem:$0x3FB3];
	_ =	sdelay $0x3  }
0x33: {  	p0 =	seq.s32 s10, $0x1;
	s10 =	sld [smem:$0x3FB5];
	_ =	sdelay $0x3  }
0x34: {  	[smem:$0x3FB5] =	sst s10  }
0x35: {  	s10 =	sld [smem:$0x3FB4];
	_ =	sdelay $0x3  }
0x36: {  	p1 =	seq.s32 s10, $0x1;
	s10 =	sld [smem:$0x3FB5];
	_ =	sdelay $0x3  }
0x37: {  	[smem:$0x3FB5] =	sst s10  }
0x38: {  	s10 =	sld [smem:$0x3FB6]  }
0x39: {  	_ = 	snop;
	(pc) =	sbr.ind lr, $3  }
0x3a: {  	_ = 	snop  }
0x3b: {  	_ = 	snop  }
0x3c: {  	p2 =	seq.s32 s10, $0x1;
	s10 =	sld [smem:$0x3FB5]  }
0x3d: {  	_ =	shalt  }
0x3e: {  	_ =	shalt  }
0x3f: {  	_ =	shalt  }
0x40: {  	_ =	shalt  }
0x41: {  	_ =	shalt  }
0x42: {  	_ =	shalt  }
0x43: {  	_ =	shalt  }
0x44: {  	_ =	shalt  }
0x45: {  	_ =	shalt  }
0x46: {  	_ =	shalt  }
0x47: {  	_ =	shalt  }
0x48: {  	_ =	shalt  }
0x49: {  	_ =	shalt  }
0x4a: {  	_ =	shalt  }
0x4b: {  	_ =	shalt  }
0x4c: {  	_ =	shalt  }
0x4d: {  	_ =	shalt  }
0x4e: {  	_ =	shalt  }
0x4f: {  	_ =	shalt  }
0x50: {  	_ =	shalt  }
0x51: {  	_ =	shalt  }
0x52: {  	_ =	shalt  }
0x53: {  	_ =	shalt  }
0x54: {  	_ =	shalt  }
0x55: {  	_ =	shalt  }
0x56: {  	_ =	shalt  }
0x57: {  	_ =	shalt  }
0x58: {  	_ =	shalt  }
0x59: {  	_ =	shalt  }
0x5a: {  	_ =	shalt  }
0x5b: {  	_ =	shalt  }
0x5c: {  	_ =	shalt  }
0x5d: {  	_ =	shalt  }
0x5e: {  	_ =	shalt  }
0x5f: {  	_ =	shalt  }
0x60: {  	_ =	shalt  }
0x61: {  	_ =	shalt  }
0x62: {  	_ =	shalt  }
0x63: {  	_ =	shalt  }
0x64: {  	_ =	shalt  }
0x65: {  	_ =	shalt  }
0x66: {  	_ =	shalt  }
0x67: {  	_ =	shalt  }
0x68: {  	_ =	shalt  }
0x69: {  	_ =	shalt  }
0x6a: {  	_ =	shalt  }
0x6b: {  	_ =	shalt  }
0x6c: {  	_ =	shalt  }
0x6d: {  	_ =	shalt  }
0x6e: {  	_ =	shalt  }
0x6f: {  	_ =	shalt  }
0x70: {  	_ =	shalt  }
0x71: {  	_ =	shalt  }
0x72: {  	_ =	shalt  }
0x73: {  	_ =	shalt  }
0x74: {  	_ =	shalt  }
0x75: {  	_ =	shalt  }
0x76: {  	_ =	shalt  }
0x77: {  	_ =	shalt  }
0x78: {  	_ =	shalt  }
0x79: {  	_ =	shalt  }
0x7a: {  	_ =	shalt  }
0x7b: {  	_ =	shalt  }
0x7c: {  	_ =	shalt  }
0x7d: {  	_ =	shalt  }
0x7e: {  	_ =	shalt  }
0x7f: {  	_ =	shalt  }
0x80: {  	_ =	shalt  }
0x81: {  	_ =	shalt  }
0x82: {  	_ =	shalt  }
0x83: {  	_ =	shalt  }
0x84: {  	_ =	shalt  }
0x85: {  	_ =	shalt  }
0x86: {  	_ =	shalt  }
0x87: {  	_ =	shalt  }
.Lfunc_end0:
.L_simem_size_0:
called_computation.2_lowered:
.L_overlay_start_0:
0x88: {  	s2 =	sld [smem:$0x3FD9]  }
0x89: {  	s3 =	sld [smem:$0x3FFE];
	_ =	sdelay $0x1  }
0x8a: {  	s1 =	srdreg.scid  }
0x8b: {  	s0 =	sand.u32 $0x1, s1  }
0x8c: {  	s16 =	sshll.u32 s0, $0xA;
	s2 =	sadd.s32 s3, s2  }
0x8d: {  	s2 =	sadd.s32 s2, s16  }
0x8e: {  	[smem:$0x3FC1] =	sst s2  }
0x8f: {  	_ = 	snop  }
0x90: {  	(tm) =	ssettm $0x1  }
0x91: {  	s17 =	sld [smem:$0x3FFB];
	_ =	sdelay $0x3  }
0x92: {  	_ =	strace s17  }
0x93: {  	s2 =	sld [smem:$0x3FFC];
	_ =	sdelay $0x3  }
0x94: {  	_ =	strace s2  }
0x95: {  	s2 =	sld [smem:$0x3FFD];
	_ =	sdelay $0x3  }
0x96: {  	_ =	strace s2  }
0x97: {  	_ =	strace $0x8FFFFFFF  }
0x98: {  	s18 =	sld [smem:$0x3FDB];
	_ =	sdelay $0x1  }
0x99: {  	s19 =	simm.s32 $_scs_section_size  }
0x9a: {  	s4 =	simm.s32 $_size__tile_overlayer_lowered;
	s5 =	simm.s32 $_tile_overlayer_lowered  }
0x9b: {  	s22 =	simm.s32 $0x1BFF;
	s21 =	sshll.u32 s5, $0x1;
	s2 =	sadd.s32 s19, s18  }
0x9c: {  	s6 =	simm.s32 $0x0;
	s20 =	sshll.u32 s4, $0x1;
	s4 =	sadd.s32 s21, s2  }
0x9d: {  	[timem:s6], [sflag:s22] =	dma.local [hbm:s4], s20  }
0x9e: {  	_ =	swait.ge [sflag:s22], s20  }
0x9f: {  	s3 =	ssub.s32 $0x0, s20;
	[sflag:s22] =	ssyncset.done $0x0  }
0xa0: {  	[sflag:s22] =	ssyncadd.s32 s3;
	_ =	sdelay $0x1  }
0xa1: {  	s23 =	simm.s32 $0x1B8B  }
0xa2: {  	_ =	swait.ge [sflag:s23], $0x1  }
0xa3: {  	[sflag:s23] =	ssyncset.done $0x0  }
0xa4: {  	s25 =	simm.s32 $0x1B8E;
	s24 =	sld [smem:$0x3FFE];
	[sflag:s23] =	ssyncadd.s32 $0xFFFFFFFF  }
0xa5: {  	s26 =	simm.s32 $execute0_lowered;
	[smem:$0x3FD2] =	sst s25  }
0xa6: {  	s4 =	sshll.u32 s26, $0x1;
	_ =	strace $0x8000004C;
	[dreg:$0x1] =	wrdreg $0xFFFFFFFF  }
0xa7: {  	s28 =	simm.s32 $_size_execute0_lowered;
	s2 =	sadd.s32 s2, s4;
	[dreg:$0x0] =	wrdreg $0x0  }
0xa8: {  	s4 =	sshll.u32 s28, $0x1;
	[dreg:$0x2] =	wrdreg s2  }
0xa9: {  	[dreg:$0x3] =	wrdreg s4  }
0xaa: {  	[dreg:$0x4] =	wrdreg $0xC0  }
0xab: {  	_ =	task [dreg:s6], $0x5FFFF  }
0xac: {  	[dreg:$0x1] =	wrdreg $0xFFFFFFFF  }
0xad: {  	[dreg:$0x0] =	wrdreg $0x60  }
0xae: {  	[dreg:$0x2] =	wrdreg s24  }
0xaf: {  	[dreg:$0x3] =	wrdreg $0xD8000  }
0xb0: {  	[dreg:$0x4] =	wrdreg $0x9  }
0xb1: {  	_ =	task.clear_ibuf [dreg:s6], $0x5FFFF;
	_ =	strace $0x9000004C  }
0xb2: {  	s29 =	simm.s32 $0x9;
	_ =	strace $0x8000004E  }
0xb3: {  	_ =	swait.ge [sflag:s29], $0x1  }
0xb4: {  	[sflag:s29] =	ssyncadd.s32 $0xFFFFFFFF  }
0xb5: {  	_ =	strace $0x9000004E  }
0xb6: {  	_ =	sfence  }
0xb7: {  	s30 =	sld [smem:$0x0];
	_ =	sdelay $0x2  }
0xb8: {  	s31 =	sshll.u32 s1, $0xD;
	s1 =	sshrl.u32 s1, $0x2  }
0xb9: {  	s3 =	sand.u32 $0x4000, s31;
	s1 =	sadd.s32 s1, s30  }
0xba: {  	s0 =	sor.u32 s3, s0;
	s1 =	sshll.u32 s1, $0x11  }
0xbb: {  	s0 =	sor.u32 s1, s0  }
0xbc: {  	s0 =	sadd.s32 $0x8F2B, s0  }
0xbd: {  	[sflag:s0] =	ssyncadd.remote.s32 $0x1  }
0xbe: {  	_ =	sfence.sel $0xFFFF  }
0xbf: {  	[dreg:$0x0] =	wrdreg $0xFFFFFFFF;
	(pc) =	sbr.abs _section_cstart, $3  }
0xc0: {  	[dreg:$0x1] =	wrdreg $0xFFFFFFFF  }
0xc1: {  	_ =	task.clear_ibuf [dreg:s6], $0x2FFFF;
	_ =	strace $0x9FFFFFFF  }
0xc2: {  	(tm) =	ssettm $0x7FFFFFFF  }
0xc3: {  	_ =	shalt  }
tec
execute0_lowered:
.L_overlay_start_1:
0x0: {  	(tag) =	ssettag $0x1  }
0x1: {  	s0 =	rddreg [dreg:$0x0]  }
0x2: {  	s2 =	rddreg [dreg:$0x1]  }
0x3: {  	s12 =	stileid.u32;
	s1 =	srdreg.scid  }
0x4: {  	s4 =	simm.s32 $0x0;
	s13 =	simm.s32 $0x40;
	s14 =	simm.s32 $0x9800  }
0x5: {  	s15 =	simm.s32 $0xA000;
	s17 =	simm.s32 $0xA800;
	s19 =	simm.s32 $0xB000  }
0x6: {  	s21 =	simm.s32 $0xB800;
	s28 =	simm.s32 $0xD000;
	s30 =	simm.s32 $0x1  }
0x7: {  	s31 =	simm.s32 $0x2;
	s16 =	simm.s32 $0x6;
	s18 =	simm.s32 $0x7  }
0x8: {  	s20 =	simm.s32 $0x8;
	s3 =	smul.u32 $0x5000, s12;
	s1 =	sand.u32 $0x1, s1  }
0x9: {  	[smem:$0x7FF] =	sst s4;
	s4 =	sadd.s32 $0xB800, s0;
	s6 =	sadd.s32 $0x15800, s0  }
0xa: {  	s7 =	sadd.s32 $0x1800, s0;
	s11 =	sshll.u32 s12, $0x7;
	s12 =	smul.u32 $0x980, s12  }
0xb: {  	s5 =	smul.u32 $0x50000, s1;
	_ =	strace $0x8000004D;
	s9 =	ssub.s32 $0x2, s1  }
0xc: {  	s23 =	sor.u32 $0x9800, s11;
	p0 =	sne.s32 s1, $0x0;
	s1 =	simm.s32 $0x5  }
0xd: {  	s8 =	sshrl.u32 s3, $0x3;
	s10 =	sshrl.u32 s9, $0x1;
	s24 =	sadd.s32 s6, s23  }
0xe: {  	s6 =	sadd.s32 s6, s12;
	s25 =	sadd.s32 s7, s12;
	s12 =	simm.s32 $0x0  }
0xf: {  	s5 =	sadd.s32 s3, s5;
	s8 =	sadd.s32 s8, s0;
	[dreg:$0x4] =	wrdreg s24  }
0x10: {  	s22 =	ssub.s32 s9, s10;
	s9 =	sadd.s32 s7, s23;
	[dreg:$0x6] =	wrdreg s6  }
0x11: {  	[dreg:$0x7] =	wrdreg s25;
	s3 =	sadd.s32 s3, s2;
	s23 =	simm.s32 $0xC000  }
0x12: {  	s25 =	simm.s32 $0xC800;
	s24 =	simm.s32 $0xA;
	s6 =	simm.s32 $0xD  }
0x13: {  	s7 =	simm.s32 $0xE;
	s5 =	sshrl.u32 s5, $0x3;
	[dreg:$0x5] =	wrdreg s9  }
0x14: {  	[dreg:$0x8] =	wrdreg s3;
	s26 =	sadd.s32 $0x1F800, s8;
	s29 =	smax.u32 s22, $0x1  }
0x15: {  	s3 =	simm.s32 $0x4;
	s22 =	simm.s32 $0x9;
	s8 =	simm.s32 $0xF  }
0x16: {  	s9 =	simm.s32 $0x10;
	s0 =	sadd.s32 s5, s0;
	[dreg:$0x9] =	wrdreg s26  }
0x17: {  	[dreg:$0xb] =	wrdreg s29;
	s26 =	simm.s32 $0xB;
	s0 =	sadd.s32 $0x29800, s0  }
0x18: {  	s5 =	simm.s32 $0xC;
	[dreg:$0xa] =	wrdreg s0;
	s0 =	simm.s32 $0x3  }
.LBB2_1:
0x19: {  	[dreg:$0xc] =	wrdreg s12  }
0x1a: {  	s11 =	simm.s32 @p0 $0x0;
	s10 =	rddreg [dreg:$0x4];
	s12 =	simm.s32 @p0 $0x11  }
0x1b: {  	[tilespmem:s11], [sflag:$0x11] =	stream.linear.gather @p0 [hbm4b:s10+s11], $0x400, $0x38;
	[tilespmem:$0x12800] =	vst v63  }
0x1c: {  	_ =	swait.ge @p0 [sflag:s12], $0x400  }
0x1d: {  	[sflag:s12] =	ssyncset.done @p0 $0x0  }
0x1e: {  	s29 =	simm.s32 @p0 $0x4C00;
	s10 =	rddreg [dreg:$0x5];
	[sflag:s12] =	ssyncadd.s32 @p0 $0xFFFFFC00  }
0x1f: {  	[tilespmem:s29], [sflag:$0x11] =	stream.linear.gather @p0 [hbm4b:s10+s11], $0x400, $0x38;
	[tilespmem:$0x12800] =	vst v63  }
0x20: {  	_ =	swait.ge @p0 [sflag:s12], $0x400  }
0x21: {  	s11 =	simm.s32 @!p0 $0x0;
	[sflag:s12] =	ssyncset.done @p0 $0x0  }
0x22: {  	s10 =	rddreg [dreg:$0x6];
	[sflag:s12] =	ssyncadd.s32 @p0 $0xFFFFFC00;
	s12 =	simm.s32 @!p0 $0x11  }
0x23: {  	[tilespmem:s11], [sflag:$0x11] =	stream.linear.gather @!p0 [hbm4b:s10+s11], $0x4C00, $0x38;
	[tilespmem:$0x12800] =	vst v63  }
0x24: {  	_ =	swait.ge @!p0 [sflag:s12], $0x4C00  }
0x25: {  	[sflag:s12] =	ssyncset.done @!p0 $0x0  }
0x26: {  	s29 =	simm.s32 @!p0 $0x4C00;
	s10 =	rddreg [dreg:$0x7];
	[sflag:s12] =	ssyncadd.s32 @!p0 $0xFFFFB400  }
0x27: {  	[tilespmem:s29], [sflag:$0x11] =	stream.linear.gather @!p0 [hbm4b:s10+s11], $0x4C00, $0x38;
	[tilespmem:$0x12800] =	vst v63  }
0x28: {  	_ =	swait.ge @!p0 [sflag:s12], $0x4C00  }
0x29: {  	[sflag:s12] =	ssyncset.done @!p0 $0x0  }
0x2a: {  	s11 =	simm.s32 $0x0;
	[sflag:s12] =	ssyncadd.s32 @!p0 $0xFFFFB400  }
0x2b: {  	[tilespmem:s14], [sflag:$0x1] =	stream.indirect.gather [hbm4b:s4+s13], $0x20, s11, s13, $0xb8;
	[tilespmem:$0x12800] =	vst v63  }
0x2c: {  	_ = 	snop  }
0x2d: {  	[tilespmem:s15], [sflag:$0x2] =	stream.indirect.gather [hbm4b:s4+s13], $0x20, s13, s13, $0xb8;
	[tilespmem:$0x12800] =	vst v63  }
0x2e: {  	s12 =	simm.s32 $0x80  }
0x2f: {  	[tilespmem:s17], [sflag:$0x3] =	stream.indirect.gather [hbm4b:s4+s13], $0x20, s12, s13, $0xb8;
	[tilespmem:$0x12800] =	vst v63  }
0x30: {  	s11 =	simm.s32 $0xC0  }
0x31: {  	[tilespmem:s19], [sflag:$0x4] =	stream.indirect.gather [hbm4b:s4+s13], $0x20, s11, s13, $0xb8;
	[tilespmem:$0x12800] =	vst v63  }
0x32: {  	s12 =	simm.s32 $0x100  }
0x33: {  	[tilespmem:s21], [sflag:$0x5] =	stream.indirect.gather [hbm4b:s4+s13], $0x20, s12, s13, $0xb8;
	[tilespmem:$0x12800] =	vst v63  }
0x34: {  	s11 =	simm.s32 $0x140  }
0x35: {  	[tilespmem:s23], [sflag:$0x6] =	stream.indirect.gather [hbm4b:s4+s13], $0x20, s11, s13, $0xb8;
	[tilespmem:$0x12800] =	vst v63  }
0x36: {  	s12 =	simm.s32 $0x180  }
0x37: {  	[tilespmem:s25], [sflag:$0x7] =	stream.indirect.gather [hbm4b:s4+s13], $0x20, s12, s13, $0xb8;
	[tilespmem:$0x12800] =	vst v63  }
0x38: {  	s12 =	stileid.u32  }
0x39: {  	s11 =	simm.s32 $0x1C0;
	s10 =	sshll.u32 s12, $0x6;
	s12 =	rddreg [dreg:$0x8]  }
0x3a: {  	[tilespmem:s28], [sflag:$0x8] =	stream.indirect.gather [hbm4b:s4+s13], $0x20, s11, s13, $0xb8;
	[tilespmem:$0x12800] =	vst v63  }
0x3b: {  	s11 =	sor.u32 $0x1C11, s10;
	s10 =	rddreg [dreg:$0x9]  }
0x3c: {  	s12 =	sshrl.u32 s12, $0x3;
	[dreg:$0xd] =	wrdreg s11  }
0x3d: {  	[dreg:$0xe] =	wrdreg s12  }
0x3e: {  	[spmem:s12], [sflag:s11] =	dma.local [hbm:s10], $0xA00  }
0x3f: {  	s12 =	simm.s32 $0x11  }
0x40: {  	_ =	swait.ge [sflag:s12], $0xA00  }
0x41: {  	s29 =	simm.s32 @!p0 $0x25;
	s11 =	simm.s32 $0x11;
	[sflag:s12] =	ssyncset.done $0x0  }
0x42: {  	s29 =	simm.s32 @p0 $0x1;
	[sflag:s11] =	ssyncadd.s32 $0xFFFFF600  }
0x43: {  	s12 =	sshll.u32 s29, $0xB;
	[bflag:$0x0] =	sbarrier.arrive $0xFFFF  }
0x44: {  	s11 =	simm.s32 $0x0;
	[dreg:$0x3] =	wrdreg s12  }
.LBB2_2:
0x45: {  	_ =	swait.ge [sflag:s30], $0x800  }
0x46: {  	s12 =	sshra.s32 s11, $0x2;
	[sflag:s30] =	ssyncset.done $0x0  }
0x47: {  	s10 =	sadd.s32 $0x4C00, s12;
	[sflag:s30] =	ssyncadd.s32 $0xFFFFF800  }
0x48: {  	[spmem:s2] =	stream.indirect.scatter.add.f32 [tilespmem:s14], [sflag:$0x9], $0x20, s10, s13, $0xb8;
	[tilespmem:$0x12800] =	vst v63  }
0x49: {  	_ =	swait.ge [sflag:s31], $0x800  }
0x4a: {  	[sflag:s31] =	ssyncset.done $0x0  }
0x4b: {  	s10 =	sadd.s32 $0x4C40, s12;
	[sflag:s31] =	ssyncadd.s32 $0xFFFFF800  }
0x4c: {  	[spmem:s2] =	stream.indirect.scatter.add.f32 [tilespmem:s15], [sflag:$0xA], $0x20, s10, s13, $0xb8;
	[tilespmem:$0x12800] =	vst v63  }
0x4d: {  	_ =	swait.ge [sflag:s0], $0x800  }
0x4e: {  	[sflag:s0] =	ssyncset.done $0x0  }
0x4f: {  	s10 =	sadd.s32 $0x4C80, s12;
	[sflag:s0] =	ssyncadd.s32 $0xFFFFF800  }
0x50: {  	[spmem:s2] =	stream.indirect.scatter.add.f32 [tilespmem:s17], [sflag:$0xB], $0x20, s10, s13, $0xb8;
	[tilespmem:$0x12800] =	vst v63  }
0x51: {  	_ =	swait.ge [sflag:s3], $0x800  }
0x52: {  	[sflag:s3] =	ssyncset.done $0x0  }
0x53: {  	s10 =	sadd.s32 $0x4CC0, s12;
	[sflag:s3] =	ssyncadd.s32 $0xFFFFF800  }
0x54: {  	[spmem:s2] =	stream.indirect.scatter.add.f32 [tilespmem:s19], [sflag:$0xC], $0x20, s10, s13, $0xb8;
	[tilespmem:$0x12800] =	vst v63  }
0x55: {  	_ =	swait.ge [sflag:s1], $0x800  }
0x56: {  	[sflag:s1] =	ssyncset.done $0x0  }
0x57: {  	s10 =	sadd.s32 $0x4D00, s12;
	[sflag:s1] =	ssyncadd.s32 $0xFFFFF800  }
0x58: {  	[spmem:s2] =	stream.indirect.scatter.add.f32 [tilespmem:s21], [sflag:$0xD], $0x20, s10, s13, $0xb8;
	[tilespmem:$0x12800] =	vst v63  }
0x59: {  	_ =	swait.ge [sflag:s16], $0x800  }
0x5a: {  	[sflag:s16] =	ssyncset.done $0x0  }
0x5b: {  	s10 =	sadd.s32 $0x4D40, s12;
	[sflag:s16] =	ssyncadd.s32 $0xFFFFF800  }
0x5c: {  	[spmem:s2] =	stream.indirect.scatter.add.f32 [tilespmem:s23], [sflag:$0xE], $0x20, s10, s13, $0xb8;
	[tilespmem:$0x12800] =	vst v63  }
0x5d: {  	_ =	swait.ge [sflag:s18], $0x800  }
0x5e: {  	[sflag:s18] =	ssyncset.done $0x0  }
0x5f: {  	s10 =	sadd.s32 $0x4D80, s12;
	[sflag:s18] =	ssyncadd.s32 $0xFFFFF800  }
0x60: {  	[spmem:s2] =	stream.indirect.scatter.add.f32 [tilespmem:s25], [sflag:$0xF], $0x20, s10, s13, $0xb8;
	[tilespmem:$0x12800] =	vst v63  }
0x61: {  	_ =	swait.ge [sflag:s20], $0x800  }
0x62: {  	[sflag:s20] =	ssyncset.done $0x0  }
0x63: {  	s10 =	sadd.s32 $0x4DC0, s12;
	[sflag:s20] =	ssyncadd.s32 $0xFFFFF800  }
0x64: {  	[spmem:s2] =	stream.indirect.scatter.add.f32 [tilespmem:s28], [sflag:$0x10], $0x20, s10, s13, $0xb8;
	[tilespmem:$0x12800] =	vst v63  }
0x65: {  	_ =	swait.ge [sflag:s22], $0x800  }
0x66: {  	[sflag:s22] =	ssyncset.done $0x0  }
0x67: {  	s10 =	sadd.s32 $0x200, s12;
	[sflag:s22] =	ssyncadd.s32 $0xFFFFF800  }
0x68: {  	[tilespmem:s14], [sflag:$0x1] =	stream.indirect.gather [hbm4b:s4+s13], $0x20, s10, s13, $0xb8;
	[tilespmem:$0x12800] =	vst v63  }
0x69: {  	_ =	swait.ge [sflag:s24], $0x800  }
0x6a: {  	[sflag:s24] =	ssyncset.done $0x0  }
0x6b: {  	s10 =	sadd.s32 $0x240, s12;
	[sflag:s24] =	ssyncadd.s32 $0xFFFFF800  }
0x6c: {  	[tilespmem:s15], [sflag:$0x2] =	stream.indirect.gather [hbm4b:s4+s13], $0x20, s10, s13, $0xb8;
	[tilespmem:$0x12800] =	vst v63  }
0x6d: {  	_ =	swait.ge [sflag:s26], $0x800  }
0x6e: {  	[sflag:s26] =	ssyncset.done $0x0  }
0x6f: {  	s10 =	sadd.s32 $0x280, s12;
	[sflag:s26] =	ssyncadd.s32 $0xFFFFF800  }
0x70: {  	[tilespmem:s17], [sflag:$0x3] =	stream.indirect.gather [hbm4b:s4+s13], $0x20, s10, s13, $0xb8;
	[tilespmem:$0x12800] =	vst v63  }
0x71: {  	_ =	swait.ge [sflag:s5], $0x800  }
0x72: {  	[sflag:s5] =	ssyncset.done $0x0  }
0x73: {  	s10 =	sadd.s32 $0x2C0, s12;
	[sflag:s5] =	ssyncadd.s32 $0xFFFFF800  }
0x74: {  	[tilespmem:s19], [sflag:$0x4] =	stream.indirect.gather [hbm4b:s4+s13], $0x20, s10, s13, $0xb8;
	[tilespmem:$0x12800] =	vst v63  }
0x75: {  	_ =	swait.ge [sflag:s6], $0x800  }
0x76: {  	[sflag:s6] =	ssyncset.done $0x0  }
0x77: {  	s10 =	sadd.s32 $0x300, s12;
	[sflag:s6] =	ssyncadd.s32 $0xFFFFF800  }
0x78: {  	[tilespmem:s21], [sflag:$0x5] =	stream.indirect.gather [hbm4b:s4+s13], $0x20, s10, s13, $0xb8;
	[tilespmem:$0x12800] =	vst v63  }
0x79: {  	_ =	swait.ge [sflag:s7], $0x800  }
0x7a: {  	[sflag:s7] =	ssyncset.done $0x0  }
0x7b: {  	s10 =	sadd.s32 $0x340, s12;
	[sflag:s7] =	ssyncadd.s32 $0xFFFFF800  }
0x7c: {  	[tilespmem:s23], [sflag:$0x6] =	stream.indirect.gather [hbm4b:s4+s13], $0x20, s10, s13, $0xb8;
	[tilespmem:$0x12800] =	vst v63  }
0x7d: {  	_ =	swait.ge [sflag:s8], $0x800  }
0x7e: {  	[sflag:s8] =	ssyncset.done $0x0  }
0x7f: {  	s10 =	sadd.s32 $0x380, s12;
	[sflag:s8] =	ssyncadd.s32 $0xFFFFF800  }
0x80: {  	[tilespmem:s25], [sflag:$0x7] =	stream.indirect.gather [hbm4b:s4+s13], $0x20, s10, s13, $0xb8;
	[tilespmem:$0x12800] =	vst v63  }
0x81: {  	_ =	swait.ge [sflag:s9], $0x800  }
0x82: {  	s11 =	sadd.s32 $0x800, s11;
	s10 =	sadd.s32 $0x3C0, s12;
	s12 =	rddreg [dreg:$0x3]  }
0x83: {  	p1 =	sne.s32 s12, s11  }
.Ltmp0:
0x84: {  	_ = 	snop;
	(pc) =	sbr.rel @p1 .LBB2_2-.Ltmp0, $4  }
0x85: {  	_ = 	snop  }
0x86: {  	[sflag:s9] =	ssyncset.done $0x0  }
0x87: {  	[sflag:s9] =	ssyncadd.s32 $0xFFFFF800  }
0x88: {  	[tilespmem:s28], [sflag:$0x8] =	stream.indirect.gather [hbm4b:s4+s13], $0x20, s10, s13, $0xb8;
	[tilespmem:$0x12800] =	vst v63  }
0x89: {  	_ =	swait.ge [sflag:s30], $0x800  }
0x8a: {  	s10 =	sshll.u32 s29, $0x9;
	[sflag:s30] =	ssyncset.done $0x0  }
0x8b: {  	s11 =	sadd.s32 $0x4C00, s10;
	[sflag:s30] =	ssyncadd.s32 $0xFFFFF800  }
0x8c: {  	[spmem:s2] =	stream.indirect.scatter.add.f32 [tilespmem:s14], [sflag:$0x9], $0x20, s11, s13, $0xb8;
	[tilespmem:$0x12800] =	vst v63  }
0x8d: {  	_ =	swait.ge [sflag:s31], $0x800  }
0x8e: {  	[sflag:s31] =	ssyncset.done $0x0  }
0x8f: {  	s12 =	sadd.s32 $0x4C40, s10;
	[sflag:s31] =	ssyncadd.s32 $0xFFFFF800  }
0x90: {  	[spmem:s2] =	stream.indirect.scatter.add.f32 [tilespmem:s15], [sflag:$0xA], $0x20, s12, s13, $0xb8;
	[tilespmem:$0x12800] =	vst v63  }
0x91: {  	_ =	swait.ge [sflag:s0], $0x800  }
0x92: {  	[sflag:s0] =	ssyncset.done $0x0  }
0x93: {  	s29 =	sadd.s32 $0x4C80, s10;
	[sflag:s0] =	ssyncadd.s32 $0xFFFFF800  }
0x94: {  	[spmem:s2] =	stream.indirect.scatter.add.f32 [tilespmem:s17], [sflag:$0xB], $0x20, s29, s13, $0xb8;
	[tilespmem:$0x12800] =	vst v63  }
0x95: {  	_ =	swait.ge [sflag:s3], $0x800  }
0x96: {  	[sflag:s3] =	ssyncset.done $0x0  }
0x97: {  	s12 =	sadd.s32 $0x4CC0, s10;
	[sflag:s3] =	ssyncadd.s32 $0xFFFFF800  }
0x98: {  	[spmem:s2] =	stream.indirect.scatter.add.f32 [tilespmem:s19], [sflag:$0xC], $0x20, s12, s13, $0xb8;
	[tilespmem:$0x12800] =	vst v63  }
0x99: {  	_ =	swait.ge [sflag:s1], $0x800  }
0x9a: {  	[sflag:s1] =	ssyncset.done $0x0  }
0x9b: {  	s29 =	sadd.s32 $0x4D00, s10;
	[sflag:s1] =	ssyncadd.s32 $0xFFFFF800  }
0x9c: {  	[spmem:s2] =	stream.indirect.scatter.add.f32 [tilespmem:s21], [sflag:$0xD], $0x20, s29, s13, $0xb8;
	[tilespmem:$0x12800] =	vst v63  }
0x9d: {  	_ =	swait.ge [sflag:s16], $0x800  }
0x9e: {  	[sflag:s16] =	ssyncset.done $0x0  }
0x9f: {  	s12 =	sadd.s32 $0x4D40, s10;
	[sflag:s16] =	ssyncadd.s32 $0xFFFFF800  }
0xa0: {  	[spmem:s2] =	stream.indirect.scatter.add.f32 [tilespmem:s23], [sflag:$0xE], $0x20, s12, s13, $0xb8;
	[tilespmem:$0x12800] =	vst v63  }
0xa1: {  	_ =	swait.ge [sflag:s18], $0x800  }
0xa2: {  	[sflag:s18] =	ssyncset.done $0x0  }
0xa3: {  	s29 =	sadd.s32 $0x4D80, s10;
	[sflag:s18] =	ssyncadd.s32 $0xFFFFF800  }
0xa4: {  	[spmem:s2] =	stream.indirect.scatter.add.f32 [tilespmem:s25], [sflag:$0xF], $0x20, s29, s13, $0xb8;
	[tilespmem:$0x12800] =	vst v63  }
0xa5: {  	_ =	swait.ge [sflag:s20], $0x800  }
0xa6: {  	[sflag:s20] =	ssyncset.done $0x0  }
0xa7: {  	s10 =	sadd.s32 $0x4DC0, s10;
	[sflag:s20] =	ssyncadd.s32 $0xFFFFF800  }
0xa8: {  	[spmem:s2] =	stream.indirect.scatter.add.f32 [tilespmem:s28], [sflag:$0x10], $0x20, s10, s13, $0xb8;
	[tilespmem:$0x12800] =	vst v63  }
0xa9: {  	_ =	swait.ge [sflag:s22], $0x800  }
0xaa: {  	[sflag:s22] =	ssyncset.done $0x0  }
0xab: {  	[sflag:s22] =	ssyncadd.s32 $0xFFFFF800  }
0xac: {  	_ =	swait.ge [sflag:s24], $0x800  }
0xad: {  	[sflag:s24] =	ssyncset.done $0x0  }
0xae: {  	[sflag:s24] =	ssyncadd.s32 $0xFFFFF800  }
0xaf: {  	_ =	swait.ge [sflag:s26], $0x800  }
0xb0: {  	[sflag:s26] =	ssyncset.done $0x0  }
0xb1: {  	[sflag:s26] =	ssyncadd.s32 $0xFFFFF800  }
0xb2: {  	_ =	swait.ge [sflag:s5], $0x800  }
0xb3: {  	[sflag:s5] =	ssyncset.done $0x0  }
0xb4: {  	[sflag:s5] =	ssyncadd.s32 $0xFFFFF800  }
0xb5: {  	_ =	swait.ge [sflag:s6], $0x800  }
0xb6: {  	[sflag:s6] =	ssyncset.done $0x0  }
0xb7: {  	[sflag:s6] =	ssyncadd.s32 $0xFFFFF800  }
0xb8: {  	_ =	swait.ge [sflag:s7], $0x800  }
0xb9: {  	[sflag:s7] =	ssyncset.done $0x0  }
0xba: {  	[sflag:s7] =	ssyncadd.s32 $0xFFFFF800  }
0xbb: {  	_ =	swait.ge [sflag:s8], $0x800  }
0xbc: {  	[sflag:s8] =	ssyncset.done $0x0  }
0xbd: {  	[sflag:s8] =	ssyncadd.s32 $0xFFFFF800  }
0xbe: {  	_ =	swait.ge [sflag:s9], $0x800  }
0xbf: {  	[sflag:s9] =	ssyncset.done $0x0  }
0xc0: {  	[sflag:s9] =	ssyncadd.s32 $0xFFFFF800  }
0xc1: {  	[bflag:$0x0] =	sbarrier.arrive $0xFFFF  }
0xc2: {  	s11 =	rddreg [dreg:$0xa]  }
0xc3: {  	s29 =	rddreg [dreg:$0xd]  }
0xc4: {  	s12 =	rddreg [dreg:$0xe]  }
0xc5: {  	[hbm:s11], [sflag:s29] =	dma.local [spmem:s12], $0xA00  }
0xc6: {  	s11 =	simm.s32 $0x11  }
0xc7: {  	_ =	swait.ge [sflag:s11], $0xA00  }
0xc8: {  	s10 =	rddreg [dreg:$0xc]  }
0xc9: {  	s29 =	rddreg [dreg:$0xb];
	s12 =	sadd.s32 $0x1, s10  }
0xca: {  	p1 =	sne.s32 s12, s29  }
.Ltmp1:
0xcb: {  	_ = 	snop;
	(pc) =	sbr.rel @p1 .LBB2_1-.Ltmp1, $3  }
0xcc: {  	_ =	sdelay $0x1  }
0xcd: {  	[sflag:s11] =	ssyncset.done $0x0  }
0xce: {  	[sflag:s11] =	ssyncadd.s32 $0xFFFFF600  }
0xcf: {  	_ =	sfence.sel $0x180000  }
0xd0: {  	[bflag:$0x0] =	sbarrier.arrive $0xFFFF  }
0xd1: {  	_ =	strace $0x9000004D  }
0xd2: {  	s0 =	stileid.u32;
	[bflag:$0x2] =	sbarrier.arrive $0xFFFF  }
0xd3: {  	p0 =	sne.s32 s0, $0x0;
	s0 =	rddreg [dreg:$0x2]  }
0xd4: {  	s0 =	sadd.s32 @!p0 $0x100000, s0  }
0xd5: {  	[sflag:s0] =	ssyncadd.tile.s32 @!p0 $0x1;
	_ =	shalt  }
.Lfunc_end2:
_tile_overlayer_lowered:
.L_overlay_start_2:
0xd6: {  	(tag) =	ssettag $0x2  }
0xd7: {  	s0 =	rddreg [dreg:$0x0];
	s2 =	stileid.u32  }
0xd8: {  	s1 =	rddreg [dreg:$0x1];
	p0 =	sne.s32 s2, $0x0  }
0xd9: {  	s3 =	rddreg [dreg:$0x2];
	[bflag:$0x3] =	sbarrier.arrive $0xFFFF;
	s2 =	simm.s32 @!p0 $0x1C11  }
0xda: {  	[timem:s3], [sflag:s2] =	dma.local @!p0 [hbm:s0], s1  }
0xdb: {  	s0 =	simm.s32 @!p0 $0x11  }
0xdc: {  	_ =	swait.ge @!p0 [sflag:s0], s1  }
0xdd: {  	s1 =	ssub.s32 @!p0 $0x0, s1;
	[sflag:s0] =	ssyncset.done @!p0 $0x0  }
0xde: {  	[sflag:s0] =	ssyncadd.s32 @!p0 s1  }
0xdf: {  	[bflag:$0x3] =	sbarrier.arrive $0xFFFF  }
0xe0: {  	_ =	shalt  }

// kernel: kernel.8.cloned.1.call-start
scs
__scs_entry_jumppad:
0x0: {  	(pc) =	sbr.rel $0x88, $3  }
0x1: {  	(tag) =	ssettag $0x0;
	lr =	simm.s32 $0x1  }
0x2: {  	[smem:$0x3F9A] =	sst lr;
	_ =	strace $0xD0000000  }
0x3: {  	_ = 	snop  }
0x4: {  	_ = 	snop  }
0x5: {  	_ = 	snop  }
0x6: {  	_ = 	snop  }
0x7: {  	_ = 	snop  }
__scs_overlays_trampoline_lowered:
0x8: {  	[smem:$0x3FA9] =	sst s0  }
0x9: {  	[smem:$0x3FAA] =	sst s1  }
0xa: {  	[smem:$0x3FAB] =	sst s2  }
0xb: {  	[smem:$0x3FAC] =	sst s3  }
0xc: {  	[smem:$0x3FAD] =	sst s4  }
0xd: {  	[smem:$0x3FAE] =	sst s5  }
0xe: {  	[smem:$0x3FAF] =	sst s6  }
0xf: {  	[smem:$0x3FB0] =	sst s7  }
0x10: {  	[smem:$0x3FB1] =	sst s8  }
0x11: {  	[smem:$0x3FB2] =	sst s9;
	s0 =	simm.s32 @!p0 $0x0  }
0x12: {  	s1 =	sld [smem:$0x3F98];
	s0 =	simm.s32 @p0 $0x1  }
0x13: {  	[smem:$0x3FB3] =	sst s0;
	s0 =	simm.s32 @!p1 $0x0  }
0x14: {  	s2 =	sld [smem:$0x3F97];
	s0 =	simm.s32 @p1 $0x1  }
0x15: {  	[smem:$0x3FB4] =	sst s0;
	s0 =	simm.s32 @!p2 $0x0  }
0x16: {  	s3 =	sld [smem:$0x3FDB];
	s0 =	simm.s32 @p2 $0x1  }
0x17: {  	s4 =	simm.s32 $0x1BF5;
	[smem:$0x3FB6] =	sst s0  }
0x18: {  	s0 =	sld [smem:$0x3F99];
	_ =	swait.ge [sflag:s4], $0x0  }
0x19: {  	s7 =	sld [smem:$0x3F9A]  }
0x1a: {  	s8 =	sadd.s32 $0xFFFFE003, lr  }
0x1b: {  	s9 =	sadd.s32 $0xFFFFFEF7, lr;
	s5 =	simm.s32 $0xFFFFFFFF;
	p2 =	slt.u32 s8, $0xFFFFF086  }
0x1c: {  	p1 =	slt.u32 s9, $0xF7A;
	s5 =	simm.s32 @!p2 $0x0  }
0x1d: {  	s5 =	simm.s32 @p1 $0x1;
	p0 =	seq.s32 s7, s2  }
0x1e: {  	s7 =	smul.u32 @!p0 $0xF7A, s2;
	p2 =	seq.s32 @!p0 s5, $0x0  }
0x1f: {  	s9 =	smul.u32 $0xF7A, s1;
	s8 =	simm.s32 @!p0 $0x1BF5;
	p2 =	por !p2, p0  }
0x20: {  	[sflag:s8] =	ssyncset.s32 @!p0 $0xFFFFF086;
	s6 =	sadd.s32 @!p0 s3, s7;
	s7 =	simm.s32 @!p0 $0x108  }
0x21: {  	s3 =	sadd.s32 s3, s9;
	s6 =	sadd.s32 @!p0 $0x88, s6;
	s7 =	simm.s32 @p2 $0x1082  }
0x22: {  	[simem:s7], [sflag:s8] =	dma.local @!p0 [hbm:s6], $0xF7A  }
0x23: {  	s9 =	sor.u32 $0xD0000000, s2;
	s6 =	simm.s32 $0x108;
	_ =	swait.ge @!p0 [sflag:s8], $0x0  }
0x24: {  	s3 =	sadd.s32 $0x88, s3;
	s6 =	simm.s32 @!p1 $0x1082;
	[sflag:s4] =	ssyncset.s32 $0xFFFFF086  }
0x25: {  	[simem:s6], [sflag:s4] =	dma.local [hbm:s3], $0xF7A  }
0x26: {  	[smem:$0x3F9A] =	sst s1;
	(tag) =	ssettag s2;
	_ =	strace s9  }
0x27: {  	s1 =	sld [smem:$0x3FAA]  }
0x28: {  	s2 =	sld [smem:$0x3FAB]  }
0x29: {  	s4 =	sld [smem:$0x3FAD]  }
0x2a: {  	p0 =	seq.s32 s5, $0x0;
	s5 =	sld [smem:$0x3FAE]  }
0x2b: {  	s6 =	sld [smem:$0x3FAF]  }
0x2c: {  	s7 =	sld [smem:$0x3FB0]  }
0x2d: {  	s3 =	simm.s32 $0x108;
	s8 =	sld [smem:$0x3FB1]  }
0x2e: {  	s3 =	simm.s32 @!p0 $0x1082;
	s9 =	sld [smem:$0x3FB2]  }
0x2f: {  	lr =	sadd.s32 s0, s3;
	s0 =	sld [smem:$0x3FA9]  }
0x30: {  	s3 =	sld [smem:$0x3FAC]  }
0x31: {  	[smem:$0x3FB5] =	sst s10  }
0x32: {  	s10 =	sld [smem:$0x3FB3];
	_ =	sdelay $0x3  }
0x33: {  	p0 =	seq.s32 s10, $0x1;
	s10 =	sld [smem:$0x3FB5];
	_ =	sdelay $0x3  }
0x34: {  	[smem:$0x3FB5] =	sst s10  }
0x35: {  	s10 =	sld [smem:$0x3FB4];
	_ =	sdelay $0x3  }
0x36: {  	p1 =	seq.s32 s10, $0x1;
	s10 =	sld [smem:$0x3FB5];
	_ =	sdelay $0x3  }
0x37: {  	[smem:$0x3FB5] =	sst s10  }
0x38: {  	s10 =	sld [smem:$0x3FB6]  }
0x39: {  	_ = 	snop;
	(pc) =	sbr.ind lr, $3  }
0x3a: {  	_ = 	snop  }
0x3b: {  	_ = 	snop  }
0x3c: {  	p2 =	seq.s32 s10, $0x1;
	s10 =	sld [smem:$0x3FB5]  }
0x3d: {  	_ =	shalt  }
0x3e: {  	_ =	shalt  }
0x3f: {  	_ =	shalt  }
0x40: {  	_ =	shalt  }
0x41: {  	_ =	shalt  }
0x42: {  	_ =	shalt  }
0x43: {  	_ =	shalt  }
0x44: {  	_ =	shalt  }
0x45: {  	_ =	shalt  }
0x46: {  	_ =	shalt  }
0x47: {  	_ =	shalt  }
0x48: {  	_ =	shalt  }
0x49: {  	_ =	shalt  }
0x4a: {  	_ =	shalt  }
0x4b: {  	_ =	shalt  }
0x4c: {  	_ =	shalt  }
0x4d: {  	_ =	shalt  }
0x4e: {  	_ =	shalt  }
0x4f: {  	_ =	shalt  }
0x50: {  	_ =	shalt  }
0x51: {  	_ =	shalt  }
0x52: {  	_ =	shalt  }
0x53: {  	_ =	shalt  }
0x54: {  	_ =	shalt  }
0x55: {  	_ =	shalt  }
0x56: {  	_ =	shalt  }
0x57: {  	_ =	shalt  }
0x58: {  	_ =	shalt  }
0x59: {  	_ =	shalt  }
0x5a: {  	_ =	shalt  }
0x5b: {  	_ =	shalt  }
0x5c: {  	_ =	shalt  }
0x5d: {  	_ =	shalt  }
0x5e: {  	_ =	shalt  }
0x5f: {  	_ =	shalt  }
0x60: {  	_ =	shalt  }
0x61: {  	_ =	shalt  }
0x62: {  	_ =	shalt  }
0x63: {  	_ =	shalt  }
0x64: {  	_ =	shalt  }
0x65: {  	_ =	shalt  }
0x66: {  	_ =	shalt  }
0x67: {  	_ =	shalt  }
0x68: {  	_ =	shalt  }
0x69: {  	_ =	shalt  }
0x6a: {  	_ =	shalt  }
0x6b: {  	_ =	shalt  }
0x6c: {  	_ =	shalt  }
0x6d: {  	_ =	shalt  }
0x6e: {  	_ =	shalt  }
0x6f: {  	_ =	shalt  }
0x70: {  	_ =	shalt  }
0x71: {  	_ =	shalt  }
0x72: {  	_ =	shalt  }
0x73: {  	_ =	shalt  }
0x74: {  	_ =	shalt  }
0x75: {  	_ =	shalt  }
0x76: {  	_ =	shalt  }
0x77: {  	_ =	shalt  }
0x78: {  	_ =	shalt  }
0x79: {  	_ =	shalt  }
0x7a: {  	_ =	shalt  }
0x7b: {  	_ =	shalt  }
0x7c: {  	_ =	shalt  }
0x7d: {  	_ =	shalt  }
0x7e: {  	_ =	shalt  }
0x7f: {  	_ =	shalt  }
0x80: {  	_ =	shalt  }
0x81: {  	_ =	shalt  }
0x82: {  	_ =	shalt  }
0x83: {  	_ =	shalt  }
0x84: {  	_ =	shalt  }
0x85: {  	_ =	shalt  }
0x86: {  	_ =	shalt  }
0x87: {  	_ =	shalt  }
.Lfunc_end0:
.L_simem_size_0:
called_computation_lowered:
.L_overlay_start_0:
0x88: {  	s2 =	sld [smem:$0x3FD9]  }
0x89: {  	s3 =	sld [smem:$0x3FFE];
	_ =	sdelay $0x1  }
0x8a: {  	s1 =	srdreg.scid  }
0x8b: {  	s0 =	sand.u32 $0x1, s1  }
0x8c: {  	s17 =	sshll.u32 s0, $0xA;
	s2 =	sadd.s32 s3, s2  }
0x8d: {  	s2 =	sadd.s32 s2, s17  }
0x8e: {  	[smem:$0x3FC1] =	sst s2  }
0x8f: {  	_ = 	snop  }
0x90: {  	s2 =	sld [smem:$0x3FD0];
	(tm) =	ssettm $0x1  }
0x91: {  	s18 =	sld [smem:$0x3FFB];
	_ =	sdelay $0x3  }
0x92: {  	_ =	strace s18  }
0x93: {  	s3 =	sld [smem:$0x3FFC];
	_ =	sdelay $0x3  }
0x94: {  	_ =	strace s3  }
0x95: {  	s3 =	sld [smem:$0x3FFD];
	_ =	sdelay $0x3  }
0x96: {  	_ =	strace s3  }
0x97: {  	_ =	strace $0x8FFFFFFF  }
0x98: {  	s19 =	sld [smem:$0x3FDB];
	_ =	sdelay $0x1  }
0x99: {  	s4 =	simm.s32 $_scs_section_size  }
0x9a: {  	s5 =	simm.s32 $_size__tile_overlayer_lowered;
	s6 =	simm.s32 $_tile_overlayer_lowered  }
0x9b: {  	s22 =	simm.s32 $0x1BFF;
	s21 =	sshll.u32 s6, $0x1;
	s3 =	sadd.s32 s4, s19  }
0x9c: {  	s7 =	simm.s32 $0x0;
	s20 =	sshll.u32 s5, $0x1;
	s5 =	sadd.s32 s21, s3  }
0x9d: {  	[timem:s7], [sflag:s22] =	dma.local [hbm:s5], s20  }
0x9e: {  	_ =	swait.ge [sflag:s22], s20  }
0x9f: {  	s4 =	ssub.s32 $0x0, s20;
	[sflag:s22] =	ssyncset.done $0x0  }
0xa0: {  	[sflag:s22] =	ssyncadd.s32 s4;
	_ =	sdelay $0x1  }
0xa1: {  	s23 =	simm.s32 $0x1B8B  }
0xa2: {  	_ =	swait.ge [sflag:s23], $0x1  }
0xa3: {  	[sflag:s23] =	ssyncset.done $0x0  }
0xa4: {  	s25 =	simm.s32 $0x1B8E;
	s24 =	sld [smem:$0x3FFE];
	[sflag:s23] =	ssyncadd.s32 $0xFFFFFFFF  }
0xa5: {  	s26 =	simm.s32 $execute0_lowered;
	[smem:$0x3FD2] =	sst s25  }
0xa6: {  	s5 =	sshll.u32 s26, $0x1;
	_ =	strace $0x80000046;
	[dreg:$0x1] =	wrdreg $0xFFFFFFFF  }
0xa7: {  	s28 =	simm.s32 $_size_execute0_lowered;
	s3 =	sadd.s32 s3, s5;
	[dreg:$0x0] =	wrdreg $0x0  }
0xa8: {  	s5 =	sshll.u32 s28, $0x1;
	[dreg:$0x2] =	wrdreg s3  }
0xa9: {  	[dreg:$0x3] =	wrdreg s5  }
0xaa: {  	[dreg:$0x4] =	wrdreg $0xC0  }
0xab: {  	_ =	task [dreg:s7], $0x5FFFF  }
0xac: {  	[dreg:$0x1] =	wrdreg $0xFFFFFFFF  }
0xad: {  	[dreg:$0x0] =	wrdreg $0x60  }
0xae: {  	[dreg:$0x2] =	wrdreg s24  }
0xaf: {  	[dreg:$0x3] =	wrdreg s2  }
0xb0: {  	[dreg:$0x4] =	wrdreg $0x58000  }
0xb1: {  	[dreg:$0x5] =	wrdreg $0x9  }
0xb2: {  	_ =	task.clear_ibuf [dreg:s7], $0x6FFFF;
	_ =	strace $0x90000046  }
0xb3: {  	s29 =	simm.s32 $0x9;
	_ =	strace $0x80000048  }
0xb4: {  	_ =	swait.ge [sflag:s29], $0x1  }
0xb5: {  	[sflag:s29] =	ssyncadd.s32 $0xFFFFFFFF  }
0xb6: {  	_ =	strace $0x90000048  }
0xb7: {  	_ =	sfence  }
0xb8: {  	s30 =	sld [smem:$0x0];
	_ =	sdelay $0x2  }
0xb9: {  	s31 =	sshll.u32 s1, $0xD;
	s1 =	sshrl.u32 s1, $0x2  }
0xba: {  	s3 =	sand.u32 $0x4000, s31;
	s1 =	sadd.s32 s1, s30  }
0xbb: {  	s0 =	sor.u32 s3, s0;
	s1 =	sshll.u32 s1, $0x11  }
0xbc: {  	s0 =	sor.u32 s1, s0  }
0xbd: {  	s0 =	sadd.s32 $0x8F2B, s0  }
0xbe: {  	[sflag:s0] =	ssyncadd.remote.s32 $0x1  }
0xbf: {  	_ =	sfence.sel $0xFFFF  }
0xc0: {  	[dreg:$0x0] =	wrdreg $0xFFFFFFFF;
	(pc) =	sbr.abs _section_cstart, $3  }
0xc1: {  	[dreg:$0x1] =	wrdreg $0xFFFFFFFF  }
0xc2: {  	_ =	task.clear_ibuf [dreg:s7], $0x2FFFF;
	_ =	strace $0x9FFFFFFF  }
0xc3: {  	(tm) =	ssettm $0x7FFFFFFF  }
tec
execute0_lowered:
.L_overlay_start_1:
0x0: {  	(tag) =	ssettag $0x1  }
0x1: {  	s1 =	srdreg.scid  }
0x2: {  	s1 =	sand.u32 $0x1, s1  }
0x3: {  	p0 =	seq.s32 s1, $0x1  }
.Ltmp0:
0x4: {  	s6 =	rddreg [dreg:$0x0];
	(pc) =	sbr.rel @p0 .LBB2_6-.Ltmp0, $4  }
0x5: {  	s7 =	rddreg [dreg:$0x1]  }
0x6: {  	s4 =	rddreg [dreg:$0x2];
	s5 =	simm.s32 $0x0  }
0x7: {  	[smem:$0x7FF] =	sst s5  }
0x8: {  	s0 =	rddreg [dreg:$0x3];
	_ =	strace $0x80000047;
	s1 =	stileid.u32  }
0x9: {  	s2 =	smul.u32 $0x2800, s1  }
0xa: {  	s3 =	sadd.s32 $0xB800, s6;
	s28 =	sshll.u32 s1, $0x6  }
0xb: {  	s29 =	simm.s32 $0x2;
	s9 =	sshrl.u32 s2, $0x3;
	s8 =	sadd.s32 s2, s4  }
0xc: {  	s2 =	sor.u32 $0x1C02, s28;
	s10 =	sadd.s32 s3, s9;
	s3 =	sshrl.u32 s8, $0x3  }
0xd: {  	[spmem:s3], [sflag:s2] =	dma.local [hbm:s10], $0x500  }
0xe: {  	s30 =	smul.u32 $0xA00, s1;
	_ =	swait.ge [sflag:s29], $0x500  }
0xf: {  	s11 =	sadd.s32 $0x1800, s6;
	[sflag:s29] =	ssyncset.done $0x0  }
0x10: {  	s8 =	sadd.s32 s11, s30;
	[sflag:s29] =	ssyncadd.s32 $0xFFFFFB00  }
0x11: {  	[tilespmem:s5], [sflag:$0x2] =	stream.linear.gather [hbm4b:s8+s5], $0x5000, $0x38;
	[tilespmem:$0x8000] =	vst v63  }
0x12: {  	_ =	swait.ge [sflag:s29], $0x5000  }
0x13: {  	[sflag:s29] =	ssyncset.done $0x0  }
0x14: {  	s8 =	simm.s32 $0x5000;
	[sflag:s29] =	ssyncadd.s32 $0xFFFFB000  }
0x15: {  	[tilespmem:s8], [sflag:$0x2] =	stream.linear.gather [hbm4b:s7+s5], $0x800, $0x38;
	[tilespmem:$0x8000] =	vst v63  }
0x16: {  	_ =	swait.ge [sflag:s29], $0x800  }
0x17: {  	[sflag:s29] =	ssyncset.done $0x0  }
0x18: {  	s31 =	sadd.s32 s9, s6;
	[sflag:s29] =	ssyncadd.s32 $0xFFFFF800  }
0x19: {  	s6 =	sadd.s32 $0x10800, s31;
	s7 =	simm.s32 $0x80;
	[bflag:$0x0] =	sbarrier.arrive $0xFFFF  }
.LBB2_2:
0x1a: {  	p0 =	sne.s32 s5, $0x13E00  }
.Ltmp1:
0x1b: {  	_ = 	snop;
	(pc) =	sbr.rel @p0 .LBB2_2-.Ltmp1, $3  }
0x1c: {  	_ =	sdelay $0x1  }
0x1d: {  	s9 =	sshra.s32 s5, $0x2;
	s5 =	sadd.s32 $0x200, s5  }
0x1e: {  	[spmem:s4] =	stream.indirect.scatter.add.f32 [tilespmem:s8], [sflag:$0x1], $0x10, s9, s7, $0xb8;
	[tilespmem:$0x8000] =	vst v63  }
0x1f: {  	s4 =	simm.s32 $0x1  }
0x20: {  	_ =	swait.ge [sflag:s4], $0x800  }
0x21: {  	s5 =	simm.s32 $0x9F;
	[sflag:s4] =	ssyncset.done $0x0  }
.LBB2_4:
0x22: {  	p0 =	sne.s32 s5, $0x1;
	s5 =	sadd.s32 $0xFFFFFFFF, s5;
	[sflag:s4] =	ssyncadd.s32 $0xFFFFF800  }
.Ltmp2:
0x23: {  	(pc) =	sbr.rel @p0 .LBB2_4-.Ltmp2, $3  }
0x24: {  	_ =	sdelay $0x1  }
0x25: {  	_ =	swait.ge [sflag:s4], $0x800  }
0x26: {  	[sflag:s4] =	ssyncset.done $0x0  }
0x27: {  	[sflag:s4] =	ssyncadd.s32 $0xFFFFF800  }
0x28: {  	s31 =	simm.s32 $0x2;
	[bflag:$0x0] =	sbarrier.arrive $0xFFFF  }
0x29: {  	[hbm:s6], [sflag:s2] =	dma.local [spmem:s3], $0x500  }
0x2a: {  	_ =	swait.ge [sflag:s31], $0x500  }
0x2b: {  	[sflag:s31] =	ssyncset.done $0x0  }
0x2c: {  	[sflag:s31] =	ssyncadd.s32 $0xFFFFFB00  }
.LBB2_6:
0x2d: {  	_ =	sfence.sel $0x180000  }
0x2e: {  	[bflag:$0x0] =	sbarrier.arrive $0xFFFF  }
0x2f: {  	p0 =	sne.s32 s1, $0x0;
	_ =	strace $0x90000047  }
0x30: {  	s0 =	sadd.s32 @!p0 $0x100000, s0;
	[bflag:$0x2] =	sbarrier.arrive $0xFFFF  }
0x31: {  	[sflag:s0] =	ssyncadd.tile.s32 @!p0 $0x1;
	_ =	shalt  }
.Lfunc_end2:
_tile_overlayer_lowered:
.L_overlay_start_2:
0x32: {  	(tag) =	ssettag $0x2  }
0x33: {  	s0 =	rddreg [dreg:$0x0];
	s2 =	stileid.u32  }
0x34: {  	s1 =	rddreg [dreg:$0x1];
	p0 =	sne.s32 s2, $0x0  }
0x35: {  	s3 =	rddreg [dreg:$0x2];
	[bflag:$0x3] =	sbarrier.arrive $0xFFFF;
	s2 =	simm.s32 @!p0 $0x1C02  }
0x36: {  	[timem:s3], [sflag:s2] =	dma.local @!p0 [hbm:s0], s1  }
0x37: {  	s0 =	simm.s32 @!p0 $0x2  }
0x38: {  	_ =	swait.ge @!p0 [sflag:s0], s1  }
0x39: {  	s1 =	ssub.s32 @!p0 $0x0, s1;
	[sflag:s0] =	ssyncset.done @!p0 $0x0  }
0x3a: {  	[sflag:s0] =	ssyncadd.s32 @!p0 s1  }
0x3b: {  	[bflag:$0x3] =	sbarrier.arrive $0xFFFF  }
0x3c: {  	_ =	shalt  }

</sc_bundles>
